<compile_context>
chip_gen: v7x
topology: tpu7x:2x2x1
jax: 0.10.2.dev20260603
libtpu: 0.0.44.dev20260713+nightly
codegen_flags: <defaults>
</compile_context>

<pallas_src>
import functools

import jax
import jax.numpy as jnp
from jax import lax
from jax.experimental import pallas as pl
from jax.experimental.pallas import tpu as pltpu
from jax.experimental.pallas import tpu_sc as plsc

N = 10000
D = 256
E = 160000
HALF = 128
BN_EPS = 1e-5

NUM_TILES = 16
CHUNK = 128
CHUNKS_PER_TILE = 80
E_PAD = NUM_TILES * CHUNKS_PER_TILE * CHUNK
NBUF = 3
NIDX = 4
PERIOD = 12
MAIN_TURNS = 72
ROWS_PER_TILE = 624
TAIL_START = NUM_TILES * ROWS_PER_TILE
TAIL_ROWS = N - TAIL_START
N_PAD = N + 8


def _sc_body(xlo, xhi, row_hbm, col_hbm, out, ibuf, d0, d1, d2,
             aggs, gs0, gs1, gs2, is0, is1, is2, is3):
    c = lax.axis_index("c")
    s = lax.axis_index("s")

    r0 = pl.multiple_of(s * ROWS_PER_TILE, 8)

    @pl.when(c == 0)
    def _():
        pltpu.sync_copy(xlo.at[pl.ds(r0, ROWS_PER_TILE)],
                        aggs.at[pl.ds(r0, ROWS_PER_TILE)])

        @pl.when(s == 0)
        def _():
            pltpu.sync_copy(xlo.at[pl.ds(TAIL_START, TAIL_ROWS)],
                            aggs.at[pl.ds(TAIL_START, TAIL_ROWS)])

    @pl.when(c == 1)
    def _():
        pltpu.sync_copy(xhi.at[pl.ds(r0, ROWS_PER_TILE)],
                        aggs.at[pl.ds(r0, ROWS_PER_TILE)])

        @pl.when(s == 0)
        def _():
            pltpu.sync_copy(xhi.at[pl.ds(TAIL_START, TAIL_ROWS)],
                            aggs.at[pl.ds(TAIL_START, TAIL_ROWS)])

    plsc.subcore_barrier()

    dbufs = (d0, d1, d2)
    gsems = (gs0, gs1, gs2)
    isems = (is0, is1, is2, is3)

    def iload(k, j):
        pltpu.async_copy(col_hbm.at[s, k], ibuf.at[j], isems[j])
        pltpu.async_copy(row_hbm.at[s, k], ibuf.at[NIDX + j], isems[j])

    def iwait(j):
        pltpu.make_async_copy(col_hbm.at[0, 0], ibuf.at[j], isems[j]).wait()
        pltpu.make_async_copy(col_hbm.at[0, 0], ibuf.at[j], isems[j]).wait()

    def gissue(k, d, j):
        @pl.when(c == 0)
        def _():
            pltpu.async_copy(xlo.at[ibuf.at[j]], dbufs[d], gsems[d])

        @pl.when(c == 1)
        def _():
            pltpu.async_copy(xhi.at[ibuf.at[j]], dbufs[d], gsems[d])

    def gwait(d):
        pltpu.make_async_copy(xlo.at[pl.ds(0, CHUNK)], dbufs[d],
                              gsems[d]).wait()

    def turn(k, d, j, tail=False):
        gwait(d)
        pltpu.sync_copy(dbufs[d], aggs.at[ibuf.at[NIDX + j]], add=True)
        if (not tail) or (k + NIDX < CHUNKS_PER_TILE):
            iload(k + NIDX, j)
        if (not tail) or (k + NBUF < CHUNKS_PER_TILE):
            iwait((j + NBUF) % NIDX)
            gissue(k + NBUF, d, (j + NBUF) % NIDX)

    for j in range(NIDX):
        iload(j, j)
    for d in range(NBUF):
        iwait(d)
        gissue(d, d, d)

    def block(i, carry):
        k0 = i * PERIOD
        for t in range(PERIOD):
            turn(k0 + t, t % NBUF, t % NIDX)
        return carry

    lax.fori_loop(0, MAIN_TURNS // PERIOD, block, 0)
    for k in range(MAIN_TURNS, CHUNKS_PER_TILE):
        turn(k, k % NBUF, k % NIDX, tail=True)

    plsc.subcore_barrier()
    pltpu.sync_copy(aggs.at[pl.ds(r0, ROWS_PER_TILE)],
                    out.at[c, pl.ds(r0, ROWS_PER_TILE)])

    @pl.when(s == 0)
    def _():
        pltpu.sync_copy(aggs.at[pl.ds(TAIL_START, TAIL_ROWS)],
                        out.at[c, pl.ds(TAIL_START, TAIL_ROWS)])


_sc_aggregate = functools.partial(
    pl.kernel,
    out_type=jax.ShapeDtypeStruct((2, N, HALF), jnp.float32),
    mesh=plsc.VectorSubcoreMesh(core_axis_name="c", subcore_axis_name="s"),
    scratch_types=[
        pltpu.VMEM((2 * NIDX, CHUNK), jnp.int32),
        pltpu.VMEM((CHUNK, HALF), jnp.float32),
        pltpu.VMEM((CHUNK, HALF), jnp.float32),
        pltpu.VMEM((CHUNK, HALF), jnp.float32),
        pltpu.VMEM_SHARED((N_PAD, HALF), jnp.float32),
        pltpu.SemaphoreType.DMA,
        pltpu.SemaphoreType.DMA,
        pltpu.SemaphoreType.DMA,
        pltpu.SemaphoreType.DMA,
        pltpu.SemaphoreType.DMA,
        pltpu.SemaphoreType.DMA,
        pltpu.SemaphoreType.DMA,
    ],
)(_sc_body)


def _mlp_body(xup_ref, w1_ref, b1_ref, g_ref, be_ref, w2_ref, b2_ref,
              o_ref, h_scr, st_scr):
    p = pl.program_id(0)
    i = pl.program_id(1)
    blk = h_scr.shape[0] // pl.num_programs(1)

    @pl.when(p == 0)
    def _():
        h = jnp.dot(xup_ref[0], w1_ref[:HALF, :],
                    preferred_element_type=jnp.float32)
        h += jnp.dot(xup_ref[1], w1_ref[HALF:, :],
                     preferred_element_type=jnp.float32)
        h += b1_ref[0]
        h_scr[pl.ds(i * blk, blk), :] = h

        @pl.when(i == 0)
        def _():
            st_scr[...] = jnp.zeros_like(st_scr)

        zeros = jnp.zeros((6, D), jnp.float32)
        st = jnp.concatenate(
            [jnp.sum(h, axis=0, keepdims=True),
             jnp.sum(h * h, axis=0, keepdims=True),
             zeros], axis=0)
        st_scr[...] += st

    @pl.when(p == 1)
    def _():
        mu = st_scr[0] * (1.0 / N)
        var = st_scr[1] * (1.0 / N) - mu * mu
        scale = g_ref[0] * jax.lax.rsqrt(var + BN_EPS)
        shift = be_ref[0] - mu * scale
        hb = jnp.maximum(h_scr[pl.ds(i * blk, blk), :] * scale + shift,
                         0.0)
        o_ref[...] = jnp.dot(hb, w2_ref[...],
                             preferred_element_type=jnp.float32) + b2_ref[0]


def kernel(x, edge_index, W1, b1, gamma, beta, W2, b2):
    x_lo = x[:, :HALF]
    x_hi = x[:, HALF:]
    row = edge_index[0]
    col = edge_index[1]
    pad = E_PAD - E
    row3 = jnp.concatenate(
        [row, jnp.full((pad,), N, dtype=jnp.int32)]).reshape(
            NUM_TILES, CHUNKS_PER_TILE, CHUNK)
    col3 = jnp.concatenate(
        [col, jnp.zeros((pad,), dtype=jnp.int32)]).reshape(
            NUM_TILES, CHUNKS_PER_TILE, CHUNK)

    xup = _sc_aggregate(x_lo, x_hi, row3, col3)

    nb = 10
    blk = N // nb
    out = pl.pallas_call(
        _mlp_body,
        grid=(2, nb),
        in_specs=[
            pl.BlockSpec((2, blk, HALF), lambda p, i: (0, i * (1 - p), 0)),
            pl.BlockSpec((D, D), lambda p, i: (0, 0)),
            pl.BlockSpec((1, D), lambda p, i: (0, 0)),
            pl.BlockSpec((1, D), lambda p, i: (0, 0)),
            pl.BlockSpec((1, D), lambda p, i: (0, 0)),
            pl.BlockSpec((D, D), lambda p, i: (0, 0)),
            pl.BlockSpec((1, D), lambda p, i: (0, 0)),
        ],
        out_specs=pl.BlockSpec((blk, D), lambda p, i: (i * p, 0)),
        out_shape=jax.ShapeDtypeStruct((N, D), jnp.float32),
        scratch_shapes=[
            pltpu.VMEM((N, D), jnp.float32),
            pltpu.VMEM((8, D), jnp.float32),
        ],
    )(xup, W1, b1.reshape(1, D), gamma.reshape(1, D), beta.reshape(1, D),
      W2, b2.reshape(1, D))

    return out

# --- scband reference (transcript-rebuilt; emitter-appended) ---
"""Pipeline reference for scband-fnsd-51762945852040 (READ-ONLY COPY).

The authoritative reference and input builder live on the scoring server;
editing this copy changes nothing except your own understanding.
"""

import jax, jax.numpy as jnp
import numpy as np

N = 10000
D = 256
E = 160000
BN_EPS = 1e-5
GIN_EPS = 0.0


def setup_inputs(seed: int = 0) -> dict:
    key = jax.random.key(seed)
    ks = jax.random.split(key, 6)
    x = jax.random.normal(ks[0], (N, D), dtype=jnp.float32)
    edge_index = jax.random.randint(ks[1], (2, E), 0, N, dtype=jnp.int32)
    W1 = jax.random.normal(ks[2], (D, D), dtype=jnp.float32) * (1.0 / np.sqrt(D))
    b1 = jnp.zeros((D,), dtype=jnp.float32)
    gamma = jnp.ones((D,), dtype=jnp.float32)
    beta = jnp.zeros((D,), dtype=jnp.float32)
    W2 = jax.random.normal(ks[3], (D, D), dtype=jnp.float32) * (1.0 / np.sqrt(D))
    b2 = jnp.zeros((D,), dtype=jnp.float32)
    return {"x": x, "edge_index": edge_index, "W1": W1, "b1": b1,
            "gamma": gamma, "beta": beta, "W2": W2, "b2": b2}


def reference(x, edge_index, W1, b1, gamma, beta, W2, b2):
    # GINConv.forward: scatter-add aggregation of neighbor features
    row = edge_index[0]
    col = edge_index[1]
    edge_weight = jnp.ones((edge_index.shape[1],), dtype=x.dtype)
    agg_neighbors = jnp.zeros_like(x).at[row].add(edge_weight[:, None] * x[col])
    x_updated = (1.0 + GIN_EPS) * x + agg_neighbors
    # mlp: Linear -> BatchNorm1d (training-mode batch stats) -> ReLU -> Linear
    h = x_updated @ W1.T if False else x_updated @ W1 + b1
    mu = jnp.mean(h, axis=0)
    var = jnp.var(h, axis=0)
    h = (h - mu) / jnp.sqrt(var + BN_EPS) * gamma + beta
    h = jax.nn.relu(h)
    out = h @ W2 + b2
    return out

if __name__ == "__main__":
    import jax
    _d = setup_inputs()
    print(jax.jit(kernel)(*tuple(_d.values())))

</pallas_src>

<mosaic_0001>
#map = affine_map<(d0, d1) -> (0, 0)>
#map1 = affine_map<(d0, d1) -> (0, 0, 0)>
module attributes {stable_mosaic.version = 14 : i64} {
  func.func @_sc_body(%arg0: i32, %arg1: i32, %arg2: memref<10000x128xf32, #tpu.memory_space<hbm>>, %arg3: memref<10000x128xf32, #tpu.memory_space<hbm>>, %arg4: memref<16x80x128xi32, #tpu.memory_space<hbm>>, %arg5: memref<16x80x128xi32, #tpu.memory_space<hbm>>, %arg6: memref<2x10000x128xf32, #tpu.memory_space<hbm>>, %arg7: memref<8x128xi32, #tpu.memory_space<vmem>>, %arg8: memref<128x128xf32, #tpu.memory_space<vmem>>, %arg9: memref<128x128xf32, #tpu.memory_space<vmem>>, %arg10: memref<128x128xf32, #tpu.memory_space<vmem>>, %arg11: memref<10008x128xf32, #tpu.memory_space<vmem_shared>>, %arg12: memref<!tpu.dma_semaphore, #tpu.memory_space<semaphore_mem>>, %arg13: memref<!tpu.dma_semaphore, #tpu.memory_space<semaphore_mem>>, %arg14: memref<!tpu.dma_semaphore, #tpu.memory_space<semaphore_mem>>, %arg15: memref<!tpu.dma_semaphore, #tpu.memory_space<semaphore_mem>>, %arg16: memref<!tpu.dma_semaphore, #tpu.memory_space<semaphore_mem>>, %arg17: memref<!tpu.dma_semaphore, #tpu.memory_space<semaphore_mem>>, %arg18: memref<!tpu.dma_semaphore, #tpu.memory_space<semaphore_mem>>) attributes {dimension_semantics = [#tpu.dimension_semantics<core_parallel>, #tpu.dimension_semantics<subcore_parallel>], iteration_bounds = array<i64: 2, 16>, scalar_prefetch = 0 : i64, scratch_operands = 12 : i64, tpu.core_type = #tpu.core_type<sc_vector_subcore>, window_params = [{transform_indices = #map}, {transform_indices = #map}, {transform_indices = #map1}, {transform_indices = #map1}, {transform_indices = #map1}]} {
    %mul3A = arith.constant 624 : i32
    %mul3A_0 = arith.muli %arg1, %mul3A : i32
    %multiple_of3A = tpu.assume_multiple %mul3A_0, 8 : i32
    %eq3A = arith.constant 0 : i32
    %eq3A_1 = arith.cmpi eq, %arg0, %eq3A : i32
    %convert_element_type3A = arith.extui %eq3A_1 : i1 to i32
    %cond3A = arith.constant 0 : i32
    %cond3A_2 = arith.cmpi ne, %convert_element_type3A, %cond3A : i32
    scf.if %cond3A_2 {
      "tpu.region"() ({
        %run_scoped3A_621 = tpu.sem_alloc : memref<!tpu.dma_semaphore, #tpu.memory_space<semaphore_mem>>
        %dma_start3A_622 = arith.constant 0 : i32
        %dma_start3A_623 = tpu.memref_slice %arg11[%multiple_of3A, %dma_start3A_622] : memref<10008x128xf32, #tpu.memory_space<vmem_shared>> -> memref<624x128xf32, #tpu.memory_space<vmem_shared>>
        %dma_start3A_624 = arith.constant 0 : i32
        %dma_start3A_625 = tpu.memref_slice %arg2[%multiple_of3A, %dma_start3A_624] : memref<10000x128xf32, #tpu.memory_space<hbm>> -> memref<624x128xf32, #tpu.memory_space<hbm>>
        tpu.enqueue_dma source(%dma_start3A_625 : memref<624x128xf32, #tpu.memory_space<hbm>>) target(%dma_start3A_623 : memref<624x128xf32, #tpu.memory_space<vmem_shared>>) target_semaphore(%run_scoped3A_621 : memref<!tpu.dma_semaphore, #tpu.memory_space<semaphore_mem>>)
        %dma_wait3A_626 = arith.constant 0 : i32
        %dma_wait3A_627 = tpu.memref_slice %arg11[%multiple_of3A, %dma_wait3A_626] : memref<10008x128xf32, #tpu.memory_space<vmem_shared>> -> memref<624x128xf32, #tpu.memory_space<vmem_shared>>
        %dma_wait3A_628 = arith.constant 0 : i32
        %dma_wait3A_629 = tpu.memref_slice %arg2[%multiple_of3A, %dma_wait3A_628] : memref<10000x128xf32, #tpu.memory_space<hbm>> -> memref<624x128xf32, #tpu.memory_space<hbm>>
        tpu.wait_dma2 semaphore(%run_scoped3A_621 : memref<!tpu.dma_semaphore, #tpu.memory_space<semaphore_mem>>) src(%dma_wait3A_629 : memref<624x128xf32, #tpu.memory_space<hbm>>) dst(%dma_wait3A_627 : memref<624x128xf32, #tpu.memory_space<vmem_shared>>)
        tpu.yield
      }) : () -> ()
      %eq3A_616 = arith.constant 0 : i32
      %eq3A_617 = arith.cmpi eq, %arg1, %eq3A_616 : i32
      %convert_element_type3A_618 = arith.extui %eq3A_617 : i1 to i32
      %cond3A_619 = arith.constant 0 : i32
      %cond3A_620 = arith.cmpi ne, %convert_element_type3A_618, %cond3A_619 : i32
      scf.if %cond3A_620 {
        "tpu.region"() ({
          %run_scoped3A_621 = tpu.sem_alloc : memref<!tpu.dma_semaphore, #tpu.memory_space<semaphore_mem>>
          %dma_start3A_622 = arith.constant 9984 : i32
          %dma_start3A_623 = arith.constant 0 : i32
          %dma_start3A_624 = tpu.memref_slice %arg11[%dma_start3A_622, %dma_start3A_623] : memref<10008x128xf32, #tpu.memory_space<vmem_shared>> -> memref<16x128xf32, #tpu.memory_space<vmem_shared>>
          %dma_start3A_625 = arith.constant 9984 : i32
          %dma_start3A_626 = arith.constant 0 : i32
          %dma_start3A_627 = tpu.memref_slice %arg2[%dma_start3A_625, %dma_start3A_626] : memref<10000x128xf32, #tpu.memory_space<hbm>> -> memref<16x128xf32, #tpu.memory_space<hbm>>
          tpu.enqueue_dma source(%dma_start3A_627 : memref<16x128xf32, #tpu.memory_space<hbm>>) target(%dma_start3A_624 : memref<16x128xf32, #tpu.memory_space<vmem_shared>>) target_semaphore(%run_scoped3A_621 : memref<!tpu.dma_semaphore, #tpu.memory_space<semaphore_mem>>)
          %dma_wait3A_628 = arith.constant 9984 : i32
          %dma_wait3A_629 = arith.constant 0 : i32
          %dma_wait3A_630 = tpu.memref_slice %arg11[%dma_wait3A_628, %dma_wait3A_629] : memref<10008x128xf32, #tpu.memory_space<vmem_shared>> -> memref<16x128xf32, #tpu.memory_space<vmem_shared>>
          %dma_wait3A_631 = arith.constant 9984 : i32
          %dma_wait3A_632 = arith.constant 0 : i32
          %dma_wait3A_633 = tpu.memref_slice %arg2[%dma_wait3A_631, %dma_wait3A_632] : memref<10000x128xf32, #tpu.memory_space<hbm>> -> memref<16x128xf32, #tpu.memory_space<hbm>>
          tpu.wait_dma2 semaphore(%run_scoped3A_621 : memref<!tpu.dma_semaphore, #tpu.memory_space<semaphore_mem>>) src(%dma_wait3A_633 : memref<16x128xf32, #tpu.memory_space<hbm>>) dst(%dma_wait3A_630 : memref<16x128xf32, #tpu.memory_space<vmem_shared>>)
          tpu.yield
        }) : () -> ()
      } else {
      }
    } else {
    }
    %eq3A_3 = arith.constant 1 : i32
    %eq3A_4 = arith.cmpi eq, %arg0, %eq3A_3 : i32
    %convert_element_type3A_5 = arith.extui %eq3A_4 : i1 to i32
    %cond3A_6 = arith.constant 0 : i32
    %cond3A_7 = arith.cmpi ne, %convert_element_type3A_5, %cond3A_6 : i32
    scf.if %cond3A_7 {
      "tpu.region"() ({
        %run_scoped3A_621 = tpu.sem_alloc : memref<!tpu.dma_semaphore, #tpu.memory_space<semaphore_mem>>
        %dma_start3A_622 = arith.constant 0 : i32
        %dma_start3A_623 = tpu.memref_slice %arg11[%multiple_of3A, %dma_start3A_622] : memref<10008x128xf32, #tpu.memory_space<vmem_shared>> -> memref<624x128xf32, #tpu.memory_space<vmem_shared>>
        %dma_start3A_624 = arith.constant 0 : i32
        %dma_start3A_625 = tpu.memref_slice %arg3[%multiple_of3A, %dma_start3A_624] : memref<10000x128xf32, #tpu.memory_space<hbm>> -> memref<624x128xf32, #tpu.memory_space<hbm>>
        tpu.enqueue_dma source(%dma_start3A_625 : memref<624x128xf32, #tpu.memory_space<hbm>>) target(%dma_start3A_623 : memref<624x128xf32, #tpu.memory_space<vmem_shared>>) target_semaphore(%run_scoped3A_621 : memref<!tpu.dma_semaphore, #tpu.memory_space<semaphore_mem>>)
        %dma_wait3A_626 = arith.constant 0 : i32
        %dma_wait3A_627 = tpu.memref_slice %arg11[%multiple_of3A, %dma_wait3A_626] : memref<10008x128xf32, #tpu.memory_space<vmem_shared>> -> memref<624x128xf32, #tpu.memory_space<vmem_shared>>
        %dma_wait3A_628 = arith.constant 0 : i32
        %dma_wait3A_629 = tpu.memref_slice %arg3[%multiple_of3A, %dma_wait3A_628] : memref<10000x128xf32, #tpu.memory_space<hbm>> -> memref<624x128xf32, #tpu.memory_space<hbm>>
        tpu.wait_dma2 semaphore(%run_scoped3A_621 : memref<!tpu.dma_semaphore, #tpu.memory_space<semaphore_mem>>) src(%dma_wait3A_629 : memref<624x128xf32, #tpu.memory_space<hbm>>) dst(%dma_wait3A_627 : memref<624x128xf32, #tpu.memory_space<vmem_shared>>)
        tpu.yield
      }) : () -> ()
      %eq3A_616 = arith.constant 0 : i32
      %eq3A_617 = arith.cmpi eq, %arg1, %eq3A_616 : i32
      %convert_element_type3A_618 = arith.extui %eq3A_617 : i1 to i32
      %cond3A_619 = arith.constant 0 : i32
      %cond3A_620 = arith.cmpi ne, %convert_element_type3A_618, %cond3A_619 : i32
      scf.if %cond3A_620 {
        "tpu.region"() ({
          %run_scoped3A_621 = tpu.sem_alloc : memref<!tpu.dma_semaphore, #tpu.memory_space<semaphore_mem>>
          %dma_start3A_622 = arith.constant 9984 : i32
          %dma_start3A_623 = arith.constant 0 : i32
          %dma_start3A_624 = tpu.memref_slice %arg11[%dma_start3A_622, %dma_start3A_623] : memref<10008x128xf32, #tpu.memory_space<vmem_shared>> -> memref<16x128xf32, #tpu.memory_space<vmem_shared>>
          %dma_start3A_625 = arith.constant 9984 : i32
          %dma_start3A_626 = arith.constant 0 : i32
          %dma_start3A_627 = tpu.memref_slice %arg3[%dma_start3A_625, %dma_start3A_626] : memref<10000x128xf32, #tpu.memory_space<hbm>> -> memref<16x128xf32, #tpu.memory_space<hbm>>
          tpu.enqueue_dma source(%dma_start3A_627 : memref<16x128xf32, #tpu.memory_space<hbm>>) target(%dma_start3A_624 : memref<16x128xf32, #tpu.memory_space<vmem_shared>>) target_semaphore(%run_scoped3A_621 : memref<!tpu.dma_semaphore, #tpu.memory_space<semaphore_mem>>)
          %dma_wait3A_628 = arith.constant 9984 : i32
          %dma_wait3A_629 = arith.constant 0 : i32
          %dma_wait3A_630 = tpu.memref_slice %arg11[%dma_wait3A_628, %dma_wait3A_629] : memref<10008x128xf32, #tpu.memory_space<vmem_shared>> -> memref<16x128xf32, #tpu.memory_space<vmem_shared>>
          %dma_wait3A_631 = arith.constant 9984 : i32
          %dma_wait3A_632 = arith.constant 0 : i32
          %dma_wait3A_633 = tpu.memref_slice %arg3[%dma_wait3A_631, %dma_wait3A_632] : memref<10000x128xf32, #tpu.memory_space<hbm>> -> memref<16x128xf32, #tpu.memory_space<hbm>>
          tpu.wait_dma2 semaphore(%run_scoped3A_621 : memref<!tpu.dma_semaphore, #tpu.memory_space<semaphore_mem>>) src(%dma_wait3A_633 : memref<16x128xf32, #tpu.memory_space<hbm>>) dst(%dma_wait3A_630 : memref<16x128xf32, #tpu.memory_space<vmem_shared>>)
          tpu.yield
        }) : () -> ()
      } else {
      }
    } else {
    }
    %barrier3A = arith.constant 0 : index
    tpu.barrier barrier_id(%barrier3A)
    %dma_start3A = arith.constant 0 : i32
    %dma_start3A_8 = arith.constant 0 : i32
    %dma_start3A_9 = arith.constant 0 : i32
    %dma_start3A_10 = tpu.memref_slice %arg7[%dma_start3A_8, %dma_start3A_9] : memref<8x128xi32, #tpu.memory_space<vmem>> -> memref<1x128xi32, #tpu.memory_space<vmem>>
    %dma_start3A_11 = tpu.memref_squeeze %dma_start3A_10 : memref<1x128xi32, #tpu.memory_space<vmem>> -> memref<128xi32, #tpu.memory_space<vmem>>
    %dma_start3A_12 = arith.constant 0 : i32
    %dma_start3A_13 = tpu.memref_slice %arg5[%arg1, %dma_start3A, %dma_start3A_12] : memref<16x80x128xi32, #tpu.memory_space<hbm>> -> memref<1x1x128xi32, #tpu.memory_space<hbm>>
    %dma_start3A_14 = tpu.memref_squeeze %dma_start3A_13 : memref<1x1x128xi32, #tpu.memory_space<hbm>> -> memref<128xi32, #tpu.memory_space<hbm>>
    %dma_start3A_15 = arith.constant 0 : i32
    %dma_start3A_16 = tpu.memref_slice %arg7[%dma_start3A_8, %dma_start3A_15] : memref<8x128xi32, #tpu.memory_space<vmem>> -> memref<1x128xi32, #tpu.memory_space<vmem>>
    %dma_start3A_17 = tpu.memref_squeeze %dma_start3A_16 : memref<1x128xi32, #tpu.memory_space<vmem>> -> memref<128xi32, #tpu.memory_space<vmem>>
    %dma_start3A_18 = arith.constant 0 : i32
    %dma_start3A_19 = tpu.memref_slice %arg5[%arg1, %dma_start3A, %dma_start3A_18] : memref<16x80x128xi32, #tpu.memory_space<hbm>> -> memref<1x1x128xi32, #tpu.memory_space<hbm>>
    %dma_start3A_20 = tpu.memref_squeeze %dma_start3A_19 : memref<1x1x128xi32, #tpu.memory_space<hbm>> -> memref<128xi32, #tpu.memory_space<hbm>>
    tpu.enqueue_dma source(%dma_start3A_20 : memref<128xi32, #tpu.memory_space<hbm>>) target(%dma_start3A_17 : memref<128xi32, #tpu.memory_space<vmem>>) target_semaphore(%arg15 : memref<!tpu.dma_semaphore, #tpu.memory_space<semaphore_mem>>)
    %dma_start3A_21 = arith.constant 0 : i32
    %dma_start3A_22 = arith.constant 4 : i32
    %dma_start3A_23 = arith.constant 0 : i32
    %dma_start3A_24 = tpu.memref_slice %arg7[%dma_start3A_22, %dma_start3A_23] : memref<8x128xi32, #tpu.memory_space<vmem>> -> memref<1x128xi32, #tpu.memory_space<vmem>>
    %dma_start3A_25 = tpu.memref_squeeze %dma_start3A_24 : memref<1x128xi32, #tpu.memory_space<vmem>> -> memref<128xi32, #tpu.memory_space<vmem>>
    %dma_start3A_26 = arith.constant 0 : i32
    %dma_start3A_27 = tpu.memref_slice %arg4[%arg1, %dma_start3A_21, %dma_start3A_26] : memref<16x80x128xi32, #tpu.memory_space<hbm>> -> memref<1x1x128xi32, #tpu.memory_space<hbm>>
    %dma_start3A_28 = tpu.memref_squeeze %dma_start3A_27 : memref<1x1x128xi32, #tpu.memory_space<hbm>> -> memref<128xi32, #tpu.memory_space<hbm>>
    %dma_start3A_29 = arith.constant 0 : i32
    %dma_start3A_30 = tpu.memref_slice %arg7[%dma_start3A_22, %dma_start3A_29] : memref<8x128xi32, #tpu.memory_space<vmem>> -> memref<1x128xi32, #tpu.memory_space<vmem>>
    %dma_start3A_31 = tpu.memref_squeeze %dma_start3A_30 : memref<1x128xi32, #tpu.memory_space<vmem>> -> memref<128xi32, #tpu.memory_space<vmem>>
    %dma_start3A_32 = arith.constant 0 : i32
    %dma_start3A_33 = tpu.memref_slice %arg4[%arg1, %dma_start3A_21, %dma_start3A_32] : memref<16x80x128xi32, #tpu.memory_space<hbm>> -> memref<1x1x128xi32, #tpu.memory_space<hbm>>
    %dma_start3A_34 = tpu.memref_squeeze %dma_start3A_33 : memref<1x1x128xi32, #tpu.memory_space<hbm>> -> memref<128xi32, #tpu.memory_space<hbm>>
    tpu.enqueue_dma source(%dma_start3A_34 : memref<128xi32, #tpu.memory_space<hbm>>) target(%dma_start3A_31 : memref<128xi32, #tpu.memory_space<vmem>>) target_semaphore(%arg15 : memref<!tpu.dma_semaphore, #tpu.memory_space<semaphore_mem>>)
    %dma_start3A_35 = arith.constant 1 : i32
    %dma_start3A_36 = arith.constant 1 : i32
    %dma_start3A_37 = arith.constant 0 : i32
    %dma_start3A_38 = tpu.memref_slice %arg7[%dma_start3A_36, %dma_start3A_37] : memref<8x128xi32, #tpu.memory_space<vmem>> -> memref<1x128xi32, #tpu.memory_space<vmem>>
    %dma_start3A_39 = tpu.memref_squeeze %dma_start3A_38 : memref<1x128xi32, #tpu.memory_space<vmem>> -> memref<128xi32, #tpu.memory_space<vmem>>
    %dma_start3A_40 = arith.constant 0 : i32
    %dma_start3A_41 = tpu.memref_slice %arg5[%arg1, %dma_start3A_35, %dma_start3A_40] : memref<16x80x128xi32, #tpu.memory_space<hbm>> -> memref<1x1x128xi32, #tpu.memory_space<hbm>>
    %dma_start3A_42 = tpu.memref_squeeze %dma_start3A_41 : memref<1x1x128xi32, #tpu.memory_space<hbm>> -> memref<128xi32, #tpu.memory_space<hbm>>
    %dma_start3A_43 = arith.constant 0 : i32
    %dma_start3A_44 = tpu.memref_slice %arg7[%dma_start3A_36, %dma_start3A_43] : memref<8x128xi32, #tpu.memory_space<vmem>> -> memref<1x128xi32, #tpu.memory_space<vmem>>
    %dma_start3A_45 = tpu.memref_squeeze %dma_start3A_44 : memref<1x128xi32, #tpu.memory_space<vmem>> -> memref<128xi32, #tpu.memory_space<vmem>>
    %dma_start3A_46 = arith.constant 0 : i32
    %dma_start3A_47 = tpu.memref_slice %arg5[%arg1, %dma_start3A_35, %dma_start3A_46] : memref<16x80x128xi32, #tpu.memory_space<hbm>> -> memref<1x1x128xi32, #tpu.memory_space<hbm>>
    %dma_start3A_48 = tpu.memref_squeeze %dma_start3A_47 : memref<1x1x128xi32, #tpu.memory_space<hbm>> -> memref<128xi32, #tpu.memory_space<hbm>>
    tpu.enqueue_dma source(%dma_start3A_48 : memref<128xi32, #tpu.memory_space<hbm>>) target(%dma_start3A_45 : memref<128xi32, #tpu.memory_space<vmem>>) target_semaphore(%arg16 : memref<!tpu.dma_semaphore, #tpu.memory_space<semaphore_mem>>)
    %dma_start3A_49 = arith.constant 1 : i32
    %dma_start3A_50 = arith.constant 5 : i32
    %dma_start3A_51 = arith.constant 0 : i32
    %dma_start3A_52 = tpu.memref_slice %arg7[%dma_start3A_50, %dma_start3A_51] : memref<8x128xi32, #tpu.memory_space<vmem>> -> memref<1x128xi32, #tpu.memory_space<vmem>>
    %dma_start3A_53 = tpu.memref_squeeze %dma_start3A_52 : memref<1x128xi32, #tpu.memory_space<vmem>> -> memref<128xi32, #tpu.memory_space<vmem>>
    %dma_start3A_54 = arith.constant 0 : i32
    %dma_start3A_55 = tpu.memref_slice %arg4[%arg1, %dma_start3A_49, %dma_start3A_54] : memref<16x80x128xi32, #tpu.memory_space<hbm>> -> memref<1x1x128xi32, #tpu.memory_space<hbm>>
    %dma_start3A_56 = tpu.memref_squeeze %dma_start3A_55 : memref<1x1x128xi32, #tpu.memory_space<hbm>> -> memref<128xi32, #tpu.memory_space<hbm>>
    %dma_start3A_57 = arith.constant 0 : i32
    %dma_start3A_58 = tpu.memref_slice %arg7[%dma_start3A_50, %dma_start3A_57] : memref<8x128xi32, #tpu.memory_space<vmem>> -> memref<1x128xi32, #tpu.memory_space<vmem>>
    %dma_start3A_59 = tpu.memref_squeeze %dma_start3A_58 : memref<1x128xi32, #tpu.memory_space<vmem>> -> memref<128xi32, #tpu.memory_space<vmem>>
    %dma_start3A_60 = arith.constant 0 : i32
    %dma_start3A_61 = tpu.memref_slice %arg4[%arg1, %dma_start3A_49, %dma_start3A_60] : memref<16x80x128xi32, #tpu.memory_space<hbm>> -> memref<1x1x128xi32, #tpu.memory_space<hbm>>
    %dma_start3A_62 = tpu.memref_squeeze %dma_start3A_61 : memref<1x1x128xi32, #tpu.memory_space<hbm>> -> memref<128xi32, #tpu.memory_space<hbm>>
    tpu.enqueue_dma source(%dma_start3A_62 : memref<128xi32, #tpu.memory_space<hbm>>) target(%dma_start3A_59 : memref<128xi32, #tpu.memory_space<vmem>>) target_semaphore(%arg16 : memref<!tpu.dma_semaphore, #tpu.memory_space<semaphore_mem>>)
    %dma_start3A_63 = arith.constant 2 : i32
    %dma_start3A_64 = arith.constant 2 : i32
    %dma_start3A_65 = arith.constant 0 : i32
    %dma_start3A_66 = tpu.memref_slice %arg7[%dma_start3A_64, %dma_start3A_65] : memref<8x128xi32, #tpu.memory_space<vmem>> -> memref<1x128xi32, #tpu.memory_space<vmem>>
    %dma_start3A_67 = tpu.memref_squeeze %dma_start3A_66 : memref<1x128xi32, #tpu.memory_space<vmem>> -> memref<128xi32, #tpu.memory_space<vmem>>
    %dma_start3A_68 = arith.constant 0 : i32
    %dma_start3A_69 = tpu.memref_slice %arg5[%arg1, %dma_start3A_63, %dma_start3A_68] : memref<16x80x128xi32, #tpu.memory_space<hbm>> -> memref<1x1x128xi32, #tpu.memory_space<hbm>>
    %dma_start3A_70 = tpu.memref_squeeze %dma_start3A_69 : memref<1x1x128xi32, #tpu.memory_space<hbm>> -> memref<128xi32, #tpu.memory_space<hbm>>
    %dma_start3A_71 = arith.constant 0 : i32
    %dma_start3A_72 = tpu.memref_slice %arg7[%dma_start3A_64, %dma_start3A_71] : memref<8x128xi32, #tpu.memory_space<vmem>> -> memref<1x128xi32, #tpu.memory_space<vmem>>
    %dma_start3A_73 = tpu.memref_squeeze %dma_start3A_72 : memref<1x128xi32, #tpu.memory_space<vmem>> -> memref<128xi32, #tpu.memory_space<vmem>>
    %dma_start3A_74 = arith.constant 0 : i32
    %dma_start3A_75 = tpu.memref_slice %arg5[%arg1, %dma_start3A_63, %dma_start3A_74] : memref<16x80x128xi32, #tpu.memory_space<hbm>> -> memref<1x1x128xi32, #tpu.memory_space<hbm>>
    %dma_start3A_76 = tpu.memref_squeeze %dma_start3A_75 : memref<1x1x128xi32, #tpu.memory_space<hbm>> -> memref<128xi32, #tpu.memory_space<hbm>>
    tpu.enqueue_dma source(%dma_start3A_76 : memref<128xi32, #tpu.memory_space<hbm>>) target(%dma_start3A_73 : memref<128xi32, #tpu.memory_space<vmem>>) target_semaphore(%arg17 : memref<!tpu.dma_semaphore, #tpu.memory_space<semaphore_mem>>)
    %dma_start3A_77 = arith.constant 2 : i32
    %dma_start3A_78 = arith.constant 6 : i32
    %dma_start3A_79 = arith.constant 0 : i32
    %dma_start3A_80 = tpu.memref_slice %arg7[%dma_start3A_78, %dma_start3A_79] : memref<8x128xi32, #tpu.memory_space<vmem>> -> memref<1x128xi32, #tpu.memory_space<vmem>>
    %dma_start3A_81 = tpu.memref_squeeze %dma_start3A_80 : memref<1x128xi32, #tpu.memory_space<vmem>> -> memref<128xi32, #tpu.memory_space<vmem>>
    %dma_start3A_82 = arith.constant 0 : i32
    %dma_start3A_83 = tpu.memref_slice %arg4[%arg1, %dma_start3A_77, %dma_start3A_82] : memref<16x80x128xi32, #tpu.memory_space<hbm>> -> memref<1x1x128xi32, #tpu.memory_space<hbm>>
    %dma_start3A_84 = tpu.memref_squeeze %dma_start3A_83 : memref<1x1x128xi32, #tpu.memory_space<hbm>> -> memref<128xi32, #tpu.memory_space<hbm>>
    %dma_start3A_85 = arith.constant 0 : i32
    %dma_start3A_86 = tpu.memref_slice %arg7[%dma_start3A_78, %dma_start3A_85] : memref<8x128xi32, #tpu.memory_space<vmem>> -> memref<1x128xi32, #tpu.memory_space<vmem>>
    %dma_start3A_87 = tpu.memref_squeeze %dma_start3A_86 : memref<1x128xi32, #tpu.memory_space<vmem>> -> memref<128xi32, #tpu.memory_space<vmem>>
    %dma_start3A_88 = arith.constant 0 : i32
    %dma_start3A_89 = tpu.memref_slice %arg4[%arg1, %dma_start3A_77, %dma_start3A_88] : memref<16x80x128xi32, #tpu.memory_space<hbm>> -> memref<1x1x128xi32, #tpu.memory_space<hbm>>
    %dma_start3A_90 = tpu.memref_squeeze %dma_start3A_89 : memref<1x1x128xi32, #tpu.memory_space<hbm>> -> memref<128xi32, #tpu.memory_space<hbm>>
    tpu.enqueue_dma source(%dma_start3A_90 : memref<128xi32, #tpu.memory_space<hbm>>) target(%dma_start3A_87 : memref<128xi32, #tpu.memory_space<vmem>>) target_semaphore(%arg17 : memref<!tpu.dma_semaphore, #tpu.memory_space<semaphore_mem>>)
    %dma_start3A_91 = arith.constant 3 : i32
    %dma_start3A_92 = arith.constant 3 : i32
    %dma_start3A_93 = arith.constant 0 : i32
    %dma_start3A_94 = tpu.memref_slice %arg7[%dma_start3A_92, %dma_start3A_93] : memref<8x128xi32, #tpu.memory_space<vmem>> -> memref<1x128xi32, #tpu.memory_space<vmem>>
    %dma_start3A_95 = tpu.memref_squeeze %dma_start3A_94 : memref<1x128xi32, #tpu.memory_space<vmem>> -> memref<128xi32, #tpu.memory_space<vmem>>
    %dma_start3A_96 = arith.constant 0 : i32
    %dma_start3A_97 = tpu.memref_slice %arg5[%arg1, %dma_start3A_91, %dma_start3A_96] : memref<16x80x128xi32, #tpu.memory_space<hbm>> -> memref<1x1x128xi32, #tpu.memory_space<hbm>>
    %dma_start3A_98 = tpu.memref_squeeze %dma_start3A_97 : memref<1x1x128xi32, #tpu.memory_space<hbm>> -> memref<128xi32, #tpu.memory_space<hbm>>
    %dma_start3A_99 = arith.constant 0 : i32
    %dma_start3A_100 = tpu.memref_slice %arg7[%dma_start3A_92, %dma_start3A_99] : memref<8x128xi32, #tpu.memory_space<vmem>> -> memref<1x128xi32, #tpu.memory_space<vmem>>
    %dma_start3A_101 = tpu.memref_squeeze %dma_start3A_100 : memref<1x128xi32, #tpu.memory_space<vmem>> -> memref<128xi32, #tpu.memory_space<vmem>>
    %dma_start3A_102 = arith.constant 0 : i32
    %dma_start3A_103 = tpu.memref_slice %arg5[%arg1, %dma_start3A_91, %dma_start3A_102] : memref<16x80x128xi32, #tpu.memory_space<hbm>> -> memref<1x1x128xi32, #tpu.memory_space<hbm>>
    %dma_start3A_104 = tpu.memref_squeeze %dma_start3A_103 : memref<1x1x128xi32, #tpu.memory_space<hbm>> -> memref<128xi32, #tpu.memory_space<hbm>>
    tpu.enqueue_dma source(%dma_start3A_104 : memref<128xi32, #tpu.memory_space<hbm>>) target(%dma_start3A_101 : memref<128xi32, #tpu.memory_space<vmem>>) target_semaphore(%arg18 : memref<!tpu.dma_semaphore, #tpu.memory_space<semaphore_mem>>)
    %dma_start3A_105 = arith.constant 3 : i32
    %dma_start3A_106 = arith.constant 7 : i32
    %dma_start3A_107 = arith.constant 0 : i32
    %dma_start3A_108 = tpu.memref_slice %arg7[%dma_start3A_106, %dma_start3A_107] : memref<8x128xi32, #tpu.memory_space<vmem>> -> memref<1x128xi32, #tpu.memory_space<vmem>>
    %dma_start3A_109 = tpu.memref_squeeze %dma_start3A_108 : memref<1x128xi32, #tpu.memory_space<vmem>> -> memref<128xi32, #tpu.memory_space<vmem>>
    %dma_start3A_110 = arith.constant 0 : i32
    %dma_start3A_111 = tpu.memref_slice %arg4[%arg1, %dma_start3A_105, %dma_start3A_110] : memref<16x80x128xi32, #tpu.memory_space<hbm>> -> memref<1x1x128xi32, #tpu.memory_space<hbm>>
    %dma_start3A_112 = tpu.memref_squeeze %dma_start3A_111 : memref<1x1x128xi32, #tpu.memory_space<hbm>> -> memref<128xi32, #tpu.memory_space<hbm>>
    %dma_start3A_113 = arith.constant 0 : i32
    %dma_start3A_114 = tpu.memref_slice %arg7[%dma_start3A_106, %dma_start3A_113] : memref<8x128xi32, #tpu.memory_space<vmem>> -> memref<1x128xi32, #tpu.memory_space<vmem>>
    %dma_start3A_115 = tpu.memref_squeeze %dma_start3A_114 : memref<1x128xi32, #tpu.memory_space<vmem>> -> memref<128xi32, #tpu.memory_space<vmem>>
    %dma_start3A_116 = arith.constant 0 : i32
    %dma_start3A_117 = tpu.memref_slice %arg4[%arg1, %dma_start3A_105, %dma_start3A_116] : memref<16x80x128xi32, #tpu.memory_space<hbm>> -> memref<1x1x128xi32, #tpu.memory_space<hbm>>
    %dma_start3A_118 = tpu.memref_squeeze %dma_start3A_117 : memref<1x1x128xi32, #tpu.memory_space<hbm>> -> memref<128xi32, #tpu.memory_space<hbm>>
    tpu.enqueue_dma source(%dma_start3A_118 : memref<128xi32, #tpu.memory_space<hbm>>) target(%dma_start3A_115 : memref<128xi32, #tpu.memory_space<vmem>>) target_semaphore(%arg18 : memref<!tpu.dma_semaphore, #tpu.memory_space<semaphore_mem>>)
    %dma_wait3A = arith.constant 0 : i32
    %dma_wait3A_119 = arith.constant 0 : i32
    %dma_wait3A_120 = arith.constant 0 : i32
    %dma_wait3A_121 = arith.constant 0 : i32
    %dma_wait3A_122 = tpu.memref_slice %arg7[%dma_wait3A_120, %dma_wait3A_121] : memref<8x128xi32, #tpu.memory_space<vmem>> -> memref<1x128xi32, #tpu.memory_space<vmem>>
    %dma_wait3A_123 = tpu.memref_squeeze %dma_wait3A_122 : memref<1x128xi32, #tpu.memory_space<vmem>> -> memref<128xi32, #tpu.memory_space<vmem>>
    %dma_wait3A_124 = arith.constant 0 : i32
    %dma_wait3A_125 = tpu.memref_slice %arg5[%dma_wait3A, %dma_wait3A_119, %dma_wait3A_124] : memref<16x80x128xi32, #tpu.memory_space<hbm>> -> memref<1x1x128xi32, #tpu.memory_space<hbm>>
    %dma_wait3A_126 = tpu.memref_squeeze %dma_wait3A_125 : memref<1x1x128xi32, #tpu.memory_space<hbm>> -> memref<128xi32, #tpu.memory_space<hbm>>
    %dma_wait3A_127 = arith.constant 0 : i32
    %dma_wait3A_128 = tpu.memref_slice %arg7[%dma_wait3A_120, %dma_wait3A_127] : memref<8x128xi32, #tpu.memory_space<vmem>> -> memref<1x128xi32, #tpu.memory_space<vmem>>
    %dma_wait3A_129 = tpu.memref_squeeze %dma_wait3A_128 : memref<1x128xi32, #tpu.memory_space<vmem>> -> memref<128xi32, #tpu.memory_space<vmem>>
    %dma_wait3A_130 = arith.constant 0 : i32
    %dma_wait3A_131 = tpu.memref_slice %arg5[%dma_wait3A, %dma_wait3A_119, %dma_wait3A_130] : memref<16x80x128xi32, #tpu.memory_space<hbm>> -> memref<1x1x128xi32, #tpu.memory_space<hbm>>
    %dma_wait3A_132 = tpu.memref_squeeze %dma_wait3A_131 : memref<1x1x128xi32, #tpu.memory_space<hbm>> -> memref<128xi32, #tpu.memory_space<hbm>>
    tpu.wait_dma2 semaphore(%arg15 : memref<!tpu.dma_semaphore, #tpu.memory_space<semaphore_mem>>) src(%dma_wait3A_132 : memref<128xi32, #tpu.memory_space<hbm>>) dst(%dma_wait3A_129 : memref<128xi32, #tpu.memory_space<vmem>>)
    %dma_wait3A_133 = arith.constant 0 : i32
    %dma_wait3A_134 = arith.constant 0 : i32
    %dma_wait3A_135 = arith.constant 0 : i32
    %dma_wait3A_136 = arith.constant 0 : i32
    %dma_wait3A_137 = tpu.memref_slice %arg7[%dma_wait3A_135, %dma_wait3A_136] : memref<8x128xi32, #tpu.memory_space<vmem>> -> memref<1x128xi32, #tpu.memory_space<vmem>>
    %dma_wait3A_138 = tpu.memref_squeeze %dma_wait3A_137 : memref<1x128xi32, #tpu.memory_space<vmem>> -> memref<128xi32, #tpu.memory_space<vmem>>
    %dma_wait3A_139 = arith.constant 0 : i32
    %dma_wait3A_140 = tpu.memref_slice %arg5[%dma_wait3A_133, %dma_wait3A_134, %dma_wait3A_139] : memref<16x80x128xi32, #tpu.memory_space<hbm>> -> memref<1x1x128xi32, #tpu.memory_space<hbm>>
    %dma_wait3A_141 = tpu.memref_squeeze %dma_wait3A_140 : memref<1x1x128xi32, #tpu.memory_space<hbm>> -> memref<128xi32, #tpu.memory_space<hbm>>
    %dma_wait3A_142 = arith.constant 0 : i32
    %dma_wait3A_143 = tpu.memref_slice %arg7[%dma_wait3A_135, %dma_wait3A_142] : memref<8x128xi32, #tpu.memory_space<vmem>> -> memref<1x128xi32, #tpu.memory_space<vmem>>
    %dma_wait3A_144 = tpu.memref_squeeze %dma_wait3A_143 : memref<1x128xi32, #tpu.memory_space<vmem>> -> memref<128xi32, #tpu.memory_space<vmem>>
    %dma_wait3A_145 = arith.constant 0 : i32
    %dma_wait3A_146 = tpu.memref_slice %arg5[%dma_wait3A_133, %dma_wait3A_134, %dma_wait3A_145] : memref<16x80x128xi32, #tpu.memory_space<hbm>> -> memref<1x1x128xi32, #tpu.memory_space<hbm>>
    %dma_wait3A_147 = tpu.memref_squeeze %dma_wait3A_146 : memref<1x1x128xi32, #tpu.memory_space<hbm>> -> memref<128xi32, #tpu.memory_space<hbm>>
    tpu.wait_dma2 semaphore(%arg15 : memref<!tpu.dma_semaphore, #tpu.memory_space<semaphore_mem>>) src(%dma_wait3A_147 : memref<128xi32, #tpu.memory_space<hbm>>) dst(%dma_wait3A_144 : memref<128xi32, #tpu.memory_space<vmem>>)
    %eq3A_148 = arith.constant 0 : i32
    %eq3A_149 = arith.cmpi eq, %arg0, %eq3A_148 : i32
    %convert_element_type3A_150 = arith.extui %eq3A_149 : i1 to i32
    %cond3A_151 = arith.constant 0 : i32
    %cond3A_152 = arith.cmpi ne, %convert_element_type3A_150, %cond3A_151 : i32
    scf.if %cond3A_152 {
      %dma_start3A_616 = arith.constant 0 : i32
      %dma_start3A_617 = arith.constant 0 : i32
      %dma_start3A_618 = tpu.memref_slice %arg7[%dma_start3A_616, %dma_start3A_617] : memref<8x128xi32, #tpu.memory_space<vmem>> -> memref<1x128xi32, #tpu.memory_space<vmem>>
      %dma_start3A_619 = tpu.memref_squeeze %dma_start3A_618 : memref<1x128xi32, #tpu.memory_space<vmem>> -> memref<128xi32, #tpu.memory_space<vmem>>
      %dma_start3A_620 = arith.constant 0 : i32
      %dma_start3A_621 = arith.constant 0 : i32
      %dma_start3A_622 = tpu.memref_slice %arg2[%dma_start3A_620, %dma_start3A_621] : memref<10000x128xf32, #tpu.memory_space<hbm>> -> memref<10000x128xf32, #tpu.memory_space<hbm>>
      tpu.enqueue_indirect_dma source(%dma_start3A_622 : memref<10000x128xf32, #tpu.memory_space<hbm>>) target(%arg8 : memref<128x128xf32, #tpu.memory_space<vmem>>) offsets(%dma_start3A_619 : memref<128xi32, #tpu.memory_space<vmem>>) semaphore(%arg12 : memref<!tpu.dma_semaphore, #tpu.memory_space<semaphore_mem>>)
    } else {
    }
    %eq3A_153 = arith.constant 1 : i32
    %eq3A_154 = arith.cmpi eq, %arg0, %eq3A_153 : i32
    %convert_element_type3A_155 = arith.extui %eq3A_154 : i1 to i32
    %cond3A_156 = arith.constant 0 : i32
    %cond3A_157 = arith.cmpi ne, %convert_element_type3A_155, %cond3A_156 : i32
    scf.if %cond3A_157 {
      %dma_start3A_616 = arith.constant 0 : i32
      %dma_start3A_617 = arith.constant 0 : i32
      %dma_start3A_618 = tpu.memref_slice %arg7[%dma_start3A_616, %dma_start3A_617] : memref<8x128xi32, #tpu.memory_space<vmem>> -> memref<1x128xi32, #tpu.memory_space<vmem>>
      %dma_start3A_619 = tpu.memref_squeeze %dma_start3A_618 : memref<1x128xi32, #tpu.memory_space<vmem>> -> memref<128xi32, #tpu.memory_space<vmem>>
      %dma_start3A_620 = arith.constant 0 : i32
      %dma_start3A_621 = arith.constant 0 : i32
      %dma_start3A_622 = tpu.memref_slice %arg3[%dma_start3A_620, %dma_start3A_621] : memref<10000x128xf32, #tpu.memory_space<hbm>> -> memref<10000x128xf32, #tpu.memory_space<hbm>>
      tpu.enqueue_indirect_dma source(%dma_start3A_622 : memref<10000x128xf32, #tpu.memory_space<hbm>>) target(%arg8 : memref<128x128xf32, #tpu.memory_space<vmem>>) offsets(%dma_start3A_619 : memref<128xi32, #tpu.memory_space<vmem>>) semaphore(%arg12 : memref<!tpu.dma_semaphore, #tpu.memory_space<semaphore_mem>>)
    } else {
    }
    %dma_wait3A_158 = arith.constant 0 : i32
    %dma_wait3A_159 = arith.constant 0 : i32
    %dma_wait3A_160 = arith.constant 1 : i32
    %dma_wait3A_161 = arith.constant 0 : i32
    %dma_wait3A_162 = tpu.memref_slice %arg7[%dma_wait3A_160, %dma_wait3A_161] : memref<8x128xi32, #tpu.memory_space<vmem>> -> memref<1x128xi32, #tpu.memory_space<vmem>>
    %dma_wait3A_163 = tpu.memref_squeeze %dma_wait3A_162 : memref<1x128xi32, #tpu.memory_space<vmem>> -> memref<128xi32, #tpu.memory_space<vmem>>
    %dma_wait3A_164 = arith.constant 0 : i32
    %dma_wait3A_165 = tpu.memref_slice %arg5[%dma_wait3A_158, %dma_wait3A_159, %dma_wait3A_164] : memref<16x80x128xi32, #tpu.memory_space<hbm>> -> memref<1x1x128xi32, #tpu.memory_space<hbm>>
    %dma_wait3A_166 = tpu.memref_squeeze %dma_wait3A_165 : memref<1x1x128xi32, #tpu.memory_space<hbm>> -> memref<128xi32, #tpu.memory_space<hbm>>
    %dma_wait3A_167 = arith.constant 0 : i32
    %dma_wait3A_168 = tpu.memref_slice %arg7[%dma_wait3A_160, %dma_wait3A_167] : memref<8x128xi32, #tpu.memory_space<vmem>> -> memref<1x128xi32, #tpu.memory_space<vmem>>
    %dma_wait3A_169 = tpu.memref_squeeze %dma_wait3A_168 : memref<1x128xi32, #tpu.memory_space<vmem>> -> memref<128xi32, #tpu.memory_space<vmem>>
    %dma_wait3A_170 = arith.constant 0 : i32
    %dma_wait3A_171 = tpu.memref_slice %arg5[%dma_wait3A_158, %dma_wait3A_159, %dma_wait3A_170] : memref<16x80x128xi32, #tpu.memory_space<hbm>> -> memref<1x1x128xi32, #tpu.memory_space<hbm>>
    %dma_wait3A_172 = tpu.memref_squeeze %dma_wait3A_171 : memref<1x1x128xi32, #tpu.memory_space<hbm>> -> memref<128xi32, #tpu.memory_space<hbm>>
    tpu.wait_dma2 semaphore(%arg16 : memref<!tpu.dma_semaphore, #tpu.memory_space<semaphore_mem>>) src(%dma_wait3A_172 : memref<128xi32, #tpu.memory_space<hbm>>) dst(%dma_wait3A_169 : memref<128xi32, #tpu.memory_space<vmem>>)
    %dma_wait3A_173 = arith.constant 0 : i32
    %dma_wait3A_174 = arith.constant 0 : i32
    %dma_wait3A_175 = arith.constant 1 : i32
    %dma_wait3A_176 = arith.constant 0 : i32
    %dma_wait3A_177 = tpu.memref_slice %arg7[%dma_wait3A_175, %dma_wait3A_176] : memref<8x128xi32, #tpu.memory_space<vmem>> -> memref<1x128xi32, #tpu.memory_space<vmem>>
    %dma_wait3A_178 = tpu.memref_squeeze %dma_wait3A_177 : memref<1x128xi32, #tpu.memory_space<vmem>> -> memref<128xi32, #tpu.memory_space<vmem>>
    %dma_wait3A_179 = arith.constant 0 : i32
    %dma_wait3A_180 = tpu.memref_slice %arg5[%dma_wait3A_173, %dma_wait3A_174, %dma_wait3A_179] : memref<16x80x128xi32, #tpu.memory_space<hbm>> -> memref<1x1x128xi32, #tpu.memory_space<hbm>>
    %dma_wait3A_181 = tpu.memref_squeeze %dma_wait3A_180 : memref<1x1x128xi32, #tpu.memory_space<hbm>> -> memref<128xi32, #tpu.memory_space<hbm>>
    %dma_wait3A_182 = arith.constant 0 : i32
    %dma_wait3A_183 = tpu.memref_slice %arg7[%dma_wait3A_175, %dma_wait3A_182] : memref<8x128xi32, #tpu.memory_space<vmem>> -> memref<1x128xi32, #tpu.memory_space<vmem>>
    %dma_wait3A_184 = tpu.memref_squeeze %dma_wait3A_183 : memref<1x128xi32, #tpu.memory_space<vmem>> -> memref<128xi32, #tpu.memory_space<vmem>>
    %dma_wait3A_185 = arith.constant 0 : i32
    %dma_wait3A_186 = tpu.memref_slice %arg5[%dma_wait3A_173, %dma_wait3A_174, %dma_wait3A_185] : memref<16x80x128xi32, #tpu.memory_space<hbm>> -> memref<1x1x128xi32, #tpu.memory_space<hbm>>
    %dma_wait3A_187 = tpu.memref_squeeze %dma_wait3A_186 : memref<1x1x128xi32, #tpu.memory_space<hbm>> -> memref<128xi32, #tpu.memory_space<hbm>>
    tpu.wait_dma2 semaphore(%arg16 : memref<!tpu.dma_semaphore, #tpu.memory_space<semaphore_mem>>) src(%dma_wait3A_187 : memref<128xi32, #tpu.memory_space<hbm>>) dst(%dma_wait3A_184 : memref<128xi32, #tpu.memory_space<vmem>>)
    %eq3A_188 = arith.constant 0 : i32
    %eq3A_189 = arith.cmpi eq, %arg0, %eq3A_188 : i32
    %convert_element_type3A_190 = arith.extui %eq3A_189 : i1 to i32
    %cond3A_191 = arith.constant 0 : i32
    %cond3A_192 = arith.cmpi ne, %convert_element_type3A_190, %cond3A_191 : i32
    scf.if %cond3A_192 {
      %dma_start3A_616 = arith.constant 1 : i32
      %dma_start3A_617 = arith.constant 0 : i32
      %dma_start3A_618 = tpu.memref_slice %arg7[%dma_start3A_616, %dma_start3A_617] : memref<8x128xi32, #tpu.memory_space<vmem>> -> memref<1x128xi32, #tpu.memory_space<vmem>>
      %dma_start3A_619 = tpu.memref_squeeze %dma_start3A_618 : memref<1x128xi32, #tpu.memory_space<vmem>> -> memref<128xi32, #tpu.memory_space<vmem>>
      %dma_start3A_620 = arith.constant 0 : i32
      %dma_start3A_621 = arith.constant 0 : i32
      %dma_start3A_622 = tpu.memref_slice %arg2[%dma_start3A_620, %dma_start3A_621] : memref<10000x128xf32, #tpu.memory_space<hbm>> -> memref<10000x128xf32, #tpu.memory_space<hbm>>
      tpu.enqueue_indirect_dma source(%dma_start3A_622 : memref<10000x128xf32, #tpu.memory_space<hbm>>) target(%arg9 : memref<128x128xf32, #tpu.memory_space<vmem>>) offsets(%dma_start3A_619 : memref<128xi32, #tpu.memory_space<vmem>>) semaphore(%arg13 : memref<!tpu.dma_semaphore, #tpu.memory_space<semaphore_mem>>)
    } else {
    }
    %eq3A_193 = arith.constant 1 : i32
    %eq3A_194 = arith.cmpi eq, %arg0, %eq3A_193 : i32
    %convert_element_type3A_195 = arith.extui %eq3A_194 : i1 to i32
    %cond3A_196 = arith.constant 0 : i32
    %cond3A_197 = arith.cmpi ne, %convert_element_type3A_195, %cond3A_196 : i32
    scf.if %cond3A_197 {
      %dma_start3A_616 = arith.constant 1 : i32
      %dma_start3A_617 = arith.constant 0 : i32
      %dma_start3A_618 = tpu.memref_slice %arg7[%dma_start3A_616, %dma_start3A_617] : memref<8x128xi32, #tpu.memory_space<vmem>> -> memref<1x128xi32, #tpu.memory_space<vmem>>
      %dma_start3A_619 = tpu.memref_squeeze %dma_start3A_618 : memref<1x128xi32, #tpu.memory_space<vmem>> -> memref<128xi32, #tpu.memory_space<vmem>>
      %dma_start3A_620 = arith.constant 0 : i32
      %dma_start3A_621 = arith.constant 0 : i32
      %dma_start3A_622 = tpu.memref_slice %arg3[%dma_start3A_620, %dma_start3A_621] : memref<10000x128xf32, #tpu.memory_space<hbm>> -> memref<10000x128xf32, #tpu.memory_space<hbm>>
      tpu.enqueue_indirect_dma source(%dma_start3A_622 : memref<10000x128xf32, #tpu.memory_space<hbm>>) target(%arg9 : memref<128x128xf32, #tpu.memory_space<vmem>>) offsets(%dma_start3A_619 : memref<128xi32, #tpu.memory_space<vmem>>) semaphore(%arg13 : memref<!tpu.dma_semaphore, #tpu.memory_space<semaphore_mem>>)
    } else {
    }
    %dma_wait3A_198 = arith.constant 0 : i32
    %dma_wait3A_199 = arith.constant 0 : i32
    %dma_wait3A_200 = arith.constant 2 : i32
    %dma_wait3A_201 = arith.constant 0 : i32
    %dma_wait3A_202 = tpu.memref_slice %arg7[%dma_wait3A_200, %dma_wait3A_201] : memref<8x128xi32, #tpu.memory_space<vmem>> -> memref<1x128xi32, #tpu.memory_space<vmem>>
    %dma_wait3A_203 = tpu.memref_squeeze %dma_wait3A_202 : memref<1x128xi32, #tpu.memory_space<vmem>> -> memref<128xi32, #tpu.memory_space<vmem>>
    %dma_wait3A_204 = arith.constant 0 : i32
    %dma_wait3A_205 = tpu.memref_slice %arg5[%dma_wait3A_198, %dma_wait3A_199, %dma_wait3A_204] : memref<16x80x128xi32, #tpu.memory_space<hbm>> -> memref<1x1x128xi32, #tpu.memory_space<hbm>>
    %dma_wait3A_206 = tpu.memref_squeeze %dma_wait3A_205 : memref<1x1x128xi32, #tpu.memory_space<hbm>> -> memref<128xi32, #tpu.memory_space<hbm>>
    %dma_wait3A_207 = arith.constant 0 : i32
    %dma_wait3A_208 = tpu.memref_slice %arg7[%dma_wait3A_200, %dma_wait3A_207] : memref<8x128xi32, #tpu.memory_space<vmem>> -> memref<1x128xi32, #tpu.memory_space<vmem>>
    %dma_wait3A_209 = tpu.memref_squeeze %dma_wait3A_208 : memref<1x128xi32, #tpu.memory_space<vmem>> -> memref<128xi32, #tpu.memory_space<vmem>>
    %dma_wait3A_210 = arith.constant 0 : i32
    %dma_wait3A_211 = tpu.memref_slice %arg5[%dma_wait3A_198, %dma_wait3A_199, %dma_wait3A_210] : memref<16x80x128xi32, #tpu.memory_space<hbm>> -> memref<1x1x128xi32, #tpu.memory_space<hbm>>
    %dma_wait3A_212 = tpu.memref_squeeze %dma_wait3A_211 : memref<1x1x128xi32, #tpu.memory_space<hbm>> -> memref<128xi32, #tpu.memory_space<hbm>>
    tpu.wait_dma2 semaphore(%arg17 : memref<!tpu.dma_semaphore, #tpu.memory_space<semaphore_mem>>) src(%dma_wait3A_212 : memref<128xi32, #tpu.memory_space<hbm>>) dst(%dma_wait3A_209 : memref<128xi32, #tpu.memory_space<vmem>>)
    %dma_wait3A_213 = arith.constant 0 : i32
    %dma_wait3A_214 = arith.constant 0 : i32
    %dma_wait3A_215 = arith.constant 2 : i32
    %dma_wait3A_216 = arith.constant 0 : i32
    %dma_wait3A_217 = tpu.memref_slice %arg7[%dma_wait3A_215, %dma_wait3A_216] : memref<8x128xi32, #tpu.memory_space<vmem>> -> memref<1x128xi32, #tpu.memory_space<vmem>>
    %dma_wait3A_218 = tpu.memref_squeeze %dma_wait3A_217 : memref<1x128xi32, #tpu.memory_space<vmem>> -> memref<128xi32, #tpu.memory_space<vmem>>
    %dma_wait3A_219 = arith.constant 0 : i32
    %dma_wait3A_220 = tpu.memref_slice %arg5[%dma_wait3A_213, %dma_wait3A_214, %dma_wait3A_219] : memref<16x80x128xi32, #tpu.memory_space<hbm>> -> memref<1x1x128xi32, #tpu.memory_space<hbm>>
    %dma_wait3A_221 = tpu.memref_squeeze %dma_wait3A_220 : memref<1x1x128xi32, #tpu.memory_space<hbm>> -> memref<128xi32, #tpu.memory_space<hbm>>
    %dma_wait3A_222 = arith.constant 0 : i32
    %dma_wait3A_223 = tpu.memref_slice %arg7[%dma_wait3A_215, %dma_wait3A_222] : memref<8x128xi32, #tpu.memory_space<vmem>> -> memref<1x128xi32, #tpu.memory_space<vmem>>
    %dma_wait3A_224 = tpu.memref_squeeze %dma_wait3A_223 : memref<1x128xi32, #tpu.memory_space<vmem>> -> memref<128xi32, #tpu.memory_space<vmem>>
    %dma_wait3A_225 = arith.constant 0 : i32
    %dma_wait3A_226 = tpu.memref_slice %arg5[%dma_wait3A_213, %dma_wait3A_214, %dma_wait3A_225] : memref<16x80x128xi32, #tpu.memory_space<hbm>> -> memref<1x1x128xi32, #tpu.memory_space<hbm>>
    %dma_wait3A_227 = tpu.memref_squeeze %dma_wait3A_226 : memref<1x1x128xi32, #tpu.memory_space<hbm>> -> memref<128xi32, #tpu.memory_space<hbm>>
    tpu.wait_dma2 semaphore(%arg17 : memref<!tpu.dma_semaphore, #tpu.memory_space<semaphore_mem>>) src(%dma_wait3A_227 : memref<128xi32, #tpu.memory_space<hbm>>) dst(%dma_wait3A_224 : memref<128xi32, #tpu.memory_space<vmem>>)
    %eq3A_228 = arith.constant 0 : i32
    %eq3A_229 = arith.cmpi eq, %arg0, %eq3A_228 : i32
    %convert_element_type3A_230 = arith.extui %eq3A_229 : i1 to i32
    %cond3A_231 = arith.constant 0 : i32
    %cond3A_232 = arith.cmpi ne, %convert_element_type3A_230, %cond3A_231 : i32
    scf.if %cond3A_232 {
      %dma_start3A_616 = arith.constant 2 : i32
      %dma_start3A_617 = arith.constant 0 : i32
      %dma_start3A_618 = tpu.memref_slice %arg7[%dma_start3A_616, %dma_start3A_617] : memref<8x128xi32, #tpu.memory_space<vmem>> -> memref<1x128xi32, #tpu.memory_space<vmem>>
      %dma_start3A_619 = tpu.memref_squeeze %dma_start3A_618 : memref<1x128xi32, #tpu.memory_space<vmem>> -> memref<128xi32, #tpu.memory_space<vmem>>
      %dma_start3A_620 = arith.constant 0 : i32
      %dma_start3A_621 = arith.constant 0 : i32
      %dma_start3A_622 = tpu.memref_slice %arg2[%dma_start3A_620, %dma_start3A_621] : memref<10000x128xf32, #tpu.memory_space<hbm>> -> memref<10000x128xf32, #tpu.memory_space<hbm>>
      tpu.enqueue_indirect_dma source(%dma_start3A_622 : memref<10000x128xf32, #tpu.memory_space<hbm>>) target(%arg10 : memref<128x128xf32, #tpu.memory_space<vmem>>) offsets(%dma_start3A_619 : memref<128xi32, #tpu.memory_space<vmem>>) semaphore(%arg14 : memref<!tpu.dma_semaphore, #tpu.memory_space<semaphore_mem>>)
    } else {
    }
    %eq3A_233 = arith.constant 1 : i32
    %eq3A_234 = arith.cmpi eq, %arg0, %eq3A_233 : i32
    %convert_element_type3A_235 = arith.extui %eq3A_234 : i1 to i32
    %cond3A_236 = arith.constant 0 : i32
    %cond3A_237 = arith.cmpi ne, %convert_element_type3A_235, %cond3A_236 : i32
    scf.if %cond3A_237 {
      %dma_start3A_616 = arith.constant 2 : i32
      %dma_start3A_617 = arith.constant 0 : i32
      %dma_start3A_618 = tpu.memref_slice %arg7[%dma_start3A_616, %dma_start3A_617] : memref<8x128xi32, #tpu.memory_space<vmem>> -> memref<1x128xi32, #tpu.memory_space<vmem>>
      %dma_start3A_619 = tpu.memref_squeeze %dma_start3A_618 : memref<1x128xi32, #tpu.memory_space<vmem>> -> memref<128xi32, #tpu.memory_space<vmem>>
      %dma_start3A_620 = arith.constant 0 : i32
      %dma_start3A_621 = arith.constant 0 : i32
      %dma_start3A_622 = tpu.memref_slice %arg3[%dma_start3A_620, %dma_start3A_621] : memref<10000x128xf32, #tpu.memory_space<hbm>> -> memref<10000x128xf32, #tpu.memory_space<hbm>>
      tpu.enqueue_indirect_dma source(%dma_start3A_622 : memref<10000x128xf32, #tpu.memory_space<hbm>>) target(%arg10 : memref<128x128xf32, #tpu.memory_space<vmem>>) offsets(%dma_start3A_619 : memref<128xi32, #tpu.memory_space<vmem>>) semaphore(%arg14 : memref<!tpu.dma_semaphore, #tpu.memory_space<semaphore_mem>>)
    } else {
    }
    %scan3A = arith.constant 0 : i32
    %scan3A_238 = arith.constant 0 : i32
    %scan3A_239 = arith.constant 6 : i32
    %scan3A_240 = arith.addi %scan3A_238, %scan3A_239 : i32
    %scan3A_241 = arith.constant 1 : i32
    scf.for %scan3A_616 = %scan3A_238 to %scan3A_240 step %scan3A_241  : i32 {
      %mul3A_617 = arith.constant 12 : i32
      %mul3A_618 = arith.muli %scan3A_616, %mul3A_617 : i32
      %add3A = arith.constant 0 : i32
      %add3A_619 = arith.addi %mul3A_618, %add3A : i32
      %dma_wait3A_620 = arith.constant 0 : i32
      %dma_wait3A_621 = arith.constant 0 : i32
      %dma_wait3A_622 = tpu.memref_slice %arg2[%dma_wait3A_620, %dma_wait3A_621] : memref<10000x128xf32, #tpu.memory_space<hbm>> -> memref<128x128xf32, #tpu.memory_space<hbm>>
      %dma_wait3A_623 = arith.constant 0 : i32
      %dma_wait3A_624 = arith.constant 0 : i32
      %dma_wait3A_625 = tpu.memref_slice %arg2[%dma_wait3A_623, %dma_wait3A_624] : memref<10000x128xf32, #tpu.memory_space<hbm>> -> memref<128x128xf32, #tpu.memory_space<hbm>>
      tpu.wait_dma2 semaphore(%arg12 : memref<!tpu.dma_semaphore, #tpu.memory_space<semaphore_mem>>) src(%dma_wait3A_625 : memref<128x128xf32, #tpu.memory_space<hbm>>) dst(%arg8 : memref<128x128xf32, #tpu.memory_space<vmem>>)
      %run_scoped3A_626 = arith.constant 4 : i32
      "tpu.region"() ({
        %run_scoped3A_1566 = tpu.sem_alloc : memref<!tpu.dma_semaphore, #tpu.memory_space<semaphore_mem>>
        %dma_start3A_1567 = arith.constant 0 : i32
        %dma_start3A_1568 = tpu.memref_slice %arg7[%run_scoped3A_626, %dma_start3A_1567] : memref<8x128xi32, #tpu.memory_space<vmem>> -> memref<1x128xi32, #tpu.memory_space<vmem>>
        %dma_start3A_1569 = tpu.memref_squeeze %dma_start3A_1568 : memref<1x128xi32, #tpu.memory_space<vmem>> -> memref<128xi32, #tpu.memory_space<vmem>>
        %dma_start3A_1570 = arith.constant 0 : i32
        %dma_start3A_1571 = arith.constant 0 : i32
        %dma_start3A_1572 = tpu.memref_slice %arg11[%dma_start3A_1570, %dma_start3A_1571] : memref<10008x128xf32, #tpu.memory_space<vmem_shared>> -> memref<10008x128xf32, #tpu.memory_space<vmem_shared>>
        tpu.enqueue_indirect_dma source(%arg8 : memref<128x128xf32, #tpu.memory_space<vmem>>) target(%dma_start3A_1572 : memref<10008x128xf32, #tpu.memory_space<vmem_shared>>) offsets(%dma_start3A_1569 : memref<128xi32, #tpu.memory_space<vmem>>) semaphore(%run_scoped3A_1566 : memref<!tpu.dma_semaphore, #tpu.memory_space<semaphore_mem>>) {add = true}
        %dma_wait3A_1573 = arith.constant 0 : i32
        %dma_wait3A_1574 = tpu.memref_slice %arg7[%run_scoped3A_626, %dma_wait3A_1573] : memref<8x128xi32, #tpu.memory_space<vmem>> -> memref<1x128xi32, #tpu.memory_space<vmem>>
        %dma_wait3A_1575 = tpu.memref_squeeze %dma_wait3A_1574 : memref<1x128xi32, #tpu.memory_space<vmem>> -> memref<128xi32, #tpu.memory_space<vmem>>
        %dma_wait3A_1576 = arith.constant 0 : i32
        %dma_wait3A_1577 = arith.constant 0 : i32
        %dma_wait3A_1578 = tpu.memref_slice %arg11[%dma_wait3A_1576, %dma_wait3A_1577] : memref<10008x128xf32, #tpu.memory_space<vmem_shared>> -> memref<10008x128xf32, #tpu.memory_space<vmem_shared>>
        tpu.wait_indirect_dma semaphore(%run_scoped3A_1566 : memref<!tpu.dma_semaphore, #tpu.memory_space<semaphore_mem>>) src(%arg8 : memref<128x128xf32, #tpu.memory_space<vmem>>) dst(%dma_wait3A_1578 : memref<10008x128xf32, #tpu.memory_space<vmem_shared>>)
        tpu.yield
      }) : () -> ()
      %add3A_627 = arith.constant 4 : i32
      %add3A_628 = arith.addi %add3A_619, %add3A_627 : i32
      %dma_start3A_629 = arith.constant 0 : i32
      %dma_start3A_630 = arith.constant 0 : i32
      %dma_start3A_631 = tpu.memref_slice %arg7[%dma_start3A_629, %dma_start3A_630] : memref<8x128xi32, #tpu.memory_space<vmem>> -> memref<1x128xi32, #tpu.memory_space<vmem>>
      %dma_start3A_632 = tpu.memref_squeeze %dma_start3A_631 : memref<1x128xi32, #tpu.memory_space<vmem>> -> memref<128xi32, #tpu.memory_space<vmem>>
      %dma_start3A_633 = arith.constant 0 : i32
      %dma_start3A_634 = tpu.memref_slice %arg5[%arg1, %add3A_628, %dma_start3A_633] : memref<16x80x128xi32, #tpu.memory_space<hbm>> -> memref<1x1x128xi32, #tpu.memory_space<hbm>>
      %dma_start3A_635 = tpu.memref_squeeze %dma_start3A_634 : memref<1x1x128xi32, #tpu.memory_space<hbm>> -> memref<128xi32, #tpu.memory_space<hbm>>
      %dma_start3A_636 = arith.constant 0 : i32
      %dma_start3A_637 = tpu.memref_slice %arg7[%dma_start3A_629, %dma_start3A_636] : memref<8x128xi32, #tpu.memory_space<vmem>> -> memref<1x128xi32, #tpu.memory_space<vmem>>
      %dma_start3A_638 = tpu.memref_squeeze %dma_start3A_637 : memref<1x128xi32, #tpu.memory_space<vmem>> -> memref<128xi32, #tpu.memory_space<vmem>>
      %dma_start3A_639 = arith.constant 0 : i32
      %dma_start3A_640 = tpu.memref_slice %arg5[%arg1, %add3A_628, %dma_start3A_639] : memref<16x80x128xi32, #tpu.memory_space<hbm>> -> memref<1x1x128xi32, #tpu.memory_space<hbm>>
      %dma_start3A_641 = tpu.memref_squeeze %dma_start3A_640 : memref<1x1x128xi32, #tpu.memory_space<hbm>> -> memref<128xi32, #tpu.memory_space<hbm>>
      tpu.enqueue_dma source(%dma_start3A_641 : memref<128xi32, #tpu.memory_space<hbm>>) target(%dma_start3A_638 : memref<128xi32, #tpu.memory_space<vmem>>) target_semaphore(%arg15 : memref<!tpu.dma_semaphore, #tpu.memory_space<semaphore_mem>>)
      %dma_start3A_642 = arith.constant 4 : i32
      %dma_start3A_643 = arith.constant 0 : i32
      %dma_start3A_644 = tpu.memref_slice %arg7[%dma_start3A_642, %dma_start3A_643] : memref<8x128xi32, #tpu.memory_space<vmem>> -> memref<1x128xi32, #tpu.memory_space<vmem>>
      %dma_start3A_645 = tpu.memref_squeeze %dma_start3A_644 : memref<1x128xi32, #tpu.memory_space<vmem>> -> memref<128xi32, #tpu.memory_space<vmem>>
      %dma_start3A_646 = arith.constant 0 : i32
      %dma_start3A_647 = tpu.memref_slice %arg4[%arg1, %add3A_628, %dma_start3A_646] : memref<16x80x128xi32, #tpu.memory_space<hbm>> -> memref<1x1x128xi32, #tpu.memory_space<hbm>>
      %dma_start3A_648 = tpu.memref_squeeze %dma_start3A_647 : memref<1x1x128xi32, #tpu.memory_space<hbm>> -> memref<128xi32, #tpu.memory_space<hbm>>
      %dma_start3A_649 = arith.constant 0 : i32
      %dma_start3A_650 = tpu.memref_slice %arg7[%dma_start3A_642, %dma_start3A_649] : memref<8x128xi32, #tpu.memory_space<vmem>> -> memref<1x128xi32, #tpu.memory_space<vmem>>
      %dma_start3A_651 = tpu.memref_squeeze %dma_start3A_650 : memref<1x128xi32, #tpu.memory_space<vmem>> -> memref<128xi32, #tpu.memory_space<vmem>>
      %dma_start3A_652 = arith.constant 0 : i32
      %dma_start3A_653 = tpu.memref_slice %arg4[%arg1, %add3A_628, %dma_start3A_652] : memref<16x80x128xi32, #tpu.memory_space<hbm>> -> memref<1x1x128xi32, #tpu.memory_space<hbm>>
      %dma_start3A_654 = tpu.memref_squeeze %dma_start3A_653 : memref<1x1x128xi32, #tpu.memory_space<hbm>> -> memref<128xi32, #tpu.memory_space<hbm>>
      tpu.enqueue_dma source(%dma_start3A_654 : memref<128xi32, #tpu.memory_space<hbm>>) target(%dma_start3A_651 : memref<128xi32, #tpu.memory_space<vmem>>) target_semaphore(%arg15 : memref<!tpu.dma_semaphore, #tpu.memory_space<semaphore_mem>>)
      %dma_wait3A_655 = arith.constant 0 : i32
      %dma_wait3A_656 = arith.constant 0 : i32
      %dma_wait3A_657 = arith.constant 3 : i32
      %dma_wait3A_658 = arith.constant 0 : i32
      %dma_wait3A_659 = tpu.memref_slice %arg7[%dma_wait3A_657, %dma_wait3A_658] : memref<8x128xi32, #tpu.memory_space<vmem>> -> memref<1x128xi32, #tpu.memory_space<vmem>>
      %dma_wait3A_660 = tpu.memref_squeeze %dma_wait3A_659 : memref<1x128xi32, #tpu.memory_space<vmem>> -> memref<128xi32, #tpu.memory_space<vmem>>
      %dma_wait3A_661 = arith.constant 0 : i32
      %dma_wait3A_662 = tpu.memref_slice %arg5[%dma_wait3A_655, %dma_wait3A_656, %dma_wait3A_661] : memref<16x80x128xi32, #tpu.memory_space<hbm>> -> memref<1x1x128xi32, #tpu.memory_space<hbm>>
      %dma_wait3A_663 = tpu.memref_squeeze %dma_wait3A_662 : memref<1x1x128xi32, #tpu.memory_space<hbm>> -> memref<128xi32, #tpu.memory_space<hbm>>
      %dma_wait3A_664 = arith.constant 0 : i32
      %dma_wait3A_665 = tpu.memref_slice %arg7[%dma_wait3A_657, %dma_wait3A_664] : memref<8x128xi32, #tpu.memory_space<vmem>> -> memref<1x128xi32, #tpu.memory_space<vmem>>
      %dma_wait3A_666 = tpu.memref_squeeze %dma_wait3A_665 : memref<1x128xi32, #tpu.memory_space<vmem>> -> memref<128xi32, #tpu.memory_space<vmem>>
      %dma_wait3A_667 = arith.constant 0 : i32
      %dma_wait3A_668 = tpu.memref_slice %arg5[%dma_wait3A_655, %dma_wait3A_656, %dma_wait3A_667] : memref<16x80x128xi32, #tpu.memory_space<hbm>> -> memref<1x1x128xi32, #tpu.memory_space<hbm>>
      %dma_wait3A_669 = tpu.memref_squeeze %dma_wait3A_668 : memref<1x1x128xi32, #tpu.memory_space<hbm>> -> memref<128xi32, #tpu.memory_space<hbm>>
      tpu.wait_dma2 semaphore(%arg18 : memref<!tpu.dma_semaphore, #tpu.memory_space<semaphore_mem>>) src(%dma_wait3A_669 : memref<128xi32, #tpu.memory_space<hbm>>) dst(%dma_wait3A_666 : memref<128xi32, #tpu.memory_space<vmem>>)
      %dma_wait3A_670 = arith.constant 0 : i32
      %dma_wait3A_671 = arith.constant 0 : i32
      %dma_wait3A_672 = arith.constant 3 : i32
      %dma_wait3A_673 = arith.constant 0 : i32
      %dma_wait3A_674 = tpu.memref_slice %arg7[%dma_wait3A_672, %dma_wait3A_673] : memref<8x128xi32, #tpu.memory_space<vmem>> -> memref<1x128xi32, #tpu.memory_space<vmem>>
      %dma_wait3A_675 = tpu.memref_squeeze %dma_wait3A_674 : memref<1x128xi32, #tpu.memory_space<vmem>> -> memref<128xi32, #tpu.memory_space<vmem>>
      %dma_wait3A_676 = arith.constant 0 : i32
      %dma_wait3A_677 = tpu.memref_slice %arg5[%dma_wait3A_670, %dma_wait3A_671, %dma_wait3A_676] : memref<16x80x128xi32, #tpu.memory_space<hbm>> -> memref<1x1x128xi32, #tpu.memory_space<hbm>>
      %dma_wait3A_678 = tpu.memref_squeeze %dma_wait3A_677 : memref<1x1x128xi32, #tpu.memory_space<hbm>> -> memref<128xi32, #tpu.memory_space<hbm>>
      %dma_wait3A_679 = arith.constant 0 : i32
      %dma_wait3A_680 = tpu.memref_slice %arg7[%dma_wait3A_672, %dma_wait3A_679] : memref<8x128xi32, #tpu.memory_space<vmem>> -> memref<1x128xi32, #tpu.memory_space<vmem>>
      %dma_wait3A_681 = tpu.memref_squeeze %dma_wait3A_680 : memref<1x128xi32, #tpu.memory_space<vmem>> -> memref<128xi32, #tpu.memory_space<vmem>>
      %dma_wait3A_682 = arith.constant 0 : i32
      %dma_wait3A_683 = tpu.memref_slice %arg5[%dma_wait3A_670, %dma_wait3A_671, %dma_wait3A_682] : memref<16x80x128xi32, #tpu.memory_space<hbm>> -> memref<1x1x128xi32, #tpu.memory_space<hbm>>
      %dma_wait3A_684 = tpu.memref_squeeze %dma_wait3A_683 : memref<1x1x128xi32, #tpu.memory_space<hbm>> -> memref<128xi32, #tpu.memory_space<hbm>>
      tpu.wait_dma2 semaphore(%arg18 : memref<!tpu.dma_semaphore, #tpu.memory_space<semaphore_mem>>) src(%dma_wait3A_684 : memref<128xi32, #tpu.memory_space<hbm>>) dst(%dma_wait3A_681 : memref<128xi32, #tpu.memory_space<vmem>>)
      %add3A_685 = arith.constant 3 : i32
      %add3A_686 = arith.addi %add3A_619, %add3A_685 : i32
      %eq3A_687 = arith.constant 0 : i32
      %eq3A_688 = arith.cmpi eq, %arg0, %eq3A_687 : i32
      %convert_element_type3A_689 = arith.extui %eq3A_688 : i1 to i32
      %cond3A_690 = arith.constant 0 : i32
      %cond3A_691 = arith.cmpi ne, %convert_element_type3A_689, %cond3A_690 : i32
      scf.if %cond3A_691 {
        %dma_start3A_1566 = arith.constant 3 : i32
        %dma_start3A_1567 = arith.constant 0 : i32
        %dma_start3A_1568 = tpu.memref_slice %arg7[%dma_start3A_1566, %dma_start3A_1567] : memref<8x128xi32, #tpu.memory_space<vmem>> -> memref<1x128xi32, #tpu.memory_space<vmem>>
        %dma_start3A_1569 = tpu.memref_squeeze %dma_start3A_1568 : memref<1x128xi32, #tpu.memory_space<vmem>> -> memref<128xi32, #tpu.memory_space<vmem>>
        %dma_start3A_1570 = arith.constant 0 : i32
        %dma_start3A_1571 = arith.constant 0 : i32
        %dma_start3A_1572 = tpu.memref_slice %arg2[%dma_start3A_1570, %dma_start3A_1571] : memref<10000x128xf32, #tpu.memory_space<hbm>> -> memref<10000x128xf32, #tpu.memory_space<hbm>>
        tpu.enqueue_indirect_dma source(%dma_start3A_1572 : memref<10000x128xf32, #tpu.memory_space<hbm>>) target(%arg8 : memref<128x128xf32, #tpu.memory_space<vmem>>) offsets(%dma_start3A_1569 : memref<128xi32, #tpu.memory_space<vmem>>) semaphore(%arg12 : memref<!tpu.dma_semaphore, #tpu.memory_space<semaphore_mem>>)
      } else {
      }
      %eq3A_692 = arith.constant 1 : i32
      %eq3A_693 = arith.cmpi eq, %arg0, %eq3A_692 : i32
      %convert_element_type3A_694 = arith.extui %eq3A_693 : i1 to i32
      %cond3A_695 = arith.constant 0 : i32
      %cond3A_696 = arith.cmpi ne, %convert_element_type3A_694, %cond3A_695 : i32
      scf.if %cond3A_696 {
        %dma_start3A_1566 = arith.constant 3 : i32
        %dma_start3A_1567 = arith.constant 0 : i32
        %dma_start3A_1568 = tpu.memref_slice %arg7[%dma_start3A_1566, %dma_start3A_1567] : memref<8x128xi32, #tpu.memory_space<vmem>> -> memref<1x128xi32, #tpu.memory_space<vmem>>
        %dma_start3A_1569 = tpu.memref_squeeze %dma_start3A_1568 : memref<1x128xi32, #tpu.memory_space<vmem>> -> memref<128xi32, #tpu.memory_space<vmem>>
        %dma_start3A_1570 = arith.constant 0 : i32
        %dma_start3A_1571 = arith.constant 0 : i32
        %dma_start3A_1572 = tpu.memref_slice %arg3[%dma_start3A_1570, %dma_start3A_1571] : memref<10000x128xf32, #tpu.memory_space<hbm>> -> memref<10000x128xf32, #tpu.memory_space<hbm>>
        tpu.enqueue_indirect_dma source(%dma_start3A_1572 : memref<10000x128xf32, #tpu.memory_space<hbm>>) target(%arg8 : memref<128x128xf32, #tpu.memory_space<vmem>>) offsets(%dma_start3A_1569 : memref<128xi32, #tpu.memory_space<vmem>>) semaphore(%arg12 : memref<!tpu.dma_semaphore, #tpu.memory_space<semaphore_mem>>)
      } else {
      }
      %add3A_697 = arith.constant 1 : i32
      %add3A_698 = arith.addi %mul3A_618, %add3A_697 : i32
      %dma_wait3A_699 = arith.constant 0 : i32
      %dma_wait3A_700 = arith.constant 0 : i32
      %dma_wait3A_701 = tpu.memref_slice %arg2[%dma_wait3A_699, %dma_wait3A_700] : memref<10000x128xf32, #tpu.memory_space<hbm>> -> memref<128x128xf32, #tpu.memory_space<hbm>>
      %dma_wait3A_702 = arith.constant 0 : i32
      %dma_wait3A_703 = arith.constant 0 : i32
      %dma_wait3A_704 = tpu.memref_slice %arg2[%dma_wait3A_702, %dma_wait3A_703] : memref<10000x128xf32, #tpu.memory_space<hbm>> -> memref<128x128xf32, #tpu.memory_space<hbm>>
      tpu.wait_dma2 semaphore(%arg13 : memref<!tpu.dma_semaphore, #tpu.memory_space<semaphore_mem>>) src(%dma_wait3A_704 : memref<128x128xf32, #tpu.memory_space<hbm>>) dst(%arg9 : memref<128x128xf32, #tpu.memory_space<vmem>>)
      %run_scoped3A_705 = arith.constant 5 : i32
      "tpu.region"() ({
        %run_scoped3A_1566 = tpu.sem_alloc : memref<!tpu.dma_semaphore, #tpu.memory_space<semaphore_mem>>
        %dma_start3A_1567 = arith.constant 0 : i32
        %dma_start3A_1568 = tpu.memref_slice %arg7[%run_scoped3A_705, %dma_start3A_1567] : memref<8x128xi32, #tpu.memory_space<vmem>> -> memref<1x128xi32, #tpu.memory_space<vmem>>
        %dma_start3A_1569 = tpu.memref_squeeze %dma_start3A_1568 : memref<1x128xi32, #tpu.memory_space<vmem>> -> memref<128xi32, #tpu.memory_space<vmem>>
        %dma_start3A_1570 = arith.constant 0 : i32
        %dma_start3A_1571 = arith.constant 0 : i32
        %dma_start3A_1572 = tpu.memref_slice %arg11[%dma_start3A_1570, %dma_start3A_1571] : memref<10008x128xf32, #tpu.memory_space<vmem_shared>> -> memref<10008x128xf32, #tpu.memory_space<vmem_shared>>
        tpu.enqueue_indirect_dma source(%arg9 : memref<128x128xf32, #tpu.memory_space<vmem>>) target(%dma_start3A_1572 : memref<10008x128xf32, #tpu.memory_space<vmem_shared>>) offsets(%dma_start3A_1569 : memref<128xi32, #tpu.memory_space<vmem>>) semaphore(%run_scoped3A_1566 : memref<!tpu.dma_semaphore, #tpu.memory_space<semaphore_mem>>) {add = true}
        %dma_wait3A_1573 = arith.constant 0 : i32
        %dma_wait3A_1574 = tpu.memref_slice %arg7[%run_scoped3A_705, %dma_wait3A_1573] : memref<8x128xi32, #tpu.memory_space<vmem>> -> memref<1x128xi32, #tpu.memory_space<vmem>>
        %dma_wait3A_1575 = tpu.memref_squeeze %dma_wait3A_1574 : memref<1x128xi32, #tpu.memory_space<vmem>> -> memref<128xi32, #tpu.memory_space<vmem>>
        %dma_wait3A_1576 = arith.constant 0 : i32
        %dma_wait3A_1577 = arith.constant 0 : i32
        %dma_wait3A_1578 = tpu.memref_slice %arg11[%dma_wait3A_1576, %dma_wait3A_1577] : memref<10008x128xf32, #tpu.memory_space<vmem_shared>> -> memref<10008x128xf32, #tpu.memory_space<vmem_shared>>
        tpu.wait_indirect_dma semaphore(%run_scoped3A_1566 : memref<!tpu.dma_semaphore, #tpu.memory_space<semaphore_mem>>) src(%arg9 : memref<128x128xf32, #tpu.memory_space<vmem>>) dst(%dma_wait3A_1578 : memref<10008x128xf32, #tpu.memory_space<vmem_shared>>)
        tpu.yield
      }) : () -> ()
      %add3A_706 = arith.constant 4 : i32
      %add3A_707 = arith.addi %add3A_698, %add3A_706 : i32
      %dma_start3A_708 = arith.constant 1 : i32
      %dma_start3A_709 = arith.constant 0 : i32
      %dma_start3A_710 = tpu.memref_slice %arg7[%dma_start3A_708, %dma_start3A_709] : memref<8x128xi32, #tpu.memory_space<vmem>> -> memref<1x128xi32, #tpu.memory_space<vmem>>
      %dma_start3A_711 = tpu.memref_squeeze %dma_start3A_710 : memref<1x128xi32, #tpu.memory_space<vmem>> -> memref<128xi32, #tpu.memory_space<vmem>>
      %dma_start3A_712 = arith.constant 0 : i32
      %dma_start3A_713 = tpu.memref_slice %arg5[%arg1, %add3A_707, %dma_start3A_712] : memref<16x80x128xi32, #tpu.memory_space<hbm>> -> memref<1x1x128xi32, #tpu.memory_space<hbm>>
      %dma_start3A_714 = tpu.memref_squeeze %dma_start3A_713 : memref<1x1x128xi32, #tpu.memory_space<hbm>> -> memref<128xi32, #tpu.memory_space<hbm>>
      %dma_start3A_715 = arith.constant 0 : i32
      %dma_start3A_716 = tpu.memref_slice %arg7[%dma_start3A_708, %dma_start3A_715] : memref<8x128xi32, #tpu.memory_space<vmem>> -> memref<1x128xi32, #tpu.memory_space<vmem>>
      %dma_start3A_717 = tpu.memref_squeeze %dma_start3A_716 : memref<1x128xi32, #tpu.memory_space<vmem>> -> memref<128xi32, #tpu.memory_space<vmem>>
      %dma_start3A_718 = arith.constant 0 : i32
      %dma_start3A_719 = tpu.memref_slice %arg5[%arg1, %add3A_707, %dma_start3A_718] : memref<16x80x128xi32, #tpu.memory_space<hbm>> -> memref<1x1x128xi32, #tpu.memory_space<hbm>>
      %dma_start3A_720 = tpu.memref_squeeze %dma_start3A_719 : memref<1x1x128xi32, #tpu.memory_space<hbm>> -> memref<128xi32, #tpu.memory_space<hbm>>
      tpu.enqueue_dma source(%dma_start3A_720 : memref<128xi32, #tpu.memory_space<hbm>>) target(%dma_start3A_717 : memref<128xi32, #tpu.memory_space<vmem>>) target_semaphore(%arg16 : memref<!tpu.dma_semaphore, #tpu.memory_space<semaphore_mem>>)
      %dma_start3A_721 = arith.constant 5 : i32
      %dma_start3A_722 = arith.constant 0 : i32
      %dma_start3A_723 = tpu.memref_slice %arg7[%dma_start3A_721, %dma_start3A_722] : memref<8x128xi32, #tpu.memory_space<vmem>> -> memref<1x128xi32, #tpu.memory_space<vmem>>
      %dma_start3A_724 = tpu.memref_squeeze %dma_start3A_723 : memref<1x128xi32, #tpu.memory_space<vmem>> -> memref<128xi32, #tpu.memory_space<vmem>>
      %dma_start3A_725 = arith.constant 0 : i32
      %dma_start3A_726 = tpu.memref_slice %arg4[%arg1, %add3A_707, %dma_start3A_725] : memref<16x80x128xi32, #tpu.memory_space<hbm>> -> memref<1x1x128xi32, #tpu.memory_space<hbm>>
      %dma_start3A_727 = tpu.memref_squeeze %dma_start3A_726 : memref<1x1x128xi32, #tpu.memory_space<hbm>> -> memref<128xi32, #tpu.memory_space<hbm>>
      %dma_start3A_728 = arith.constant 0 : i32
      %dma_start3A_729 = tpu.memref_slice %arg7[%dma_start3A_721, %dma_start3A_728] : memref<8x128xi32, #tpu.memory_space<vmem>> -> memref<1x128xi32, #tpu.memory_space<vmem>>
      %dma_start3A_730 = tpu.memref_squeeze %dma_start3A_729 : memref<1x128xi32, #tpu.memory_space<vmem>> -> memref<128xi32, #tpu.memory_space<vmem>>
      %dma_start3A_731 = arith.constant 0 : i32
      %dma_start3A_732 = tpu.memref_slice %arg4[%arg1, %add3A_707, %dma_start3A_731] : memref<16x80x128xi32, #tpu.memory_space<hbm>> -> memref<1x1x128xi32, #tpu.memory_space<hbm>>
      %dma_start3A_733 = tpu.memref_squeeze %dma_start3A_732 : memref<1x1x128xi32, #tpu.memory_space<hbm>> -> memref<128xi32, #tpu.memory_space<hbm>>
      tpu.enqueue_dma source(%dma_start3A_733 : memref<128xi32, #tpu.memory_space<hbm>>) target(%dma_start3A_730 : memref<128xi32, #tpu.memory_space<vmem>>) target_semaphore(%arg16 : memref<!tpu.dma_semaphore, #tpu.memory_space<semaphore_mem>>)
      %dma_wait3A_734 = arith.constant 0 : i32
      %dma_wait3A_735 = arith.constant 0 : i32
      %dma_wait3A_736 = arith.constant 0 : i32
      %dma_wait3A_737 = arith.constant 0 : i32
      %dma_wait3A_738 = tpu.memref_slice %arg7[%dma_wait3A_736, %dma_wait3A_737] : memref<8x128xi32, #tpu.memory_space<vmem>> -> memref<1x128xi32, #tpu.memory_space<vmem>>
      %dma_wait3A_739 = tpu.memref_squeeze %dma_wait3A_738 : memref<1x128xi32, #tpu.memory_space<vmem>> -> memref<128xi32, #tpu.memory_space<vmem>>
      %dma_wait3A_740 = arith.constant 0 : i32
      %dma_wait3A_741 = tpu.memref_slice %arg5[%dma_wait3A_734, %dma_wait3A_735, %dma_wait3A_740] : memref<16x80x128xi32, #tpu.memory_space<hbm>> -> memref<1x1x128xi32, #tpu.memory_space<hbm>>
      %dma_wait3A_742 = tpu.memref_squeeze %dma_wait3A_741 : memref<1x1x128xi32, #tpu.memory_space<hbm>> -> memref<128xi32, #tpu.memory_space<hbm>>
      %dma_wait3A_743 = arith.constant 0 : i32
      %dma_wait3A_744 = tpu.memref_slice %arg7[%dma_wait3A_736, %dma_wait3A_743] : memref<8x128xi32, #tpu.memory_space<vmem>> -> memref<1x128xi32, #tpu.memory_space<vmem>>
      %dma_wait3A_745 = tpu.memref_squeeze %dma_wait3A_744 : memref<1x128xi32, #tpu.memory_space<vmem>> -> memref<128xi32, #tpu.memory_space<vmem>>
      %dma_wait3A_746 = arith.constant 0 : i32
      %dma_wait3A_747 = tpu.memref_slice %arg5[%dma_wait3A_734, %dma_wait3A_735, %dma_wait3A_746] : memref<16x80x128xi32, #tpu.memory_space<hbm>> -> memref<1x1x128xi32, #tpu.memory_space<hbm>>
      %dma_wait3A_748 = tpu.memref_squeeze %dma_wait3A_747 : memref<1x1x128xi32, #tpu.memory_space<hbm>> -> memref<128xi32, #tpu.memory_space<hbm>>
      tpu.wait_dma2 semaphore(%arg15 : memref<!tpu.dma_semaphore, #tpu.memory_space<semaphore_mem>>) src(%dma_wait3A_748 : memref<128xi32, #tpu.memory_space<hbm>>) dst(%dma_wait3A_745 : memref<128xi32, #tpu.memory_space<vmem>>)
      %dma_wait3A_749 = arith.constant 0 : i32
      %dma_wait3A_750 = arith.constant 0 : i32
      %dma_wait3A_751 = arith.constant 0 : i32
      %dma_wait3A_752 = arith.constant 0 : i32
      %dma_wait3A_753 = tpu.memref_slice %arg7[%dma_wait3A_751, %dma_wait3A_752] : memref<8x128xi32, #tpu.memory_space<vmem>> -> memref<1x128xi32, #tpu.memory_space<vmem>>
      %dma_wait3A_754 = tpu.memref_squeeze %dma_wait3A_753 : memref<1x128xi32, #tpu.memory_space<vmem>> -> memref<128xi32, #tpu.memory_space<vmem>>
      %dma_wait3A_755 = arith.constant 0 : i32
      %dma_wait3A_756 = tpu.memref_slice %arg5[%dma_wait3A_749, %dma_wait3A_750, %dma_wait3A_755] : memref<16x80x128xi32, #tpu.memory_space<hbm>> -> memref<1x1x128xi32, #tpu.memory_space<hbm>>
      %dma_wait3A_757 = tpu.memref_squeeze %dma_wait3A_756 : memref<1x1x128xi32, #tpu.memory_space<hbm>> -> memref<128xi32, #tpu.memory_space<hbm>>
      %dma_wait3A_758 = arith.constant 0 : i32
      %dma_wait3A_759 = tpu.memref_slice %arg7[%dma_wait3A_751, %dma_wait3A_758] : memref<8x128xi32, #tpu.memory_space<vmem>> -> memref<1x128xi32, #tpu.memory_space<vmem>>
      %dma_wait3A_760 = tpu.memref_squeeze %dma_wait3A_759 : memref<1x128xi32, #tpu.memory_space<vmem>> -> memref<128xi32, #tpu.memory_space<vmem>>
      %dma_wait3A_761 = arith.constant 0 : i32
      %dma_wait3A_762 = tpu.memref_slice %arg5[%dma_wait3A_749, %dma_wait3A_750, %dma_wait3A_761] : memref<16x80x128xi32, #tpu.memory_space<hbm>> -> memref<1x1x128xi32, #tpu.memory_space<hbm>>
      %dma_wait3A_763 = tpu.memref_squeeze %dma_wait3A_762 : memref<1x1x128xi32, #tpu.memory_space<hbm>> -> memref<128xi32, #tpu.memory_space<hbm>>
      tpu.wait_dma2 semaphore(%arg15 : memref<!tpu.dma_semaphore, #tpu.memory_space<semaphore_mem>>) src(%dma_wait3A_763 : memref<128xi32, #tpu.memory_space<hbm>>) dst(%dma_wait3A_760 : memref<128xi32, #tpu.memory_space<vmem>>)
      %add3A_764 = arith.constant 3 : i32
      %add3A_765 = arith.addi %add3A_698, %add3A_764 : i32
      %eq3A_766 = arith.constant 0 : i32
      %eq3A_767 = arith.cmpi eq, %arg0, %eq3A_766 : i32
      %convert_element_type3A_768 = arith.extui %eq3A_767 : i1 to i32
      %cond3A_769 = arith.constant 0 : i32
      %cond3A_770 = arith.cmpi ne, %convert_element_type3A_768, %cond3A_769 : i32
      scf.if %cond3A_770 {
        %dma_start3A_1566 = arith.constant 0 : i32
        %dma_start3A_1567 = arith.constant 0 : i32
        %dma_start3A_1568 = tpu.memref_slice %arg7[%dma_start3A_1566, %dma_start3A_1567] : memref<8x128xi32, #tpu.memory_space<vmem>> -> memref<1x128xi32, #tpu.memory_space<vmem>>
        %dma_start3A_1569 = tpu.memref_squeeze %dma_start3A_1568 : memref<1x128xi32, #tpu.memory_space<vmem>> -> memref<128xi32, #tpu.memory_space<vmem>>
        %dma_start3A_1570 = arith.constant 0 : i32
        %dma_start3A_1571 = arith.constant 0 : i32
        %dma_start3A_1572 = tpu.memref_slice %arg2[%dma_start3A_1570, %dma_start3A_1571] : memref<10000x128xf32, #tpu.memory_space<hbm>> -> memref<10000x128xf32, #tpu.memory_space<hbm>>
        tpu.enqueue_indirect_dma source(%dma_start3A_1572 : memref<10000x128xf32, #tpu.memory_space<hbm>>) target(%arg9 : memref<128x128xf32, #tpu.memory_space<vmem>>) offsets(%dma_start3A_1569 : memref<128xi32, #tpu.memory_space<vmem>>) semaphore(%arg13 : memref<!tpu.dma_semaphore, #tpu.memory_space<semaphore_mem>>)
      } else {
      }
      %eq3A_771 = arith.constant 1 : i32
      %eq3A_772 = arith.cmpi eq, %arg0, %eq3A_771 : i32
      %convert_element_type3A_773 = arith.extui %eq3A_772 : i1 to i32
      %cond3A_774 = arith.constant 0 : i32
      %cond3A_775 = arith.cmpi ne, %convert_element_type3A_773, %cond3A_774 : i32
      scf.if %cond3A_775 {
        %dma_start3A_1566 = arith.constant 0 : i32
        %dma_start3A_1567 = arith.constant 0 : i32
        %dma_start3A_1568 = tpu.memref_slice %arg7[%dma_start3A_1566, %dma_start3A_1567] : memref<8x128xi32, #tpu.memory_space<vmem>> -> memref<1x128xi32, #tpu.memory_space<vmem>>
        %dma_start3A_1569 = tpu.memref_squeeze %dma_start3A_1568 : memref<1x128xi32, #tpu.memory_space<vmem>> -> memref<128xi32, #tpu.memory_space<vmem>>
        %dma_start3A_1570 = arith.constant 0 : i32
        %dma_start3A_1571 = arith.constant 0 : i32
        %dma_start3A_1572 = tpu.memref_slice %arg3[%dma_start3A_1570, %dma_start3A_1571] : memref<10000x128xf32, #tpu.memory_space<hbm>> -> memref<10000x128xf32, #tpu.memory_space<hbm>>
        tpu.enqueue_indirect_dma source(%dma_start3A_1572 : memref<10000x128xf32, #tpu.memory_space<hbm>>) target(%arg9 : memref<128x128xf32, #tpu.memory_space<vmem>>) offsets(%dma_start3A_1569 : memref<128xi32, #tpu.memory_space<vmem>>) semaphore(%arg13 : memref<!tpu.dma_semaphore, #tpu.memory_space<semaphore_mem>>)
      } else {
      }
      %add3A_776 = arith.constant 2 : i32
      %add3A_777 = arith.addi %mul3A_618, %add3A_776 : i32
      %dma_wait3A_778 = arith.constant 0 : i32
      %dma_wait3A_779 = arith.constant 0 : i32
      %dma_wait3A_780 = tpu.memref_slice %arg2[%dma_wait3A_778, %dma_wait3A_779] : memref<10000x128xf32, #tpu.memory_space<hbm>> -> memref<128x128xf32, #tpu.memory_space<hbm>>
      %dma_wait3A_781 = arith.constant 0 : i32
      %dma_wait3A_782 = arith.constant 0 : i32
      %dma_wait3A_783 = tpu.memref_slice %arg2[%dma_wait3A_781, %dma_wait3A_782] : memref<10000x128xf32, #tpu.memory_space<hbm>> -> memref<128x128xf32, #tpu.memory_space<hbm>>
      tpu.wait_dma2 semaphore(%arg14 : memref<!tpu.dma_semaphore, #tpu.memory_space<semaphore_mem>>) src(%dma_wait3A_783 : memref<128x128xf32, #tpu.memory_space<hbm>>) dst(%arg10 : memref<128x128xf32, #tpu.memory_space<vmem>>)
      %run_scoped3A_784 = arith.constant 6 : i32
      "tpu.region"() ({
        %run_scoped3A_1566 = tpu.sem_alloc : memref<!tpu.dma_semaphore, #tpu.memory_space<semaphore_mem>>
        %dma_start3A_1567 = arith.constant 0 : i32
        %dma_start3A_1568 = tpu.memref_slice %arg7[%run_scoped3A_784, %dma_start3A_1567] : memref<8x128xi32, #tpu.memory_space<vmem>> -> memref<1x128xi32, #tpu.memory_space<vmem>>
        %dma_start3A_1569 = tpu.memref_squeeze %dma_start3A_1568 : memref<1x128xi32, #tpu.memory_space<vmem>> -> memref<128xi32, #tpu.memory_space<vmem>>
        %dma_start3A_1570 = arith.constant 0 : i32
        %dma_start3A_1571 = arith.constant 0 : i32
        %dma_start3A_1572 = tpu.memref_slice %arg11[%dma_start3A_1570, %dma_start3A_1571] : memref<10008x128xf32, #tpu.memory_space<vmem_shared>> -> memref<10008x128xf32, #tpu.memory_space<vmem_shared>>
        tpu.enqueue_indirect_dma source(%arg10 : memref<128x128xf32, #tpu.memory_space<vmem>>) target(%dma_start3A_1572 : memref<10008x128xf32, #tpu.memory_space<vmem_shared>>) offsets(%dma_start3A_1569 : memref<128xi32, #tpu.memory_space<vmem>>) semaphore(%run_scoped3A_1566 : memref<!tpu.dma_semaphore, #tpu.memory_space<semaphore_mem>>) {add = true}
        %dma_wait3A_1573 = arith.constant 0 : i32
        %dma_wait3A_1574 = tpu.memref_slice %arg7[%run_scoped3A_784, %dma_wait3A_1573] : memref<8x128xi32, #tpu.memory_space<vmem>> -> memref<1x128xi32, #tpu.memory_space<vmem>>
        %dma_wait3A_1575 = tpu.memref_squeeze %dma_wait3A_1574 : memref<1x128xi32, #tpu.memory_space<vmem>> -> memref<128xi32, #tpu.memory_space<vmem>>
        %dma_wait3A_1576 = arith.constant 0 : i32
        %dma_wait3A_1577 = arith.constant 0 : i32
        %dma_wait3A_1578 = tpu.memref_slice %arg11[%dma_wait3A_1576, %dma_wait3A_1577] : memref<10008x128xf32, #tpu.memory_space<vmem_shared>> -> memref<10008x128xf32, #tpu.memory_space<vmem_shared>>
        tpu.wait_indirect_dma semaphore(%run_scoped3A_1566 : memref<!tpu.dma_semaphore, #tpu.memory_space<semaphore_mem>>) src(%arg10 : memref<128x128xf32, #tpu.memory_space<vmem>>) dst(%dma_wait3A_1578 : memref<10008x128xf32, #tpu.memory_space<vmem_shared>>)
        tpu.yield
      }) : () -> ()
      %add3A_785 = arith.constant 4 : i32
      %add3A_786 = arith.addi %add3A_777, %add3A_785 : i32
      %dma_start3A_787 = arith.constant 2 : i32
      %dma_start3A_788 = arith.constant 0 : i32
      %dma_start3A_789 = tpu.memref_slice %arg7[%dma_start3A_787, %dma_start3A_788] : memref<8x128xi32, #tpu.memory_space<vmem>> -> memref<1x128xi32, #tpu.memory_space<vmem>>
      %dma_start3A_790 = tpu.memref_squeeze %dma_start3A_789 : memref<1x128xi32, #tpu.memory_space<vmem>> -> memref<128xi32, #tpu.memory_space<vmem>>
      %dma_start3A_791 = arith.constant 0 : i32
      %dma_start3A_792 = tpu.memref_slice %arg5[%arg1, %add3A_786, %dma_start3A_791] : memref<16x80x128xi32, #tpu.memory_space<hbm>> -> memref<1x1x128xi32, #tpu.memory_space<hbm>>
      %dma_start3A_793 = tpu.memref_squeeze %dma_start3A_792 : memref<1x1x128xi32, #tpu.memory_space<hbm>> -> memref<128xi32, #tpu.memory_space<hbm>>
      %dma_start3A_794 = arith.constant 0 : i32
      %dma_start3A_795 = tpu.memref_slice %arg7[%dma_start3A_787, %dma_start3A_794] : memref<8x128xi32, #tpu.memory_space<vmem>> -> memref<1x128xi32, #tpu.memory_space<vmem>>
      %dma_start3A_796 = tpu.memref_squeeze %dma_start3A_795 : memref<1x128xi32, #tpu.memory_space<vmem>> -> memref<128xi32, #tpu.memory_space<vmem>>
      %dma_start3A_797 = arith.constant 0 : i32
      %dma_start3A_798 = tpu.memref_slice %arg5[%arg1, %add3A_786, %dma_start3A_797] : memref<16x80x128xi32, #tpu.memory_space<hbm>> -> memref<1x1x128xi32, #tpu.memory_space<hbm>>
      %dma_start3A_799 = tpu.memref_squeeze %dma_start3A_798 : memref<1x1x128xi32, #tpu.memory_space<hbm>> -> memref<128xi32, #tpu.memory_space<hbm>>
      tpu.enqueue_dma source(%dma_start3A_799 : memref<128xi32, #tpu.memory_space<hbm>>) target(%dma_start3A_796 : memref<128xi32, #tpu.memory_space<vmem>>) target_semaphore(%arg17 : memref<!tpu.dma_semaphore, #tpu.memory_space<semaphore_mem>>)
      %dma_start3A_800 = arith.constant 6 : i32
      %dma_start3A_801 = arith.constant 0 : i32
      %dma_start3A_802 = tpu.memref_slice %arg7[%dma_start3A_800, %dma_start3A_801] : memref<8x128xi32, #tpu.memory_space<vmem>> -> memref<1x128xi32, #tpu.memory_space<vmem>>
      %dma_start3A_803 = tpu.memref_squeeze %dma_start3A_802 : memref<1x128xi32, #tpu.memory_space<vmem>> -> memref<128xi32, #tpu.memory_space<vmem>>
      %dma_start3A_804 = arith.constant 0 : i32
      %dma_start3A_805 = tpu.memref_slice %arg4[%arg1, %add3A_786, %dma_start3A_804] : memref<16x80x128xi32, #tpu.memory_space<hbm>> -> memref<1x1x128xi32, #tpu.memory_space<hbm>>
      %dma_start3A_806 = tpu.memref_squeeze %dma_start3A_805 : memref<1x1x128xi32, #tpu.memory_space<hbm>> -> memref<128xi32, #tpu.memory_space<hbm>>
      %dma_start3A_807 = arith.constant 0 : i32
      %dma_start3A_808 = tpu.memref_slice %arg7[%dma_start3A_800, %dma_start3A_807] : memref<8x128xi32, #tpu.memory_space<vmem>> -> memref<1x128xi32, #tpu.memory_space<vmem>>
      %dma_start3A_809 = tpu.memref_squeeze %dma_start3A_808 : memref<1x128xi32, #tpu.memory_space<vmem>> -> memref<128xi32, #tpu.memory_space<vmem>>
      %dma_start3A_810 = arith.constant 0 : i32
      %dma_start3A_811 = tpu.memref_slice %arg4[%arg1, %add3A_786, %dma_start3A_810] : memref<16x80x128xi32, #tpu.memory_space<hbm>> -> memref<1x1x128xi32, #tpu.memory_space<hbm>>
      %dma_start3A_812 = tpu.memref_squeeze %dma_start3A_811 : memref<1x1x128xi32, #tpu.memory_space<hbm>> -> memref<128xi32, #tpu.memory_space<hbm>>
      tpu.enqueue_dma source(%dma_start3A_812 : memref<128xi32, #tpu.memory_space<hbm>>) target(%dma_start3A_809 : memref<128xi32, #tpu.memory_space<vmem>>) target_semaphore(%arg17 : memref<!tpu.dma_semaphore, #tpu.memory_space<semaphore_mem>>)
      %dma_wait3A_813 = arith.constant 0 : i32
      %dma_wait3A_814 = arith.constant 0 : i32
      %dma_wait3A_815 = arith.constant 1 : i32
      %dma_wait3A_816 = arith.constant 0 : i32
      %dma_wait3A_817 = tpu.memref_slice %arg7[%dma_wait3A_815, %dma_wait3A_816] : memref<8x128xi32, #tpu.memory_space<vmem>> -> memref<1x128xi32, #tpu.memory_space<vmem>>
      %dma_wait3A_818 = tpu.memref_squeeze %dma_wait3A_817 : memref<1x128xi32, #tpu.memory_space<vmem>> -> memref<128xi32, #tpu.memory_space<vmem>>
      %dma_wait3A_819 = arith.constant 0 : i32
      %dma_wait3A_820 = tpu.memref_slice %arg5[%dma_wait3A_813, %dma_wait3A_814, %dma_wait3A_819] : memref<16x80x128xi32, #tpu.memory_space<hbm>> -> memref<1x1x128xi32, #tpu.memory_space<hbm>>
      %dma_wait3A_821 = tpu.memref_squeeze %dma_wait3A_820 : memref<1x1x128xi32, #tpu.memory_space<hbm>> -> memref<128xi32, #tpu.memory_space<hbm>>
      %dma_wait3A_822 = arith.constant 0 : i32
      %dma_wait3A_823 = tpu.memref_slice %arg7[%dma_wait3A_815, %dma_wait3A_822] : memref<8x128xi32, #tpu.memory_space<vmem>> -> memref<1x128xi32, #tpu.memory_space<vmem>>
      %dma_wait3A_824 = tpu.memref_squeeze %dma_wait3A_823 : memref<1x128xi32, #tpu.memory_space<vmem>> -> memref<128xi32, #tpu.memory_space<vmem>>
      %dma_wait3A_825 = arith.constant 0 : i32
      %dma_wait3A_826 = tpu.memref_slice %arg5[%dma_wait3A_813, %dma_wait3A_814, %dma_wait3A_825] : memref<16x80x128xi32, #tpu.memory_space<hbm>> -> memref<1x1x128xi32, #tpu.memory_space<hbm>>
      %dma_wait3A_827 = tpu.memref_squeeze %dma_wait3A_826 : memref<1x1x128xi32, #tpu.memory_space<hbm>> -> memref<128xi32, #tpu.memory_space<hbm>>
      tpu.wait_dma2 semaphore(%arg16 : memref<!tpu.dma_semaphore, #tpu.memory_space<semaphore_mem>>) src(%dma_wait3A_827 : memref<128xi32, #tpu.memory_space<hbm>>) dst(%dma_wait3A_824 : memref<128xi32, #tpu.memory_space<vmem>>)
      %dma_wait3A_828 = arith.constant 0 : i32
      %dma_wait3A_829 = arith.constant 0 : i32
      %dma_wait3A_830 = arith.constant 1 : i32
      %dma_wait3A_831 = arith.constant 0 : i32
      %dma_wait3A_832 = tpu.memref_slice %arg7[%dma_wait3A_830, %dma_wait3A_831] : memref<8x128xi32, #tpu.memory_space<vmem>> -> memref<1x128xi32, #tpu.memory_space<vmem>>
      %dma_wait3A_833 = tpu.memref_squeeze %dma_wait3A_832 : memref<1x128xi32, #tpu.memory_space<vmem>> -> memref<128xi32, #tpu.memory_space<vmem>>
      %dma_wait3A_834 = arith.constant 0 : i32
      %dma_wait3A_835 = tpu.memref_slice %arg5[%dma_wait3A_828, %dma_wait3A_829, %dma_wait3A_834] : memref<16x80x128xi32, #tpu.memory_space<hbm>> -> memref<1x1x128xi32, #tpu.memory_space<hbm>>
      %dma_wait3A_836 = tpu.memref_squeeze %dma_wait3A_835 : memref<1x1x128xi32, #tpu.memory_space<hbm>> -> memref<128xi32, #tpu.memory_space<hbm>>
      %dma_wait3A_837 = arith.constant 0 : i32
      %dma_wait3A_838 = tpu.memref_slice %arg7[%dma_wait3A_830, %dma_wait3A_837] : memref<8x128xi32, #tpu.memory_space<vmem>> -> memref<1x128xi32, #tpu.memory_space<vmem>>
      %dma_wait3A_839 = tpu.memref_squeeze %dma_wait3A_838 : memref<1x128xi32, #tpu.memory_space<vmem>> -> memref<128xi32, #tpu.memory_space<vmem>>
      %dma_wait3A_840 = arith.constant 0 : i32
      %dma_wait3A_841 = tpu.memref_slice %arg5[%dma_wait3A_828, %dma_wait3A_829, %dma_wait3A_840] : memref<16x80x128xi32, #tpu.memory_space<hbm>> -> memref<1x1x128xi32, #tpu.memory_space<hbm>>
      %dma_wait3A_842 = tpu.memref_squeeze %dma_wait3A_841 : memref<1x1x128xi32, #tpu.memory_space<hbm>> -> memref<128xi32, #tpu.memory_space<hbm>>
      tpu.wait_dma2 semaphore(%arg16 : memref<!tpu.dma_semaphore, #tpu.memory_space<semaphore_mem>>) src(%dma_wait3A_842 : memref<128xi32, #tpu.memory_space<hbm>>) dst(%dma_wait3A_839 : memref<128xi32, #tpu.memory_space<vmem>>)
      %add3A_843 = arith.constant 3 : i32
      %add3A_844 = arith.addi %add3A_777, %add3A_843 : i32
      %eq3A_845 = arith.constant 0 : i32
      %eq3A_846 = arith.cmpi eq, %arg0, %eq3A_845 : i32
      %convert_element_type3A_847 = arith.extui %eq3A_846 : i1 to i32
      %cond3A_848 = arith.constant 0 : i32
      %cond3A_849 = arith.cmpi ne, %convert_element_type3A_847, %cond3A_848 : i32
      scf.if %cond3A_849 {
        %dma_start3A_1566 = arith.constant 1 : i32
        %dma_start3A_1567 = arith.constant 0 : i32
        %dma_start3A_1568 = tpu.memref_slice %arg7[%dma_start3A_1566, %dma_start3A_1567] : memref<8x128xi32, #tpu.memory_space<vmem>> -> memref<1x128xi32, #tpu.memory_space<vmem>>
        %dma_start3A_1569 = tpu.memref_squeeze %dma_start3A_1568 : memref<1x128xi32, #tpu.memory_space<vmem>> -> memref<128xi32, #tpu.memory_space<vmem>>
        %dma_start3A_1570 = arith.constant 0 : i32
        %dma_start3A_1571 = arith.constant 0 : i32
        %dma_start3A_1572 = tpu.memref_slice %arg2[%dma_start3A_1570, %dma_start3A_1571] : memref<10000x128xf32, #tpu.memory_space<hbm>> -> memref<10000x128xf32, #tpu.memory_space<hbm>>
        tpu.enqueue_indirect_dma source(%dma_start3A_1572 : memref<10000x128xf32, #tpu.memory_space<hbm>>) target(%arg10 : memref<128x128xf32, #tpu.memory_space<vmem>>) offsets(%dma_start3A_1569 : memref<128xi32, #tpu.memory_space<vmem>>) semaphore(%arg14 : memref<!tpu.dma_semaphore, #tpu.memory_space<semaphore_mem>>)
      } else {
      }
      %eq3A_850 = arith.constant 1 : i32
      %eq3A_851 = arith.cmpi eq, %arg0, %eq3A_850 : i32
      %convert_element_type3A_852 = arith.extui %eq3A_851 : i1 to i32
      %cond3A_853 = arith.constant 0 : i32
      %cond3A_854 = arith.cmpi ne, %convert_element_type3A_852, %cond3A_853 : i32
      scf.if %cond3A_854 {
        %dma_start3A_1566 = arith.constant 1 : i32
        %dma_start3A_1567 = arith.constant 0 : i32
        %dma_start3A_1568 = tpu.memref_slice %arg7[%dma_start3A_1566, %dma_start3A_1567] : memref<8x128xi32, #tpu.memory_space<vmem>> -> memref<1x128xi32, #tpu.memory_space<vmem>>
        %dma_start3A_1569 = tpu.memref_squeeze %dma_start3A_1568 : memref<1x128xi32, #tpu.memory_space<vmem>> -> memref<128xi32, #tpu.memory_space<vmem>>
        %dma_start3A_1570 = arith.constant 0 : i32
        %dma_start3A_1571 = arith.constant 0 : i32
        %dma_start3A_1572 = tpu.memref_slice %arg3[%dma_start3A_1570, %dma_start3A_1571] : memref<10000x128xf32, #tpu.memory_space<hbm>> -> memref<10000x128xf32, #tpu.memory_space<hbm>>
        tpu.enqueue_indirect_dma source(%dma_start3A_1572 : memref<10000x128xf32, #tpu.memory_space<hbm>>) target(%arg10 : memref<128x128xf32, #tpu.memory_space<vmem>>) offsets(%dma_start3A_1569 : memref<128xi32, #tpu.memory_space<vmem>>) semaphore(%arg14 : memref<!tpu.dma_semaphore, #tpu.memory_space<semaphore_mem>>)
      } else {
      }
      %add3A_855 = arith.constant 3 : i32
      %add3A_856 = arith.addi %mul3A_618, %add3A_855 : i32
      %dma_wait3A_857 = arith.constant 0 : i32
      %dma_wait3A_858 = arith.constant 0 : i32
      %dma_wait3A_859 = tpu.memref_slice %arg2[%dma_wait3A_857, %dma_wait3A_858] : memref<10000x128xf32, #tpu.memory_space<hbm>> -> memref<128x128xf32, #tpu.memory_space<hbm>>
      %dma_wait3A_860 = arith.constant 0 : i32
      %dma_wait3A_861 = arith.constant 0 : i32
      %dma_wait3A_862 = tpu.memref_slice %arg2[%dma_wait3A_860, %dma_wait3A_861] : memref<10000x128xf32, #tpu.memory_space<hbm>> -> memref<128x128xf32, #tpu.memory_space<hbm>>
      tpu.wait_dma2 semaphore(%arg12 : memref<!tpu.dma_semaphore, #tpu.memory_space<semaphore_mem>>) src(%dma_wait3A_862 : memref<128x128xf32, #tpu.memory_space<hbm>>) dst(%arg8 : memref<128x128xf32, #tpu.memory_space<vmem>>)
      %run_scoped3A_863 = arith.constant 7 : i32
      "tpu.region"() ({
        %run_scoped3A_1566 = tpu.sem_alloc : memref<!tpu.dma_semaphore, #tpu.memory_space<semaphore_mem>>
        %dma_start3A_1567 = arith.constant 0 : i32
        %dma_start3A_1568 = tpu.memref_slice %arg7[%run_scoped3A_863, %dma_start3A_1567] : memref<8x128xi32, #tpu.memory_space<vmem>> -> memref<1x128xi32, #tpu.memory_space<vmem>>
        %dma_start3A_1569 = tpu.memref_squeeze %dma_start3A_1568 : memref<1x128xi32, #tpu.memory_space<vmem>> -> memref<128xi32, #tpu.memory_space<vmem>>
        %dma_start3A_1570 = arith.constant 0 : i32
        %dma_start3A_1571 = arith.constant 0 : i32
        %dma_start3A_1572 = tpu.memref_slice %arg11[%dma_start3A_1570, %dma_start3A_1571] : memref<10008x128xf32, #tpu.memory_space<vmem_shared>> -> memref<10008x128xf32, #tpu.memory_space<vmem_shared>>
        tpu.enqueue_indirect_dma source(%arg8 : memref<128x128xf32, #tpu.memory_space<vmem>>) target(%dma_start3A_1572 : memref<10008x128xf32, #tpu.memory_space<vmem_shared>>) offsets(%dma_start3A_1569 : memref<128xi32, #tpu.memory_space<vmem>>) semaphore(%run_scoped3A_1566 : memref<!tpu.dma_semaphore, #tpu.memory_space<semaphore_mem>>) {add = true}
        %dma_wait3A_1573 = arith.constant 0 : i32
        %dma_wait3A_1574 = tpu.memref_slice %arg7[%run_scoped3A_863, %dma_wait3A_1573] : memref<8x128xi32, #tpu.memory_space<vmem>> -> memref<1x128xi32, #tpu.memory_space<vmem>>
        %dma_wait3A_1575 = tpu.memref_squeeze %dma_wait3A_1574 : memref<1x128xi32, #tpu.memory_space<vmem>> -> memref<128xi32, #tpu.memory_space<vmem>>
        %dma_wait3A_1576 = arith.constant 0 : i32
        %dma_wait3A_1577 = arith.constant 0 : i32
        %dma_wait3A_1578 = tpu.memref_slice %arg11[%dma_wait3A_1576, %dma_wait3A_1577] : memref<10008x128xf32, #tpu.memory_space<vmem_shared>> -> memref<10008x128xf32, #tpu.memory_space<vmem_shared>>
        tpu.wait_indirect_dma semaphore(%run_scoped3A_1566 : memref<!tpu.dma_semaphore, #tpu.memory_space<semaphore_mem>>) src(%arg8 : memref<128x128xf32, #tpu.memory_space<vmem>>) dst(%dma_wait3A_1578 : memref<10008x128xf32, #tpu.memory_space<vmem_shared>>)
        tpu.yield
      }) : () -> ()
      %add3A_864 = arith.constant 4 : i32
      %add3A_865 = arith.addi %add3A_856, %add3A_864 : i32
      %dma_start3A_866 = arith.constant 3 : i32
      %dma_start3A_867 = arith.constant 0 : i32
      %dma_start3A_868 = tpu.memref_slice %arg7[%dma_start3A_866, %dma_start3A_867] : memref<8x128xi32, #tpu.memory_space<vmem>> -> memref<1x128xi32, #tpu.memory_space<vmem>>
      %dma_start3A_869 = tpu.memref_squeeze %dma_start3A_868 : memref<1x128xi32, #tpu.memory_space<vmem>> -> memref<128xi32, #tpu.memory_space<vmem>>
      %dma_start3A_870 = arith.constant 0 : i32
      %dma_start3A_871 = tpu.memref_slice %arg5[%arg1, %add3A_865, %dma_start3A_870] : memref<16x80x128xi32, #tpu.memory_space<hbm>> -> memref<1x1x128xi32, #tpu.memory_space<hbm>>
      %dma_start3A_872 = tpu.memref_squeeze %dma_start3A_871 : memref<1x1x128xi32, #tpu.memory_space<hbm>> -> memref<128xi32, #tpu.memory_space<hbm>>
      %dma_start3A_873 = arith.constant 0 : i32
      %dma_start3A_874 = tpu.memref_slice %arg7[%dma_start3A_866, %dma_start3A_873] : memref<8x128xi32, #tpu.memory_space<vmem>> -> memref<1x128xi32, #tpu.memory_space<vmem>>
      %dma_start3A_875 = tpu.memref_squeeze %dma_start3A_874 : memref<1x128xi32, #tpu.memory_space<vmem>> -> memref<128xi32, #tpu.memory_space<vmem>>
      %dma_start3A_876 = arith.constant 0 : i32
      %dma_start3A_877 = tpu.memref_slice %arg5[%arg1, %add3A_865, %dma_start3A_876] : memref<16x80x128xi32, #tpu.memory_space<hbm>> -> memref<1x1x128xi32, #tpu.memory_space<hbm>>
      %dma_start3A_878 = tpu.memref_squeeze %dma_start3A_877 : memref<1x1x128xi32, #tpu.memory_space<hbm>> -> memref<128xi32, #tpu.memory_space<hbm>>
      tpu.enqueue_dma source(%dma_start3A_878 : memref<128xi32, #tpu.memory_space<hbm>>) target(%dma_start3A_875 : memref<128xi32, #tpu.memory_space<vmem>>) target_semaphore(%arg18 : memref<!tpu.dma_semaphore, #tpu.memory_space<semaphore_mem>>)
      %dma_start3A_879 = arith.constant 7 : i32
      %dma_start3A_880 = arith.constant 0 : i32
      %dma_start3A_881 = tpu.memref_slice %arg7[%dma_start3A_879, %dma_start3A_880] : memref<8x128xi32, #tpu.memory_space<vmem>> -> memref<1x128xi32, #tpu.memory_space<vmem>>
      %dma_start3A_882 = tpu.memref_squeeze %dma_start3A_881 : memref<1x128xi32, #tpu.memory_space<vmem>> -> memref<128xi32, #tpu.memory_space<vmem>>
      %dma_start3A_883 = arith.constant 0 : i32
      %dma_start3A_884 = tpu.memref_slice %arg4[%arg1, %add3A_865, %dma_start3A_883] : memref<16x80x128xi32, #tpu.memory_space<hbm>> -> memref<1x1x128xi32, #tpu.memory_space<hbm>>
      %dma_start3A_885 = tpu.memref_squeeze %dma_start3A_884 : memref<1x1x128xi32, #tpu.memory_space<hbm>> -> memref<128xi32, #tpu.memory_space<hbm>>
      %dma_start3A_886 = arith.constant 0 : i32
      %dma_start3A_887 = tpu.memref_slice %arg7[%dma_start3A_879, %dma_start3A_886] : memref<8x128xi32, #tpu.memory_space<vmem>> -> memref<1x128xi32, #tpu.memory_space<vmem>>
      %dma_start3A_888 = tpu.memref_squeeze %dma_start3A_887 : memref<1x128xi32, #tpu.memory_space<vmem>> -> memref<128xi32, #tpu.memory_space<vmem>>
      %dma_start3A_889 = arith.constant 0 : i32
      %dma_start3A_890 = tpu.memref_slice %arg4[%arg1, %add3A_865, %dma_start3A_889] : memref<16x80x128xi32, #tpu.memory_space<hbm>> -> memref<1x1x128xi32, #tpu.memory_space<hbm>>
      %dma_start3A_891 = tpu.memref_squeeze %dma_start3A_890 : memref<1x1x128xi32, #tpu.memory_space<hbm>> -> memref<128xi32, #tpu.memory_space<hbm>>
      tpu.enqueue_dma source(%dma_start3A_891 : memref<128xi32, #tpu.memory_space<hbm>>) target(%dma_start3A_888 : memref<128xi32, #tpu.memory_space<vmem>>) target_semaphore(%arg18 : memref<!tpu.dma_semaphore, #tpu.memory_space<semaphore_mem>>)
      %dma_wait3A_892 = arith.constant 0 : i32
      %dma_wait3A_893 = arith.constant 0 : i32
      %dma_wait3A_894 = arith.constant 2 : i32
      %dma_wait3A_895 = arith.constant 0 : i32
      %dma_wait3A_896 = tpu.memref_slice %arg7[%dma_wait3A_894, %dma_wait3A_895] : memref<8x128xi32, #tpu.memory_space<vmem>> -> memref<1x128xi32, #tpu.memory_space<vmem>>
      %dma_wait3A_897 = tpu.memref_squeeze %dma_wait3A_896 : memref<1x128xi32, #tpu.memory_space<vmem>> -> memref<128xi32, #tpu.memory_space<vmem>>
      %dma_wait3A_898 = arith.constant 0 : i32
      %dma_wait3A_899 = tpu.memref_slice %arg5[%dma_wait3A_892, %dma_wait3A_893, %dma_wait3A_898] : memref<16x80x128xi32, #tpu.memory_space<hbm>> -> memref<1x1x128xi32, #tpu.memory_space<hbm>>
      %dma_wait3A_900 = tpu.memref_squeeze %dma_wait3A_899 : memref<1x1x128xi32, #tpu.memory_space<hbm>> -> memref<128xi32, #tpu.memory_space<hbm>>
      %dma_wait3A_901 = arith.constant 0 : i32
      %dma_wait3A_902 = tpu.memref_slice %arg7[%dma_wait3A_894, %dma_wait3A_901] : memref<8x128xi32, #tpu.memory_space<vmem>> -> memref<1x128xi32, #tpu.memory_space<vmem>>
      %dma_wait3A_903 = tpu.memref_squeeze %dma_wait3A_902 : memref<1x128xi32, #tpu.memory_space<vmem>> -> memref<128xi32, #tpu.memory_space<vmem>>
      %dma_wait3A_904 = arith.constant 0 : i32
      %dma_wait3A_905 = tpu.memref_slice %arg5[%dma_wait3A_892, %dma_wait3A_893, %dma_wait3A_904] : memref<16x80x128xi32, #tpu.memory_space<hbm>> -> memref<1x1x128xi32, #tpu.memory_space<hbm>>
      %dma_wait3A_906 = tpu.memref_squeeze %dma_wait3A_905 : memref<1x1x128xi32, #tpu.memory_space<hbm>> -> memref<128xi32, #tpu.memory_space<hbm>>
      tpu.wait_dma2 semaphore(%arg17 : memref<!tpu.dma_semaphore, #tpu.memory_space<semaphore_mem>>) src(%dma_wait3A_906 : memref<128xi32, #tpu.memory_space<hbm>>) dst(%dma_wait3A_903 : memref<128xi32, #tpu.memory_space<vmem>>)
      %dma_wait3A_907 = arith.constant 0 : i32
      %dma_wait3A_908 = arith.constant 0 : i32
      %dma_wait3A_909 = arith.constant 2 : i32
      %dma_wait3A_910 = arith.constant 0 : i32
      %dma_wait3A_911 = tpu.memref_slice %arg7[%dma_wait3A_909, %dma_wait3A_910] : memref<8x128xi32, #tpu.memory_space<vmem>> -> memref<1x128xi32, #tpu.memory_space<vmem>>
      %dma_wait3A_912 = tpu.memref_squeeze %dma_wait3A_911 : memref<1x128xi32, #tpu.memory_space<vmem>> -> memref<128xi32, #tpu.memory_space<vmem>>
      %dma_wait3A_913 = arith.constant 0 : i32
      %dma_wait3A_914 = tpu.memref_slice %arg5[%dma_wait3A_907, %dma_wait3A_908, %dma_wait3A_913] : memref<16x80x128xi32, #tpu.memory_space<hbm>> -> memref<1x1x128xi32, #tpu.memory_space<hbm>>
      %dma_wait3A_915 = tpu.memref_squeeze %dma_wait3A_914 : memref<1x1x128xi32, #tpu.memory_space<hbm>> -> memref<128xi32, #tpu.memory_space<hbm>>
      %dma_wait3A_916 = arith.constant 0 : i32
      %dma_wait3A_917 = tpu.memref_slice %arg7[%dma_wait3A_909, %dma_wait3A_916] : memref<8x128xi32, #tpu.memory_space<vmem>> -> memref<1x128xi32, #tpu.memory_space<vmem>>
      %dma_wait3A_918 = tpu.memref_squeeze %dma_wait3A_917 : memref<1x128xi32, #tpu.memory_space<vmem>> -> memref<128xi32, #tpu.memory_space<vmem>>
      %dma_wait3A_919 = arith.constant 0 : i32
      %dma_wait3A_920 = tpu.memref_slice %arg5[%dma_wait3A_907, %dma_wait3A_908, %dma_wait3A_919] : memref<16x80x128xi32, #tpu.memory_space<hbm>> -> memref<1x1x128xi32, #tpu.memory_space<hbm>>
      %dma_wait3A_921 = tpu.memref_squeeze %dma_wait3A_920 : memref<1x1x128xi32, #tpu.memory_space<hbm>> -> memref<128xi32, #tpu.memory_space<hbm>>
      tpu.wait_dma2 semaphore(%arg17 : memref<!tpu.dma_semaphore, #tpu.memory_space<semaphore_mem>>) src(%dma_wait3A_921 : memref<128xi32, #tpu.memory_space<hbm>>) dst(%dma_wait3A_918 : memref<128xi32, #tpu.memory_space<vmem>>)
      %add3A_922 = arith.constant 3 : i32
      %add3A_923 = arith.addi %add3A_856, %add3A_922 : i32
      %eq3A_924 = arith.constant 0 : i32
      %eq3A_925 = arith.cmpi eq, %arg0, %eq3A_924 : i32
      %convert_element_type3A_926 = arith.extui %eq3A_925 : i1 to i32
      %cond3A_927 = arith.constant 0 : i32
      %cond3A_928 = arith.cmpi ne, %convert_element_type3A_926, %cond3A_927 : i32
      scf.if %cond3A_928 {
        %dma_start3A_1566 = arith.constant 2 : i32
        %dma_start3A_1567 = arith.constant 0 : i32
        %dma_start3A_1568 = tpu.memref_slice %arg7[%dma_start3A_1566, %dma_start3A_1567] : memref<8x128xi32, #tpu.memory_space<vmem>> -> memref<1x128xi32, #tpu.memory_space<vmem>>
        %dma_start3A_1569 = tpu.memref_squeeze %dma_start3A_1568 : memref<1x128xi32, #tpu.memory_space<vmem>> -> memref<128xi32, #tpu.memory_space<vmem>>
        %dma_start3A_1570 = arith.constant 0 : i32
        %dma_start3A_1571 = arith.constant 0 : i32
        %dma_start3A_1572 = tpu.memref_slice %arg2[%dma_start3A_1570, %dma_start3A_1571] : memref<10000x128xf32, #tpu.memory_space<hbm>> -> memref<10000x128xf32, #tpu.memory_space<hbm>>
        tpu.enqueue_indirect_dma source(%dma_start3A_1572 : memref<10000x128xf32, #tpu.memory_space<hbm>>) target(%arg8 : memref<128x128xf32, #tpu.memory_space<vmem>>) offsets(%dma_start3A_1569 : memref<128xi32, #tpu.memory_space<vmem>>) semaphore(%arg12 : memref<!tpu.dma_semaphore, #tpu.memory_space<semaphore_mem>>)
      } else {
      }
      %eq3A_929 = arith.constant 1 : i32
      %eq3A_930 = arith.cmpi eq, %arg0, %eq3A_929 : i32
      %convert_element_type3A_931 = arith.extui %eq3A_930 : i1 to i32
      %cond3A_932 = arith.constant 0 : i32
      %cond3A_933 = arith.cmpi ne, %convert_element_type3A_931, %cond3A_932 : i32
      scf.if %cond3A_933 {
        %dma_start3A_1566 = arith.constant 2 : i32
        %dma_start3A_1567 = arith.constant 0 : i32
        %dma_start3A_1568 = tpu.memref_slice %arg7[%dma_start3A_1566, %dma_start3A_1567] : memref<8x128xi32, #tpu.memory_space<vmem>> -> memref<1x128xi32, #tpu.memory_space<vmem>>
        %dma_start3A_1569 = tpu.memref_squeeze %dma_start3A_1568 : memref<1x128xi32, #tpu.memory_space<vmem>> -> memref<128xi32, #tpu.memory_space<vmem>>
        %dma_start3A_1570 = arith.constant 0 : i32
        %dma_start3A_1571 = arith.constant 0 : i32
        %dma_start3A_1572 = tpu.memref_slice %arg3[%dma_start3A_1570, %dma_start3A_1571] : memref<10000x128xf32, #tpu.memory_space<hbm>> -> memref<10000x128xf32, #tpu.memory_space<hbm>>
        tpu.enqueue_indirect_dma source(%dma_start3A_1572 : memref<10000x128xf32, #tpu.memory_space<hbm>>) target(%arg8 : memref<128x128xf32, #tpu.memory_space<vmem>>) offsets(%dma_start3A_1569 : memref<128xi32, #tpu.memory_space<vmem>>) semaphore(%arg12 : memref<!tpu.dma_semaphore, #tpu.memory_space<semaphore_mem>>)
      } else {
      }
      %add3A_934 = arith.constant 4 : i32
      %add3A_935 = arith.addi %mul3A_618, %add3A_934 : i32
      %dma_wait3A_936 = arith.constant 0 : i32
      %dma_wait3A_937 = arith.constant 0 : i32
      %dma_wait3A_938 = tpu.memref_slice %arg2[%dma_wait3A_936, %dma_wait3A_937] : memref<10000x128xf32, #tpu.memory_space<hbm>> -> memref<128x128xf32, #tpu.memory_space<hbm>>
      %dma_wait3A_939 = arith.constant 0 : i32
      %dma_wait3A_940 = arith.constant 0 : i32
      %dma_wait3A_941 = tpu.memref_slice %arg2[%dma_wait3A_939, %dma_wait3A_940] : memref<10000x128xf32, #tpu.memory_space<hbm>> -> memref<128x128xf32, #tpu.memory_space<hbm>>
      tpu.wait_dma2 semaphore(%arg13 : memref<!tpu.dma_semaphore, #tpu.memory_space<semaphore_mem>>) src(%dma_wait3A_941 : memref<128x128xf32, #tpu.memory_space<hbm>>) dst(%arg9 : memref<128x128xf32, #tpu.memory_space<vmem>>)
      %run_scoped3A_942 = arith.constant 4 : i32
      "tpu.region"() ({
        %run_scoped3A_1566 = tpu.sem_alloc : memref<!tpu.dma_semaphore, #tpu.memory_space<semaphore_mem>>
        %dma_start3A_1567 = arith.constant 0 : i32
        %dma_start3A_1568 = tpu.memref_slice %arg7[%run_scoped3A_942, %dma_start3A_1567] : memref<8x128xi32, #tpu.memory_space<vmem>> -> memref<1x128xi32, #tpu.memory_space<vmem>>
        %dma_start3A_1569 = tpu.memref_squeeze %dma_start3A_1568 : memref<1x128xi32, #tpu.memory_space<vmem>> -> memref<128xi32, #tpu.memory_space<vmem>>
        %dma_start3A_1570 = arith.constant 0 : i32
        %dma_start3A_1571 = arith.constant 0 : i32
        %dma_start3A_1572 = tpu.memref_slice %arg11[%dma_start3A_1570, %dma_start3A_1571] : memref<10008x128xf32, #tpu.memory_space<vmem_shared>> -> memref<10008x128xf32, #tpu.memory_space<vmem_shared>>
        tpu.enqueue_indirect_dma source(%arg9 : memref<128x128xf32, #tpu.memory_space<vmem>>) target(%dma_start3A_1572 : memref<10008x128xf32, #tpu.memory_space<vmem_shared>>) offsets(%dma_start3A_1569 : memref<128xi32, #tpu.memory_space<vmem>>) semaphore(%run_scoped3A_1566 : memref<!tpu.dma_semaphore, #tpu.memory_space<semaphore_mem>>) {add = true}
        %dma_wait3A_1573 = arith.constant 0 : i32
        %dma_wait3A_1574 = tpu.memref_slice %arg7[%run_scoped3A_942, %dma_wait3A_1573] : memref<8x128xi32, #tpu.memory_space<vmem>> -> memref<1x128xi32, #tpu.memory_space<vmem>>
        %dma_wait3A_1575 = tpu.memref_squeeze %dma_wait3A_1574 : memref<1x128xi32, #tpu.memory_space<vmem>> -> memref<128xi32, #tpu.memory_space<vmem>>
        %dma_wait3A_1576 = arith.constant 0 : i32
        %dma_wait3A_1577 = arith.constant 0 : i32
        %dma_wait3A_1578 = tpu.memref_slice %arg11[%dma_wait3A_1576, %dma_wait3A_1577] : memref<10008x128xf32, #tpu.memory_space<vmem_shared>> -> memref<10008x128xf32, #tpu.memory_space<vmem_shared>>
        tpu.wait_indirect_dma semaphore(%run_scoped3A_1566 : memref<!tpu.dma_semaphore, #tpu.memory_space<semaphore_mem>>) src(%arg9 : memref<128x128xf32, #tpu.memory_space<vmem>>) dst(%dma_wait3A_1578 : memref<10008x128xf32, #tpu.memory_space<vmem_shared>>)
        tpu.yield
      }) : () -> ()
      %add3A_943 = arith.constant 4 : i32
      %add3A_944 = arith.addi %add3A_935, %add3A_943 : i32
      %dma_start3A_945 = arith.constant 0 : i32
      %dma_start3A_946 = arith.constant 0 : i32
      %dma_start3A_947 = tpu.memref_slice %arg7[%dma_start3A_945, %dma_start3A_946] : memref<8x128xi32, #tpu.memory_space<vmem>> -> memref<1x128xi32, #tpu.memory_space<vmem>>
      %dma_start3A_948 = tpu.memref_squeeze %dma_start3A_947 : memref<1x128xi32, #tpu.memory_space<vmem>> -> memref<128xi32, #tpu.memory_space<vmem>>
      %dma_start3A_949 = arith.constant 0 : i32
      %dma_start3A_950 = tpu.memref_slice %arg5[%arg1, %add3A_944, %dma_start3A_949] : memref<16x80x128xi32, #tpu.memory_space<hbm>> -> memref<1x1x128xi32, #tpu.memory_space<hbm>>
      %dma_start3A_951 = tpu.memref_squeeze %dma_start3A_950 : memref<1x1x128xi32, #tpu.memory_space<hbm>> -> memref<128xi32, #tpu.memory_space<hbm>>
      %dma_start3A_952 = arith.constant 0 : i32
      %dma_start3A_953 = tpu.memref_slice %arg7[%dma_start3A_945, %dma_start3A_952] : memref<8x128xi32, #tpu.memory_space<vmem>> -> memref<1x128xi32, #tpu.memory_space<vmem>>
      %dma_start3A_954 = tpu.memref_squeeze %dma_start3A_953 : memref<1x128xi32, #tpu.memory_space<vmem>> -> memref<128xi32, #tpu.memory_space<vmem>>
      %dma_start3A_955 = arith.constant 0 : i32
      %dma_start3A_956 = tpu.memref_slice %arg5[%arg1, %add3A_944, %dma_start3A_955] : memref<16x80x128xi32, #tpu.memory_space<hbm>> -> memref<1x1x128xi32, #tpu.memory_space<hbm>>
      %dma_start3A_957 = tpu.memref_squeeze %dma_start3A_956 : memref<1x1x128xi32, #tpu.memory_space<hbm>> -> memref<128xi32, #tpu.memory_space<hbm>>
      tpu.enqueue_dma source(%dma_start3A_957 : memref<128xi32, #tpu.memory_space<hbm>>) target(%dma_start3A_954 : memref<128xi32, #tpu.memory_space<vmem>>) target_semaphore(%arg15 : memref<!tpu.dma_semaphore, #tpu.memory_space<semaphore_mem>>)
      %dma_start3A_958 = arith.constant 4 : i32
      %dma_start3A_959 = arith.constant 0 : i32
      %dma_start3A_960 = tpu.memref_slice %arg7[%dma_start3A_958, %dma_start3A_959] : memref<8x128xi32, #tpu.memory_space<vmem>> -> memref<1x128xi32, #tpu.memory_space<vmem>>
      %dma_start3A_961 = tpu.memref_squeeze %dma_start3A_960 : memref<1x128xi32, #tpu.memory_space<vmem>> -> memref<128xi32, #tpu.memory_space<vmem>>
      %dma_start3A_962 = arith.constant 0 : i32
      %dma_start3A_963 = tpu.memref_slice %arg4[%arg1, %add3A_944, %dma_start3A_962] : memref<16x80x128xi32, #tpu.memory_space<hbm>> -> memref<1x1x128xi32, #tpu.memory_space<hbm>>
      %dma_start3A_964 = tpu.memref_squeeze %dma_start3A_963 : memref<1x1x128xi32, #tpu.memory_space<hbm>> -> memref<128xi32, #tpu.memory_space<hbm>>
      %dma_start3A_965 = arith.constant 0 : i32
      %dma_start3A_966 = tpu.memref_slice %arg7[%dma_start3A_958, %dma_start3A_965] : memref<8x128xi32, #tpu.memory_space<vmem>> -> memref<1x128xi32, #tpu.memory_space<vmem>>
      %dma_start3A_967 = tpu.memref_squeeze %dma_start3A_966 : memref<1x128xi32, #tpu.memory_space<vmem>> -> memref<128xi32, #tpu.memory_space<vmem>>
      %dma_start3A_968 = arith.constant 0 : i32
      %dma_start3A_969 = tpu.memref_slice %arg4[%arg1, %add3A_944, %dma_start3A_968] : memref<16x80x128xi32, #tpu.memory_space<hbm>> -> memref<1x1x128xi32, #tpu.memory_space<hbm>>
      %dma_start3A_970 = tpu.memref_squeeze %dma_start3A_969 : memref<1x1x128xi32, #tpu.memory_space<hbm>> -> memref<128xi32, #tpu.memory_space<hbm>>
      tpu.enqueue_dma source(%dma_start3A_970 : memref<128xi32, #tpu.memory_space<hbm>>) target(%dma_start3A_967 : memref<128xi32, #tpu.memory_space<vmem>>) target_semaphore(%arg15 : memref<!tpu.dma_semaphore, #tpu.memory_space<semaphore_mem>>)
      %dma_wait3A_971 = arith.constant 0 : i32
      %dma_wait3A_972 = arith.constant 0 : i32
      %dma_wait3A_973 = arith.constant 3 : i32
      %dma_wait3A_974 = arith.constant 0 : i32
      %dma_wait3A_975 = tpu.memref_slice %arg7[%dma_wait3A_973, %dma_wait3A_974] : memref<8x128xi32, #tpu.memory_space<vmem>> -> memref<1x128xi32, #tpu.memory_space<vmem>>
      %dma_wait3A_976 = tpu.memref_squeeze %dma_wait3A_975 : memref<1x128xi32, #tpu.memory_space<vmem>> -> memref<128xi32, #tpu.memory_space<vmem>>
      %dma_wait3A_977 = arith.constant 0 : i32
      %dma_wait3A_978 = tpu.memref_slice %arg5[%dma_wait3A_971, %dma_wait3A_972, %dma_wait3A_977] : memref<16x80x128xi32, #tpu.memory_space<hbm>> -> memref<1x1x128xi32, #tpu.memory_space<hbm>>
      %dma_wait3A_979 = tpu.memref_squeeze %dma_wait3A_978 : memref<1x1x128xi32, #tpu.memory_space<hbm>> -> memref<128xi32, #tpu.memory_space<hbm>>
      %dma_wait3A_980 = arith.constant 0 : i32
      %dma_wait3A_981 = tpu.memref_slice %arg7[%dma_wait3A_973, %dma_wait3A_980] : memref<8x128xi32, #tpu.memory_space<vmem>> -> memref<1x128xi32, #tpu.memory_space<vmem>>
      %dma_wait3A_982 = tpu.memref_squeeze %dma_wait3A_981 : memref<1x128xi32, #tpu.memory_space<vmem>> -> memref<128xi32, #tpu.memory_space<vmem>>
      %dma_wait3A_983 = arith.constant 0 : i32
      %dma_wait3A_984 = tpu.memref_slice %arg5[%dma_wait3A_971, %dma_wait3A_972, %dma_wait3A_983] : memref<16x80x128xi32, #tpu.memory_space<hbm>> -> memref<1x1x128xi32, #tpu.memory_space<hbm>>
      %dma_wait3A_985 = tpu.memref_squeeze %dma_wait3A_984 : memref<1x1x128xi32, #tpu.memory_space<hbm>> -> memref<128xi32, #tpu.memory_space<hbm>>
      tpu.wait_dma2 semaphore(%arg18 : memref<!tpu.dma_semaphore, #tpu.memory_space<semaphore_mem>>) src(%dma_wait3A_985 : memref<128xi32, #tpu.memory_space<hbm>>) dst(%dma_wait3A_982 : memref<128xi32, #tpu.memory_space<vmem>>)
      %dma_wait3A_986 = arith.constant 0 : i32
      %dma_wait3A_987 = arith.constant 0 : i32
      %dma_wait3A_988 = arith.constant 3 : i32
      %dma_wait3A_989 = arith.constant 0 : i32
      %dma_wait3A_990 = tpu.memref_slice %arg7[%dma_wait3A_988, %dma_wait3A_989] : memref<8x128xi32, #tpu.memory_space<vmem>> -> memref<1x128xi32, #tpu.memory_space<vmem>>
      %dma_wait3A_991 = tpu.memref_squeeze %dma_wait3A_990 : memref<1x128xi32, #tpu.memory_space<vmem>> -> memref<128xi32, #tpu.memory_space<vmem>>
      %dma_wait3A_992 = arith.constant 0 : i32
      %dma_wait3A_993 = tpu.memref_slice %arg5[%dma_wait3A_986, %dma_wait3A_987, %dma_wait3A_992] : memref<16x80x128xi32, #tpu.memory_space<hbm>> -> memref<1x1x128xi32, #tpu.memory_space<hbm>>
      %dma_wait3A_994 = tpu.memref_squeeze %dma_wait3A_993 : memref<1x1x128xi32, #tpu.memory_space<hbm>> -> memref<128xi32, #tpu.memory_space<hbm>>
      %dma_wait3A_995 = arith.constant 0 : i32
      %dma_wait3A_996 = tpu.memref_slice %arg7[%dma_wait3A_988, %dma_wait3A_995] : memref<8x128xi32, #tpu.memory_space<vmem>> -> memref<1x128xi32, #tpu.memory_space<vmem>>
      %dma_wait3A_997 = tpu.memref_squeeze %dma_wait3A_996 : memref<1x128xi32, #tpu.memory_space<vmem>> -> memref<128xi32, #tpu.memory_space<vmem>>
      %dma_wait3A_998 = arith.constant 0 : i32
      %dma_wait3A_999 = tpu.memref_slice %arg5[%dma_wait3A_986, %dma_wait3A_987, %dma_wait3A_998] : memref<16x80x128xi32, #tpu.memory_space<hbm>> -> memref<1x1x128xi32, #tpu.memory_space<hbm>>
      %dma_wait3A_1000 = tpu.memref_squeeze %dma_wait3A_999 : memref<1x1x128xi32, #tpu.memory_space<hbm>> -> memref<128xi32, #tpu.memory_space<hbm>>
      tpu.wait_dma2 semaphore(%arg18 : memref<!tpu.dma_semaphore, #tpu.memory_space<semaphore_mem>>) src(%dma_wait3A_1000 : memref<128xi32, #tpu.memory_space<hbm>>) dst(%dma_wait3A_997 : memref<128xi32, #tpu.memory_space<vmem>>)
      %add3A_1001 = arith.constant 3 : i32
      %add3A_1002 = arith.addi %add3A_935, %add3A_1001 : i32
      %eq3A_1003 = arith.constant 0 : i32
      %eq3A_1004 = arith.cmpi eq, %arg0, %eq3A_1003 : i32
      %convert_element_type3A_1005 = arith.extui %eq3A_1004 : i1 to i32
      %cond3A_1006 = arith.constant 0 : i32
      %cond3A_1007 = arith.cmpi ne, %convert_element_type3A_1005, %cond3A_1006 : i32
      scf.if %cond3A_1007 {
        %dma_start3A_1566 = arith.constant 3 : i32
        %dma_start3A_1567 = arith.constant 0 : i32
        %dma_start3A_1568 = tpu.memref_slice %arg7[%dma_start3A_1566, %dma_start3A_1567] : memref<8x128xi32, #tpu.memory_space<vmem>> -> memref<1x128xi32, #tpu.memory_space<vmem>>
        %dma_start3A_1569 = tpu.memref_squeeze %dma_start3A_1568 : memref<1x128xi32, #tpu.memory_space<vmem>> -> memref<128xi32, #tpu.memory_space<vmem>>
        %dma_start3A_1570 = arith.constant 0 : i32
        %dma_start3A_1571 = arith.constant 0 : i32
        %dma_start3A_1572 = tpu.memref_slice %arg2[%dma_start3A_1570, %dma_start3A_1571] : memref<10000x128xf32, #tpu.memory_space<hbm>> -> memref<10000x128xf32, #tpu.memory_space<hbm>>
        tpu.enqueue_indirect_dma source(%dma_start3A_1572 : memref<10000x128xf32, #tpu.memory_space<hbm>>) target(%arg9 : memref<128x128xf32, #tpu.memory_space<vmem>>) offsets(%dma_start3A_1569 : memref<128xi32, #tpu.memory_space<vmem>>) semaphore(%arg13 : memref<!tpu.dma_semaphore, #tpu.memory_space<semaphore_mem>>)
      } else {
      }
      %eq3A_1008 = arith.constant 1 : i32
      %eq3A_1009 = arith.cmpi eq, %arg0, %eq3A_1008 : i32
      %convert_element_type3A_1010 = arith.extui %eq3A_1009 : i1 to i32
      %cond3A_1011 = arith.constant 0 : i32
      %cond3A_1012 = arith.cmpi ne, %convert_element_type3A_1010, %cond3A_1011 : i32
      scf.if %cond3A_1012 {
        %dma_start3A_1566 = arith.constant 3 : i32
        %dma_start3A_1567 = arith.constant 0 : i32
        %dma_start3A_1568 = tpu.memref_slice %arg7[%dma_start3A_1566, %dma_start3A_1567] : memref<8x128xi32, #tpu.memory_space<vmem>> -> memref<1x128xi32, #tpu.memory_space<vmem>>
        %dma_start3A_1569 = tpu.memref_squeeze %dma_start3A_1568 : memref<1x128xi32, #tpu.memory_space<vmem>> -> memref<128xi32, #tpu.memory_space<vmem>>
        %dma_start3A_1570 = arith.constant 0 : i32
        %dma_start3A_1571 = arith.constant 0 : i32
        %dma_start3A_1572 = tpu.memref_slice %arg3[%dma_start3A_1570, %dma_start3A_1571] : memref<10000x128xf32, #tpu.memory_space<hbm>> -> memref<10000x128xf32, #tpu.memory_space<hbm>>
        tpu.enqueue_indirect_dma source(%dma_start3A_1572 : memref<10000x128xf32, #tpu.memory_space<hbm>>) target(%arg9 : memref<128x128xf32, #tpu.memory_space<vmem>>) offsets(%dma_start3A_1569 : memref<128xi32, #tpu.memory_space<vmem>>) semaphore(%arg13 : memref<!tpu.dma_semaphore, #tpu.memory_space<semaphore_mem>>)
      } else {
      }
      %add3A_1013 = arith.constant 5 : i32
      %add3A_1014 = arith.addi %mul3A_618, %add3A_1013 : i32
      %dma_wait3A_1015 = arith.constant 0 : i32
      %dma_wait3A_1016 = arith.constant 0 : i32
      %dma_wait3A_1017 = tpu.memref_slice %arg2[%dma_wait3A_1015, %dma_wait3A_1016] : memref<10000x128xf32, #tpu.memory_space<hbm>> -> memref<128x128xf32, #tpu.memory_space<hbm>>
      %dma_wait3A_1018 = arith.constant 0 : i32
      %dma_wait3A_1019 = arith.constant 0 : i32
      %dma_wait3A_1020 = tpu.memref_slice %arg2[%dma_wait3A_1018, %dma_wait3A_1019] : memref<10000x128xf32, #tpu.memory_space<hbm>> -> memref<128x128xf32, #tpu.memory_space<hbm>>
      tpu.wait_dma2 semaphore(%arg14 : memref<!tpu.dma_semaphore, #tpu.memory_space<semaphore_mem>>) src(%dma_wait3A_1020 : memref<128x128xf32, #tpu.memory_space<hbm>>) dst(%arg10 : memref<128x128xf32, #tpu.memory_space<vmem>>)
      %run_scoped3A_1021 = arith.constant 5 : i32
      "tpu.region"() ({
        %run_scoped3A_1566 = tpu.sem_alloc : memref<!tpu.dma_semaphore, #tpu.memory_space<semaphore_mem>>
        %dma_start3A_1567 = arith.constant 0 : i32
        %dma_start3A_1568 = tpu.memref_slice %arg7[%run_scoped3A_1021, %dma_start3A_1567] : memref<8x128xi32, #tpu.memory_space<vmem>> -> memref<1x128xi32, #tpu.memory_space<vmem>>
        %dma_start3A_1569 = tpu.memref_squeeze %dma_start3A_1568 : memref<1x128xi32, #tpu.memory_space<vmem>> -> memref<128xi32, #tpu.memory_space<vmem>>
        %dma_start3A_1570 = arith.constant 0 : i32
        %dma_start3A_1571 = arith.constant 0 : i32
        %dma_start3A_1572 = tpu.memref_slice %arg11[%dma_start3A_1570, %dma_start3A_1571] : memref<10008x128xf32, #tpu.memory_space<vmem_shared>> -> memref<10008x128xf32, #tpu.memory_space<vmem_shared>>
        tpu.enqueue_indirect_dma source(%arg10 : memref<128x128xf32, #tpu.memory_space<vmem>>) target(%dma_start3A_1572 : memref<10008x128xf32, #tpu.memory_space<vmem_shared>>) offsets(%dma_start3A_1569 : memref<128xi32, #tpu.memory_space<vmem>>) semaphore(%run_scoped3A_1566 : memref<!tpu.dma_semaphore, #tpu.memory_space<semaphore_mem>>) {add = true}
        %dma_wait3A_1573 = arith.constant 0 : i32
        %dma_wait3A_1574 = tpu.memref_slice %arg7[%run_scoped3A_1021, %dma_wait3A_1573] : memref<8x128xi32, #tpu.memory_space<vmem>> -> memref<1x128xi32, #tpu.memory_space<vmem>>
        %dma_wait3A_1575 = tpu.memref_squeeze %dma_wait3A_1574 : memref<1x128xi32, #tpu.memory_space<vmem>> -> memref<128xi32, #tpu.memory_space<vmem>>
        %dma_wait3A_1576 = arith.constant 0 : i32
        %dma_wait3A_1577 = arith.constant 0 : i32
        %dma_wait3A_1578 = tpu.memref_slice %arg11[%dma_wait3A_1576, %dma_wait3A_1577] : memref<10008x128xf32, #tpu.memory_space<vmem_shared>> -> memref<10008x128xf32, #tpu.memory_space<vmem_shared>>
        tpu.wait_indirect_dma semaphore(%run_scoped3A_1566 : memref<!tpu.dma_semaphore, #tpu.memory_space<semaphore_mem>>) src(%arg10 : memref<128x128xf32, #tpu.memory_space<vmem>>) dst(%dma_wait3A_1578 : memref<10008x128xf32, #tpu.memory_space<vmem_shared>>)
        tpu.yield
      }) : () -> ()
      %add3A_1022 = arith.constant 4 : i32
      %add3A_1023 = arith.addi %add3A_1014, %add3A_1022 : i32
      %dma_start3A_1024 = arith.constant 1 : i32
      %dma_start3A_1025 = arith.constant 0 : i32
      %dma_start3A_1026 = tpu.memref_slice %arg7[%dma_start3A_1024, %dma_start3A_1025] : memref<8x128xi32, #tpu.memory_space<vmem>> -> memref<1x128xi32, #tpu.memory_space<vmem>>
      %dma_start3A_1027 = tpu.memref_squeeze %dma_start3A_1026 : memref<1x128xi32, #tpu.memory_space<vmem>> -> memref<128xi32, #tpu.memory_space<vmem>>
      %dma_start3A_1028 = arith.constant 0 : i32
      %dma_start3A_1029 = tpu.memref_slice %arg5[%arg1, %add3A_1023, %dma_start3A_1028] : memref<16x80x128xi32, #tpu.memory_space<hbm>> -> memref<1x1x128xi32, #tpu.memory_space<hbm>>
      %dma_start3A_1030 = tpu.memref_squeeze %dma_start3A_1029 : memref<1x1x128xi32, #tpu.memory_space<hbm>> -> memref<128xi32, #tpu.memory_space<hbm>>
      %dma_start3A_1031 = arith.constant 0 : i32
      %dma_start3A_1032 = tpu.memref_slice %arg7[%dma_start3A_1024, %dma_start3A_1031] : memref<8x128xi32, #tpu.memory_space<vmem>> -> memref<1x128xi32, #tpu.memory_space<vmem>>
      %dma_start3A_1033 = tpu.memref_squeeze %dma_start3A_1032 : memref<1x128xi32, #tpu.memory_space<vmem>> -> memref<128xi32, #tpu.memory_space<vmem>>
      %dma_start3A_1034 = arith.constant 0 : i32
      %dma_start3A_1035 = tpu.memref_slice %arg5[%arg1, %add3A_1023, %dma_start3A_1034] : memref<16x80x128xi32, #tpu.memory_space<hbm>> -> memref<1x1x128xi32, #tpu.memory_space<hbm>>
      %dma_start3A_1036 = tpu.memref_squeeze %dma_start3A_1035 : memref<1x1x128xi32, #tpu.memory_space<hbm>> -> memref<128xi32, #tpu.memory_space<hbm>>
      tpu.enqueue_dma source(%dma_start3A_1036 : memref<128xi32, #tpu.memory_space<hbm>>) target(%dma_start3A_1033 : memref<128xi32, #tpu.memory_space<vmem>>) target_semaphore(%arg16 : memref<!tpu.dma_semaphore, #tpu.memory_space<semaphore_mem>>)
      %dma_start3A_1037 = arith.constant 5 : i32
      %dma_start3A_1038 = arith.constant 0 : i32
      %dma_start3A_1039 = tpu.memref_slice %arg7[%dma_start3A_1037, %dma_start3A_1038] : memref<8x128xi32, #tpu.memory_space<vmem>> -> memref<1x128xi32, #tpu.memory_space<vmem>>
      %dma_start3A_1040 = tpu.memref_squeeze %dma_start3A_1039 : memref<1x128xi32, #tpu.memory_space<vmem>> -> memref<128xi32, #tpu.memory_space<vmem>>
      %dma_start3A_1041 = arith.constant 0 : i32
      %dma_start3A_1042 = tpu.memref_slice %arg4[%arg1, %add3A_1023, %dma_start3A_1041] : memref<16x80x128xi32, #tpu.memory_space<hbm>> -> memref<1x1x128xi32, #tpu.memory_space<hbm>>
      %dma_start3A_1043 = tpu.memref_squeeze %dma_start3A_1042 : memref<1x1x128xi32, #tpu.memory_space<hbm>> -> memref<128xi32, #tpu.memory_space<hbm>>
      %dma_start3A_1044 = arith.constant 0 : i32
      %dma_start3A_1045 = tpu.memref_slice %arg7[%dma_start3A_1037, %dma_start3A_1044] : memref<8x128xi32, #tpu.memory_space<vmem>> -> memref<1x128xi32, #tpu.memory_space<vmem>>
      %dma_start3A_1046 = tpu.memref_squeeze %dma_start3A_1045 : memref<1x128xi32, #tpu.memory_space<vmem>> -> memref<128xi32, #tpu.memory_space<vmem>>
      %dma_start3A_1047 = arith.constant 0 : i32
      %dma_start3A_1048 = tpu.memref_slice %arg4[%arg1, %add3A_1023, %dma_start3A_1047] : memref<16x80x128xi32, #tpu.memory_space<hbm>> -> memref<1x1x128xi32, #tpu.memory_space<hbm>>
      %dma_start3A_1049 = tpu.memref_squeeze %dma_start3A_1048 : memref<1x1x128xi32, #tpu.memory_space<hbm>> -> memref<128xi32, #tpu.memory_space<hbm>>
      tpu.enqueue_dma source(%dma_start3A_1049 : memref<128xi32, #tpu.memory_space<hbm>>) target(%dma_start3A_1046 : memref<128xi32, #tpu.memory_space<vmem>>) target_semaphore(%arg16 : memref<!tpu.dma_semaphore, #tpu.memory_space<semaphore_mem>>)
      %dma_wait3A_1050 = arith.constant 0 : i32
      %dma_wait3A_1051 = arith.constant 0 : i32
      %dma_wait3A_1052 = arith.constant 0 : i32
      %dma_wait3A_1053 = arith.constant 0 : i32
      %dma_wait3A_1054 = tpu.memref_slice %arg7[%dma_wait3A_1052, %dma_wait3A_1053] : memref<8x128xi32, #tpu.memory_space<vmem>> -> memref<1x128xi32, #tpu.memory_space<vmem>>
      %dma_wait3A_1055 = tpu.memref_squeeze %dma_wait3A_1054 : memref<1x128xi32, #tpu.memory_space<vmem>> -> memref<128xi32, #tpu.memory_space<vmem>>
      %dma_wait3A_1056 = arith.constant 0 : i32
      %dma_wait3A_1057 = tpu.memref_slice %arg5[%dma_wait3A_1050, %dma_wait3A_1051, %dma_wait3A_1056] : memref<16x80x128xi32, #tpu.memory_space<hbm>> -> memref<1x1x128xi32, #tpu.memory_space<hbm>>
      %dma_wait3A_1058 = tpu.memref_squeeze %dma_wait3A_1057 : memref<1x1x128xi32, #tpu.memory_space<hbm>> -> memref<128xi32, #tpu.memory_space<hbm>>
      %dma_wait3A_1059 = arith.constant 0 : i32
      %dma_wait3A_1060 = tpu.memref_slice %arg7[%dma_wait3A_1052, %dma_wait3A_1059] : memref<8x128xi32, #tpu.memory_space<vmem>> -> memref<1x128xi32, #tpu.memory_space<vmem>>
      %dma_wait3A_1061 = tpu.memref_squeeze %dma_wait3A_1060 : memref<1x128xi32, #tpu.memory_space<vmem>> -> memref<128xi32, #tpu.memory_space<vmem>>
      %dma_wait3A_1062 = arith.constant 0 : i32
      %dma_wait3A_1063 = tpu.memref_slice %arg5[%dma_wait3A_1050, %dma_wait3A_1051, %dma_wait3A_1062] : memref<16x80x128xi32, #tpu.memory_space<hbm>> -> memref<1x1x128xi32, #tpu.memory_space<hbm>>
      %dma_wait3A_1064 = tpu.memref_squeeze %dma_wait3A_1063 : memref<1x1x128xi32, #tpu.memory_space<hbm>> -> memref<128xi32, #tpu.memory_space<hbm>>
      tpu.wait_dma2 semaphore(%arg15 : memref<!tpu.dma_semaphore, #tpu.memory_space<semaphore_mem>>) src(%dma_wait3A_1064 : memref<128xi32, #tpu.memory_space<hbm>>) dst(%dma_wait3A_1061 : memref<128xi32, #tpu.memory_space<vmem>>)
      %dma_wait3A_1065 = arith.constant 0 : i32
      %dma_wait3A_1066 = arith.constant 0 : i32
      %dma_wait3A_1067 = arith.constant 0 : i32
      %dma_wait3A_1068 = arith.constant 0 : i32
      %dma_wait3A_1069 = tpu.memref_slice %arg7[%dma_wait3A_1067, %dma_wait3A_1068] : memref<8x128xi32, #tpu.memory_space<vmem>> -> memref<1x128xi32, #tpu.memory_space<vmem>>
      %dma_wait3A_1070 = tpu.memref_squeeze %dma_wait3A_1069 : memref<1x128xi32, #tpu.memory_space<vmem>> -> memref<128xi32, #tpu.memory_space<vmem>>
      %dma_wait3A_1071 = arith.constant 0 : i32
      %dma_wait3A_1072 = tpu.memref_slice %arg5[%dma_wait3A_1065, %dma_wait3A_1066, %dma_wait3A_1071] : memref<16x80x128xi32, #tpu.memory_space<hbm>> -> memref<1x1x128xi32, #tpu.memory_space<hbm>>
      %dma_wait3A_1073 = tpu.memref_squeeze %dma_wait3A_1072 : memref<1x1x128xi32, #tpu.memory_space<hbm>> -> memref<128xi32, #tpu.memory_space<hbm>>
      %dma_wait3A_1074 = arith.constant 0 : i32
      %dma_wait3A_1075 = tpu.memref_slice %arg7[%dma_wait3A_1067, %dma_wait3A_1074] : memref<8x128xi32, #tpu.memory_space<vmem>> -> memref<1x128xi32, #tpu.memory_space<vmem>>
      %dma_wait3A_1076 = tpu.memref_squeeze %dma_wait3A_1075 : memref<1x128xi32, #tpu.memory_space<vmem>> -> memref<128xi32, #tpu.memory_space<vmem>>
      %dma_wait3A_1077 = arith.constant 0 : i32
      %dma_wait3A_1078 = tpu.memref_slice %arg5[%dma_wait3A_1065, %dma_wait3A_1066, %dma_wait3A_1077] : memref<16x80x128xi32, #tpu.memory_space<hbm>> -> memref<1x1x128xi32, #tpu.memory_space<hbm>>
      %dma_wait3A_1079 = tpu.memref_squeeze %dma_wait3A_1078 : memref<1x1x128xi32, #tpu.memory_space<hbm>> -> memref<128xi32, #tpu.memory_space<hbm>>
      tpu.wait_dma2 semaphore(%arg15 : memref<!tpu.dma_semaphore, #tpu.memory_space<semaphore_mem>>) src(%dma_wait3A_1079 : memref<128xi32, #tpu.memory_space<hbm>>) dst(%dma_wait3A_1076 : memref<128xi32, #tpu.memory_space<vmem>>)
      %add3A_1080 = arith.constant 3 : i32
      %add3A_1081 = arith.addi %add3A_1014, %add3A_1080 : i32
      %eq3A_1082 = arith.constant 0 : i32
      %eq3A_1083 = arith.cmpi eq, %arg0, %eq3A_1082 : i32
      %convert_element_type3A_1084 = arith.extui %eq3A_1083 : i1 to i32
      %cond3A_1085 = arith.constant 0 : i32
      %cond3A_1086 = arith.cmpi ne, %convert_element_type3A_1084, %cond3A_1085 : i32
      scf.if %cond3A_1086 {
        %dma_start3A_1566 = arith.constant 0 : i32
        %dma_start3A_1567 = arith.constant 0 : i32
        %dma_start3A_1568 = tpu.memref_slice %arg7[%dma_start3A_1566, %dma_start3A_1567] : memref<8x128xi32, #tpu.memory_space<vmem>> -> memref<1x128xi32, #tpu.memory_space<vmem>>
        %dma_start3A_1569 = tpu.memref_squeeze %dma_start3A_1568 : memref<1x128xi32, #tpu.memory_space<vmem>> -> memref<128xi32, #tpu.memory_space<vmem>>
        %dma_start3A_1570 = arith.constant 0 : i32
        %dma_start3A_1571 = arith.constant 0 : i32
        %dma_start3A_1572 = tpu.memref_slice %arg2[%dma_start3A_1570, %dma_start3A_1571] : memref<10000x128xf32, #tpu.memory_space<hbm>> -> memref<10000x128xf32, #tpu.memory_space<hbm>>
        tpu.enqueue_indirect_dma source(%dma_start3A_1572 : memref<10000x128xf32, #tpu.memory_space<hbm>>) target(%arg10 : memref<128x128xf32, #tpu.memory_space<vmem>>) offsets(%dma_start3A_1569 : memref<128xi32, #tpu.memory_space<vmem>>) semaphore(%arg14 : memref<!tpu.dma_semaphore, #tpu.memory_space<semaphore_mem>>)
      } else {
      }
      %eq3A_1087 = arith.constant 1 : i32
      %eq3A_1088 = arith.cmpi eq, %arg0, %eq3A_1087 : i32
      %convert_element_type3A_1089 = arith.extui %eq3A_1088 : i1 to i32
      %cond3A_1090 = arith.constant 0 : i32
      %cond3A_1091 = arith.cmpi ne, %convert_element_type3A_1089, %cond3A_1090 : i32
      scf.if %cond3A_1091 {
        %dma_start3A_1566 = arith.constant 0 : i32
        %dma_start3A_1567 = arith.constant 0 : i32
        %dma_start3A_1568 = tpu.memref_slice %arg7[%dma_start3A_1566, %dma_start3A_1567] : memref<8x128xi32, #tpu.memory_space<vmem>> -> memref<1x128xi32, #tpu.memory_space<vmem>>
        %dma_start3A_1569 = tpu.memref_squeeze %dma_start3A_1568 : memref<1x128xi32, #tpu.memory_space<vmem>> -> memref<128xi32, #tpu.memory_space<vmem>>
        %dma_start3A_1570 = arith.constant 0 : i32
        %dma_start3A_1571 = arith.constant 0 : i32
        %dma_start3A_1572 = tpu.memref_slice %arg3[%dma_start3A_1570, %dma_start3A_1571] : memref<10000x128xf32, #tpu.memory_space<hbm>> -> memref<10000x128xf32, #tpu.memory_space<hbm>>
        tpu.enqueue_indirect_dma source(%dma_start3A_1572 : memref<10000x128xf32, #tpu.memory_space<hbm>>) target(%arg10 : memref<128x128xf32, #tpu.memory_space<vmem>>) offsets(%dma_start3A_1569 : memref<128xi32, #tpu.memory_space<vmem>>) semaphore(%arg14 : memref<!tpu.dma_semaphore, #tpu.memory_space<semaphore_mem>>)
      } else {
      }
      %add3A_1092 = arith.constant 6 : i32
      %add3A_1093 = arith.addi %mul3A_618, %add3A_1092 : i32
      %dma_wait3A_1094 = arith.constant 0 : i32
      %dma_wait3A_1095 = arith.constant 0 : i32
      %dma_wait3A_1096 = tpu.memref_slice %arg2[%dma_wait3A_1094, %dma_wait3A_1095] : memref<10000x128xf32, #tpu.memory_space<hbm>> -> memref<128x128xf32, #tpu.memory_space<hbm>>
      %dma_wait3A_1097 = arith.constant 0 : i32
      %dma_wait3A_1098 = arith.constant 0 : i32
      %dma_wait3A_1099 = tpu.memref_slice %arg2[%dma_wait3A_1097, %dma_wait3A_1098] : memref<10000x128xf32, #tpu.memory_space<hbm>> -> memref<128x128xf32, #tpu.memory_space<hbm>>
      tpu.wait_dma2 semaphore(%arg12 : memref<!tpu.dma_semaphore, #tpu.memory_space<semaphore_mem>>) src(%dma_wait3A_1099 : memref<128x128xf32, #tpu.memory_space<hbm>>) dst(%arg8 : memref<128x128xf32, #tpu.memory_space<vmem>>)
      %run_scoped3A_1100 = arith.constant 6 : i32
      "tpu.region"() ({
        %run_scoped3A_1566 = tpu.sem_alloc : memref<!tpu.dma_semaphore, #tpu.memory_space<semaphore_mem>>
        %dma_start3A_1567 = arith.constant 0 : i32
        %dma_start3A_1568 = tpu.memref_slice %arg7[%run_scoped3A_1100, %dma_start3A_1567] : memref<8x128xi32, #tpu.memory_space<vmem>> -> memref<1x128xi32, #tpu.memory_space<vmem>>
        %dma_start3A_1569 = tpu.memref_squeeze %dma_start3A_1568 : memref<1x128xi32, #tpu.memory_space<vmem>> -> memref<128xi32, #tpu.memory_space<vmem>>
        %dma_start3A_1570 = arith.constant 0 : i32
        %dma_start3A_1571 = arith.constant 0 : i32
        %dma_start3A_1572 = tpu.memref_slice %arg11[%dma_start3A_1570, %dma_start3A_1571] : memref<10008x128xf32, #tpu.memory_space<vmem_shared>> -> memref<10008x128xf32, #tpu.memory_space<vmem_shared>>
        tpu.enqueue_indirect_dma source(%arg8 : memref<128x128xf32, #tpu.memory_space<vmem>>) target(%dma_start3A_1572 : memref<10008x128xf32, #tpu.memory_space<vmem_shared>>) offsets(%dma_start3A_1569 : memref<128xi32, #tpu.memory_space<vmem>>) semaphore(%run_scoped3A_1566 : memref<!tpu.dma_semaphore, #tpu.memory_space<semaphore_mem>>) {add = true}
        %dma_wait3A_1573 = arith.constant 0 : i32
        %dma_wait3A_1574 = tpu.memref_slice %arg7[%run_scoped3A_1100, %dma_wait3A_1573] : memref<8x128xi32, #tpu.memory_space<vmem>> -> memref<1x128xi32, #tpu.memory_space<vmem>>
        %dma_wait3A_1575 = tpu.memref_squeeze %dma_wait3A_1574 : memref<1x128xi32, #tpu.memory_space<vmem>> -> memref<128xi32, #tpu.memory_space<vmem>>
        %dma_wait3A_1576 = arith.constant 0 : i32
        %dma_wait3A_1577 = arith.constant 0 : i32
        %dma_wait3A_1578 = tpu.memref_slice %arg11[%dma_wait3A_1576, %dma_wait3A_1577] : memref<10008x128xf32, #tpu.memory_space<vmem_shared>> -> memref<10008x128xf32, #tpu.memory_space<vmem_shared>>
        tpu.wait_indirect_dma semaphore(%run_scoped3A_1566 : memref<!tpu.dma_semaphore, #tpu.memory_space<semaphore_mem>>) src(%arg8 : memref<128x128xf32, #tpu.memory_space<vmem>>) dst(%dma_wait3A_1578 : memref<10008x128xf32, #tpu.memory_space<vmem_shared>>)
        tpu.yield
      }) : () -> ()
      %add3A_1101 = arith.constant 4 : i32
      %add3A_1102 = arith.addi %add3A_1093, %add3A_1101 : i32
      %dma_start3A_1103 = arith.constant 2 : i32
      %dma_start3A_1104 = arith.constant 0 : i32
      %dma_start3A_1105 = tpu.memref_slice %arg7[%dma_start3A_1103, %dma_start3A_1104] : memref<8x128xi32, #tpu.memory_space<vmem>> -> memref<1x128xi32, #tpu.memory_space<vmem>>
      %dma_start3A_1106 = tpu.memref_squeeze %dma_start3A_1105 : memref<1x128xi32, #tpu.memory_space<vmem>> -> memref<128xi32, #tpu.memory_space<vmem>>
      %dma_start3A_1107 = arith.constant 0 : i32
      %dma_start3A_1108 = tpu.memref_slice %arg5[%arg1, %add3A_1102, %dma_start3A_1107] : memref<16x80x128xi32, #tpu.memory_space<hbm>> -> memref<1x1x128xi32, #tpu.memory_space<hbm>>
      %dma_start3A_1109 = tpu.memref_squeeze %dma_start3A_1108 : memref<1x1x128xi32, #tpu.memory_space<hbm>> -> memref<128xi32, #tpu.memory_space<hbm>>
      %dma_start3A_1110 = arith.constant 0 : i32
      %dma_start3A_1111 = tpu.memref_slice %arg7[%dma_start3A_1103, %dma_start3A_1110] : memref<8x128xi32, #tpu.memory_space<vmem>> -> memref<1x128xi32, #tpu.memory_space<vmem>>
      %dma_start3A_1112 = tpu.memref_squeeze %dma_start3A_1111 : memref<1x128xi32, #tpu.memory_space<vmem>> -> memref<128xi32, #tpu.memory_space<vmem>>
      %dma_start3A_1113 = arith.constant 0 : i32
      %dma_start3A_1114 = tpu.memref_slice %arg5[%arg1, %add3A_1102, %dma_start3A_1113] : memref<16x80x128xi32, #tpu.memory_space<hbm>> -> memref<1x1x128xi32, #tpu.memory_space<hbm>>
      %dma_start3A_1115 = tpu.memref_squeeze %dma_start3A_1114 : memref<1x1x128xi32, #tpu.memory_space<hbm>> -> memref<128xi32, #tpu.memory_space<hbm>>
      tpu.enqueue_dma source(%dma_start3A_1115 : memref<128xi32, #tpu.memory_space<hbm>>) target(%dma_start3A_1112 : memref<128xi32, #tpu.memory_space<vmem>>) target_semaphore(%arg17 : memref<!tpu.dma_semaphore, #tpu.memory_space<semaphore_mem>>)
      %dma_start3A_1116 = arith.constant 6 : i32
      %dma_start3A_1117 = arith.constant 0 : i32
      %dma_start3A_1118 = tpu.memref_slice %arg7[%dma_start3A_1116, %dma_start3A_1117] : memref<8x128xi32, #tpu.memory_space<vmem>> -> memref<1x128xi32, #tpu.memory_space<vmem>>
      %dma_start3A_1119 = tpu.memref_squeeze %dma_start3A_1118 : memref<1x128xi32, #tpu.memory_space<vmem>> -> memref<128xi32, #tpu.memory_space<vmem>>
      %dma_start3A_1120 = arith.constant 0 : i32
      %dma_start3A_1121 = tpu.memref_slice %arg4[%arg1, %add3A_1102, %dma_start3A_1120] : memref<16x80x128xi32, #tpu.memory_space<hbm>> -> memref<1x1x128xi32, #tpu.memory_space<hbm>>
      %dma_start3A_1122 = tpu.memref_squeeze %dma_start3A_1121 : memref<1x1x128xi32, #tpu.memory_space<hbm>> -> memref<128xi32, #tpu.memory_space<hbm>>
      %dma_start3A_1123 = arith.constant 0 : i32
      %dma_start3A_1124 = tpu.memref_slice %arg7[%dma_start3A_1116, %dma_start3A_1123] : memref<8x128xi32, #tpu.memory_space<vmem>> -> memref<1x128xi32, #tpu.memory_space<vmem>>
      %dma_start3A_1125 = tpu.memref_squeeze %dma_start3A_1124 : memref<1x128xi32, #tpu.memory_space<vmem>> -> memref<128xi32, #tpu.memory_space<vmem>>
      %dma_start3A_1126 = arith.constant 0 : i32
      %dma_start3A_1127 = tpu.memref_slice %arg4[%arg1, %add3A_1102, %dma_start3A_1126] : memref<16x80x128xi32, #tpu.memory_space<hbm>> -> memref<1x1x128xi32, #tpu.memory_space<hbm>>
      %dma_start3A_1128 = tpu.memref_squeeze %dma_start3A_1127 : memref<1x1x128xi32, #tpu.memory_space<hbm>> -> memref<128xi32, #tpu.memory_space<hbm>>
      tpu.enqueue_dma source(%dma_start3A_1128 : memref<128xi32, #tpu.memory_space<hbm>>) target(%dma_start3A_1125 : memref<128xi32, #tpu.memory_space<vmem>>) target_semaphore(%arg17 : memref<!tpu.dma_semaphore, #tpu.memory_space<semaphore_mem>>)
      %dma_wait3A_1129 = arith.constant 0 : i32
      %dma_wait3A_1130 = arith.constant 0 : i32
      %dma_wait3A_1131 = arith.constant 1 : i32
      %dma_wait3A_1132 = arith.constant 0 : i32
      %dma_wait3A_1133 = tpu.memref_slice %arg7[%dma_wait3A_1131, %dma_wait3A_1132] : memref<8x128xi32, #tpu.memory_space<vmem>> -> memref<1x128xi32, #tpu.memory_space<vmem>>
      %dma_wait3A_1134 = tpu.memref_squeeze %dma_wait3A_1133 : memref<1x128xi32, #tpu.memory_space<vmem>> -> memref<128xi32, #tpu.memory_space<vmem>>
      %dma_wait3A_1135 = arith.constant 0 : i32
      %dma_wait3A_1136 = tpu.memref_slice %arg5[%dma_wait3A_1129, %dma_wait3A_1130, %dma_wait3A_1135] : memref<16x80x128xi32, #tpu.memory_space<hbm>> -> memref<1x1x128xi32, #tpu.memory_space<hbm>>
      %dma_wait3A_1137 = tpu.memref_squeeze %dma_wait3A_1136 : memref<1x1x128xi32, #tpu.memory_space<hbm>> -> memref<128xi32, #tpu.memory_space<hbm>>
      %dma_wait3A_1138 = arith.constant 0 : i32
      %dma_wait3A_1139 = tpu.memref_slice %arg7[%dma_wait3A_1131, %dma_wait3A_1138] : memref<8x128xi32, #tpu.memory_space<vmem>> -> memref<1x128xi32, #tpu.memory_space<vmem>>
      %dma_wait3A_1140 = tpu.memref_squeeze %dma_wait3A_1139 : memref<1x128xi32, #tpu.memory_space<vmem>> -> memref<128xi32, #tpu.memory_space<vmem>>
      %dma_wait3A_1141 = arith.constant 0 : i32
      %dma_wait3A_1142 = tpu.memref_slice %arg5[%dma_wait3A_1129, %dma_wait3A_1130, %dma_wait3A_1141] : memref<16x80x128xi32, #tpu.memory_space<hbm>> -> memref<1x1x128xi32, #tpu.memory_space<hbm>>
      %dma_wait3A_1143 = tpu.memref_squeeze %dma_wait3A_1142 : memref<1x1x128xi32, #tpu.memory_space<hbm>> -> memref<128xi32, #tpu.memory_space<hbm>>
      tpu.wait_dma2 semaphore(%arg16 : memref<!tpu.dma_semaphore, #tpu.memory_space<semaphore_mem>>) src(%dma_wait3A_1143 : memref<128xi32, #tpu.memory_space<hbm>>) dst(%dma_wait3A_1140 : memref<128xi32, #tpu.memory_space<vmem>>)
      %dma_wait3A_1144 = arith.constant 0 : i32
      %dma_wait3A_1145 = arith.constant 0 : i32
      %dma_wait3A_1146 = arith.constant 1 : i32
      %dma_wait3A_1147 = arith.constant 0 : i32
      %dma_wait3A_1148 = tpu.memref_slice %arg7[%dma_wait3A_1146, %dma_wait3A_1147] : memref<8x128xi32, #tpu.memory_space<vmem>> -> memref<1x128xi32, #tpu.memory_space<vmem>>
      %dma_wait3A_1149 = tpu.memref_squeeze %dma_wait3A_1148 : memref<1x128xi32, #tpu.memory_space<vmem>> -> memref<128xi32, #tpu.memory_space<vmem>>
      %dma_wait3A_1150 = arith.constant 0 : i32
      %dma_wait3A_1151 = tpu.memref_slice %arg5[%dma_wait3A_1144, %dma_wait3A_1145, %dma_wait3A_1150] : memref<16x80x128xi32, #tpu.memory_space<hbm>> -> memref<1x1x128xi32, #tpu.memory_space<hbm>>
      %dma_wait3A_1152 = tpu.memref_squeeze %dma_wait3A_1151 : memref<1x1x128xi32, #tpu.memory_space<hbm>> -> memref<128xi32, #tpu.memory_space<hbm>>
      %dma_wait3A_1153 = arith.constant 0 : i32
      %dma_wait3A_1154 = tpu.memref_slice %arg7[%dma_wait3A_1146, %dma_wait3A_1153] : memref<8x128xi32, #tpu.memory_space<vmem>> -> memref<1x128xi32, #tpu.memory_space<vmem>>
      %dma_wait3A_1155 = tpu.memref_squeeze %dma_wait3A_1154 : memref<1x128xi32, #tpu.memory_space<vmem>> -> memref<128xi32, #tpu.memory_space<vmem>>
      %dma_wait3A_1156 = arith.constant 0 : i32
      %dma_wait3A_1157 = tpu.memref_slice %arg5[%dma_wait3A_1144, %dma_wait3A_1145, %dma_wait3A_1156] : memref<16x80x128xi32, #tpu.memory_space<hbm>> -> memref<1x1x128xi32, #tpu.memory_space<hbm>>
      %dma_wait3A_1158 = tpu.memref_squeeze %dma_wait3A_1157 : memref<1x1x128xi32, #tpu.memory_space<hbm>> -> memref<128xi32, #tpu.memory_space<hbm>>
      tpu.wait_dma2 semaphore(%arg16 : memref<!tpu.dma_semaphore, #tpu.memory_space<semaphore_mem>>) src(%dma_wait3A_1158 : memref<128xi32, #tpu.memory_space<hbm>>) dst(%dma_wait3A_1155 : memref<128xi32, #tpu.memory_space<vmem>>)
      %add3A_1159 = arith.constant 3 : i32
      %add3A_1160 = arith.addi %add3A_1093, %add3A_1159 : i32
      %eq3A_1161 = arith.constant 0 : i32
      %eq3A_1162 = arith.cmpi eq, %arg0, %eq3A_1161 : i32
      %convert_element_type3A_1163 = arith.extui %eq3A_1162 : i1 to i32
      %cond3A_1164 = arith.constant 0 : i32
      %cond3A_1165 = arith.cmpi ne, %convert_element_type3A_1163, %cond3A_1164 : i32
      scf.if %cond3A_1165 {
        %dma_start3A_1566 = arith.constant 1 : i32
        %dma_start3A_1567 = arith.constant 0 : i32
        %dma_start3A_1568 = tpu.memref_slice %arg7[%dma_start3A_1566, %dma_start3A_1567] : memref<8x128xi32, #tpu.memory_space<vmem>> -> memref<1x128xi32, #tpu.memory_space<vmem>>
        %dma_start3A_1569 = tpu.memref_squeeze %dma_start3A_1568 : memref<1x128xi32, #tpu.memory_space<vmem>> -> memref<128xi32, #tpu.memory_space<vmem>>
        %dma_start3A_1570 = arith.constant 0 : i32
        %dma_start3A_1571 = arith.constant 0 : i32
        %dma_start3A_1572 = tpu.memref_slice %arg2[%dma_start3A_1570, %dma_start3A_1571] : memref<10000x128xf32, #tpu.memory_space<hbm>> -> memref<10000x128xf32, #tpu.memory_space<hbm>>
        tpu.enqueue_indirect_dma source(%dma_start3A_1572 : memref<10000x128xf32, #tpu.memory_space<hbm>>) target(%arg8 : memref<128x128xf32, #tpu.memory_space<vmem>>) offsets(%dma_start3A_1569 : memref<128xi32, #tpu.memory_space<vmem>>) semaphore(%arg12 : memref<!tpu.dma_semaphore, #tpu.memory_space<semaphore_mem>>)
      } else {
      }
      %eq3A_1166 = arith.constant 1 : i32
      %eq3A_1167 = arith.cmpi eq, %arg0, %eq3A_1166 : i32
      %convert_element_type3A_1168 = arith.extui %eq3A_1167 : i1 to i32
      %cond3A_1169 = arith.constant 0 : i32
      %cond3A_1170 = arith.cmpi ne, %convert_element_type3A_1168, %cond3A_1169 : i32
      scf.if %cond3A_1170 {
        %dma_start3A_1566 = arith.constant 1 : i32
        %dma_start3A_1567 = arith.constant 0 : i32
        %dma_start3A_1568 = tpu.memref_slice %arg7[%dma_start3A_1566, %dma_start3A_1567] : memref<8x128xi32, #tpu.memory_space<vmem>> -> memref<1x128xi32, #tpu.memory_space<vmem>>
        %dma_start3A_1569 = tpu.memref_squeeze %dma_start3A_1568 : memref<1x128xi32, #tpu.memory_space<vmem>> -> memref<128xi32, #tpu.memory_space<vmem>>
        %dma_start3A_1570 = arith.constant 0 : i32
        %dma_start3A_1571 = arith.constant 0 : i32
        %dma_start3A_1572 = tpu.memref_slice %arg3[%dma_start3A_1570, %dma_start3A_1571] : memref<10000x128xf32, #tpu.memory_space<hbm>> -> memref<10000x128xf32, #tpu.memory_space<hbm>>
        tpu.enqueue_indirect_dma source(%dma_start3A_1572 : memref<10000x128xf32, #tpu.memory_space<hbm>>) target(%arg8 : memref<128x128xf32, #tpu.memory_space<vmem>>) offsets(%dma_start3A_1569 : memref<128xi32, #tpu.memory_space<vmem>>) semaphore(%arg12 : memref<!tpu.dma_semaphore, #tpu.memory_space<semaphore_mem>>)
      } else {
      }
      %add3A_1171 = arith.constant 7 : i32
      %add3A_1172 = arith.addi %mul3A_618, %add3A_1171 : i32
      %dma_wait3A_1173 = arith.constant 0 : i32
      %dma_wait3A_1174 = arith.constant 0 : i32
      %dma_wait3A_1175 = tpu.memref_slice %arg2[%dma_wait3A_1173, %dma_wait3A_1174] : memref<10000x128xf32, #tpu.memory_space<hbm>> -> memref<128x128xf32, #tpu.memory_space<hbm>>
      %dma_wait3A_1176 = arith.constant 0 : i32
      %dma_wait3A_1177 = arith.constant 0 : i32
      %dma_wait3A_1178 = tpu.memref_slice %arg2[%dma_wait3A_1176, %dma_wait3A_1177] : memref<10000x128xf32, #tpu.memory_space<hbm>> -> memref<128x128xf32, #tpu.memory_space<hbm>>
      tpu.wait_dma2 semaphore(%arg13 : memref<!tpu.dma_semaphore, #tpu.memory_space<semaphore_mem>>) src(%dma_wait3A_1178 : memref<128x128xf32, #tpu.memory_space<hbm>>) dst(%arg9 : memref<128x128xf32, #tpu.memory_space<vmem>>)
      %run_scoped3A_1179 = arith.constant 7 : i32
      "tpu.region"() ({
        %run_scoped3A_1566 = tpu.sem_alloc : memref<!tpu.dma_semaphore, #tpu.memory_space<semaphore_mem>>
        %dma_start3A_1567 = arith.constant 0 : i32
        %dma_start3A_1568 = tpu.memref_slice %arg7[%run_scoped3A_1179, %dma_start3A_1567] : memref<8x128xi32, #tpu.memory_space<vmem>> -> memref<1x128xi32, #tpu.memory_space<vmem>>
        %dma_start3A_1569 = tpu.memref_squeeze %dma_start3A_1568 : memref<1x128xi32, #tpu.memory_space<vmem>> -> memref<128xi32, #tpu.memory_space<vmem>>
        %dma_start3A_1570 = arith.constant 0 : i32
        %dma_start3A_1571 = arith.constant 0 : i32
        %dma_start3A_1572 = tpu.memref_slice %arg11[%dma_start3A_1570, %dma_start3A_1571] : memref<10008x128xf32, #tpu.memory_space<vmem_shared>> -> memref<10008x128xf32, #tpu.memory_space<vmem_shared>>
        tpu.enqueue_indirect_dma source(%arg9 : memref<128x128xf32, #tpu.memory_space<vmem>>) target(%dma_start3A_1572 : memref<10008x128xf32, #tpu.memory_space<vmem_shared>>) offsets(%dma_start3A_1569 : memref<128xi32, #tpu.memory_space<vmem>>) semaphore(%run_scoped3A_1566 : memref<!tpu.dma_semaphore, #tpu.memory_space<semaphore_mem>>) {add = true}
        %dma_wait3A_1573 = arith.constant 0 : i32
        %dma_wait3A_1574 = tpu.memref_slice %arg7[%run_scoped3A_1179, %dma_wait3A_1573] : memref<8x128xi32, #tpu.memory_space<vmem>> -> memref<1x128xi32, #tpu.memory_space<vmem>>
        %dma_wait3A_1575 = tpu.memref_squeeze %dma_wait3A_1574 : memref<1x128xi32, #tpu.memory_space<vmem>> -> memref<128xi32, #tpu.memory_space<vmem>>
        %dma_wait3A_1576 = arith.constant 0 : i32
        %dma_wait3A_1577 = arith.constant 0 : i32
        %dma_wait3A_1578 = tpu.memref_slice %arg11[%dma_wait3A_1576, %dma_wait3A_1577] : memref<10008x128xf32, #tpu.memory_space<vmem_shared>> -> memref<10008x128xf32, #tpu.memory_space<vmem_shared>>
        tpu.wait_indirect_dma semaphore(%run_scoped3A_1566 : memref<!tpu.dma_semaphore, #tpu.memory_space<semaphore_mem>>) src(%arg9 : memref<128x128xf32, #tpu.memory_space<vmem>>) dst(%dma_wait3A_1578 : memref<10008x128xf32, #tpu.memory_space<vmem_shared>>)
        tpu.yield
      }) : () -> ()
      %add3A_1180 = arith.constant 4 : i32
      %add3A_1181 = arith.addi %add3A_1172, %add3A_1180 : i32
      %dma_start3A_1182 = arith.constant 3 : i32
      %dma_start3A_1183 = arith.constant 0 : i32
      %dma_start3A_1184 = tpu.memref_slice %arg7[%dma_start3A_1182, %dma_start3A_1183] : memref<8x128xi32, #tpu.memory_space<vmem>> -> memref<1x128xi32, #tpu.memory_space<vmem>>
      %dma_start3A_1185 = tpu.memref_squeeze %dma_start3A_1184 : memref<1x128xi32, #tpu.memory_space<vmem>> -> memref<128xi32, #tpu.memory_space<vmem>>
      %dma_start3A_1186 = arith.constant 0 : i32
      %dma_start3A_1187 = tpu.memref_slice %arg5[%arg1, %add3A_1181, %dma_start3A_1186] : memref<16x80x128xi32, #tpu.memory_space<hbm>> -> memref<1x1x128xi32, #tpu.memory_space<hbm>>
      %dma_start3A_1188 = tpu.memref_squeeze %dma_start3A_1187 : memref<1x1x128xi32, #tpu.memory_space<hbm>> -> memref<128xi32, #tpu.memory_space<hbm>>
      %dma_start3A_1189 = arith.constant 0 : i32
      %dma_start3A_1190 = tpu.memref_slice %arg7[%dma_start3A_1182, %dma_start3A_1189] : memref<8x128xi32, #tpu.memory_space<vmem>> -> memref<1x128xi32, #tpu.memory_space<vmem>>
      %dma_start3A_1191 = tpu.memref_squeeze %dma_start3A_1190 : memref<1x128xi32, #tpu.memory_space<vmem>> -> memref<128xi32, #tpu.memory_space<vmem>>
      %dma_start3A_1192 = arith.constant 0 : i32
      %dma_start3A_1193 = tpu.memref_slice %arg5[%arg1, %add3A_1181, %dma_start3A_1192] : memref<16x80x128xi32, #tpu.memory_space<hbm>> -> memref<1x1x128xi32, #tpu.memory_space<hbm>>
      %dma_start3A_1194 = tpu.memref_squeeze %dma_start3A_1193 : memref<1x1x128xi32, #tpu.memory_space<hbm>> -> memref<128xi32, #tpu.memory_space<hbm>>
      tpu.enqueue_dma source(%dma_start3A_1194 : memref<128xi32, #tpu.memory_space<hbm>>) target(%dma_start3A_1191 : memref<128xi32, #tpu.memory_space<vmem>>) target_semaphore(%arg18 : memref<!tpu.dma_semaphore, #tpu.memory_space<semaphore_mem>>)
      %dma_start3A_1195 = arith.constant 7 : i32
      %dma_start3A_1196 = arith.constant 0 : i32
      %dma_start3A_1197 = tpu.memref_slice %arg7[%dma_start3A_1195, %dma_start3A_1196] : memref<8x128xi32, #tpu.memory_space<vmem>> -> memref<1x128xi32, #tpu.memory_space<vmem>>
      %dma_start3A_1198 = tpu.memref_squeeze %dma_start3A_1197 : memref<1x128xi32, #tpu.memory_space<vmem>> -> memref<128xi32, #tpu.memory_space<vmem>>
      %dma_start3A_1199 = arith.constant 0 : i32
      %dma_start3A_1200 = tpu.memref_slice %arg4[%arg1, %add3A_1181, %dma_start3A_1199] : memref<16x80x128xi32, #tpu.memory_space<hbm>> -> memref<1x1x128xi32, #tpu.memory_space<hbm>>
      %dma_start3A_1201 = tpu.memref_squeeze %dma_start3A_1200 : memref<1x1x128xi32, #tpu.memory_space<hbm>> -> memref<128xi32, #tpu.memory_space<hbm>>
      %dma_start3A_1202 = arith.constant 0 : i32
      %dma_start3A_1203 = tpu.memref_slice %arg7[%dma_start3A_1195, %dma_start3A_1202] : memref<8x128xi32, #tpu.memory_space<vmem>> -> memref<1x128xi32, #tpu.memory_space<vmem>>
      %dma_start3A_1204 = tpu.memref_squeeze %dma_start3A_1203 : memref<1x128xi32, #tpu.memory_space<vmem>> -> memref<128xi32, #tpu.memory_space<vmem>>
      %dma_start3A_1205 = arith.constant 0 : i32
      %dma_start3A_1206 = tpu.memref_slice %arg4[%arg1, %add3A_1181, %dma_start3A_1205] : memref<16x80x128xi32, #tpu.memory_space<hbm>> -> memref<1x1x128xi32, #tpu.memory_space<hbm>>
      %dma_start3A_1207 = tpu.memref_squeeze %dma_start3A_1206 : memref<1x1x128xi32, #tpu.memory_space<hbm>> -> memref<128xi32, #tpu.memory_space<hbm>>
      tpu.enqueue_dma source(%dma_start3A_1207 : memref<128xi32, #tpu.memory_space<hbm>>) target(%dma_start3A_1204 : memref<128xi32, #tpu.memory_space<vmem>>) target_semaphore(%arg18 : memref<!tpu.dma_semaphore, #tpu.memory_space<semaphore_mem>>)
      %dma_wait3A_1208 = arith.constant 0 : i32
      %dma_wait3A_1209 = arith.constant 0 : i32
      %dma_wait3A_1210 = arith.constant 2 : i32
      %dma_wait3A_1211 = arith.constant 0 : i32
      %dma_wait3A_1212 = tpu.memref_slice %arg7[%dma_wait3A_1210, %dma_wait3A_1211] : memref<8x128xi32, #tpu.memory_space<vmem>> -> memref<1x128xi32, #tpu.memory_space<vmem>>
      %dma_wait3A_1213 = tpu.memref_squeeze %dma_wait3A_1212 : memref<1x128xi32, #tpu.memory_space<vmem>> -> memref<128xi32, #tpu.memory_space<vmem>>
      %dma_wait3A_1214 = arith.constant 0 : i32
      %dma_wait3A_1215 = tpu.memref_slice %arg5[%dma_wait3A_1208, %dma_wait3A_1209, %dma_wait3A_1214] : memref<16x80x128xi32, #tpu.memory_space<hbm>> -> memref<1x1x128xi32, #tpu.memory_space<hbm>>
      %dma_wait3A_1216 = tpu.memref_squeeze %dma_wait3A_1215 : memref<1x1x128xi32, #tpu.memory_space<hbm>> -> memref<128xi32, #tpu.memory_space<hbm>>
      %dma_wait3A_1217 = arith.constant 0 : i32
      %dma_wait3A_1218 = tpu.memref_slice %arg7[%dma_wait3A_1210, %dma_wait3A_1217] : memref<8x128xi32, #tpu.memory_space<vmem>> -> memref<1x128xi32, #tpu.memory_space<vmem>>
      %dma_wait3A_1219 = tpu.memref_squeeze %dma_wait3A_1218 : memref<1x128xi32, #tpu.memory_space<vmem>> -> memref<128xi32, #tpu.memory_space<vmem>>
      %dma_wait3A_1220 = arith.constant 0 : i32
      %dma_wait3A_1221 = tpu.memref_slice %arg5[%dma_wait3A_1208, %dma_wait3A_1209, %dma_wait3A_1220] : memref<16x80x128xi32, #tpu.memory_space<hbm>> -> memref<1x1x128xi32, #tpu.memory_space<hbm>>
      %dma_wait3A_1222 = tpu.memref_squeeze %dma_wait3A_1221 : memref<1x1x128xi32, #tpu.memory_space<hbm>> -> memref<128xi32, #tpu.memory_space<hbm>>
      tpu.wait_dma2 semaphore(%arg17 : memref<!tpu.dma_semaphore, #tpu.memory_space<semaphore_mem>>) src(%dma_wait3A_1222 : memref<128xi32, #tpu.memory_space<hbm>>) dst(%dma_wait3A_1219 : memref<128xi32, #tpu.memory_space<vmem>>)
      %dma_wait3A_1223 = arith.constant 0 : i32
      %dma_wait3A_1224 = arith.constant 0 : i32
      %dma_wait3A_1225 = arith.constant 2 : i32
      %dma_wait3A_1226 = arith.constant 0 : i32
      %dma_wait3A_1227 = tpu.memref_slice %arg7[%dma_wait3A_1225, %dma_wait3A_1226] : memref<8x128xi32, #tpu.memory_space<vmem>> -> memref<1x128xi32, #tpu.memory_space<vmem>>
      %dma_wait3A_1228 = tpu.memref_squeeze %dma_wait3A_1227 : memref<1x128xi32, #tpu.memory_space<vmem>> -> memref<128xi32, #tpu.memory_space<vmem>>
      %dma_wait3A_1229 = arith.constant 0 : i32
      %dma_wait3A_1230 = tpu.memref_slice %arg5[%dma_wait3A_1223, %dma_wait3A_1224, %dma_wait3A_1229] : memref<16x80x128xi32, #tpu.memory_space<hbm>> -> memref<1x1x128xi32, #tpu.memory_space<hbm>>
      %dma_wait3A_1231 = tpu.memref_squeeze %dma_wait3A_1230 : memref<1x1x128xi32, #tpu.memory_space<hbm>> -> memref<128xi32, #tpu.memory_space<hbm>>
      %dma_wait3A_1232 = arith.constant 0 : i32
      %dma_wait3A_1233 = tpu.memref_slice %arg7[%dma_wait3A_1225, %dma_wait3A_1232] : memref<8x128xi32, #tpu.memory_space<vmem>> -> memref<1x128xi32, #tpu.memory_space<vmem>>
      %dma_wait3A_1234 = tpu.memref_squeeze %dma_wait3A_1233 : memref<1x128xi32, #tpu.memory_space<vmem>> -> memref<128xi32, #tpu.memory_space<vmem>>
      %dma_wait3A_1235 = arith.constant 0 : i32
      %dma_wait3A_1236 = tpu.memref_slice %arg5[%dma_wait3A_1223, %dma_wait3A_1224, %dma_wait3A_1235] : memref<16x80x128xi32, #tpu.memory_space<hbm>> -> memref<1x1x128xi32, #tpu.memory_space<hbm>>
      %dma_wait3A_1237 = tpu.memref_squeeze %dma_wait3A_1236 : memref<1x1x128xi32, #tpu.memory_space<hbm>> -> memref<128xi32, #tpu.memory_space<hbm>>
      tpu.wait_dma2 semaphore(%arg17 : memref<!tpu.dma_semaphore, #tpu.memory_space<semaphore_mem>>) src(%dma_wait3A_1237 : memref<128xi32, #tpu.memory_space<hbm>>) dst(%dma_wait3A_1234 : memref<128xi32, #tpu.memory_space<vmem>>)
      %add3A_1238 = arith.constant 3 : i32
      %add3A_1239 = arith.addi %add3A_1172, %add3A_1238 : i32
      %eq3A_1240 = arith.constant 0 : i32
      %eq3A_1241 = arith.cmpi eq, %arg0, %eq3A_1240 : i32
      %convert_element_type3A_1242 = arith.extui %eq3A_1241 : i1 to i32
      %cond3A_1243 = arith.constant 0 : i32
      %cond3A_1244 = arith.cmpi ne, %convert_element_type3A_1242, %cond3A_1243 : i32
      scf.if %cond3A_1244 {
        %dma_start3A_1566 = arith.constant 2 : i32
        %dma_start3A_1567 = arith.constant 0 : i32
        %dma_start3A_1568 = tpu.memref_slice %arg7[%dma_start3A_1566, %dma_start3A_1567] : memref<8x128xi32, #tpu.memory_space<vmem>> -> memref<1x128xi32, #tpu.memory_space<vmem>>
        %dma_start3A_1569 = tpu.memref_squeeze %dma_start3A_1568 : memref<1x128xi32, #tpu.memory_space<vmem>> -> memref<128xi32, #tpu.memory_space<vmem>>
        %dma_start3A_1570 = arith.constant 0 : i32
        %dma_start3A_1571 = arith.constant 0 : i32
        %dma_start3A_1572 = tpu.memref_slice %arg2[%dma_start3A_1570, %dma_start3A_1571] : memref<10000x128xf32, #tpu.memory_space<hbm>> -> memref<10000x128xf32, #tpu.memory_space<hbm>>
        tpu.enqueue_indirect_dma source(%dma_start3A_1572 : memref<10000x128xf32, #tpu.memory_space<hbm>>) target(%arg9 : memref<128x128xf32, #tpu.memory_space<vmem>>) offsets(%dma_start3A_1569 : memref<128xi32, #tpu.memory_space<vmem>>) semaphore(%arg13 : memref<!tpu.dma_semaphore, #tpu.memory_space<semaphore_mem>>)
      } else {
      }
      %eq3A_1245 = arith.constant 1 : i32
      %eq3A_1246 = arith.cmpi eq, %arg0, %eq3A_1245 : i32
      %convert_element_type3A_1247 = arith.extui %eq3A_1246 : i1 to i32
      %cond3A_1248 = arith.constant 0 : i32
      %cond3A_1249 = arith.cmpi ne, %convert_element_type3A_1247, %cond3A_1248 : i32
      scf.if %cond3A_1249 {
        %dma_start3A_1566 = arith.constant 2 : i32
        %dma_start3A_1567 = arith.constant 0 : i32
        %dma_start3A_1568 = tpu.memref_slice %arg7[%dma_start3A_1566, %dma_start3A_1567] : memref<8x128xi32, #tpu.memory_space<vmem>> -> memref<1x128xi32, #tpu.memory_space<vmem>>
        %dma_start3A_1569 = tpu.memref_squeeze %dma_start3A_1568 : memref<1x128xi32, #tpu.memory_space<vmem>> -> memref<128xi32, #tpu.memory_space<vmem>>
        %dma_start3A_1570 = arith.constant 0 : i32
        %dma_start3A_1571 = arith.constant 0 : i32
        %dma_start3A_1572 = tpu.memref_slice %arg3[%dma_start3A_1570, %dma_start3A_1571] : memref<10000x128xf32, #tpu.memory_space<hbm>> -> memref<10000x128xf32, #tpu.memory_space<hbm>>
        tpu.enqueue_indirect_dma source(%dma_start3A_1572 : memref<10000x128xf32, #tpu.memory_space<hbm>>) target(%arg9 : memref<128x128xf32, #tpu.memory_space<vmem>>) offsets(%dma_start3A_1569 : memref<128xi32, #tpu.memory_space<vmem>>) semaphore(%arg13 : memref<!tpu.dma_semaphore, #tpu.memory_space<semaphore_mem>>)
      } else {
      }
      %add3A_1250 = arith.constant 8 : i32
      %add3A_1251 = arith.addi %mul3A_618, %add3A_1250 : i32
      %dma_wait3A_1252 = arith.constant 0 : i32
      %dma_wait3A_1253 = arith.constant 0 : i32
      %dma_wait3A_1254 = tpu.memref_slice %arg2[%dma_wait3A_1252, %dma_wait3A_1253] : memref<10000x128xf32, #tpu.memory_space<hbm>> -> memref<128x128xf32, #tpu.memory_space<hbm>>
      %dma_wait3A_1255 = arith.constant 0 : i32
      %dma_wait3A_1256 = arith.constant 0 : i32
      %dma_wait3A_1257 = tpu.memref_slice %arg2[%dma_wait3A_1255, %dma_wait3A_1256] : memref<10000x128xf32, #tpu.memory_space<hbm>> -> memref<128x128xf32, #tpu.memory_space<hbm>>
      tpu.wait_dma2 semaphore(%arg14 : memref<!tpu.dma_semaphore, #tpu.memory_space<semaphore_mem>>) src(%dma_wait3A_1257 : memref<128x128xf32, #tpu.memory_space<hbm>>) dst(%arg10 : memref<128x128xf32, #tpu.memory_space<vmem>>)
      %run_scoped3A_1258 = arith.constant 4 : i32
      "tpu.region"() ({
        %run_scoped3A_1566 = tpu.sem_alloc : memref<!tpu.dma_semaphore, #tpu.memory_space<semaphore_mem>>
        %dma_start3A_1567 = arith.constant 0 : i32
        %dma_start3A_1568 = tpu.memref_slice %arg7[%run_scoped3A_1258, %dma_start3A_1567] : memref<8x128xi32, #tpu.memory_space<vmem>> -> memref<1x128xi32, #tpu.memory_space<vmem>>
        %dma_start3A_1569 = tpu.memref_squeeze %dma_start3A_1568 : memref<1x128xi32, #tpu.memory_space<vmem>> -> memref<128xi32, #tpu.memory_space<vmem>>
        %dma_start3A_1570 = arith.constant 0 : i32
        %dma_start3A_1571 = arith.constant 0 : i32
        %dma_start3A_1572 = tpu.memref_slice %arg11[%dma_start3A_1570, %dma_start3A_1571] : memref<10008x128xf32, #tpu.memory_space<vmem_shared>> -> memref<10008x128xf32, #tpu.memory_space<vmem_shared>>
        tpu.enqueue_indirect_dma source(%arg10 : memref<128x128xf32, #tpu.memory_space<vmem>>) target(%dma_start3A_1572 : memref<10008x128xf32, #tpu.memory_space<vmem_shared>>) offsets(%dma_start3A_1569 : memref<128xi32, #tpu.memory_space<vmem>>) semaphore(%run_scoped3A_1566 : memref<!tpu.dma_semaphore, #tpu.memory_space<semaphore_mem>>) {add = true}
        %dma_wait3A_1573 = arith.constant 0 : i32
        %dma_wait3A_1574 = tpu.memref_slice %arg7[%run_scoped3A_1258, %dma_wait3A_1573] : memref<8x128xi32, #tpu.memory_space<vmem>> -> memref<1x128xi32, #tpu.memory_space<vmem>>
        %dma_wait3A_1575 = tpu.memref_squeeze %dma_wait3A_1574 : memref<1x128xi32, #tpu.memory_space<vmem>> -> memref<128xi32, #tpu.memory_space<vmem>>
        %dma_wait3A_1576 = arith.constant 0 : i32
        %dma_wait3A_1577 = arith.constant 0 : i32
        %dma_wait3A_1578 = tpu.memref_slice %arg11[%dma_wait3A_1576, %dma_wait3A_1577] : memref<10008x128xf32, #tpu.memory_space<vmem_shared>> -> memref<10008x128xf32, #tpu.memory_space<vmem_shared>>
        tpu.wait_indirect_dma semaphore(%run_scoped3A_1566 : memref<!tpu.dma_semaphore, #tpu.memory_space<semaphore_mem>>) src(%arg10 : memref<128x128xf32, #tpu.memory_space<vmem>>) dst(%dma_wait3A_1578 : memref<10008x128xf32, #tpu.memory_space<vmem_shared>>)
        tpu.yield
      }) : () -> ()
      %add3A_1259 = arith.constant 4 : i32
      %add3A_1260 = arith.addi %add3A_1251, %add3A_1259 : i32
      %dma_start3A_1261 = arith.constant 0 : i32
      %dma_start3A_1262 = arith.constant 0 : i32
      %dma_start3A_1263 = tpu.memref_slice %arg7[%dma_start3A_1261, %dma_start3A_1262] : memref<8x128xi32, #tpu.memory_space<vmem>> -> memref<1x128xi32, #tpu.memory_space<vmem>>
      %dma_start3A_1264 = tpu.memref_squeeze %dma_start3A_1263 : memref<1x128xi32, #tpu.memory_space<vmem>> -> memref<128xi32, #tpu.memory_space<vmem>>
      %dma_start3A_1265 = arith.constant 0 : i32
      %dma_start3A_1266 = tpu.memref_slice %arg5[%arg1, %add3A_1260, %dma_start3A_1265] : memref<16x80x128xi32, #tpu.memory_space<hbm>> -> memref<1x1x128xi32, #tpu.memory_space<hbm>>
      %dma_start3A_1267 = tpu.memref_squeeze %dma_start3A_1266 : memref<1x1x128xi32, #tpu.memory_space<hbm>> -> memref<128xi32, #tpu.memory_space<hbm>>
      %dma_start3A_1268 = arith.constant 0 : i32
      %dma_start3A_1269 = tpu.memref_slice %arg7[%dma_start3A_1261, %dma_start3A_1268] : memref<8x128xi32, #tpu.memory_space<vmem>> -> memref<1x128xi32, #tpu.memory_space<vmem>>
      %dma_start3A_1270 = tpu.memref_squeeze %dma_start3A_1269 : memref<1x128xi32, #tpu.memory_space<vmem>> -> memref<128xi32, #tpu.memory_space<vmem>>
      %dma_start3A_1271 = arith.constant 0 : i32
      %dma_start3A_1272 = tpu.memref_slice %arg5[%arg1, %add3A_1260, %dma_start3A_1271] : memref<16x80x128xi32, #tpu.memory_space<hbm>> -> memref<1x1x128xi32, #tpu.memory_space<hbm>>
      %dma_start3A_1273 = tpu.memref_squeeze %dma_start3A_1272 : memref<1x1x128xi32, #tpu.memory_space<hbm>> -> memref<128xi32, #tpu.memory_space<hbm>>
      tpu.enqueue_dma source(%dma_start3A_1273 : memref<128xi32, #tpu.memory_space<hbm>>) target(%dma_start3A_1270 : memref<128xi32, #tpu.memory_space<vmem>>) target_semaphore(%arg15 : memref<!tpu.dma_semaphore, #tpu.memory_space<semaphore_mem>>)
      %dma_start3A_1274 = arith.constant 4 : i32
      %dma_start3A_1275 = arith.constant 0 : i32
      %dma_start3A_1276 = tpu.memref_slice %arg7[%dma_start3A_1274, %dma_start3A_1275] : memref<8x128xi32, #tpu.memory_space<vmem>> -> memref<1x128xi32, #tpu.memory_space<vmem>>
      %dma_start3A_1277 = tpu.memref_squeeze %dma_start3A_1276 : memref<1x128xi32, #tpu.memory_space<vmem>> -> memref<128xi32, #tpu.memory_space<vmem>>
      %dma_start3A_1278 = arith.constant 0 : i32
      %dma_start3A_1279 = tpu.memref_slice %arg4[%arg1, %add3A_1260, %dma_start3A_1278] : memref<16x80x128xi32, #tpu.memory_space<hbm>> -> memref<1x1x128xi32, #tpu.memory_space<hbm>>
      %dma_start3A_1280 = tpu.memref_squeeze %dma_start3A_1279 : memref<1x1x128xi32, #tpu.memory_space<hbm>> -> memref<128xi32, #tpu.memory_space<hbm>>
      %dma_start3A_1281 = arith.constant 0 : i32
      %dma_start3A_1282 = tpu.memref_slice %arg7[%dma_start3A_1274, %dma_start3A_1281] : memref<8x128xi32, #tpu.memory_space<vmem>> -> memref<1x128xi32, #tpu.memory_space<vmem>>
      %dma_start3A_1283 = tpu.memref_squeeze %dma_start3A_1282 : memref<1x128xi32, #tpu.memory_space<vmem>> -> memref<128xi32, #tpu.memory_space<vmem>>
      %dma_start3A_1284 = arith.constant 0 : i32
      %dma_start3A_1285 = tpu.memref_slice %arg4[%arg1, %add3A_1260, %dma_start3A_1284] : memref<16x80x128xi32, #tpu.memory_space<hbm>> -> memref<1x1x128xi32, #tpu.memory_space<hbm>>
      %dma_start3A_1286 = tpu.memref_squeeze %dma_start3A_1285 : memref<1x1x128xi32, #tpu.memory_space<hbm>> -> memref<128xi32, #tpu.memory_space<hbm>>
      tpu.enqueue_dma source(%dma_start3A_1286 : memref<128xi32, #tpu.memory_space<hbm>>) target(%dma_start3A_1283 : memref<128xi32, #tpu.memory_space<vmem>>) target_semaphore(%arg15 : memref<!tpu.dma_semaphore, #tpu.memory_space<semaphore_mem>>)
      %dma_wait3A_1287 = arith.constant 0 : i32
      %dma_wait3A_1288 = arith.constant 0 : i32
      %dma_wait3A_1289 = arith.constant 3 : i32
      %dma_wait3A_1290 = arith.constant 0 : i32
      %dma_wait3A_1291 = tpu.memref_slice %arg7[%dma_wait3A_1289, %dma_wait3A_1290] : memref<8x128xi32, #tpu.memory_space<vmem>> -> memref<1x128xi32, #tpu.memory_space<vmem>>
      %dma_wait3A_1292 = tpu.memref_squeeze %dma_wait3A_1291 : memref<1x128xi32, #tpu.memory_space<vmem>> -> memref<128xi32, #tpu.memory_space<vmem>>
      %dma_wait3A_1293 = arith.constant 0 : i32
      %dma_wait3A_1294 = tpu.memref_slice %arg5[%dma_wait3A_1287, %dma_wait3A_1288, %dma_wait3A_1293] : memref<16x80x128xi32, #tpu.memory_space<hbm>> -> memref<1x1x128xi32, #tpu.memory_space<hbm>>
      %dma_wait3A_1295 = tpu.memref_squeeze %dma_wait3A_1294 : memref<1x1x128xi32, #tpu.memory_space<hbm>> -> memref<128xi32, #tpu.memory_space<hbm>>
      %dma_wait3A_1296 = arith.constant 0 : i32
      %dma_wait3A_1297 = tpu.memref_slice %arg7[%dma_wait3A_1289, %dma_wait3A_1296] : memref<8x128xi32, #tpu.memory_space<vmem>> -> memref<1x128xi32, #tpu.memory_space<vmem>>
      %dma_wait3A_1298 = tpu.memref_squeeze %dma_wait3A_1297 : memref<1x128xi32, #tpu.memory_space<vmem>> -> memref<128xi32, #tpu.memory_space<vmem>>
      %dma_wait3A_1299 = arith.constant 0 : i32
      %dma_wait3A_1300 = tpu.memref_slice %arg5[%dma_wait3A_1287, %dma_wait3A_1288, %dma_wait3A_1299] : memref<16x80x128xi32, #tpu.memory_space<hbm>> -> memref<1x1x128xi32, #tpu.memory_space<hbm>>
      %dma_wait3A_1301 = tpu.memref_squeeze %dma_wait3A_1300 : memref<1x1x128xi32, #tpu.memory_space<hbm>> -> memref<128xi32, #tpu.memory_space<hbm>>
      tpu.wait_dma2 semaphore(%arg18 : memref<!tpu.dma_semaphore, #tpu.memory_space<semaphore_mem>>) src(%dma_wait3A_1301 : memref<128xi32, #tpu.memory_space<hbm>>) dst(%dma_wait3A_1298 : memref<128xi32, #tpu.memory_space<vmem>>)
      %dma_wait3A_1302 = arith.constant 0 : i32
      %dma_wait3A_1303 = arith.constant 0 : i32
      %dma_wait3A_1304 = arith.constant 3 : i32
      %dma_wait3A_1305 = arith.constant 0 : i32
      %dma_wait3A_1306 = tpu.memref_slice %arg7[%dma_wait3A_1304, %dma_wait3A_1305] : memref<8x128xi32, #tpu.memory_space<vmem>> -> memref<1x128xi32, #tpu.memory_space<vmem>>
      %dma_wait3A_1307 = tpu.memref_squeeze %dma_wait3A_1306 : memref<1x128xi32, #tpu.memory_space<vmem>> -> memref<128xi32, #tpu.memory_space<vmem>>
      %dma_wait3A_1308 = arith.constant 0 : i32
      %dma_wait3A_1309 = tpu.memref_slice %arg5[%dma_wait3A_1302, %dma_wait3A_1303, %dma_wait3A_1308] : memref<16x80x128xi32, #tpu.memory_space<hbm>> -> memref<1x1x128xi32, #tpu.memory_space<hbm>>
      %dma_wait3A_1310 = tpu.memref_squeeze %dma_wait3A_1309 : memref<1x1x128xi32, #tpu.memory_space<hbm>> -> memref<128xi32, #tpu.memory_space<hbm>>
      %dma_wait3A_1311 = arith.constant 0 : i32
      %dma_wait3A_1312 = tpu.memref_slice %arg7[%dma_wait3A_1304, %dma_wait3A_1311] : memref<8x128xi32, #tpu.memory_space<vmem>> -> memref<1x128xi32, #tpu.memory_space<vmem>>
      %dma_wait3A_1313 = tpu.memref_squeeze %dma_wait3A_1312 : memref<1x128xi32, #tpu.memory_space<vmem>> -> memref<128xi32, #tpu.memory_space<vmem>>
      %dma_wait3A_1314 = arith.constant 0 : i32
      %dma_wait3A_1315 = tpu.memref_slice %arg5[%dma_wait3A_1302, %dma_wait3A_1303, %dma_wait3A_1314] : memref<16x80x128xi32, #tpu.memory_space<hbm>> -> memref<1x1x128xi32, #tpu.memory_space<hbm>>
      %dma_wait3A_1316 = tpu.memref_squeeze %dma_wait3A_1315 : memref<1x1x128xi32, #tpu.memory_space<hbm>> -> memref<128xi32, #tpu.memory_space<hbm>>
      tpu.wait_dma2 semaphore(%arg18 : memref<!tpu.dma_semaphore, #tpu.memory_space<semaphore_mem>>) src(%dma_wait3A_1316 : memref<128xi32, #tpu.memory_space<hbm>>) dst(%dma_wait3A_1313 : memref<128xi32, #tpu.memory_space<vmem>>)
      %add3A_1317 = arith.constant 3 : i32
      %add3A_1318 = arith.addi %add3A_1251, %add3A_1317 : i32
      %eq3A_1319 = arith.constant 0 : i32
      %eq3A_1320 = arith.cmpi eq, %arg0, %eq3A_1319 : i32
      %convert_element_type3A_1321 = arith.extui %eq3A_1320 : i1 to i32
      %cond3A_1322 = arith.constant 0 : i32
      %cond3A_1323 = arith.cmpi ne, %convert_element_type3A_1321, %cond3A_1322 : i32
      scf.if %cond3A_1323 {
        %dma_start3A_1566 = arith.constant 3 : i32
        %dma_start3A_1567 = arith.constant 0 : i32
        %dma_start3A_1568 = tpu.memref_slice %arg7[%dma_start3A_1566, %dma_start3A_1567] : memref<8x128xi32, #tpu.memory_space<vmem>> -> memref<1x128xi32, #tpu.memory_space<vmem>>
        %dma_start3A_1569 = tpu.memref_squeeze %dma_start3A_1568 : memref<1x128xi32, #tpu.memory_space<vmem>> -> memref<128xi32, #tpu.memory_space<vmem>>
        %dma_start3A_1570 = arith.constant 0 : i32
        %dma_start3A_1571 = arith.constant 0 : i32
        %dma_start3A_1572 = tpu.memref_slice %arg2[%dma_start3A_1570, %dma_start3A_1571] : memref<10000x128xf32, #tpu.memory_space<hbm>> -> memref<10000x128xf32, #tpu.memory_space<hbm>>
        tpu.enqueue_indirect_dma source(%dma_start3A_1572 : memref<10000x128xf32, #tpu.memory_space<hbm>>) target(%arg10 : memref<128x128xf32, #tpu.memory_space<vmem>>) offsets(%dma_start3A_1569 : memref<128xi32, #tpu.memory_space<vmem>>) semaphore(%arg14 : memref<!tpu.dma_semaphore, #tpu.memory_space<semaphore_mem>>)
      } else {
      }
      %eq3A_1324 = arith.constant 1 : i32
      %eq3A_1325 = arith.cmpi eq, %arg0, %eq3A_1324 : i32
      %convert_element_type3A_1326 = arith.extui %eq3A_1325 : i1 to i32
      %cond3A_1327 = arith.constant 0 : i32
      %cond3A_1328 = arith.cmpi ne, %convert_element_type3A_1326, %cond3A_1327 : i32
      scf.if %cond3A_1328 {
        %dma_start3A_1566 = arith.constant 3 : i32
        %dma_start3A_1567 = arith.constant 0 : i32
        %dma_start3A_1568 = tpu.memref_slice %arg7[%dma_start3A_1566, %dma_start3A_1567] : memref<8x128xi32, #tpu.memory_space<vmem>> -> memref<1x128xi32, #tpu.memory_space<vmem>>
        %dma_start3A_1569 = tpu.memref_squeeze %dma_start3A_1568 : memref<1x128xi32, #tpu.memory_space<vmem>> -> memref<128xi32, #tpu.memory_space<vmem>>
        %dma_start3A_1570 = arith.constant 0 : i32
        %dma_start3A_1571 = arith.constant 0 : i32
        %dma_start3A_1572 = tpu.memref_slice %arg3[%dma_start3A_1570, %dma_start3A_1571] : memref<10000x128xf32, #tpu.memory_space<hbm>> -> memref<10000x128xf32, #tpu.memory_space<hbm>>
        tpu.enqueue_indirect_dma source(%dma_start3A_1572 : memref<10000x128xf32, #tpu.memory_space<hbm>>) target(%arg10 : memref<128x128xf32, #tpu.memory_space<vmem>>) offsets(%dma_start3A_1569 : memref<128xi32, #tpu.memory_space<vmem>>) semaphore(%arg14 : memref<!tpu.dma_semaphore, #tpu.memory_space<semaphore_mem>>)
      } else {
      }
      %add3A_1329 = arith.constant 9 : i32
      %add3A_1330 = arith.addi %mul3A_618, %add3A_1329 : i32
      %dma_wait3A_1331 = arith.constant 0 : i32
      %dma_wait3A_1332 = arith.constant 0 : i32
      %dma_wait3A_1333 = tpu.memref_slice %arg2[%dma_wait3A_1331, %dma_wait3A_1332] : memref<10000x128xf32, #tpu.memory_space<hbm>> -> memref<128x128xf32, #tpu.memory_space<hbm>>
      %dma_wait3A_1334 = arith.constant 0 : i32
      %dma_wait3A_1335 = arith.constant 0 : i32
      %dma_wait3A_1336 = tpu.memref_slice %arg2[%dma_wait3A_1334, %dma_wait3A_1335] : memref<10000x128xf32, #tpu.memory_space<hbm>> -> memref<128x128xf32, #tpu.memory_space<hbm>>
      tpu.wait_dma2 semaphore(%arg12 : memref<!tpu.dma_semaphore, #tpu.memory_space<semaphore_mem>>) src(%dma_wait3A_1336 : memref<128x128xf32, #tpu.memory_space<hbm>>) dst(%arg8 : memref<128x128xf32, #tpu.memory_space<vmem>>)
      %run_scoped3A_1337 = arith.constant 5 : i32
      "tpu.region"() ({
        %run_scoped3A_1566 = tpu.sem_alloc : memref<!tpu.dma_semaphore, #tpu.memory_space<semaphore_mem>>
        %dma_start3A_1567 = arith.constant 0 : i32
        %dma_start3A_1568 = tpu.memref_slice %arg7[%run_scoped3A_1337, %dma_start3A_1567] : memref<8x128xi32, #tpu.memory_space<vmem>> -> memref<1x128xi32, #tpu.memory_space<vmem>>
        %dma_start3A_1569 = tpu.memref_squeeze %dma_start3A_1568 : memref<1x128xi32, #tpu.memory_space<vmem>> -> memref<128xi32, #tpu.memory_space<vmem>>
        %dma_start3A_1570 = arith.constant 0 : i32
        %dma_start3A_1571 = arith.constant 0 : i32
        %dma_start3A_1572 = tpu.memref_slice %arg11[%dma_start3A_1570, %dma_start3A_1571] : memref<10008x128xf32, #tpu.memory_space<vmem_shared>> -> memref<10008x128xf32, #tpu.memory_space<vmem_shared>>
        tpu.enqueue_indirect_dma source(%arg8 : memref<128x128xf32, #tpu.memory_space<vmem>>) target(%dma_start3A_1572 : memref<10008x128xf32, #tpu.memory_space<vmem_shared>>) offsets(%dma_start3A_1569 : memref<128xi32, #tpu.memory_space<vmem>>) semaphore(%run_scoped3A_1566 : memref<!tpu.dma_semaphore, #tpu.memory_space<semaphore_mem>>) {add = true}
        %dma_wait3A_1573 = arith.constant 0 : i32
        %dma_wait3A_1574 = tpu.memref_slice %arg7[%run_scoped3A_1337, %dma_wait3A_1573] : memref<8x128xi32, #tpu.memory_space<vmem>> -> memref<1x128xi32, #tpu.memory_space<vmem>>
        %dma_wait3A_1575 = tpu.memref_squeeze %dma_wait3A_1574 : memref<1x128xi32, #tpu.memory_space<vmem>> -> memref<128xi32, #tpu.memory_space<vmem>>
        %dma_wait3A_1576 = arith.constant 0 : i32
        %dma_wait3A_1577 = arith.constant 0 : i32
        %dma_wait3A_1578 = tpu.memref_slice %arg11[%dma_wait3A_1576, %dma_wait3A_1577] : memref<10008x128xf32, #tpu.memory_space<vmem_shared>> -> memref<10008x128xf32, #tpu.memory_space<vmem_shared>>
        tpu.wait_indirect_dma semaphore(%run_scoped3A_1566 : memref<!tpu.dma_semaphore, #tpu.memory_space<semaphore_mem>>) src(%arg8 : memref<128x128xf32, #tpu.memory_space<vmem>>) dst(%dma_wait3A_1578 : memref<10008x128xf32, #tpu.memory_space<vmem_shared>>)
        tpu.yield
      }) : () -> ()
      %add3A_1338 = arith.constant 4 : i32
      %add3A_1339 = arith.addi %add3A_1330, %add3A_1338 : i32
      %dma_start3A_1340 = arith.constant 1 : i32
      %dma_start3A_1341 = arith.constant 0 : i32
      %dma_start3A_1342 = tpu.memref_slice %arg7[%dma_start3A_1340, %dma_start3A_1341] : memref<8x128xi32, #tpu.memory_space<vmem>> -> memref<1x128xi32, #tpu.memory_space<vmem>>
      %dma_start3A_1343 = tpu.memref_squeeze %dma_start3A_1342 : memref<1x128xi32, #tpu.memory_space<vmem>> -> memref<128xi32, #tpu.memory_space<vmem>>
      %dma_start3A_1344 = arith.constant 0 : i32
      %dma_start3A_1345 = tpu.memref_slice %arg5[%arg1, %add3A_1339, %dma_start3A_1344] : memref<16x80x128xi32, #tpu.memory_space<hbm>> -> memref<1x1x128xi32, #tpu.memory_space<hbm>>
      %dma_start3A_1346 = tpu.memref_squeeze %dma_start3A_1345 : memref<1x1x128xi32, #tpu.memory_space<hbm>> -> memref<128xi32, #tpu.memory_space<hbm>>
      %dma_start3A_1347 = arith.constant 0 : i32
      %dma_start3A_1348 = tpu.memref_slice %arg7[%dma_start3A_1340, %dma_start3A_1347] : memref<8x128xi32, #tpu.memory_space<vmem>> -> memref<1x128xi32, #tpu.memory_space<vmem>>
      %dma_start3A_1349 = tpu.memref_squeeze %dma_start3A_1348 : memref<1x128xi32, #tpu.memory_space<vmem>> -> memref<128xi32, #tpu.memory_space<vmem>>
      %dma_start3A_1350 = arith.constant 0 : i32
      %dma_start3A_1351 = tpu.memref_slice %arg5[%arg1, %add3A_1339, %dma_start3A_1350] : memref<16x80x128xi32, #tpu.memory_space<hbm>> -> memref<1x1x128xi32, #tpu.memory_space<hbm>>
      %dma_start3A_1352 = tpu.memref_squeeze %dma_start3A_1351 : memref<1x1x128xi32, #tpu.memory_space<hbm>> -> memref<128xi32, #tpu.memory_space<hbm>>
      tpu.enqueue_dma source(%dma_start3A_1352 : memref<128xi32, #tpu.memory_space<hbm>>) target(%dma_start3A_1349 : memref<128xi32, #tpu.memory_space<vmem>>) target_semaphore(%arg16 : memref<!tpu.dma_semaphore, #tpu.memory_space<semaphore_mem>>)
      %dma_start3A_1353 = arith.constant 5 : i32
      %dma_start3A_1354 = arith.constant 0 : i32
      %dma_start3A_1355 = tpu.memref_slice %arg7[%dma_start3A_1353, %dma_start3A_1354] : memref<8x128xi32, #tpu.memory_space<vmem>> -> memref<1x128xi32, #tpu.memory_space<vmem>>
      %dma_start3A_1356 = tpu.memref_squeeze %dma_start3A_1355 : memref<1x128xi32, #tpu.memory_space<vmem>> -> memref<128xi32, #tpu.memory_space<vmem>>
      %dma_start3A_1357 = arith.constant 0 : i32
      %dma_start3A_1358 = tpu.memref_slice %arg4[%arg1, %add3A_1339, %dma_start3A_1357] : memref<16x80x128xi32, #tpu.memory_space<hbm>> -> memref<1x1x128xi32, #tpu.memory_space<hbm>>
      %dma_start3A_1359 = tpu.memref_squeeze %dma_start3A_1358 : memref<1x1x128xi32, #tpu.memory_space<hbm>> -> memref<128xi32, #tpu.memory_space<hbm>>
      %dma_start3A_1360 = arith.constant 0 : i32
      %dma_start3A_1361 = tpu.memref_slice %arg7[%dma_start3A_1353, %dma_start3A_1360] : memref<8x128xi32, #tpu.memory_space<vmem>> -> memref<1x128xi32, #tpu.memory_space<vmem>>
      %dma_start3A_1362 = tpu.memref_squeeze %dma_start3A_1361 : memref<1x128xi32, #tpu.memory_space<vmem>> -> memref<128xi32, #tpu.memory_space<vmem>>
      %dma_start3A_1363 = arith.constant 0 : i32
      %dma_start3A_1364 = tpu.memref_slice %arg4[%arg1, %add3A_1339, %dma_start3A_1363] : memref<16x80x128xi32, #tpu.memory_space<hbm>> -> memref<1x1x128xi32, #tpu.memory_space<hbm>>
      %dma_start3A_1365 = tpu.memref_squeeze %dma_start3A_1364 : memref<1x1x128xi32, #tpu.memory_space<hbm>> -> memref<128xi32, #tpu.memory_space<hbm>>
      tpu.enqueue_dma source(%dma_start3A_1365 : memref<128xi32, #tpu.memory_space<hbm>>) target(%dma_start3A_1362 : memref<128xi32, #tpu.memory_space<vmem>>) target_semaphore(%arg16 : memref<!tpu.dma_semaphore, #tpu.memory_space<semaphore_mem>>)
      %dma_wait3A_1366 = arith.constant 0 : i32
      %dma_wait3A_1367 = arith.constant 0 : i32
      %dma_wait3A_1368 = arith.constant 0 : i32
      %dma_wait3A_1369 = arith.constant 0 : i32
      %dma_wait3A_1370 = tpu.memref_slice %arg7[%dma_wait3A_1368, %dma_wait3A_1369] : memref<8x128xi32, #tpu.memory_space<vmem>> -> memref<1x128xi32, #tpu.memory_space<vmem>>
      %dma_wait3A_1371 = tpu.memref_squeeze %dma_wait3A_1370 : memref<1x128xi32, #tpu.memory_space<vmem>> -> memref<128xi32, #tpu.memory_space<vmem>>
      %dma_wait3A_1372 = arith.constant 0 : i32
      %dma_wait3A_1373 = tpu.memref_slice %arg5[%dma_wait3A_1366, %dma_wait3A_1367, %dma_wait3A_1372] : memref<16x80x128xi32, #tpu.memory_space<hbm>> -> memref<1x1x128xi32, #tpu.memory_space<hbm>>
      %dma_wait3A_1374 = tpu.memref_squeeze %dma_wait3A_1373 : memref<1x1x128xi32, #tpu.memory_space<hbm>> -> memref<128xi32, #tpu.memory_space<hbm>>
      %dma_wait3A_1375 = arith.constant 0 : i32
      %dma_wait3A_1376 = tpu.memref_slice %arg7[%dma_wait3A_1368, %dma_wait3A_1375] : memref<8x128xi32, #tpu.memory_space<vmem>> -> memref<1x128xi32, #tpu.memory_space<vmem>>
      %dma_wait3A_1377 = tpu.memref_squeeze %dma_wait3A_1376 : memref<1x128xi32, #tpu.memory_space<vmem>> -> memref<128xi32, #tpu.memory_space<vmem>>
      %dma_wait3A_1378 = arith.constant 0 : i32
      %dma_wait3A_1379 = tpu.memref_slice %arg5[%dma_wait3A_1366, %dma_wait3A_1367, %dma_wait3A_1378] : memref<16x80x128xi32, #tpu.memory_space<hbm>> -> memref<1x1x128xi32, #tpu.memory_space<hbm>>
      %dma_wait3A_1380 = tpu.memref_squeeze %dma_wait3A_1379 : memref<1x1x128xi32, #tpu.memory_space<hbm>> -> memref<128xi32, #tpu.memory_space<hbm>>
      tpu.wait_dma2 semaphore(%arg15 : memref<!tpu.dma_semaphore, #tpu.memory_space<semaphore_mem>>) src(%dma_wait3A_1380 : memref<128xi32, #tpu.memory_space<hbm>>) dst(%dma_wait3A_1377 : memref<128xi32, #tpu.memory_space<vmem>>)
      %dma_wait3A_1381 = arith.constant 0 : i32
      %dma_wait3A_1382 = arith.constant 0 : i32
      %dma_wait3A_1383 = arith.constant 0 : i32
      %dma_wait3A_1384 = arith.constant 0 : i32
      %dma_wait3A_1385 = tpu.memref_slice %arg7[%dma_wait3A_1383, %dma_wait3A_1384] : memref<8x128xi32, #tpu.memory_space<vmem>> -> memref<1x128xi32, #tpu.memory_space<vmem>>
      %dma_wait3A_1386 = tpu.memref_squeeze %dma_wait3A_1385 : memref<1x128xi32, #tpu.memory_space<vmem>> -> memref<128xi32, #tpu.memory_space<vmem>>
      %dma_wait3A_1387 = arith.constant 0 : i32
      %dma_wait3A_1388 = tpu.memref_slice %arg5[%dma_wait3A_1381, %dma_wait3A_1382, %dma_wait3A_1387] : memref<16x80x128xi32, #tpu.memory_space<hbm>> -> memref<1x1x128xi32, #tpu.memory_space<hbm>>
      %dma_wait3A_1389 = tpu.memref_squeeze %dma_wait3A_1388 : memref<1x1x128xi32, #tpu.memory_space<hbm>> -> memref<128xi32, #tpu.memory_space<hbm>>
      %dma_wait3A_1390 = arith.constant 0 : i32
      %dma_wait3A_1391 = tpu.memref_slice %arg7[%dma_wait3A_1383, %dma_wait3A_1390] : memref<8x128xi32, #tpu.memory_space<vmem>> -> memref<1x128xi32, #tpu.memory_space<vmem>>
      %dma_wait3A_1392 = tpu.memref_squeeze %dma_wait3A_1391 : memref<1x128xi32, #tpu.memory_space<vmem>> -> memref<128xi32, #tpu.memory_space<vmem>>
      %dma_wait3A_1393 = arith.constant 0 : i32
      %dma_wait3A_1394 = tpu.memref_slice %arg5[%dma_wait3A_1381, %dma_wait3A_1382, %dma_wait3A_1393] : memref<16x80x128xi32, #tpu.memory_space<hbm>> -> memref<1x1x128xi32, #tpu.memory_space<hbm>>
      %dma_wait3A_1395 = tpu.memref_squeeze %dma_wait3A_1394 : memref<1x1x128xi32, #tpu.memory_space<hbm>> -> memref<128xi32, #tpu.memory_space<hbm>>
      tpu.wait_dma2 semaphore(%arg15 : memref<!tpu.dma_semaphore, #tpu.memory_space<semaphore_mem>>) src(%dma_wait3A_1395 : memref<128xi32, #tpu.memory_space<hbm>>) dst(%dma_wait3A_1392 : memref<128xi32, #tpu.memory_space<vmem>>)
      %add3A_1396 = arith.constant 3 : i32
      %add3A_1397 = arith.addi %add3A_1330, %add3A_1396 : i32
      %eq3A_1398 = arith.constant 0 : i32
      %eq3A_1399 = arith.cmpi eq, %arg0, %eq3A_1398 : i32
      %convert_element_type3A_1400 = arith.extui %eq3A_1399 : i1 to i32
      %cond3A_1401 = arith.constant 0 : i32
      %cond3A_1402 = arith.cmpi ne, %convert_element_type3A_1400, %cond3A_1401 : i32
      scf.if %cond3A_1402 {
        %dma_start3A_1566 = arith.constant 0 : i32
        %dma_start3A_1567 = arith.constant 0 : i32
        %dma_start3A_1568 = tpu.memref_slice %arg7[%dma_start3A_1566, %dma_start3A_1567] : memref<8x128xi32, #tpu.memory_space<vmem>> -> memref<1x128xi32, #tpu.memory_space<vmem>>
        %dma_start3A_1569 = tpu.memref_squeeze %dma_start3A_1568 : memref<1x128xi32, #tpu.memory_space<vmem>> -> memref<128xi32, #tpu.memory_space<vmem>>
        %dma_start3A_1570 = arith.constant 0 : i32
        %dma_start3A_1571 = arith.constant 0 : i32
        %dma_start3A_1572 = tpu.memref_slice %arg2[%dma_start3A_1570, %dma_start3A_1571] : memref<10000x128xf32, #tpu.memory_space<hbm>> -> memref<10000x128xf32, #tpu.memory_space<hbm>>
        tpu.enqueue_indirect_dma source(%dma_start3A_1572 : memref<10000x128xf32, #tpu.memory_space<hbm>>) target(%arg8 : memref<128x128xf32, #tpu.memory_space<vmem>>) offsets(%dma_start3A_1569 : memref<128xi32, #tpu.memory_space<vmem>>) semaphore(%arg12 : memref<!tpu.dma_semaphore, #tpu.memory_space<semaphore_mem>>)
      } else {
      }
      %eq3A_1403 = arith.constant 1 : i32
      %eq3A_1404 = arith.cmpi eq, %arg0, %eq3A_1403 : i32
      %convert_element_type3A_1405 = arith.extui %eq3A_1404 : i1 to i32
      %cond3A_1406 = arith.constant 0 : i32
      %cond3A_1407 = arith.cmpi ne, %convert_element_type3A_1405, %cond3A_1406 : i32
      scf.if %cond3A_1407 {
        %dma_start3A_1566 = arith.constant 0 : i32
        %dma_start3A_1567 = arith.constant 0 : i32
        %dma_start3A_1568 = tpu.memref_slice %arg7[%dma_start3A_1566, %dma_start3A_1567] : memref<8x128xi32, #tpu.memory_space<vmem>> -> memref<1x128xi32, #tpu.memory_space<vmem>>
        %dma_start3A_1569 = tpu.memref_squeeze %dma_start3A_1568 : memref<1x128xi32, #tpu.memory_space<vmem>> -> memref<128xi32, #tpu.memory_space<vmem>>
        %dma_start3A_1570 = arith.constant 0 : i32
        %dma_start3A_1571 = arith.constant 0 : i32
        %dma_start3A_1572 = tpu.memref_slice %arg3[%dma_start3A_1570, %dma_start3A_1571] : memref<10000x128xf32, #tpu.memory_space<hbm>> -> memref<10000x128xf32, #tpu.memory_space<hbm>>
        tpu.enqueue_indirect_dma source(%dma_start3A_1572 : memref<10000x128xf32, #tpu.memory_space<hbm>>) target(%arg8 : memref<128x128xf32, #tpu.memory_space<vmem>>) offsets(%dma_start3A_1569 : memref<128xi32, #tpu.memory_space<vmem>>) semaphore(%arg12 : memref<!tpu.dma_semaphore, #tpu.memory_space<semaphore_mem>>)
      } else {
      }
      %add3A_1408 = arith.constant 10 : i32
      %add3A_1409 = arith.addi %mul3A_618, %add3A_1408 : i32
      %dma_wait3A_1410 = arith.constant 0 : i32
      %dma_wait3A_1411 = arith.constant 0 : i32
      %dma_wait3A_1412 = tpu.memref_slice %arg2[%dma_wait3A_1410, %dma_wait3A_1411] : memref<10000x128xf32, #tpu.memory_space<hbm>> -> memref<128x128xf32, #tpu.memory_space<hbm>>
      %dma_wait3A_1413 = arith.constant 0 : i32
      %dma_wait3A_1414 = arith.constant 0 : i32
      %dma_wait3A_1415 = tpu.memref_slice %arg2[%dma_wait3A_1413, %dma_wait3A_1414] : memref<10000x128xf32, #tpu.memory_space<hbm>> -> memref<128x128xf32, #tpu.memory_space<hbm>>
      tpu.wait_dma2 semaphore(%arg13 : memref<!tpu.dma_semaphore, #tpu.memory_space<semaphore_mem>>) src(%dma_wait3A_1415 : memref<128x128xf32, #tpu.memory_space<hbm>>) dst(%arg9 : memref<128x128xf32, #tpu.memory_space<vmem>>)
      %run_scoped3A_1416 = arith.constant 6 : i32
      "tpu.region"() ({
        %run_scoped3A_1566 = tpu.sem_alloc : memref<!tpu.dma_semaphore, #tpu.memory_space<semaphore_mem>>
        %dma_start3A_1567 = arith.constant 0 : i32
        %dma_start3A_1568 = tpu.memref_slice %arg7[%run_scoped3A_1416, %dma_start3A_1567] : memref<8x128xi32, #tpu.memory_space<vmem>> -> memref<1x128xi32, #tpu.memory_space<vmem>>
        %dma_start3A_1569 = tpu.memref_squeeze %dma_start3A_1568 : memref<1x128xi32, #tpu.memory_space<vmem>> -> memref<128xi32, #tpu.memory_space<vmem>>
        %dma_start3A_1570 = arith.constant 0 : i32
        %dma_start3A_1571 = arith.constant 0 : i32
        %dma_start3A_1572 = tpu.memref_slice %arg11[%dma_start3A_1570, %dma_start3A_1571] : memref<10008x128xf32, #tpu.memory_space<vmem_shared>> -> memref<10008x128xf32, #tpu.memory_space<vmem_shared>>
        tpu.enqueue_indirect_dma source(%arg9 : memref<128x128xf32, #tpu.memory_space<vmem>>) target(%dma_start3A_1572 : memref<10008x128xf32, #tpu.memory_space<vmem_shared>>) offsets(%dma_start3A_1569 : memref<128xi32, #tpu.memory_space<vmem>>) semaphore(%run_scoped3A_1566 : memref<!tpu.dma_semaphore, #tpu.memory_space<semaphore_mem>>) {add = true}
        %dma_wait3A_1573 = arith.constant 0 : i32
        %dma_wait3A_1574 = tpu.memref_slice %arg7[%run_scoped3A_1416, %dma_wait3A_1573] : memref<8x128xi32, #tpu.memory_space<vmem>> -> memref<1x128xi32, #tpu.memory_space<vmem>>
        %dma_wait3A_1575 = tpu.memref_squeeze %dma_wait3A_1574 : memref<1x128xi32, #tpu.memory_space<vmem>> -> memref<128xi32, #tpu.memory_space<vmem>>
        %dma_wait3A_1576 = arith.constant 0 : i32
        %dma_wait3A_1577 = arith.constant 0 : i32
        %dma_wait3A_1578 = tpu.memref_slice %arg11[%dma_wait3A_1576, %dma_wait3A_1577] : memref<10008x128xf32, #tpu.memory_space<vmem_shared>> -> memref<10008x128xf32, #tpu.memory_space<vmem_shared>>
        tpu.wait_indirect_dma semaphore(%run_scoped3A_1566 : memref<!tpu.dma_semaphore, #tpu.memory_space<semaphore_mem>>) src(%arg9 : memref<128x128xf32, #tpu.memory_space<vmem>>) dst(%dma_wait3A_1578 : memref<10008x128xf32, #tpu.memory_space<vmem_shared>>)
        tpu.yield
      }) : () -> ()
      %add3A_1417 = arith.constant 4 : i32
      %add3A_1418 = arith.addi %add3A_1409, %add3A_1417 : i32
      %dma_start3A_1419 = arith.constant 2 : i32
      %dma_start3A_1420 = arith.constant 0 : i32
      %dma_start3A_1421 = tpu.memref_slice %arg7[%dma_start3A_1419, %dma_start3A_1420] : memref<8x128xi32, #tpu.memory_space<vmem>> -> memref<1x128xi32, #tpu.memory_space<vmem>>
      %dma_start3A_1422 = tpu.memref_squeeze %dma_start3A_1421 : memref<1x128xi32, #tpu.memory_space<vmem>> -> memref<128xi32, #tpu.memory_space<vmem>>
      %dma_start3A_1423 = arith.constant 0 : i32
      %dma_start3A_1424 = tpu.memref_slice %arg5[%arg1, %add3A_1418, %dma_start3A_1423] : memref<16x80x128xi32, #tpu.memory_space<hbm>> -> memref<1x1x128xi32, #tpu.memory_space<hbm>>
      %dma_start3A_1425 = tpu.memref_squeeze %dma_start3A_1424 : memref<1x1x128xi32, #tpu.memory_space<hbm>> -> memref<128xi32, #tpu.memory_space<hbm>>
      %dma_start3A_1426 = arith.constant 0 : i32
      %dma_start3A_1427 = tpu.memref_slice %arg7[%dma_start3A_1419, %dma_start3A_1426] : memref<8x128xi32, #tpu.memory_space<vmem>> -> memref<1x128xi32, #tpu.memory_space<vmem>>
      %dma_start3A_1428 = tpu.memref_squeeze %dma_start3A_1427 : memref<1x128xi32, #tpu.memory_space<vmem>> -> memref<128xi32, #tpu.memory_space<vmem>>
      %dma_start3A_1429 = arith.constant 0 : i32
      %dma_start3A_1430 = tpu.memref_slice %arg5[%arg1, %add3A_1418, %dma_start3A_1429] : memref<16x80x128xi32, #tpu.memory_space<hbm>> -> memref<1x1x128xi32, #tpu.memory_space<hbm>>
      %dma_start3A_1431 = tpu.memref_squeeze %dma_start3A_1430 : memref<1x1x128xi32, #tpu.memory_space<hbm>> -> memref<128xi32, #tpu.memory_space<hbm>>
      tpu.enqueue_dma source(%dma_start3A_1431 : memref<128xi32, #tpu.memory_space<hbm>>) target(%dma_start3A_1428 : memref<128xi32, #tpu.memory_space<vmem>>) target_semaphore(%arg17 : memref<!tpu.dma_semaphore, #tpu.memory_space<semaphore_mem>>)
      %dma_start3A_1432 = arith.constant 6 : i32
      %dma_start3A_1433 = arith.constant 0 : i32
      %dma_start3A_1434 = tpu.memref_slice %arg7[%dma_start3A_1432, %dma_start3A_1433] : memref<8x128xi32, #tpu.memory_space<vmem>> -> memref<1x128xi32, #tpu.memory_space<vmem>>
      %dma_start3A_1435 = tpu.memref_squeeze %dma_start3A_1434 : memref<1x128xi32, #tpu.memory_space<vmem>> -> memref<128xi32, #tpu.memory_space<vmem>>
      %dma_start3A_1436 = arith.constant 0 : i32
      %dma_start3A_1437 = tpu.memref_slice %arg4[%arg1, %add3A_1418, %dma_start3A_1436] : memref<16x80x128xi32, #tpu.memory_space<hbm>> -> memref<1x1x128xi32, #tpu.memory_space<hbm>>
      %dma_start3A_1438 = tpu.memref_squeeze %dma_start3A_1437 : memref<1x1x128xi32, #tpu.memory_space<hbm>> -> memref<128xi32, #tpu.memory_space<hbm>>
      %dma_start3A_1439 = arith.constant 0 : i32
      %dma_start3A_1440 = tpu.memref_slice %arg7[%dma_start3A_1432, %dma_start3A_1439] : memref<8x128xi32, #tpu.memory_space<vmem>> -> memref<1x128xi32, #tpu.memory_space<vmem>>
      %dma_start3A_1441 = tpu.memref_squeeze %dma_start3A_1440 : memref<1x128xi32, #tpu.memory_space<vmem>> -> memref<128xi32, #tpu.memory_space<vmem>>
      %dma_start3A_1442 = arith.constant 0 : i32
      %dma_start3A_1443 = tpu.memref_slice %arg4[%arg1, %add3A_1418, %dma_start3A_1442] : memref<16x80x128xi32, #tpu.memory_space<hbm>> -> memref<1x1x128xi32, #tpu.memory_space<hbm>>
      %dma_start3A_1444 = tpu.memref_squeeze %dma_start3A_1443 : memref<1x1x128xi32, #tpu.memory_space<hbm>> -> memref<128xi32, #tpu.memory_space<hbm>>
      tpu.enqueue_dma source(%dma_start3A_1444 : memref<128xi32, #tpu.memory_space<hbm>>) target(%dma_start3A_1441 : memref<128xi32, #tpu.memory_space<vmem>>) target_semaphore(%arg17 : memref<!tpu.dma_semaphore, #tpu.memory_space<semaphore_mem>>)
      %dma_wait3A_1445 = arith.constant 0 : i32
      %dma_wait3A_1446 = arith.constant 0 : i32
      %dma_wait3A_1447 = arith.constant 1 : i32
      %dma_wait3A_1448 = arith.constant 0 : i32
      %dma_wait3A_1449 = tpu.memref_slice %arg7[%dma_wait3A_1447, %dma_wait3A_1448] : memref<8x128xi32, #tpu.memory_space<vmem>> -> memref<1x128xi32, #tpu.memory_space<vmem>>
      %dma_wait3A_1450 = tpu.memref_squeeze %dma_wait3A_1449 : memref<1x128xi32, #tpu.memory_space<vmem>> -> memref<128xi32, #tpu.memory_space<vmem>>
      %dma_wait3A_1451 = arith.constant 0 : i32
      %dma_wait3A_1452 = tpu.memref_slice %arg5[%dma_wait3A_1445, %dma_wait3A_1446, %dma_wait3A_1451] : memref<16x80x128xi32, #tpu.memory_space<hbm>> -> memref<1x1x128xi32, #tpu.memory_space<hbm>>
      %dma_wait3A_1453 = tpu.memref_squeeze %dma_wait3A_1452 : memref<1x1x128xi32, #tpu.memory_space<hbm>> -> memref<128xi32, #tpu.memory_space<hbm>>
      %dma_wait3A_1454 = arith.constant 0 : i32
      %dma_wait3A_1455 = tpu.memref_slice %arg7[%dma_wait3A_1447, %dma_wait3A_1454] : memref<8x128xi32, #tpu.memory_space<vmem>> -> memref<1x128xi32, #tpu.memory_space<vmem>>
      %dma_wait3A_1456 = tpu.memref_squeeze %dma_wait3A_1455 : memref<1x128xi32, #tpu.memory_space<vmem>> -> memref<128xi32, #tpu.memory_space<vmem>>
      %dma_wait3A_1457 = arith.constant 0 : i32
      %dma_wait3A_1458 = tpu.memref_slice %arg5[%dma_wait3A_1445, %dma_wait3A_1446, %dma_wait3A_1457] : memref<16x80x128xi32, #tpu.memory_space<hbm>> -> memref<1x1x128xi32, #tpu.memory_space<hbm>>
      %dma_wait3A_1459 = tpu.memref_squeeze %dma_wait3A_1458 : memref<1x1x128xi32, #tpu.memory_space<hbm>> -> memref<128xi32, #tpu.memory_space<hbm>>
      tpu.wait_dma2 semaphore(%arg16 : memref<!tpu.dma_semaphore, #tpu.memory_space<semaphore_mem>>) src(%dma_wait3A_1459 : memref<128xi32, #tpu.memory_space<hbm>>) dst(%dma_wait3A_1456 : memref<128xi32, #tpu.memory_space<vmem>>)
      %dma_wait3A_1460 = arith.constant 0 : i32
      %dma_wait3A_1461 = arith.constant 0 : i32
      %dma_wait3A_1462 = arith.constant 1 : i32
      %dma_wait3A_1463 = arith.constant 0 : i32
      %dma_wait3A_1464 = tpu.memref_slice %arg7[%dma_wait3A_1462, %dma_wait3A_1463] : memref<8x128xi32, #tpu.memory_space<vmem>> -> memref<1x128xi32, #tpu.memory_space<vmem>>
      %dma_wait3A_1465 = tpu.memref_squeeze %dma_wait3A_1464 : memref<1x128xi32, #tpu.memory_space<vmem>> -> memref<128xi32, #tpu.memory_space<vmem>>
      %dma_wait3A_1466 = arith.constant 0 : i32
      %dma_wait3A_1467 = tpu.memref_slice %arg5[%dma_wait3A_1460, %dma_wait3A_1461, %dma_wait3A_1466] : memref<16x80x128xi32, #tpu.memory_space<hbm>> -> memref<1x1x128xi32, #tpu.memory_space<hbm>>
      %dma_wait3A_1468 = tpu.memref_squeeze %dma_wait3A_1467 : memref<1x1x128xi32, #tpu.memory_space<hbm>> -> memref<128xi32, #tpu.memory_space<hbm>>
      %dma_wait3A_1469 = arith.constant 0 : i32
      %dma_wait3A_1470 = tpu.memref_slice %arg7[%dma_wait3A_1462, %dma_wait3A_1469] : memref<8x128xi32, #tpu.memory_space<vmem>> -> memref<1x128xi32, #tpu.memory_space<vmem>>
      %dma_wait3A_1471 = tpu.memref_squeeze %dma_wait3A_1470 : memref<1x128xi32, #tpu.memory_space<vmem>> -> memref<128xi32, #tpu.memory_space<vmem>>
      %dma_wait3A_1472 = arith.constant 0 : i32
      %dma_wait3A_1473 = tpu.memref_slice %arg5[%dma_wait3A_1460, %dma_wait3A_1461, %dma_wait3A_1472] : memref<16x80x128xi32, #tpu.memory_space<hbm>> -> memref<1x1x128xi32, #tpu.memory_space<hbm>>
      %dma_wait3A_1474 = tpu.memref_squeeze %dma_wait3A_1473 : memref<1x1x128xi32, #tpu.memory_space<hbm>> -> memref<128xi32, #tpu.memory_space<hbm>>
      tpu.wait_dma2 semaphore(%arg16 : memref<!tpu.dma_semaphore, #tpu.memory_space<semaphore_mem>>) src(%dma_wait3A_1474 : memref<128xi32, #tpu.memory_space<hbm>>) dst(%dma_wait3A_1471 : memref<128xi32, #tpu.memory_space<vmem>>)
      %add3A_1475 = arith.constant 3 : i32
      %add3A_1476 = arith.addi %add3A_1409, %add3A_1475 : i32
      %eq3A_1477 = arith.constant 0 : i32
      %eq3A_1478 = arith.cmpi eq, %arg0, %eq3A_1477 : i32
      %convert_element_type3A_1479 = arith.extui %eq3A_1478 : i1 to i32
      %cond3A_1480 = arith.constant 0 : i32
      %cond3A_1481 = arith.cmpi ne, %convert_element_type3A_1479, %cond3A_1480 : i32
      scf.if %cond3A_1481 {
        %dma_start3A_1566 = arith.constant 1 : i32
        %dma_start3A_1567 = arith.constant 0 : i32
        %dma_start3A_1568 = tpu.memref_slice %arg7[%dma_start3A_1566, %dma_start3A_1567] : memref<8x128xi32, #tpu.memory_space<vmem>> -> memref<1x128xi32, #tpu.memory_space<vmem>>
        %dma_start3A_1569 = tpu.memref_squeeze %dma_start3A_1568 : memref<1x128xi32, #tpu.memory_space<vmem>> -> memref<128xi32, #tpu.memory_space<vmem>>
        %dma_start3A_1570 = arith.constant 0 : i32
        %dma_start3A_1571 = arith.constant 0 : i32
        %dma_start3A_1572 = tpu.memref_slice %arg2[%dma_start3A_1570, %dma_start3A_1571] : memref<10000x128xf32, #tpu.memory_space<hbm>> -> memref<10000x128xf32, #tpu.memory_space<hbm>>
        tpu.enqueue_indirect_dma source(%dma_start3A_1572 : memref<10000x128xf32, #tpu.memory_space<hbm>>) target(%arg9 : memref<128x128xf32, #tpu.memory_space<vmem>>) offsets(%dma_start3A_1569 : memref<128xi32, #tpu.memory_space<vmem>>) semaphore(%arg13 : memref<!tpu.dma_semaphore, #tpu.memory_space<semaphore_mem>>)
      } else {
      }
      %eq3A_1482 = arith.constant 1 : i32
      %eq3A_1483 = arith.cmpi eq, %arg0, %eq3A_1482 : i32
      %convert_element_type3A_1484 = arith.extui %eq3A_1483 : i1 to i32
      %cond3A_1485 = arith.constant 0 : i32
      %cond3A_1486 = arith.cmpi ne, %convert_element_type3A_1484, %cond3A_1485 : i32
      scf.if %cond3A_1486 {
        %dma_start3A_1566 = arith.constant 1 : i32
        %dma_start3A_1567 = arith.constant 0 : i32
        %dma_start3A_1568 = tpu.memref_slice %arg7[%dma_start3A_1566, %dma_start3A_1567] : memref<8x128xi32, #tpu.memory_space<vmem>> -> memref<1x128xi32, #tpu.memory_space<vmem>>
        %dma_start3A_1569 = tpu.memref_squeeze %dma_start3A_1568 : memref<1x128xi32, #tpu.memory_space<vmem>> -> memref<128xi32, #tpu.memory_space<vmem>>
        %dma_start3A_1570 = arith.constant 0 : i32
        %dma_start3A_1571 = arith.constant 0 : i32
        %dma_start3A_1572 = tpu.memref_slice %arg3[%dma_start3A_1570, %dma_start3A_1571] : memref<10000x128xf32, #tpu.memory_space<hbm>> -> memref<10000x128xf32, #tpu.memory_space<hbm>>
        tpu.enqueue_indirect_dma source(%dma_start3A_1572 : memref<10000x128xf32, #tpu.memory_space<hbm>>) target(%arg9 : memref<128x128xf32, #tpu.memory_space<vmem>>) offsets(%dma_start3A_1569 : memref<128xi32, #tpu.memory_space<vmem>>) semaphore(%arg13 : memref<!tpu.dma_semaphore, #tpu.memory_space<semaphore_mem>>)
      } else {
      }
      %add3A_1487 = arith.constant 11 : i32
      %add3A_1488 = arith.addi %mul3A_618, %add3A_1487 : i32
      %dma_wait3A_1489 = arith.constant 0 : i32
      %dma_wait3A_1490 = arith.constant 0 : i32
      %dma_wait3A_1491 = tpu.memref_slice %arg2[%dma_wait3A_1489, %dma_wait3A_1490] : memref<10000x128xf32, #tpu.memory_space<hbm>> -> memref<128x128xf32, #tpu.memory_space<hbm>>
      %dma_wait3A_1492 = arith.constant 0 : i32
      %dma_wait3A_1493 = arith.constant 0 : i32
      %dma_wait3A_1494 = tpu.memref_slice %arg2[%dma_wait3A_1492, %dma_wait3A_1493] : memref<10000x128xf32, #tpu.memory_space<hbm>> -> memref<128x128xf32, #tpu.memory_space<hbm>>
      tpu.wait_dma2 semaphore(%arg14 : memref<!tpu.dma_semaphore, #tpu.memory_space<semaphore_mem>>) src(%dma_wait3A_1494 : memref<128x128xf32, #tpu.memory_space<hbm>>) dst(%arg10 : memref<128x128xf32, #tpu.memory_space<vmem>>)
      %run_scoped3A_1495 = arith.constant 7 : i32
      "tpu.region"() ({
        %run_scoped3A_1566 = tpu.sem_alloc : memref<!tpu.dma_semaphore, #tpu.memory_space<semaphore_mem>>
        %dma_start3A_1567 = arith.constant 0 : i32
        %dma_start3A_1568 = tpu.memref_slice %arg7[%run_scoped3A_1495, %dma_start3A_1567] : memref<8x128xi32, #tpu.memory_space<vmem>> -> memref<1x128xi32, #tpu.memory_space<vmem>>
        %dma_start3A_1569 = tpu.memref_squeeze %dma_start3A_1568 : memref<1x128xi32, #tpu.memory_space<vmem>> -> memref<128xi32, #tpu.memory_space<vmem>>
        %dma_start3A_1570 = arith.constant 0 : i32
        %dma_start3A_1571 = arith.constant 0 : i32
        %dma_start3A_1572 = tpu.memref_slice %arg11[%dma_start3A_1570, %dma_start3A_1571] : memref<10008x128xf32, #tpu.memory_space<vmem_shared>> -> memref<10008x128xf32, #tpu.memory_space<vmem_shared>>
        tpu.enqueue_indirect_dma source(%arg10 : memref<128x128xf32, #tpu.memory_space<vmem>>) target(%dma_start3A_1572 : memref<10008x128xf32, #tpu.memory_space<vmem_shared>>) offsets(%dma_start3A_1569 : memref<128xi32, #tpu.memory_space<vmem>>) semaphore(%run_scoped3A_1566 : memref<!tpu.dma_semaphore, #tpu.memory_space<semaphore_mem>>) {add = true}
        %dma_wait3A_1573 = arith.constant 0 : i32
        %dma_wait3A_1574 = tpu.memref_slice %arg7[%run_scoped3A_1495, %dma_wait3A_1573] : memref<8x128xi32, #tpu.memory_space<vmem>> -> memref<1x128xi32, #tpu.memory_space<vmem>>
        %dma_wait3A_1575 = tpu.memref_squeeze %dma_wait3A_1574 : memref<1x128xi32, #tpu.memory_space<vmem>> -> memref<128xi32, #tpu.memory_space<vmem>>
        %dma_wait3A_1576 = arith.constant 0 : i32
        %dma_wait3A_1577 = arith.constant 0 : i32
        %dma_wait3A_1578 = tpu.memref_slice %arg11[%dma_wait3A_1576, %dma_wait3A_1577] : memref<10008x128xf32, #tpu.memory_space<vmem_shared>> -> memref<10008x128xf32, #tpu.memory_space<vmem_shared>>
        tpu.wait_indirect_dma semaphore(%run_scoped3A_1566 : memref<!tpu.dma_semaphore, #tpu.memory_space<semaphore_mem>>) src(%arg10 : memref<128x128xf32, #tpu.memory_space<vmem>>) dst(%dma_wait3A_1578 : memref<10008x128xf32, #tpu.memory_space<vmem_shared>>)
        tpu.yield
      }) : () -> ()
      %add3A_1496 = arith.constant 4 : i32
      %add3A_1497 = arith.addi %add3A_1488, %add3A_1496 : i32
      %dma_start3A_1498 = arith.constant 3 : i32
      %dma_start3A_1499 = arith.constant 0 : i32
      %dma_start3A_1500 = tpu.memref_slice %arg7[%dma_start3A_1498, %dma_start3A_1499] : memref<8x128xi32, #tpu.memory_space<vmem>> -> memref<1x128xi32, #tpu.memory_space<vmem>>
      %dma_start3A_1501 = tpu.memref_squeeze %dma_start3A_1500 : memref<1x128xi32, #tpu.memory_space<vmem>> -> memref<128xi32, #tpu.memory_space<vmem>>
      %dma_start3A_1502 = arith.constant 0 : i32
      %dma_start3A_1503 = tpu.memref_slice %arg5[%arg1, %add3A_1497, %dma_start3A_1502] : memref<16x80x128xi32, #tpu.memory_space<hbm>> -> memref<1x1x128xi32, #tpu.memory_space<hbm>>
      %dma_start3A_1504 = tpu.memref_squeeze %dma_start3A_1503 : memref<1x1x128xi32, #tpu.memory_space<hbm>> -> memref<128xi32, #tpu.memory_space<hbm>>
      %dma_start3A_1505 = arith.constant 0 : i32
      %dma_start3A_1506 = tpu.memref_slice %arg7[%dma_start3A_1498, %dma_start3A_1505] : memref<8x128xi32, #tpu.memory_space<vmem>> -> memref<1x128xi32, #tpu.memory_space<vmem>>
      %dma_start3A_1507 = tpu.memref_squeeze %dma_start3A_1506 : memref<1x128xi32, #tpu.memory_space<vmem>> -> memref<128xi32, #tpu.memory_space<vmem>>
      %dma_start3A_1508 = arith.constant 0 : i32
      %dma_start3A_1509 = tpu.memref_slice %arg5[%arg1, %add3A_1497, %dma_start3A_1508] : memref<16x80x128xi32, #tpu.memory_space<hbm>> -> memref<1x1x128xi32, #tpu.memory_space<hbm>>
      %dma_start3A_1510 = tpu.memref_squeeze %dma_start3A_1509 : memref<1x1x128xi32, #tpu.memory_space<hbm>> -> memref<128xi32, #tpu.memory_space<hbm>>
      tpu.enqueue_dma source(%dma_start3A_1510 : memref<128xi32, #tpu.memory_space<hbm>>) target(%dma_start3A_1507 : memref<128xi32, #tpu.memory_space<vmem>>) target_semaphore(%arg18 : memref<!tpu.dma_semaphore, #tpu.memory_space<semaphore_mem>>)
      %dma_start3A_1511 = arith.constant 7 : i32
      %dma_start3A_1512 = arith.constant 0 : i32
      %dma_start3A_1513 = tpu.memref_slice %arg7[%dma_start3A_1511, %dma_start3A_1512] : memref<8x128xi32, #tpu.memory_space<vmem>> -> memref<1x128xi32, #tpu.memory_space<vmem>>
      %dma_start3A_1514 = tpu.memref_squeeze %dma_start3A_1513 : memref<1x128xi32, #tpu.memory_space<vmem>> -> memref<128xi32, #tpu.memory_space<vmem>>
      %dma_start3A_1515 = arith.constant 0 : i32
      %dma_start3A_1516 = tpu.memref_slice %arg4[%arg1, %add3A_1497, %dma_start3A_1515] : memref<16x80x128xi32, #tpu.memory_space<hbm>> -> memref<1x1x128xi32, #tpu.memory_space<hbm>>
      %dma_start3A_1517 = tpu.memref_squeeze %dma_start3A_1516 : memref<1x1x128xi32, #tpu.memory_space<hbm>> -> memref<128xi32, #tpu.memory_space<hbm>>
      %dma_start3A_1518 = arith.constant 0 : i32
      %dma_start3A_1519 = tpu.memref_slice %arg7[%dma_start3A_1511, %dma_start3A_1518] : memref<8x128xi32, #tpu.memory_space<vmem>> -> memref<1x128xi32, #tpu.memory_space<vmem>>
      %dma_start3A_1520 = tpu.memref_squeeze %dma_start3A_1519 : memref<1x128xi32, #tpu.memory_space<vmem>> -> memref<128xi32, #tpu.memory_space<vmem>>
      %dma_start3A_1521 = arith.constant 0 : i32
      %dma_start3A_1522 = tpu.memref_slice %arg4[%arg1, %add3A_1497, %dma_start3A_1521] : memref<16x80x128xi32, #tpu.memory_space<hbm>> -> memref<1x1x128xi32, #tpu.memory_space<hbm>>
      %dma_start3A_1523 = tpu.memref_squeeze %dma_start3A_1522 : memref<1x1x128xi32, #tpu.memory_space<hbm>> -> memref<128xi32, #tpu.memory_space<hbm>>
      tpu.enqueue_dma source(%dma_start3A_1523 : memref<128xi32, #tpu.memory_space<hbm>>) target(%dma_start3A_1520 : memref<128xi32, #tpu.memory_space<vmem>>) target_semaphore(%arg18 : memref<!tpu.dma_semaphore, #tpu.memory_space<semaphore_mem>>)
      %dma_wait3A_1524 = arith.constant 0 : i32
      %dma_wait3A_1525 = arith.constant 0 : i32
      %dma_wait3A_1526 = arith.constant 2 : i32
      %dma_wait3A_1527 = arith.constant 0 : i32
      %dma_wait3A_1528 = tpu.memref_slice %arg7[%dma_wait3A_1526, %dma_wait3A_1527] : memref<8x128xi32, #tpu.memory_space<vmem>> -> memref<1x128xi32, #tpu.memory_space<vmem>>
      %dma_wait3A_1529 = tpu.memref_squeeze %dma_wait3A_1528 : memref<1x128xi32, #tpu.memory_space<vmem>> -> memref<128xi32, #tpu.memory_space<vmem>>
      %dma_wait3A_1530 = arith.constant 0 : i32
      %dma_wait3A_1531 = tpu.memref_slice %arg5[%dma_wait3A_1524, %dma_wait3A_1525, %dma_wait3A_1530] : memref<16x80x128xi32, #tpu.memory_space<hbm>> -> memref<1x1x128xi32, #tpu.memory_space<hbm>>
      %dma_wait3A_1532 = tpu.memref_squeeze %dma_wait3A_1531 : memref<1x1x128xi32, #tpu.memory_space<hbm>> -> memref<128xi32, #tpu.memory_space<hbm>>
      %dma_wait3A_1533 = arith.constant 0 : i32
      %dma_wait3A_1534 = tpu.memref_slice %arg7[%dma_wait3A_1526, %dma_wait3A_1533] : memref<8x128xi32, #tpu.memory_space<vmem>> -> memref<1x128xi32, #tpu.memory_space<vmem>>
      %dma_wait3A_1535 = tpu.memref_squeeze %dma_wait3A_1534 : memref<1x128xi32, #tpu.memory_space<vmem>> -> memref<128xi32, #tpu.memory_space<vmem>>
      %dma_wait3A_1536 = arith.constant 0 : i32
      %dma_wait3A_1537 = tpu.memref_slice %arg5[%dma_wait3A_1524, %dma_wait3A_1525, %dma_wait3A_1536] : memref<16x80x128xi32, #tpu.memory_space<hbm>> -> memref<1x1x128xi32, #tpu.memory_space<hbm>>
      %dma_wait3A_1538 = tpu.memref_squeeze %dma_wait3A_1537 : memref<1x1x128xi32, #tpu.memory_space<hbm>> -> memref<128xi32, #tpu.memory_space<hbm>>
      tpu.wait_dma2 semaphore(%arg17 : memref<!tpu.dma_semaphore, #tpu.memory_space<semaphore_mem>>) src(%dma_wait3A_1538 : memref<128xi32, #tpu.memory_space<hbm>>) dst(%dma_wait3A_1535 : memref<128xi32, #tpu.memory_space<vmem>>)
      %dma_wait3A_1539 = arith.constant 0 : i32
      %dma_wait3A_1540 = arith.constant 0 : i32
      %dma_wait3A_1541 = arith.constant 2 : i32
      %dma_wait3A_1542 = arith.constant 0 : i32
      %dma_wait3A_1543 = tpu.memref_slice %arg7[%dma_wait3A_1541, %dma_wait3A_1542] : memref<8x128xi32, #tpu.memory_space<vmem>> -> memref<1x128xi32, #tpu.memory_space<vmem>>
      %dma_wait3A_1544 = tpu.memref_squeeze %dma_wait3A_1543 : memref<1x128xi32, #tpu.memory_space<vmem>> -> memref<128xi32, #tpu.memory_space<vmem>>
      %dma_wait3A_1545 = arith.constant 0 : i32
      %dma_wait3A_1546 = tpu.memref_slice %arg5[%dma_wait3A_1539, %dma_wait3A_1540, %dma_wait3A_1545] : memref<16x80x128xi32, #tpu.memory_space<hbm>> -> memref<1x1x128xi32, #tpu.memory_space<hbm>>
      %dma_wait3A_1547 = tpu.memref_squeeze %dma_wait3A_1546 : memref<1x1x128xi32, #tpu.memory_space<hbm>> -> memref<128xi32, #tpu.memory_space<hbm>>
      %dma_wait3A_1548 = arith.constant 0 : i32
      %dma_wait3A_1549 = tpu.memref_slice %arg7[%dma_wait3A_1541, %dma_wait3A_1548] : memref<8x128xi32, #tpu.memory_space<vmem>> -> memref<1x128xi32, #tpu.memory_space<vmem>>
      %dma_wait3A_1550 = tpu.memref_squeeze %dma_wait3A_1549 : memref<1x128xi32, #tpu.memory_space<vmem>> -> memref<128xi32, #tpu.memory_space<vmem>>
      %dma_wait3A_1551 = arith.constant 0 : i32
      %dma_wait3A_1552 = tpu.memref_slice %arg5[%dma_wait3A_1539, %dma_wait3A_1540, %dma_wait3A_1551] : memref<16x80x128xi32, #tpu.memory_space<hbm>> -> memref<1x1x128xi32, #tpu.memory_space<hbm>>
      %dma_wait3A_1553 = tpu.memref_squeeze %dma_wait3A_1552 : memref<1x1x128xi32, #tpu.memory_space<hbm>> -> memref<128xi32, #tpu.memory_space<hbm>>
      tpu.wait_dma2 semaphore(%arg17 : memref<!tpu.dma_semaphore, #tpu.memory_space<semaphore_mem>>) src(%dma_wait3A_1553 : memref<128xi32, #tpu.memory_space<hbm>>) dst(%dma_wait3A_1550 : memref<128xi32, #tpu.memory_space<vmem>>)
      %add3A_1554 = arith.constant 3 : i32
      %add3A_1555 = arith.addi %add3A_1488, %add3A_1554 : i32
      %eq3A_1556 = arith.constant 0 : i32
      %eq3A_1557 = arith.cmpi eq, %arg0, %eq3A_1556 : i32
      %convert_element_type3A_1558 = arith.extui %eq3A_1557 : i1 to i32
      %cond3A_1559 = arith.constant 0 : i32
      %cond3A_1560 = arith.cmpi ne, %convert_element_type3A_1558, %cond3A_1559 : i32
      scf.if %cond3A_1560 {
        %dma_start3A_1566 = arith.constant 2 : i32
        %dma_start3A_1567 = arith.constant 0 : i32
        %dma_start3A_1568 = tpu.memref_slice %arg7[%dma_start3A_1566, %dma_start3A_1567] : memref<8x128xi32, #tpu.memory_space<vmem>> -> memref<1x128xi32, #tpu.memory_space<vmem>>
        %dma_start3A_1569 = tpu.memref_squeeze %dma_start3A_1568 : memref<1x128xi32, #tpu.memory_space<vmem>> -> memref<128xi32, #tpu.memory_space<vmem>>
        %dma_start3A_1570 = arith.constant 0 : i32
        %dma_start3A_1571 = arith.constant 0 : i32
        %dma_start3A_1572 = tpu.memref_slice %arg2[%dma_start3A_1570, %dma_start3A_1571] : memref<10000x128xf32, #tpu.memory_space<hbm>> -> memref<10000x128xf32, #tpu.memory_space<hbm>>
        tpu.enqueue_indirect_dma source(%dma_start3A_1572 : memref<10000x128xf32, #tpu.memory_space<hbm>>) target(%arg10 : memref<128x128xf32, #tpu.memory_space<vmem>>) offsets(%dma_start3A_1569 : memref<128xi32, #tpu.memory_space<vmem>>) semaphore(%arg14 : memref<!tpu.dma_semaphore, #tpu.memory_space<semaphore_mem>>)
      } else {
      }
      %eq3A_1561 = arith.constant 1 : i32
      %eq3A_1562 = arith.cmpi eq, %arg0, %eq3A_1561 : i32
      %convert_element_type3A_1563 = arith.extui %eq3A_1562 : i1 to i32
      %cond3A_1564 = arith.constant 0 : i32
      %cond3A_1565 = arith.cmpi ne, %convert_element_type3A_1563, %cond3A_1564 : i32
      scf.if %cond3A_1565 {
        %dma_start3A_1566 = arith.constant 2 : i32
        %dma_start3A_1567 = arith.constant 0 : i32
        %dma_start3A_1568 = tpu.memref_slice %arg7[%dma_start3A_1566, %dma_start3A_1567] : memref<8x128xi32, #tpu.memory_space<vmem>> -> memref<1x128xi32, #tpu.memory_space<vmem>>
        %dma_start3A_1569 = tpu.memref_squeeze %dma_start3A_1568 : memref<1x128xi32, #tpu.memory_space<vmem>> -> memref<128xi32, #tpu.memory_space<vmem>>
        %dma_start3A_1570 = arith.constant 0 : i32
        %dma_start3A_1571 = arith.constant 0 : i32
        %dma_start3A_1572 = tpu.memref_slice %arg3[%dma_start3A_1570, %dma_start3A_1571] : memref<10000x128xf32, #tpu.memory_space<hbm>> -> memref<10000x128xf32, #tpu.memory_space<hbm>>
        tpu.enqueue_indirect_dma source(%dma_start3A_1572 : memref<10000x128xf32, #tpu.memory_space<hbm>>) target(%arg10 : memref<128x128xf32, #tpu.memory_space<vmem>>) offsets(%dma_start3A_1569 : memref<128xi32, #tpu.memory_space<vmem>>) semaphore(%arg14 : memref<!tpu.dma_semaphore, #tpu.memory_space<semaphore_mem>>)
      } else {
      }
    }
    %scan3A_242 = arith.constant 6 : i32
    %dma_wait3A_243 = arith.constant 0 : i32
    %dma_wait3A_244 = arith.constant 0 : i32
    %dma_wait3A_245 = tpu.memref_slice %arg2[%dma_wait3A_243, %dma_wait3A_244] : memref<10000x128xf32, #tpu.memory_space<hbm>> -> memref<128x128xf32, #tpu.memory_space<hbm>>
    %dma_wait3A_246 = arith.constant 0 : i32
    %dma_wait3A_247 = arith.constant 0 : i32
    %dma_wait3A_248 = tpu.memref_slice %arg2[%dma_wait3A_246, %dma_wait3A_247] : memref<10000x128xf32, #tpu.memory_space<hbm>> -> memref<128x128xf32, #tpu.memory_space<hbm>>
    tpu.wait_dma2 semaphore(%arg12 : memref<!tpu.dma_semaphore, #tpu.memory_space<semaphore_mem>>) src(%dma_wait3A_248 : memref<128x128xf32, #tpu.memory_space<hbm>>) dst(%arg8 : memref<128x128xf32, #tpu.memory_space<vmem>>)
    %run_scoped3A = arith.constant 4 : i32
    "tpu.region"() ({
      %run_scoped3A_616 = tpu.sem_alloc : memref<!tpu.dma_semaphore, #tpu.memory_space<semaphore_mem>>
      %dma_start3A_617 = arith.constant 0 : i32
      %dma_start3A_618 = tpu.memref_slice %arg7[%run_scoped3A, %dma_start3A_617] : memref<8x128xi32, #tpu.memory_space<vmem>> -> memref<1x128xi32, #tpu.memory_space<vmem>>
      %dma_start3A_619 = tpu.memref_squeeze %dma_start3A_618 : memref<1x128xi32, #tpu.memory_space<vmem>> -> memref<128xi32, #tpu.memory_space<vmem>>
      %dma_start3A_620 = arith.constant 0 : i32
      %dma_start3A_621 = arith.constant 0 : i32
      %dma_start3A_622 = tpu.memref_slice %arg11[%dma_start3A_620, %dma_start3A_621] : memref<10008x128xf32, #tpu.memory_space<vmem_shared>> -> memref<10008x128xf32, #tpu.memory_space<vmem_shared>>
      tpu.enqueue_indirect_dma source(%arg8 : memref<128x128xf32, #tpu.memory_space<vmem>>) target(%dma_start3A_622 : memref<10008x128xf32, #tpu.memory_space<vmem_shared>>) offsets(%dma_start3A_619 : memref<128xi32, #tpu.memory_space<vmem>>) semaphore(%run_scoped3A_616 : memref<!tpu.dma_semaphore, #tpu.memory_space<semaphore_mem>>) {add = true}
      %dma_wait3A_623 = arith.constant 0 : i32
      %dma_wait3A_624 = tpu.memref_slice %arg7[%run_scoped3A, %dma_wait3A_623] : memref<8x128xi32, #tpu.memory_space<vmem>> -> memref<1x128xi32, #tpu.memory_space<vmem>>
      %dma_wait3A_625 = tpu.memref_squeeze %dma_wait3A_624 : memref<1x128xi32, #tpu.memory_space<vmem>> -> memref<128xi32, #tpu.memory_space<vmem>>
      %dma_wait3A_626 = arith.constant 0 : i32
      %dma_wait3A_627 = arith.constant 0 : i32
      %dma_wait3A_628 = tpu.memref_slice %arg11[%dma_wait3A_626, %dma_wait3A_627] : memref<10008x128xf32, #tpu.memory_space<vmem_shared>> -> memref<10008x128xf32, #tpu.memory_space<vmem_shared>>
      tpu.wait_indirect_dma semaphore(%run_scoped3A_616 : memref<!tpu.dma_semaphore, #tpu.memory_space<semaphore_mem>>) src(%arg8 : memref<128x128xf32, #tpu.memory_space<vmem>>) dst(%dma_wait3A_628 : memref<10008x128xf32, #tpu.memory_space<vmem_shared>>)
      tpu.yield
    }) : () -> ()
    %dma_start3A_249 = arith.constant 76 : i32
    %dma_start3A_250 = arith.constant 0 : i32
    %dma_start3A_251 = arith.constant 0 : i32
    %dma_start3A_252 = tpu.memref_slice %arg7[%dma_start3A_250, %dma_start3A_251] : memref<8x128xi32, #tpu.memory_space<vmem>> -> memref<1x128xi32, #tpu.memory_space<vmem>>
    %dma_start3A_253 = tpu.memref_squeeze %dma_start3A_252 : memref<1x128xi32, #tpu.memory_space<vmem>> -> memref<128xi32, #tpu.memory_space<vmem>>
    %dma_start3A_254 = arith.constant 0 : i32
    %dma_start3A_255 = tpu.memref_slice %arg5[%arg1, %dma_start3A_249, %dma_start3A_254] : memref<16x80x128xi32, #tpu.memory_space<hbm>> -> memref<1x1x128xi32, #tpu.memory_space<hbm>>
    %dma_start3A_256 = tpu.memref_squeeze %dma_start3A_255 : memref<1x1x128xi32, #tpu.memory_space<hbm>> -> memref<128xi32, #tpu.memory_space<hbm>>
    %dma_start3A_257 = arith.constant 0 : i32
    %dma_start3A_258 = tpu.memref_slice %arg7[%dma_start3A_250, %dma_start3A_257] : memref<8x128xi32, #tpu.memory_space<vmem>> -> memref<1x128xi32, #tpu.memory_space<vmem>>
    %dma_start3A_259 = tpu.memref_squeeze %dma_start3A_258 : memref<1x128xi32, #tpu.memory_space<vmem>> -> memref<128xi32, #tpu.memory_space<vmem>>
    %dma_start3A_260 = arith.constant 0 : i32
    %dma_start3A_261 = tpu.memref_slice %arg5[%arg1, %dma_start3A_249, %dma_start3A_260] : memref<16x80x128xi32, #tpu.memory_space<hbm>> -> memref<1x1x128xi32, #tpu.memory_space<hbm>>
    %dma_start3A_262 = tpu.memref_squeeze %dma_start3A_261 : memref<1x1x128xi32, #tpu.memory_space<hbm>> -> memref<128xi32, #tpu.memory_space<hbm>>
    tpu.enqueue_dma source(%dma_start3A_262 : memref<128xi32, #tpu.memory_space<hbm>>) target(%dma_start3A_259 : memref<128xi32, #tpu.memory_space<vmem>>) target_semaphore(%arg15 : memref<!tpu.dma_semaphore, #tpu.memory_space<semaphore_mem>>)
    %dma_start3A_263 = arith.constant 76 : i32
    %dma_start3A_264 = arith.constant 4 : i32
    %dma_start3A_265 = arith.constant 0 : i32
    %dma_start3A_266 = tpu.memref_slice %arg7[%dma_start3A_264, %dma_start3A_265] : memref<8x128xi32, #tpu.memory_space<vmem>> -> memref<1x128xi32, #tpu.memory_space<vmem>>
    %dma_start3A_267 = tpu.memref_squeeze %dma_start3A_266 : memref<1x128xi32, #tpu.memory_space<vmem>> -> memref<128xi32, #tpu.memory_space<vmem>>
    %dma_start3A_268 = arith.constant 0 : i32
    %dma_start3A_269 = tpu.memref_slice %arg4[%arg1, %dma_start3A_263, %dma_start3A_268] : memref<16x80x128xi32, #tpu.memory_space<hbm>> -> memref<1x1x128xi32, #tpu.memory_space<hbm>>
    %dma_start3A_270 = tpu.memref_squeeze %dma_start3A_269 : memref<1x1x128xi32, #tpu.memory_space<hbm>> -> memref<128xi32, #tpu.memory_space<hbm>>
    %dma_start3A_271 = arith.constant 0 : i32
    %dma_start3A_272 = tpu.memref_slice %arg7[%dma_start3A_264, %dma_start3A_271] : memref<8x128xi32, #tpu.memory_space<vmem>> -> memref<1x128xi32, #tpu.memory_space<vmem>>
    %dma_start3A_273 = tpu.memref_squeeze %dma_start3A_272 : memref<1x128xi32, #tpu.memory_space<vmem>> -> memref<128xi32, #tpu.memory_space<vmem>>
    %dma_start3A_274 = arith.constant 0 : i32
    %dma_start3A_275 = tpu.memref_slice %arg4[%arg1, %dma_start3A_263, %dma_start3A_274] : memref<16x80x128xi32, #tpu.memory_space<hbm>> -> memref<1x1x128xi32, #tpu.memory_space<hbm>>
    %dma_start3A_276 = tpu.memref_squeeze %dma_start3A_275 : memref<1x1x128xi32, #tpu.memory_space<hbm>> -> memref<128xi32, #tpu.memory_space<hbm>>
    tpu.enqueue_dma source(%dma_start3A_276 : memref<128xi32, #tpu.memory_space<hbm>>) target(%dma_start3A_273 : memref<128xi32, #tpu.memory_space<vmem>>) target_semaphore(%arg15 : memref<!tpu.dma_semaphore, #tpu.memory_space<semaphore_mem>>)
    %dma_wait3A_277 = arith.constant 0 : i32
    %dma_wait3A_278 = arith.constant 0 : i32
    %dma_wait3A_279 = arith.constant 3 : i32
    %dma_wait3A_280 = arith.constant 0 : i32
    %dma_wait3A_281 = tpu.memref_slice %arg7[%dma_wait3A_279, %dma_wait3A_280] : memref<8x128xi32, #tpu.memory_space<vmem>> -> memref<1x128xi32, #tpu.memory_space<vmem>>
    %dma_wait3A_282 = tpu.memref_squeeze %dma_wait3A_281 : memref<1x128xi32, #tpu.memory_space<vmem>> -> memref<128xi32, #tpu.memory_space<vmem>>
    %dma_wait3A_283 = arith.constant 0 : i32
    %dma_wait3A_284 = tpu.memref_slice %arg5[%dma_wait3A_277, %dma_wait3A_278, %dma_wait3A_283] : memref<16x80x128xi32, #tpu.memory_space<hbm>> -> memref<1x1x128xi32, #tpu.memory_space<hbm>>
    %dma_wait3A_285 = tpu.memref_squeeze %dma_wait3A_284 : memref<1x1x128xi32, #tpu.memory_space<hbm>> -> memref<128xi32, #tpu.memory_space<hbm>>
    %dma_wait3A_286 = arith.constant 0 : i32
    %dma_wait3A_287 = tpu.memref_slice %arg7[%dma_wait3A_279, %dma_wait3A_286] : memref<8x128xi32, #tpu.memory_space<vmem>> -> memref<1x128xi32, #tpu.memory_space<vmem>>
    %dma_wait3A_288 = tpu.memref_squeeze %dma_wait3A_287 : memref<1x128xi32, #tpu.memory_space<vmem>> -> memref<128xi32, #tpu.memory_space<vmem>>
    %dma_wait3A_289 = arith.constant 0 : i32
    %dma_wait3A_290 = tpu.memref_slice %arg5[%dma_wait3A_277, %dma_wait3A_278, %dma_wait3A_289] : memref<16x80x128xi32, #tpu.memory_space<hbm>> -> memref<1x1x128xi32, #tpu.memory_space<hbm>>
    %dma_wait3A_291 = tpu.memref_squeeze %dma_wait3A_290 : memref<1x1x128xi32, #tpu.memory_space<hbm>> -> memref<128xi32, #tpu.memory_space<hbm>>
    tpu.wait_dma2 semaphore(%arg18 : memref<!tpu.dma_semaphore, #tpu.memory_space<semaphore_mem>>) src(%dma_wait3A_291 : memref<128xi32, #tpu.memory_space<hbm>>) dst(%dma_wait3A_288 : memref<128xi32, #tpu.memory_space<vmem>>)
    %dma_wait3A_292 = arith.constant 0 : i32
    %dma_wait3A_293 = arith.constant 0 : i32
    %dma_wait3A_294 = arith.constant 3 : i32
    %dma_wait3A_295 = arith.constant 0 : i32
    %dma_wait3A_296 = tpu.memref_slice %arg7[%dma_wait3A_294, %dma_wait3A_295] : memref<8x128xi32, #tpu.memory_space<vmem>> -> memref<1x128xi32, #tpu.memory_space<vmem>>
    %dma_wait3A_297 = tpu.memref_squeeze %dma_wait3A_296 : memref<1x128xi32, #tpu.memory_space<vmem>> -> memref<128xi32, #tpu.memory_space<vmem>>
    %dma_wait3A_298 = arith.constant 0 : i32
    %dma_wait3A_299 = tpu.memref_slice %arg5[%dma_wait3A_292, %dma_wait3A_293, %dma_wait3A_298] : memref<16x80x128xi32, #tpu.memory_space<hbm>> -> memref<1x1x128xi32, #tpu.memory_space<hbm>>
    %dma_wait3A_300 = tpu.memref_squeeze %dma_wait3A_299 : memref<1x1x128xi32, #tpu.memory_space<hbm>> -> memref<128xi32, #tpu.memory_space<hbm>>
    %dma_wait3A_301 = arith.constant 0 : i32
    %dma_wait3A_302 = tpu.memref_slice %arg7[%dma_wait3A_294, %dma_wait3A_301] : memref<8x128xi32, #tpu.memory_space<vmem>> -> memref<1x128xi32, #tpu.memory_space<vmem>>
    %dma_wait3A_303 = tpu.memref_squeeze %dma_wait3A_302 : memref<1x128xi32, #tpu.memory_space<vmem>> -> memref<128xi32, #tpu.memory_space<vmem>>
    %dma_wait3A_304 = arith.constant 0 : i32
    %dma_wait3A_305 = tpu.memref_slice %arg5[%dma_wait3A_292, %dma_wait3A_293, %dma_wait3A_304] : memref<16x80x128xi32, #tpu.memory_space<hbm>> -> memref<1x1x128xi32, #tpu.memory_space<hbm>>
    %dma_wait3A_306 = tpu.memref_squeeze %dma_wait3A_305 : memref<1x1x128xi32, #tpu.memory_space<hbm>> -> memref<128xi32, #tpu.memory_space<hbm>>
    tpu.wait_dma2 semaphore(%arg18 : memref<!tpu.dma_semaphore, #tpu.memory_space<semaphore_mem>>) src(%dma_wait3A_306 : memref<128xi32, #tpu.memory_space<hbm>>) dst(%dma_wait3A_303 : memref<128xi32, #tpu.memory_space<vmem>>)
    %eq3A_307 = arith.constant 0 : i32
    %eq3A_308 = arith.cmpi eq, %arg0, %eq3A_307 : i32
    %convert_element_type3A_309 = arith.extui %eq3A_308 : i1 to i32
    %cond3A_310 = arith.constant 0 : i32
    %cond3A_311 = arith.cmpi ne, %convert_element_type3A_309, %cond3A_310 : i32
    scf.if %cond3A_311 {
      %dma_start3A_616 = arith.constant 3 : i32
      %dma_start3A_617 = arith.constant 0 : i32
      %dma_start3A_618 = tpu.memref_slice %arg7[%dma_start3A_616, %dma_start3A_617] : memref<8x128xi32, #tpu.memory_space<vmem>> -> memref<1x128xi32, #tpu.memory_space<vmem>>
      %dma_start3A_619 = tpu.memref_squeeze %dma_start3A_618 : memref<1x128xi32, #tpu.memory_space<vmem>> -> memref<128xi32, #tpu.memory_space<vmem>>
      %dma_start3A_620 = arith.constant 0 : i32
      %dma_start3A_621 = arith.constant 0 : i32
      %dma_start3A_622 = tpu.memref_slice %arg2[%dma_start3A_620, %dma_start3A_621] : memref<10000x128xf32, #tpu.memory_space<hbm>> -> memref<10000x128xf32, #tpu.memory_space<hbm>>
      tpu.enqueue_indirect_dma source(%dma_start3A_622 : memref<10000x128xf32, #tpu.memory_space<hbm>>) target(%arg8 : memref<128x128xf32, #tpu.memory_space<vmem>>) offsets(%dma_start3A_619 : memref<128xi32, #tpu.memory_space<vmem>>) semaphore(%arg12 : memref<!tpu.dma_semaphore, #tpu.memory_space<semaphore_mem>>)
    } else {
    }
    %eq3A_312 = arith.constant 1 : i32
    %eq3A_313 = arith.cmpi eq, %arg0, %eq3A_312 : i32
    %convert_element_type3A_314 = arith.extui %eq3A_313 : i1 to i32
    %cond3A_315 = arith.constant 0 : i32
    %cond3A_316 = arith.cmpi ne, %convert_element_type3A_314, %cond3A_315 : i32
    scf.if %cond3A_316 {
      %dma_start3A_616 = arith.constant 3 : i32
      %dma_start3A_617 = arith.constant 0 : i32
      %dma_start3A_618 = tpu.memref_slice %arg7[%dma_start3A_616, %dma_start3A_617] : memref<8x128xi32, #tpu.memory_space<vmem>> -> memref<1x128xi32, #tpu.memory_space<vmem>>
      %dma_start3A_619 = tpu.memref_squeeze %dma_start3A_618 : memref<1x128xi32, #tpu.memory_space<vmem>> -> memref<128xi32, #tpu.memory_space<vmem>>
      %dma_start3A_620 = arith.constant 0 : i32
      %dma_start3A_621 = arith.constant 0 : i32
      %dma_start3A_622 = tpu.memref_slice %arg3[%dma_start3A_620, %dma_start3A_621] : memref<10000x128xf32, #tpu.memory_space<hbm>> -> memref<10000x128xf32, #tpu.memory_space<hbm>>
      tpu.enqueue_indirect_dma source(%dma_start3A_622 : memref<10000x128xf32, #tpu.memory_space<hbm>>) target(%arg8 : memref<128x128xf32, #tpu.memory_space<vmem>>) offsets(%dma_start3A_619 : memref<128xi32, #tpu.memory_space<vmem>>) semaphore(%arg12 : memref<!tpu.dma_semaphore, #tpu.memory_space<semaphore_mem>>)
    } else {
    }
    %dma_wait3A_317 = arith.constant 0 : i32
    %dma_wait3A_318 = arith.constant 0 : i32
    %dma_wait3A_319 = tpu.memref_slice %arg2[%dma_wait3A_317, %dma_wait3A_318] : memref<10000x128xf32, #tpu.memory_space<hbm>> -> memref<128x128xf32, #tpu.memory_space<hbm>>
    %dma_wait3A_320 = arith.constant 0 : i32
    %dma_wait3A_321 = arith.constant 0 : i32
    %dma_wait3A_322 = tpu.memref_slice %arg2[%dma_wait3A_320, %dma_wait3A_321] : memref<10000x128xf32, #tpu.memory_space<hbm>> -> memref<128x128xf32, #tpu.memory_space<hbm>>
    tpu.wait_dma2 semaphore(%arg13 : memref<!tpu.dma_semaphore, #tpu.memory_space<semaphore_mem>>) src(%dma_wait3A_322 : memref<128x128xf32, #tpu.memory_space<hbm>>) dst(%arg9 : memref<128x128xf32, #tpu.memory_space<vmem>>)
    %run_scoped3A_323 = arith.constant 5 : i32
    "tpu.region"() ({
      %run_scoped3A_616 = tpu.sem_alloc : memref<!tpu.dma_semaphore, #tpu.memory_space<semaphore_mem>>
      %dma_start3A_617 = arith.constant 0 : i32
      %dma_start3A_618 = tpu.memref_slice %arg7[%run_scoped3A_323, %dma_start3A_617] : memref<8x128xi32, #tpu.memory_space<vmem>> -> memref<1x128xi32, #tpu.memory_space<vmem>>
      %dma_start3A_619 = tpu.memref_squeeze %dma_start3A_618 : memref<1x128xi32, #tpu.memory_space<vmem>> -> memref<128xi32, #tpu.memory_space<vmem>>
      %dma_start3A_620 = arith.constant 0 : i32
      %dma_start3A_621 = arith.constant 0 : i32
      %dma_start3A_622 = tpu.memref_slice %arg11[%dma_start3A_620, %dma_start3A_621] : memref<10008x128xf32, #tpu.memory_space<vmem_shared>> -> memref<10008x128xf32, #tpu.memory_space<vmem_shared>>
      tpu.enqueue_indirect_dma source(%arg9 : memref<128x128xf32, #tpu.memory_space<vmem>>) target(%dma_start3A_622 : memref<10008x128xf32, #tpu.memory_space<vmem_shared>>) offsets(%dma_start3A_619 : memref<128xi32, #tpu.memory_space<vmem>>) semaphore(%run_scoped3A_616 : memref<!tpu.dma_semaphore, #tpu.memory_space<semaphore_mem>>) {add = true}
      %dma_wait3A_623 = arith.constant 0 : i32
      %dma_wait3A_624 = tpu.memref_slice %arg7[%run_scoped3A_323, %dma_wait3A_623] : memref<8x128xi32, #tpu.memory_space<vmem>> -> memref<1x128xi32, #tpu.memory_space<vmem>>
      %dma_wait3A_625 = tpu.memref_squeeze %dma_wait3A_624 : memref<1x128xi32, #tpu.memory_space<vmem>> -> memref<128xi32, #tpu.memory_space<vmem>>
      %dma_wait3A_626 = arith.constant 0 : i32
      %dma_wait3A_627 = arith.constant 0 : i32
      %dma_wait3A_628 = tpu.memref_slice %arg11[%dma_wait3A_626, %dma_wait3A_627] : memref<10008x128xf32, #tpu.memory_space<vmem_shared>> -> memref<10008x128xf32, #tpu.memory_space<vmem_shared>>
      tpu.wait_indirect_dma semaphore(%run_scoped3A_616 : memref<!tpu.dma_semaphore, #tpu.memory_space<semaphore_mem>>) src(%arg9 : memref<128x128xf32, #tpu.memory_space<vmem>>) dst(%dma_wait3A_628 : memref<10008x128xf32, #tpu.memory_space<vmem_shared>>)
      tpu.yield
    }) : () -> ()
    %dma_start3A_324 = arith.constant 77 : i32
    %dma_start3A_325 = arith.constant 1 : i32
    %dma_start3A_326 = arith.constant 0 : i32
    %dma_start3A_327 = tpu.memref_slice %arg7[%dma_start3A_325, %dma_start3A_326] : memref<8x128xi32, #tpu.memory_space<vmem>> -> memref<1x128xi32, #tpu.memory_space<vmem>>
    %dma_start3A_328 = tpu.memref_squeeze %dma_start3A_327 : memref<1x128xi32, #tpu.memory_space<vmem>> -> memref<128xi32, #tpu.memory_space<vmem>>
    %dma_start3A_329 = arith.constant 0 : i32
    %dma_start3A_330 = tpu.memref_slice %arg5[%arg1, %dma_start3A_324, %dma_start3A_329] : memref<16x80x128xi32, #tpu.memory_space<hbm>> -> memref<1x1x128xi32, #tpu.memory_space<hbm>>
    %dma_start3A_331 = tpu.memref_squeeze %dma_start3A_330 : memref<1x1x128xi32, #tpu.memory_space<hbm>> -> memref<128xi32, #tpu.memory_space<hbm>>
    %dma_start3A_332 = arith.constant 0 : i32
    %dma_start3A_333 = tpu.memref_slice %arg7[%dma_start3A_325, %dma_start3A_332] : memref<8x128xi32, #tpu.memory_space<vmem>> -> memref<1x128xi32, #tpu.memory_space<vmem>>
    %dma_start3A_334 = tpu.memref_squeeze %dma_start3A_333 : memref<1x128xi32, #tpu.memory_space<vmem>> -> memref<128xi32, #tpu.memory_space<vmem>>
    %dma_start3A_335 = arith.constant 0 : i32
    %dma_start3A_336 = tpu.memref_slice %arg5[%arg1, %dma_start3A_324, %dma_start3A_335] : memref<16x80x128xi32, #tpu.memory_space<hbm>> -> memref<1x1x128xi32, #tpu.memory_space<hbm>>
    %dma_start3A_337 = tpu.memref_squeeze %dma_start3A_336 : memref<1x1x128xi32, #tpu.memory_space<hbm>> -> memref<128xi32, #tpu.memory_space<hbm>>
    tpu.enqueue_dma source(%dma_start3A_337 : memref<128xi32, #tpu.memory_space<hbm>>) target(%dma_start3A_334 : memref<128xi32, #tpu.memory_space<vmem>>) target_semaphore(%arg16 : memref<!tpu.dma_semaphore, #tpu.memory_space<semaphore_mem>>)
    %dma_start3A_338 = arith.constant 77 : i32
    %dma_start3A_339 = arith.constant 5 : i32
    %dma_start3A_340 = arith.constant 0 : i32
    %dma_start3A_341 = tpu.memref_slice %arg7[%dma_start3A_339, %dma_start3A_340] : memref<8x128xi32, #tpu.memory_space<vmem>> -> memref<1x128xi32, #tpu.memory_space<vmem>>
    %dma_start3A_342 = tpu.memref_squeeze %dma_start3A_341 : memref<1x128xi32, #tpu.memory_space<vmem>> -> memref<128xi32, #tpu.memory_space<vmem>>
    %dma_start3A_343 = arith.constant 0 : i32
    %dma_start3A_344 = tpu.memref_slice %arg4[%arg1, %dma_start3A_338, %dma_start3A_343] : memref<16x80x128xi32, #tpu.memory_space<hbm>> -> memref<1x1x128xi32, #tpu.memory_space<hbm>>
    %dma_start3A_345 = tpu.memref_squeeze %dma_start3A_344 : memref<1x1x128xi32, #tpu.memory_space<hbm>> -> memref<128xi32, #tpu.memory_space<hbm>>
    %dma_start3A_346 = arith.constant 0 : i32
    %dma_start3A_347 = tpu.memref_slice %arg7[%dma_start3A_339, %dma_start3A_346] : memref<8x128xi32, #tpu.memory_space<vmem>> -> memref<1x128xi32, #tpu.memory_space<vmem>>
    %dma_start3A_348 = tpu.memref_squeeze %dma_start3A_347 : memref<1x128xi32, #tpu.memory_space<vmem>> -> memref<128xi32, #tpu.memory_space<vmem>>
    %dma_start3A_349 = arith.constant 0 : i32
    %dma_start3A_350 = tpu.memref_slice %arg4[%arg1, %dma_start3A_338, %dma_start3A_349] : memref<16x80x128xi32, #tpu.memory_space<hbm>> -> memref<1x1x128xi32, #tpu.memory_space<hbm>>
    %dma_start3A_351 = tpu.memref_squeeze %dma_start3A_350 : memref<1x1x128xi32, #tpu.memory_space<hbm>> -> memref<128xi32, #tpu.memory_space<hbm>>
    tpu.enqueue_dma source(%dma_start3A_351 : memref<128xi32, #tpu.memory_space<hbm>>) target(%dma_start3A_348 : memref<128xi32, #tpu.memory_space<vmem>>) target_semaphore(%arg16 : memref<!tpu.dma_semaphore, #tpu.memory_space<semaphore_mem>>)
    %dma_wait3A_352 = arith.constant 0 : i32
    %dma_wait3A_353 = arith.constant 0 : i32
    %dma_wait3A_354 = arith.constant 0 : i32
    %dma_wait3A_355 = arith.constant 0 : i32
    %dma_wait3A_356 = tpu.memref_slice %arg7[%dma_wait3A_354, %dma_wait3A_355] : memref<8x128xi32, #tpu.memory_space<vmem>> -> memref<1x128xi32, #tpu.memory_space<vmem>>
    %dma_wait3A_357 = tpu.memref_squeeze %dma_wait3A_356 : memref<1x128xi32, #tpu.memory_space<vmem>> -> memref<128xi32, #tpu.memory_space<vmem>>
    %dma_wait3A_358 = arith.constant 0 : i32
    %dma_wait3A_359 = tpu.memref_slice %arg5[%dma_wait3A_352, %dma_wait3A_353, %dma_wait3A_358] : memref<16x80x128xi32, #tpu.memory_space<hbm>> -> memref<1x1x128xi32, #tpu.memory_space<hbm>>
    %dma_wait3A_360 = tpu.memref_squeeze %dma_wait3A_359 : memref<1x1x128xi32, #tpu.memory_space<hbm>> -> memref<128xi32, #tpu.memory_space<hbm>>
    %dma_wait3A_361 = arith.constant 0 : i32
    %dma_wait3A_362 = tpu.memref_slice %arg7[%dma_wait3A_354, %dma_wait3A_361] : memref<8x128xi32, #tpu.memory_space<vmem>> -> memref<1x128xi32, #tpu.memory_space<vmem>>
    %dma_wait3A_363 = tpu.memref_squeeze %dma_wait3A_362 : memref<1x128xi32, #tpu.memory_space<vmem>> -> memref<128xi32, #tpu.memory_space<vmem>>
    %dma_wait3A_364 = arith.constant 0 : i32
    %dma_wait3A_365 = tpu.memref_slice %arg5[%dma_wait3A_352, %dma_wait3A_353, %dma_wait3A_364] : memref<16x80x128xi32, #tpu.memory_space<hbm>> -> memref<1x1x128xi32, #tpu.memory_space<hbm>>
    %dma_wait3A_366 = tpu.memref_squeeze %dma_wait3A_365 : memref<1x1x128xi32, #tpu.memory_space<hbm>> -> memref<128xi32, #tpu.memory_space<hbm>>
    tpu.wait_dma2 semaphore(%arg15 : memref<!tpu.dma_semaphore, #tpu.memory_space<semaphore_mem>>) src(%dma_wait3A_366 : memref<128xi32, #tpu.memory_space<hbm>>) dst(%dma_wait3A_363 : memref<128xi32, #tpu.memory_space<vmem>>)
    %dma_wait3A_367 = arith.constant 0 : i32
    %dma_wait3A_368 = arith.constant 0 : i32
    %dma_wait3A_369 = arith.constant 0 : i32
    %dma_wait3A_370 = arith.constant 0 : i32
    %dma_wait3A_371 = tpu.memref_slice %arg7[%dma_wait3A_369, %dma_wait3A_370] : memref<8x128xi32, #tpu.memory_space<vmem>> -> memref<1x128xi32, #tpu.memory_space<vmem>>
    %dma_wait3A_372 = tpu.memref_squeeze %dma_wait3A_371 : memref<1x128xi32, #tpu.memory_space<vmem>> -> memref<128xi32, #tpu.memory_space<vmem>>
    %dma_wait3A_373 = arith.constant 0 : i32
    %dma_wait3A_374 = tpu.memref_slice %arg5[%dma_wait3A_367, %dma_wait3A_368, %dma_wait3A_373] : memref<16x80x128xi32, #tpu.memory_space<hbm>> -> memref<1x1x128xi32, #tpu.memory_space<hbm>>
    %dma_wait3A_375 = tpu.memref_squeeze %dma_wait3A_374 : memref<1x1x128xi32, #tpu.memory_space<hbm>> -> memref<128xi32, #tpu.memory_space<hbm>>
    %dma_wait3A_376 = arith.constant 0 : i32
    %dma_wait3A_377 = tpu.memref_slice %arg7[%dma_wait3A_369, %dma_wait3A_376] : memref<8x128xi32, #tpu.memory_space<vmem>> -> memref<1x128xi32, #tpu.memory_space<vmem>>
    %dma_wait3A_378 = tpu.memref_squeeze %dma_wait3A_377 : memref<1x128xi32, #tpu.memory_space<vmem>> -> memref<128xi32, #tpu.memory_space<vmem>>
    %dma_wait3A_379 = arith.constant 0 : i32
    %dma_wait3A_380 = tpu.memref_slice %arg5[%dma_wait3A_367, %dma_wait3A_368, %dma_wait3A_379] : memref<16x80x128xi32, #tpu.memory_space<hbm>> -> memref<1x1x128xi32, #tpu.memory_space<hbm>>
    %dma_wait3A_381 = tpu.memref_squeeze %dma_wait3A_380 : memref<1x1x128xi32, #tpu.memory_space<hbm>> -> memref<128xi32, #tpu.memory_space<hbm>>
    tpu.wait_dma2 semaphore(%arg15 : memref<!tpu.dma_semaphore, #tpu.memory_space<semaphore_mem>>) src(%dma_wait3A_381 : memref<128xi32, #tpu.memory_space<hbm>>) dst(%dma_wait3A_378 : memref<128xi32, #tpu.memory_space<vmem>>)
    %eq3A_382 = arith.constant 0 : i32
    %eq3A_383 = arith.cmpi eq, %arg0, %eq3A_382 : i32
    %convert_element_type3A_384 = arith.extui %eq3A_383 : i1 to i32
    %cond3A_385 = arith.constant 0 : i32
    %cond3A_386 = arith.cmpi ne, %convert_element_type3A_384, %cond3A_385 : i32
    scf.if %cond3A_386 {
      %dma_start3A_616 = arith.constant 0 : i32
      %dma_start3A_617 = arith.constant 0 : i32
      %dma_start3A_618 = tpu.memref_slice %arg7[%dma_start3A_616, %dma_start3A_617] : memref<8x128xi32, #tpu.memory_space<vmem>> -> memref<1x128xi32, #tpu.memory_space<vmem>>
      %dma_start3A_619 = tpu.memref_squeeze %dma_start3A_618 : memref<1x128xi32, #tpu.memory_space<vmem>> -> memref<128xi32, #tpu.memory_space<vmem>>
      %dma_start3A_620 = arith.constant 0 : i32
      %dma_start3A_621 = arith.constant 0 : i32
      %dma_start3A_622 = tpu.memref_slice %arg2[%dma_start3A_620, %dma_start3A_621] : memref<10000x128xf32, #tpu.memory_space<hbm>> -> memref<10000x128xf32, #tpu.memory_space<hbm>>
      tpu.enqueue_indirect_dma source(%dma_start3A_622 : memref<10000x128xf32, #tpu.memory_space<hbm>>) target(%arg9 : memref<128x128xf32, #tpu.memory_space<vmem>>) offsets(%dma_start3A_619 : memref<128xi32, #tpu.memory_space<vmem>>) semaphore(%arg13 : memref<!tpu.dma_semaphore, #tpu.memory_space<semaphore_mem>>)
    } else {
    }
    %eq3A_387 = arith.constant 1 : i32
    %eq3A_388 = arith.cmpi eq, %arg0, %eq3A_387 : i32
    %convert_element_type3A_389 = arith.extui %eq3A_388 : i1 to i32
    %cond3A_390 = arith.constant 0 : i32
    %cond3A_391 = arith.cmpi ne, %convert_element_type3A_389, %cond3A_390 : i32
    scf.if %cond3A_391 {
      %dma_start3A_616 = arith.constant 0 : i32
      %dma_start3A_617 = arith.constant 0 : i32
      %dma_start3A_618 = tpu.memref_slice %arg7[%dma_start3A_616, %dma_start3A_617] : memref<8x128xi32, #tpu.memory_space<vmem>> -> memref<1x128xi32, #tpu.memory_space<vmem>>
      %dma_start3A_619 = tpu.memref_squeeze %dma_start3A_618 : memref<1x128xi32, #tpu.memory_space<vmem>> -> memref<128xi32, #tpu.memory_space<vmem>>
      %dma_start3A_620 = arith.constant 0 : i32
      %dma_start3A_621 = arith.constant 0 : i32
      %dma_start3A_622 = tpu.memref_slice %arg3[%dma_start3A_620, %dma_start3A_621] : memref<10000x128xf32, #tpu.memory_space<hbm>> -> memref<10000x128xf32, #tpu.memory_space<hbm>>
      tpu.enqueue_indirect_dma source(%dma_start3A_622 : memref<10000x128xf32, #tpu.memory_space<hbm>>) target(%arg9 : memref<128x128xf32, #tpu.memory_space<vmem>>) offsets(%dma_start3A_619 : memref<128xi32, #tpu.memory_space<vmem>>) semaphore(%arg13 : memref<!tpu.dma_semaphore, #tpu.memory_space<semaphore_mem>>)
    } else {
    }
    %dma_wait3A_392 = arith.constant 0 : i32
    %dma_wait3A_393 = arith.constant 0 : i32
    %dma_wait3A_394 = tpu.memref_slice %arg2[%dma_wait3A_392, %dma_wait3A_393] : memref<10000x128xf32, #tpu.memory_space<hbm>> -> memref<128x128xf32, #tpu.memory_space<hbm>>
    %dma_wait3A_395 = arith.constant 0 : i32
    %dma_wait3A_396 = arith.constant 0 : i32
    %dma_wait3A_397 = tpu.memref_slice %arg2[%dma_wait3A_395, %dma_wait3A_396] : memref<10000x128xf32, #tpu.memory_space<hbm>> -> memref<128x128xf32, #tpu.memory_space<hbm>>
    tpu.wait_dma2 semaphore(%arg14 : memref<!tpu.dma_semaphore, #tpu.memory_space<semaphore_mem>>) src(%dma_wait3A_397 : memref<128x128xf32, #tpu.memory_space<hbm>>) dst(%arg10 : memref<128x128xf32, #tpu.memory_space<vmem>>)
    %run_scoped3A_398 = arith.constant 6 : i32
    "tpu.region"() ({
      %run_scoped3A_616 = tpu.sem_alloc : memref<!tpu.dma_semaphore, #tpu.memory_space<semaphore_mem>>
      %dma_start3A_617 = arith.constant 0 : i32
      %dma_start3A_618 = tpu.memref_slice %arg7[%run_scoped3A_398, %dma_start3A_617] : memref<8x128xi32, #tpu.memory_space<vmem>> -> memref<1x128xi32, #tpu.memory_space<vmem>>
      %dma_start3A_619 = tpu.memref_squeeze %dma_start3A_618 : memref<1x128xi32, #tpu.memory_space<vmem>> -> memref<128xi32, #tpu.memory_space<vmem>>
      %dma_start3A_620 = arith.constant 0 : i32
      %dma_start3A_621 = arith.constant 0 : i32
      %dma_start3A_622 = tpu.memref_slice %arg11[%dma_start3A_620, %dma_start3A_621] : memref<10008x128xf32, #tpu.memory_space<vmem_shared>> -> memref<10008x128xf32, #tpu.memory_space<vmem_shared>>
      tpu.enqueue_indirect_dma source(%arg10 : memref<128x128xf32, #tpu.memory_space<vmem>>) target(%dma_start3A_622 : memref<10008x128xf32, #tpu.memory_space<vmem_shared>>) offsets(%dma_start3A_619 : memref<128xi32, #tpu.memory_space<vmem>>) semaphore(%run_scoped3A_616 : memref<!tpu.dma_semaphore, #tpu.memory_space<semaphore_mem>>) {add = true}
      %dma_wait3A_623 = arith.constant 0 : i32
      %dma_wait3A_624 = tpu.memref_slice %arg7[%run_scoped3A_398, %dma_wait3A_623] : memref<8x128xi32, #tpu.memory_space<vmem>> -> memref<1x128xi32, #tpu.memory_space<vmem>>
      %dma_wait3A_625 = tpu.memref_squeeze %dma_wait3A_624 : memref<1x128xi32, #tpu.memory_space<vmem>> -> memref<128xi32, #tpu.memory_space<vmem>>
      %dma_wait3A_626 = arith.constant 0 : i32
      %dma_wait3A_627 = arith.constant 0 : i32
      %dma_wait3A_628 = tpu.memref_slice %arg11[%dma_wait3A_626, %dma_wait3A_627] : memref<10008x128xf32, #tpu.memory_space<vmem_shared>> -> memref<10008x128xf32, #tpu.memory_space<vmem_shared>>
      tpu.wait_indirect_dma semaphore(%run_scoped3A_616 : memref<!tpu.dma_semaphore, #tpu.memory_space<semaphore_mem>>) src(%arg10 : memref<128x128xf32, #tpu.memory_space<vmem>>) dst(%dma_wait3A_628 : memref<10008x128xf32, #tpu.memory_space<vmem_shared>>)
      tpu.yield
    }) : () -> ()
    %dma_start3A_399 = arith.constant 78 : i32
    %dma_start3A_400 = arith.constant 2 : i32
    %dma_start3A_401 = arith.constant 0 : i32
    %dma_start3A_402 = tpu.memref_slice %arg7[%dma_start3A_400, %dma_start3A_401] : memref<8x128xi32, #tpu.memory_space<vmem>> -> memref<1x128xi32, #tpu.memory_space<vmem>>
    %dma_start3A_403 = tpu.memref_squeeze %dma_start3A_402 : memref<1x128xi32, #tpu.memory_space<vmem>> -> memref<128xi32, #tpu.memory_space<vmem>>
    %dma_start3A_404 = arith.constant 0 : i32
    %dma_start3A_405 = tpu.memref_slice %arg5[%arg1, %dma_start3A_399, %dma_start3A_404] : memref<16x80x128xi32, #tpu.memory_space<hbm>> -> memref<1x1x128xi32, #tpu.memory_space<hbm>>
    %dma_start3A_406 = tpu.memref_squeeze %dma_start3A_405 : memref<1x1x128xi32, #tpu.memory_space<hbm>> -> memref<128xi32, #tpu.memory_space<hbm>>
    %dma_start3A_407 = arith.constant 0 : i32
    %dma_start3A_408 = tpu.memref_slice %arg7[%dma_start3A_400, %dma_start3A_407] : memref<8x128xi32, #tpu.memory_space<vmem>> -> memref<1x128xi32, #tpu.memory_space<vmem>>
    %dma_start3A_409 = tpu.memref_squeeze %dma_start3A_408 : memref<1x128xi32, #tpu.memory_space<vmem>> -> memref<128xi32, #tpu.memory_space<vmem>>
    %dma_start3A_410 = arith.constant 0 : i32
    %dma_start3A_411 = tpu.memref_slice %arg5[%arg1, %dma_start3A_399, %dma_start3A_410] : memref<16x80x128xi32, #tpu.memory_space<hbm>> -> memref<1x1x128xi32, #tpu.memory_space<hbm>>
    %dma_start3A_412 = tpu.memref_squeeze %dma_start3A_411 : memref<1x1x128xi32, #tpu.memory_space<hbm>> -> memref<128xi32, #tpu.memory_space<hbm>>
    tpu.enqueue_dma source(%dma_start3A_412 : memref<128xi32, #tpu.memory_space<hbm>>) target(%dma_start3A_409 : memref<128xi32, #tpu.memory_space<vmem>>) target_semaphore(%arg17 : memref<!tpu.dma_semaphore, #tpu.memory_space<semaphore_mem>>)
    %dma_start3A_413 = arith.constant 78 : i32
    %dma_start3A_414 = arith.constant 6 : i32
    %dma_start3A_415 = arith.constant 0 : i32
    %dma_start3A_416 = tpu.memref_slice %arg7[%dma_start3A_414, %dma_start3A_415] : memref<8x128xi32, #tpu.memory_space<vmem>> -> memref<1x128xi32, #tpu.memory_space<vmem>>
    %dma_start3A_417 = tpu.memref_squeeze %dma_start3A_416 : memref<1x128xi32, #tpu.memory_space<vmem>> -> memref<128xi32, #tpu.memory_space<vmem>>
    %dma_start3A_418 = arith.constant 0 : i32
    %dma_start3A_419 = tpu.memref_slice %arg4[%arg1, %dma_start3A_413, %dma_start3A_418] : memref<16x80x128xi32, #tpu.memory_space<hbm>> -> memref<1x1x128xi32, #tpu.memory_space<hbm>>
    %dma_start3A_420 = tpu.memref_squeeze %dma_start3A_419 : memref<1x1x128xi32, #tpu.memory_space<hbm>> -> memref<128xi32, #tpu.memory_space<hbm>>
    %dma_start3A_421 = arith.constant 0 : i32
    %dma_start3A_422 = tpu.memref_slice %arg7[%dma_start3A_414, %dma_start3A_421] : memref<8x128xi32, #tpu.memory_space<vmem>> -> memref<1x128xi32, #tpu.memory_space<vmem>>
    %dma_start3A_423 = tpu.memref_squeeze %dma_start3A_422 : memref<1x128xi32, #tpu.memory_space<vmem>> -> memref<128xi32, #tpu.memory_space<vmem>>
    %dma_start3A_424 = arith.constant 0 : i32
    %dma_start3A_425 = tpu.memref_slice %arg4[%arg1, %dma_start3A_413, %dma_start3A_424] : memref<16x80x128xi32, #tpu.memory_space<hbm>> -> memref<1x1x128xi32, #tpu.memory_space<hbm>>
    %dma_start3A_426 = tpu.memref_squeeze %dma_start3A_425 : memref<1x1x128xi32, #tpu.memory_space<hbm>> -> memref<128xi32, #tpu.memory_space<hbm>>
    tpu.enqueue_dma source(%dma_start3A_426 : memref<128xi32, #tpu.memory_space<hbm>>) target(%dma_start3A_423 : memref<128xi32, #tpu.memory_space<vmem>>) target_semaphore(%arg17 : memref<!tpu.dma_semaphore, #tpu.memory_space<semaphore_mem>>)
    %dma_wait3A_427 = arith.constant 0 : i32
    %dma_wait3A_428 = arith.constant 0 : i32
    %dma_wait3A_429 = arith.constant 1 : i32
    %dma_wait3A_430 = arith.constant 0 : i32
    %dma_wait3A_431 = tpu.memref_slice %arg7[%dma_wait3A_429, %dma_wait3A_430] : memref<8x128xi32, #tpu.memory_space<vmem>> -> memref<1x128xi32, #tpu.memory_space<vmem>>
    %dma_wait3A_432 = tpu.memref_squeeze %dma_wait3A_431 : memref<1x128xi32, #tpu.memory_space<vmem>> -> memref<128xi32, #tpu.memory_space<vmem>>
    %dma_wait3A_433 = arith.constant 0 : i32
    %dma_wait3A_434 = tpu.memref_slice %arg5[%dma_wait3A_427, %dma_wait3A_428, %dma_wait3A_433] : memref<16x80x128xi32, #tpu.memory_space<hbm>> -> memref<1x1x128xi32, #tpu.memory_space<hbm>>
    %dma_wait3A_435 = tpu.memref_squeeze %dma_wait3A_434 : memref<1x1x128xi32, #tpu.memory_space<hbm>> -> memref<128xi32, #tpu.memory_space<hbm>>
    %dma_wait3A_436 = arith.constant 0 : i32
    %dma_wait3A_437 = tpu.memref_slice %arg7[%dma_wait3A_429, %dma_wait3A_436] : memref<8x128xi32, #tpu.memory_space<vmem>> -> memref<1x128xi32, #tpu.memory_space<vmem>>
    %dma_wait3A_438 = tpu.memref_squeeze %dma_wait3A_437 : memref<1x128xi32, #tpu.memory_space<vmem>> -> memref<128xi32, #tpu.memory_space<vmem>>
    %dma_wait3A_439 = arith.constant 0 : i32
    %dma_wait3A_440 = tpu.memref_slice %arg5[%dma_wait3A_427, %dma_wait3A_428, %dma_wait3A_439] : memref<16x80x128xi32, #tpu.memory_space<hbm>> -> memref<1x1x128xi32, #tpu.memory_space<hbm>>
    %dma_wait3A_441 = tpu.memref_squeeze %dma_wait3A_440 : memref<1x1x128xi32, #tpu.memory_space<hbm>> -> memref<128xi32, #tpu.memory_space<hbm>>
    tpu.wait_dma2 semaphore(%arg16 : memref<!tpu.dma_semaphore, #tpu.memory_space<semaphore_mem>>) src(%dma_wait3A_441 : memref<128xi32, #tpu.memory_space<hbm>>) dst(%dma_wait3A_438 : memref<128xi32, #tpu.memory_space<vmem>>)
    %dma_wait3A_442 = arith.constant 0 : i32
    %dma_wait3A_443 = arith.constant 0 : i32
    %dma_wait3A_444 = arith.constant 1 : i32
    %dma_wait3A_445 = arith.constant 0 : i32
    %dma_wait3A_446 = tpu.memref_slice %arg7[%dma_wait3A_444, %dma_wait3A_445] : memref<8x128xi32, #tpu.memory_space<vmem>> -> memref<1x128xi32, #tpu.memory_space<vmem>>
    %dma_wait3A_447 = tpu.memref_squeeze %dma_wait3A_446 : memref<1x128xi32, #tpu.memory_space<vmem>> -> memref<128xi32, #tpu.memory_space<vmem>>
    %dma_wait3A_448 = arith.constant 0 : i32
    %dma_wait3A_449 = tpu.memref_slice %arg5[%dma_wait3A_442, %dma_wait3A_443, %dma_wait3A_448] : memref<16x80x128xi32, #tpu.memory_space<hbm>> -> memref<1x1x128xi32, #tpu.memory_space<hbm>>
    %dma_wait3A_450 = tpu.memref_squeeze %dma_wait3A_449 : memref<1x1x128xi32, #tpu.memory_space<hbm>> -> memref<128xi32, #tpu.memory_space<hbm>>
    %dma_wait3A_451 = arith.constant 0 : i32
    %dma_wait3A_452 = tpu.memref_slice %arg7[%dma_wait3A_444, %dma_wait3A_451] : memref<8x128xi32, #tpu.memory_space<vmem>> -> memref<1x128xi32, #tpu.memory_space<vmem>>
    %dma_wait3A_453 = tpu.memref_squeeze %dma_wait3A_452 : memref<1x128xi32, #tpu.memory_space<vmem>> -> memref<128xi32, #tpu.memory_space<vmem>>
    %dma_wait3A_454 = arith.constant 0 : i32
    %dma_wait3A_455 = tpu.memref_slice %arg5[%dma_wait3A_442, %dma_wait3A_443, %dma_wait3A_454] : memref<16x80x128xi32, #tpu.memory_space<hbm>> -> memref<1x1x128xi32, #tpu.memory_space<hbm>>
    %dma_wait3A_456 = tpu.memref_squeeze %dma_wait3A_455 : memref<1x1x128xi32, #tpu.memory_space<hbm>> -> memref<128xi32, #tpu.memory_space<hbm>>
    tpu.wait_dma2 semaphore(%arg16 : memref<!tpu.dma_semaphore, #tpu.memory_space<semaphore_mem>>) src(%dma_wait3A_456 : memref<128xi32, #tpu.memory_space<hbm>>) dst(%dma_wait3A_453 : memref<128xi32, #tpu.memory_space<vmem>>)
    %eq3A_457 = arith.constant 0 : i32
    %eq3A_458 = arith.cmpi eq, %arg0, %eq3A_457 : i32
    %convert_element_type3A_459 = arith.extui %eq3A_458 : i1 to i32
    %cond3A_460 = arith.constant 0 : i32
    %cond3A_461 = arith.cmpi ne, %convert_element_type3A_459, %cond3A_460 : i32
    scf.if %cond3A_461 {
      %dma_start3A_616 = arith.constant 1 : i32
      %dma_start3A_617 = arith.constant 0 : i32
      %dma_start3A_618 = tpu.memref_slice %arg7[%dma_start3A_616, %dma_start3A_617] : memref<8x128xi32, #tpu.memory_space<vmem>> -> memref<1x128xi32, #tpu.memory_space<vmem>>
      %dma_start3A_619 = tpu.memref_squeeze %dma_start3A_618 : memref<1x128xi32, #tpu.memory_space<vmem>> -> memref<128xi32, #tpu.memory_space<vmem>>
      %dma_start3A_620 = arith.constant 0 : i32
      %dma_start3A_621 = arith.constant 0 : i32
      %dma_start3A_622 = tpu.memref_slice %arg2[%dma_start3A_620, %dma_start3A_621] : memref<10000x128xf32, #tpu.memory_space<hbm>> -> memref<10000x128xf32, #tpu.memory_space<hbm>>
      tpu.enqueue_indirect_dma source(%dma_start3A_622 : memref<10000x128xf32, #tpu.memory_space<hbm>>) target(%arg10 : memref<128x128xf32, #tpu.memory_space<vmem>>) offsets(%dma_start3A_619 : memref<128xi32, #tpu.memory_space<vmem>>) semaphore(%arg14 : memref<!tpu.dma_semaphore, #tpu.memory_space<semaphore_mem>>)
    } else {
    }
    %eq3A_462 = arith.constant 1 : i32
    %eq3A_463 = arith.cmpi eq, %arg0, %eq3A_462 : i32
    %convert_element_type3A_464 = arith.extui %eq3A_463 : i1 to i32
    %cond3A_465 = arith.constant 0 : i32
    %cond3A_466 = arith.cmpi ne, %convert_element_type3A_464, %cond3A_465 : i32
    scf.if %cond3A_466 {
      %dma_start3A_616 = arith.constant 1 : i32
      %dma_start3A_617 = arith.constant 0 : i32
      %dma_start3A_618 = tpu.memref_slice %arg7[%dma_start3A_616, %dma_start3A_617] : memref<8x128xi32, #tpu.memory_space<vmem>> -> memref<1x128xi32, #tpu.memory_space<vmem>>
      %dma_start3A_619 = tpu.memref_squeeze %dma_start3A_618 : memref<1x128xi32, #tpu.memory_space<vmem>> -> memref<128xi32, #tpu.memory_space<vmem>>
      %dma_start3A_620 = arith.constant 0 : i32
      %dma_start3A_621 = arith.constant 0 : i32
      %dma_start3A_622 = tpu.memref_slice %arg3[%dma_start3A_620, %dma_start3A_621] : memref<10000x128xf32, #tpu.memory_space<hbm>> -> memref<10000x128xf32, #tpu.memory_space<hbm>>
      tpu.enqueue_indirect_dma source(%dma_start3A_622 : memref<10000x128xf32, #tpu.memory_space<hbm>>) target(%arg10 : memref<128x128xf32, #tpu.memory_space<vmem>>) offsets(%dma_start3A_619 : memref<128xi32, #tpu.memory_space<vmem>>) semaphore(%arg14 : memref<!tpu.dma_semaphore, #tpu.memory_space<semaphore_mem>>)
    } else {
    }
    %dma_wait3A_467 = arith.constant 0 : i32
    %dma_wait3A_468 = arith.constant 0 : i32
    %dma_wait3A_469 = tpu.memref_slice %arg2[%dma_wait3A_467, %dma_wait3A_468] : memref<10000x128xf32, #tpu.memory_space<hbm>> -> memref<128x128xf32, #tpu.memory_space<hbm>>
    %dma_wait3A_470 = arith.constant 0 : i32
    %dma_wait3A_471 = arith.constant 0 : i32
    %dma_wait3A_472 = tpu.memref_slice %arg2[%dma_wait3A_470, %dma_wait3A_471] : memref<10000x128xf32, #tpu.memory_space<hbm>> -> memref<128x128xf32, #tpu.memory_space<hbm>>
    tpu.wait_dma2 semaphore(%arg12 : memref<!tpu.dma_semaphore, #tpu.memory_space<semaphore_mem>>) src(%dma_wait3A_472 : memref<128x128xf32, #tpu.memory_space<hbm>>) dst(%arg8 : memref<128x128xf32, #tpu.memory_space<vmem>>)
    %run_scoped3A_473 = arith.constant 7 : i32
    "tpu.region"() ({
      %run_scoped3A_616 = tpu.sem_alloc : memref<!tpu.dma_semaphore, #tpu.memory_space<semaphore_mem>>
      %dma_start3A_617 = arith.constant 0 : i32
      %dma_start3A_618 = tpu.memref_slice %arg7[%run_scoped3A_473, %dma_start3A_617] : memref<8x128xi32, #tpu.memory_space<vmem>> -> memref<1x128xi32, #tpu.memory_space<vmem>>
      %dma_start3A_619 = tpu.memref_squeeze %dma_start3A_618 : memref<1x128xi32, #tpu.memory_space<vmem>> -> memref<128xi32, #tpu.memory_space<vmem>>
      %dma_start3A_620 = arith.constant 0 : i32
      %dma_start3A_621 = arith.constant 0 : i32
      %dma_start3A_622 = tpu.memref_slice %arg11[%dma_start3A_620, %dma_start3A_621] : memref<10008x128xf32, #tpu.memory_space<vmem_shared>> -> memref<10008x128xf32, #tpu.memory_space<vmem_shared>>
      tpu.enqueue_indirect_dma source(%arg8 : memref<128x128xf32, #tpu.memory_space<vmem>>) target(%dma_start3A_622 : memref<10008x128xf32, #tpu.memory_space<vmem_shared>>) offsets(%dma_start3A_619 : memref<128xi32, #tpu.memory_space<vmem>>) semaphore(%run_scoped3A_616 : memref<!tpu.dma_semaphore, #tpu.memory_space<semaphore_mem>>) {add = true}
      %dma_wait3A_623 = arith.constant 0 : i32
      %dma_wait3A_624 = tpu.memref_slice %arg7[%run_scoped3A_473, %dma_wait3A_623] : memref<8x128xi32, #tpu.memory_space<vmem>> -> memref<1x128xi32, #tpu.memory_space<vmem>>
      %dma_wait3A_625 = tpu.memref_squeeze %dma_wait3A_624 : memref<1x128xi32, #tpu.memory_space<vmem>> -> memref<128xi32, #tpu.memory_space<vmem>>
      %dma_wait3A_626 = arith.constant 0 : i32
      %dma_wait3A_627 = arith.constant 0 : i32
      %dma_wait3A_628 = tpu.memref_slice %arg11[%dma_wait3A_626, %dma_wait3A_627] : memref<10008x128xf32, #tpu.memory_space<vmem_shared>> -> memref<10008x128xf32, #tpu.memory_space<vmem_shared>>
      tpu.wait_indirect_dma semaphore(%run_scoped3A_616 : memref<!tpu.dma_semaphore, #tpu.memory_space<semaphore_mem>>) src(%arg8 : memref<128x128xf32, #tpu.memory_space<vmem>>) dst(%dma_wait3A_628 : memref<10008x128xf32, #tpu.memory_space<vmem_shared>>)
      tpu.yield
    }) : () -> ()
    %dma_start3A_474 = arith.constant 79 : i32
    %dma_start3A_475 = arith.constant 3 : i32
    %dma_start3A_476 = arith.constant 0 : i32
    %dma_start3A_477 = tpu.memref_slice %arg7[%dma_start3A_475, %dma_start3A_476] : memref<8x128xi32, #tpu.memory_space<vmem>> -> memref<1x128xi32, #tpu.memory_space<vmem>>
    %dma_start3A_478 = tpu.memref_squeeze %dma_start3A_477 : memref<1x128xi32, #tpu.memory_space<vmem>> -> memref<128xi32, #tpu.memory_space<vmem>>
    %dma_start3A_479 = arith.constant 0 : i32
    %dma_start3A_480 = tpu.memref_slice %arg5[%arg1, %dma_start3A_474, %dma_start3A_479] : memref<16x80x128xi32, #tpu.memory_space<hbm>> -> memref<1x1x128xi32, #tpu.memory_space<hbm>>
    %dma_start3A_481 = tpu.memref_squeeze %dma_start3A_480 : memref<1x1x128xi32, #tpu.memory_space<hbm>> -> memref<128xi32, #tpu.memory_space<hbm>>
    %dma_start3A_482 = arith.constant 0 : i32
    %dma_start3A_483 = tpu.memref_slice %arg7[%dma_start3A_475, %dma_start3A_482] : memref<8x128xi32, #tpu.memory_space<vmem>> -> memref<1x128xi32, #tpu.memory_space<vmem>>
    %dma_start3A_484 = tpu.memref_squeeze %dma_start3A_483 : memref<1x128xi32, #tpu.memory_space<vmem>> -> memref<128xi32, #tpu.memory_space<vmem>>
    %dma_start3A_485 = arith.constant 0 : i32
    %dma_start3A_486 = tpu.memref_slice %arg5[%arg1, %dma_start3A_474, %dma_start3A_485] : memref<16x80x128xi32, #tpu.memory_space<hbm>> -> memref<1x1x128xi32, #tpu.memory_space<hbm>>
    %dma_start3A_487 = tpu.memref_squeeze %dma_start3A_486 : memref<1x1x128xi32, #tpu.memory_space<hbm>> -> memref<128xi32, #tpu.memory_space<hbm>>
    tpu.enqueue_dma source(%dma_start3A_487 : memref<128xi32, #tpu.memory_space<hbm>>) target(%dma_start3A_484 : memref<128xi32, #tpu.memory_space<vmem>>) target_semaphore(%arg18 : memref<!tpu.dma_semaphore, #tpu.memory_space<semaphore_mem>>)
    %dma_start3A_488 = arith.constant 79 : i32
    %dma_start3A_489 = arith.constant 7 : i32
    %dma_start3A_490 = arith.constant 0 : i32
    %dma_start3A_491 = tpu.memref_slice %arg7[%dma_start3A_489, %dma_start3A_490] : memref<8x128xi32, #tpu.memory_space<vmem>> -> memref<1x128xi32, #tpu.memory_space<vmem>>
    %dma_start3A_492 = tpu.memref_squeeze %dma_start3A_491 : memref<1x128xi32, #tpu.memory_space<vmem>> -> memref<128xi32, #tpu.memory_space<vmem>>
    %dma_start3A_493 = arith.constant 0 : i32
    %dma_start3A_494 = tpu.memref_slice %arg4[%arg1, %dma_start3A_488, %dma_start3A_493] : memref<16x80x128xi32, #tpu.memory_space<hbm>> -> memref<1x1x128xi32, #tpu.memory_space<hbm>>
    %dma_start3A_495 = tpu.memref_squeeze %dma_start3A_494 : memref<1x1x128xi32, #tpu.memory_space<hbm>> -> memref<128xi32, #tpu.memory_space<hbm>>
    %dma_start3A_496 = arith.constant 0 : i32
    %dma_start3A_497 = tpu.memref_slice %arg7[%dma_start3A_489, %dma_start3A_496] : memref<8x128xi32, #tpu.memory_space<vmem>> -> memref<1x128xi32, #tpu.memory_space<vmem>>
    %dma_start3A_498 = tpu.memref_squeeze %dma_start3A_497 : memref<1x128xi32, #tpu.memory_space<vmem>> -> memref<128xi32, #tpu.memory_space<vmem>>
    %dma_start3A_499 = arith.constant 0 : i32
    %dma_start3A_500 = tpu.memref_slice %arg4[%arg1, %dma_start3A_488, %dma_start3A_499] : memref<16x80x128xi32, #tpu.memory_space<hbm>> -> memref<1x1x128xi32, #tpu.memory_space<hbm>>
    %dma_start3A_501 = tpu.memref_squeeze %dma_start3A_500 : memref<1x1x128xi32, #tpu.memory_space<hbm>> -> memref<128xi32, #tpu.memory_space<hbm>>
    tpu.enqueue_dma source(%dma_start3A_501 : memref<128xi32, #tpu.memory_space<hbm>>) target(%dma_start3A_498 : memref<128xi32, #tpu.memory_space<vmem>>) target_semaphore(%arg18 : memref<!tpu.dma_semaphore, #tpu.memory_space<semaphore_mem>>)
    %dma_wait3A_502 = arith.constant 0 : i32
    %dma_wait3A_503 = arith.constant 0 : i32
    %dma_wait3A_504 = arith.constant 2 : i32
    %dma_wait3A_505 = arith.constant 0 : i32
    %dma_wait3A_506 = tpu.memref_slice %arg7[%dma_wait3A_504, %dma_wait3A_505] : memref<8x128xi32, #tpu.memory_space<vmem>> -> memref<1x128xi32, #tpu.memory_space<vmem>>
    %dma_wait3A_507 = tpu.memref_squeeze %dma_wait3A_506 : memref<1x128xi32, #tpu.memory_space<vmem>> -> memref<128xi32, #tpu.memory_space<vmem>>
    %dma_wait3A_508 = arith.constant 0 : i32
    %dma_wait3A_509 = tpu.memref_slice %arg5[%dma_wait3A_502, %dma_wait3A_503, %dma_wait3A_508] : memref<16x80x128xi32, #tpu.memory_space<hbm>> -> memref<1x1x128xi32, #tpu.memory_space<hbm>>
    %dma_wait3A_510 = tpu.memref_squeeze %dma_wait3A_509 : memref<1x1x128xi32, #tpu.memory_space<hbm>> -> memref<128xi32, #tpu.memory_space<hbm>>
    %dma_wait3A_511 = arith.constant 0 : i32
    %dma_wait3A_512 = tpu.memref_slice %arg7[%dma_wait3A_504, %dma_wait3A_511] : memref<8x128xi32, #tpu.memory_space<vmem>> -> memref<1x128xi32, #tpu.memory_space<vmem>>
    %dma_wait3A_513 = tpu.memref_squeeze %dma_wait3A_512 : memref<1x128xi32, #tpu.memory_space<vmem>> -> memref<128xi32, #tpu.memory_space<vmem>>
    %dma_wait3A_514 = arith.constant 0 : i32
    %dma_wait3A_515 = tpu.memref_slice %arg5[%dma_wait3A_502, %dma_wait3A_503, %dma_wait3A_514] : memref<16x80x128xi32, #tpu.memory_space<hbm>> -> memref<1x1x128xi32, #tpu.memory_space<hbm>>
    %dma_wait3A_516 = tpu.memref_squeeze %dma_wait3A_515 : memref<1x1x128xi32, #tpu.memory_space<hbm>> -> memref<128xi32, #tpu.memory_space<hbm>>
    tpu.wait_dma2 semaphore(%arg17 : memref<!tpu.dma_semaphore, #tpu.memory_space<semaphore_mem>>) src(%dma_wait3A_516 : memref<128xi32, #tpu.memory_space<hbm>>) dst(%dma_wait3A_513 : memref<128xi32, #tpu.memory_space<vmem>>)
    %dma_wait3A_517 = arith.constant 0 : i32
    %dma_wait3A_518 = arith.constant 0 : i32
    %dma_wait3A_519 = arith.constant 2 : i32
    %dma_wait3A_520 = arith.constant 0 : i32
    %dma_wait3A_521 = tpu.memref_slice %arg7[%dma_wait3A_519, %dma_wait3A_520] : memref<8x128xi32, #tpu.memory_space<vmem>> -> memref<1x128xi32, #tpu.memory_space<vmem>>
    %dma_wait3A_522 = tpu.memref_squeeze %dma_wait3A_521 : memref<1x128xi32, #tpu.memory_space<vmem>> -> memref<128xi32, #tpu.memory_space<vmem>>
    %dma_wait3A_523 = arith.constant 0 : i32
    %dma_wait3A_524 = tpu.memref_slice %arg5[%dma_wait3A_517, %dma_wait3A_518, %dma_wait3A_523] : memref<16x80x128xi32, #tpu.memory_space<hbm>> -> memref<1x1x128xi32, #tpu.memory_space<hbm>>
    %dma_wait3A_525 = tpu.memref_squeeze %dma_wait3A_524 : memref<1x1x128xi32, #tpu.memory_space<hbm>> -> memref<128xi32, #tpu.memory_space<hbm>>
    %dma_wait3A_526 = arith.constant 0 : i32
    %dma_wait3A_527 = tpu.memref_slice %arg7[%dma_wait3A_519, %dma_wait3A_526] : memref<8x128xi32, #tpu.memory_space<vmem>> -> memref<1x128xi32, #tpu.memory_space<vmem>>
    %dma_wait3A_528 = tpu.memref_squeeze %dma_wait3A_527 : memref<1x128xi32, #tpu.memory_space<vmem>> -> memref<128xi32, #tpu.memory_space<vmem>>
    %dma_wait3A_529 = arith.constant 0 : i32
    %dma_wait3A_530 = tpu.memref_slice %arg5[%dma_wait3A_517, %dma_wait3A_518, %dma_wait3A_529] : memref<16x80x128xi32, #tpu.memory_space<hbm>> -> memref<1x1x128xi32, #tpu.memory_space<hbm>>
    %dma_wait3A_531 = tpu.memref_squeeze %dma_wait3A_530 : memref<1x1x128xi32, #tpu.memory_space<hbm>> -> memref<128xi32, #tpu.memory_space<hbm>>
    tpu.wait_dma2 semaphore(%arg17 : memref<!tpu.dma_semaphore, #tpu.memory_space<semaphore_mem>>) src(%dma_wait3A_531 : memref<128xi32, #tpu.memory_space<hbm>>) dst(%dma_wait3A_528 : memref<128xi32, #tpu.memory_space<vmem>>)
    %eq3A_532 = arith.constant 0 : i32
    %eq3A_533 = arith.cmpi eq, %arg0, %eq3A_532 : i32
    %convert_element_type3A_534 = arith.extui %eq3A_533 : i1 to i32
    %cond3A_535 = arith.constant 0 : i32
    %cond3A_536 = arith.cmpi ne, %convert_element_type3A_534, %cond3A_535 : i32
    scf.if %cond3A_536 {
      %dma_start3A_616 = arith.constant 2 : i32
      %dma_start3A_617 = arith.constant 0 : i32
      %dma_start3A_618 = tpu.memref_slice %arg7[%dma_start3A_616, %dma_start3A_617] : memref<8x128xi32, #tpu.memory_space<vmem>> -> memref<1x128xi32, #tpu.memory_space<vmem>>
      %dma_start3A_619 = tpu.memref_squeeze %dma_start3A_618 : memref<1x128xi32, #tpu.memory_space<vmem>> -> memref<128xi32, #tpu.memory_space<vmem>>
      %dma_start3A_620 = arith.constant 0 : i32
      %dma_start3A_621 = arith.constant 0 : i32
      %dma_start3A_622 = tpu.memref_slice %arg2[%dma_start3A_620, %dma_start3A_621] : memref<10000x128xf32, #tpu.memory_space<hbm>> -> memref<10000x128xf32, #tpu.memory_space<hbm>>
      tpu.enqueue_indirect_dma source(%dma_start3A_622 : memref<10000x128xf32, #tpu.memory_space<hbm>>) target(%arg8 : memref<128x128xf32, #tpu.memory_space<vmem>>) offsets(%dma_start3A_619 : memref<128xi32, #tpu.memory_space<vmem>>) semaphore(%arg12 : memref<!tpu.dma_semaphore, #tpu.memory_space<semaphore_mem>>)
    } else {
    }
    %eq3A_537 = arith.constant 1 : i32
    %eq3A_538 = arith.cmpi eq, %arg0, %eq3A_537 : i32
    %convert_element_type3A_539 = arith.extui %eq3A_538 : i1 to i32
    %cond3A_540 = arith.constant 0 : i32
    %cond3A_541 = arith.cmpi ne, %convert_element_type3A_539, %cond3A_540 : i32
    scf.if %cond3A_541 {
      %dma_start3A_616 = arith.constant 2 : i32
      %dma_start3A_617 = arith.constant 0 : i32
      %dma_start3A_618 = tpu.memref_slice %arg7[%dma_start3A_616, %dma_start3A_617] : memref<8x128xi32, #tpu.memory_space<vmem>> -> memref<1x128xi32, #tpu.memory_space<vmem>>
      %dma_start3A_619 = tpu.memref_squeeze %dma_start3A_618 : memref<1x128xi32, #tpu.memory_space<vmem>> -> memref<128xi32, #tpu.memory_space<vmem>>
      %dma_start3A_620 = arith.constant 0 : i32
      %dma_start3A_621 = arith.constant 0 : i32
      %dma_start3A_622 = tpu.memref_slice %arg3[%dma_start3A_620, %dma_start3A_621] : memref<10000x128xf32, #tpu.memory_space<hbm>> -> memref<10000x128xf32, #tpu.memory_space<hbm>>
      tpu.enqueue_indirect_dma source(%dma_start3A_622 : memref<10000x128xf32, #tpu.memory_space<hbm>>) target(%arg8 : memref<128x128xf32, #tpu.memory_space<vmem>>) offsets(%dma_start3A_619 : memref<128xi32, #tpu.memory_space<vmem>>) semaphore(%arg12 : memref<!tpu.dma_semaphore, #tpu.memory_space<semaphore_mem>>)
    } else {
    }
    %dma_wait3A_542 = arith.constant 0 : i32
    %dma_wait3A_543 = arith.constant 0 : i32
    %dma_wait3A_544 = tpu.memref_slice %arg2[%dma_wait3A_542, %dma_wait3A_543] : memref<10000x128xf32, #tpu.memory_space<hbm>> -> memref<128x128xf32, #tpu.memory_space<hbm>>
    %dma_wait3A_545 = arith.constant 0 : i32
    %dma_wait3A_546 = arith.constant 0 : i32
    %dma_wait3A_547 = tpu.memref_slice %arg2[%dma_wait3A_545, %dma_wait3A_546] : memref<10000x128xf32, #tpu.memory_space<hbm>> -> memref<128x128xf32, #tpu.memory_space<hbm>>
    tpu.wait_dma2 semaphore(%arg13 : memref<!tpu.dma_semaphore, #tpu.memory_space<semaphore_mem>>) src(%dma_wait3A_547 : memref<128x128xf32, #tpu.memory_space<hbm>>) dst(%arg9 : memref<128x128xf32, #tpu.memory_space<vmem>>)
    %run_scoped3A_548 = arith.constant 4 : i32
    "tpu.region"() ({
      %run_scoped3A_616 = tpu.sem_alloc : memref<!tpu.dma_semaphore, #tpu.memory_space<semaphore_mem>>
      %dma_start3A_617 = arith.constant 0 : i32
      %dma_start3A_618 = tpu.memref_slice %arg7[%run_scoped3A_548, %dma_start3A_617] : memref<8x128xi32, #tpu.memory_space<vmem>> -> memref<1x128xi32, #tpu.memory_space<vmem>>
      %dma_start3A_619 = tpu.memref_squeeze %dma_start3A_618 : memref<1x128xi32, #tpu.memory_space<vmem>> -> memref<128xi32, #tpu.memory_space<vmem>>
      %dma_start3A_620 = arith.constant 0 : i32
      %dma_start3A_621 = arith.constant 0 : i32
      %dma_start3A_622 = tpu.memref_slice %arg11[%dma_start3A_620, %dma_start3A_621] : memref<10008x128xf32, #tpu.memory_space<vmem_shared>> -> memref<10008x128xf32, #tpu.memory_space<vmem_shared>>
      tpu.enqueue_indirect_dma source(%arg9 : memref<128x128xf32, #tpu.memory_space<vmem>>) target(%dma_start3A_622 : memref<10008x128xf32, #tpu.memory_space<vmem_shared>>) offsets(%dma_start3A_619 : memref<128xi32, #tpu.memory_space<vmem>>) semaphore(%run_scoped3A_616 : memref<!tpu.dma_semaphore, #tpu.memory_space<semaphore_mem>>) {add = true}
      %dma_wait3A_623 = arith.constant 0 : i32
      %dma_wait3A_624 = tpu.memref_slice %arg7[%run_scoped3A_548, %dma_wait3A_623] : memref<8x128xi32, #tpu.memory_space<vmem>> -> memref<1x128xi32, #tpu.memory_space<vmem>>
      %dma_wait3A_625 = tpu.memref_squeeze %dma_wait3A_624 : memref<1x128xi32, #tpu.memory_space<vmem>> -> memref<128xi32, #tpu.memory_space<vmem>>
      %dma_wait3A_626 = arith.constant 0 : i32
      %dma_wait3A_627 = arith.constant 0 : i32
      %dma_wait3A_628 = tpu.memref_slice %arg11[%dma_wait3A_626, %dma_wait3A_627] : memref<10008x128xf32, #tpu.memory_space<vmem_shared>> -> memref<10008x128xf32, #tpu.memory_space<vmem_shared>>
      tpu.wait_indirect_dma semaphore(%run_scoped3A_616 : memref<!tpu.dma_semaphore, #tpu.memory_space<semaphore_mem>>) src(%arg9 : memref<128x128xf32, #tpu.memory_space<vmem>>) dst(%dma_wait3A_628 : memref<10008x128xf32, #tpu.memory_space<vmem_shared>>)
      tpu.yield
    }) : () -> ()
    %dma_wait3A_549 = arith.constant 0 : i32
    %dma_wait3A_550 = arith.constant 0 : i32
    %dma_wait3A_551 = arith.constant 3 : i32
    %dma_wait3A_552 = arith.constant 0 : i32
    %dma_wait3A_553 = tpu.memref_slice %arg7[%dma_wait3A_551, %dma_wait3A_552] : memref<8x128xi32, #tpu.memory_space<vmem>> -> memref<1x128xi32, #tpu.memory_space<vmem>>
    %dma_wait3A_554 = tpu.memref_squeeze %dma_wait3A_553 : memref<1x128xi32, #tpu.memory_space<vmem>> -> memref<128xi32, #tpu.memory_space<vmem>>
    %dma_wait3A_555 = arith.constant 0 : i32
    %dma_wait3A_556 = tpu.memref_slice %arg5[%dma_wait3A_549, %dma_wait3A_550, %dma_wait3A_555] : memref<16x80x128xi32, #tpu.memory_space<hbm>> -> memref<1x1x128xi32, #tpu.memory_space<hbm>>
    %dma_wait3A_557 = tpu.memref_squeeze %dma_wait3A_556 : memref<1x1x128xi32, #tpu.memory_space<hbm>> -> memref<128xi32, #tpu.memory_space<hbm>>
    %dma_wait3A_558 = arith.constant 0 : i32
    %dma_wait3A_559 = tpu.memref_slice %arg7[%dma_wait3A_551, %dma_wait3A_558] : memref<8x128xi32, #tpu.memory_space<vmem>> -> memref<1x128xi32, #tpu.memory_space<vmem>>
    %dma_wait3A_560 = tpu.memref_squeeze %dma_wait3A_559 : memref<1x128xi32, #tpu.memory_space<vmem>> -> memref<128xi32, #tpu.memory_space<vmem>>
    %dma_wait3A_561 = arith.constant 0 : i32
    %dma_wait3A_562 = tpu.memref_slice %arg5[%dma_wait3A_549, %dma_wait3A_550, %dma_wait3A_561] : memref<16x80x128xi32, #tpu.memory_space<hbm>> -> memref<1x1x128xi32, #tpu.memory_space<hbm>>
    %dma_wait3A_563 = tpu.memref_squeeze %dma_wait3A_562 : memref<1x1x128xi32, #tpu.memory_space<hbm>> -> memref<128xi32, #tpu.memory_space<hbm>>
    tpu.wait_dma2 semaphore(%arg18 : memref<!tpu.dma_semaphore, #tpu.memory_space<semaphore_mem>>) src(%dma_wait3A_563 : memref<128xi32, #tpu.memory_space<hbm>>) dst(%dma_wait3A_560 : memref<128xi32, #tpu.memory_space<vmem>>)
    %dma_wait3A_564 = arith.constant 0 : i32
    %dma_wait3A_565 = arith.constant 0 : i32
    %dma_wait3A_566 = arith.constant 3 : i32
    %dma_wait3A_567 = arith.constant 0 : i32
    %dma_wait3A_568 = tpu.memref_slice %arg7[%dma_wait3A_566, %dma_wait3A_567] : memref<8x128xi32, #tpu.memory_space<vmem>> -> memref<1x128xi32, #tpu.memory_space<vmem>>
    %dma_wait3A_569 = tpu.memref_squeeze %dma_wait3A_568 : memref<1x128xi32, #tpu.memory_space<vmem>> -> memref<128xi32, #tpu.memory_space<vmem>>
    %dma_wait3A_570 = arith.constant 0 : i32
    %dma_wait3A_571 = tpu.memref_slice %arg5[%dma_wait3A_564, %dma_wait3A_565, %dma_wait3A_570] : memref<16x80x128xi32, #tpu.memory_space<hbm>> -> memref<1x1x128xi32, #tpu.memory_space<hbm>>
    %dma_wait3A_572 = tpu.memref_squeeze %dma_wait3A_571 : memref<1x1x128xi32, #tpu.memory_space<hbm>> -> memref<128xi32, #tpu.memory_space<hbm>>
    %dma_wait3A_573 = arith.constant 0 : i32
    %dma_wait3A_574 = tpu.memref_slice %arg7[%dma_wait3A_566, %dma_wait3A_573] : memref<8x128xi32, #tpu.memory_space<vmem>> -> memref<1x128xi32, #tpu.memory_space<vmem>>
    %dma_wait3A_575 = tpu.memref_squeeze %dma_wait3A_574 : memref<1x128xi32, #tpu.memory_space<vmem>> -> memref<128xi32, #tpu.memory_space<vmem>>
    %dma_wait3A_576 = arith.constant 0 : i32
    %dma_wait3A_577 = tpu.memref_slice %arg5[%dma_wait3A_564, %dma_wait3A_565, %dma_wait3A_576] : memref<16x80x128xi32, #tpu.memory_space<hbm>> -> memref<1x1x128xi32, #tpu.memory_space<hbm>>
    %dma_wait3A_578 = tpu.memref_squeeze %dma_wait3A_577 : memref<1x1x128xi32, #tpu.memory_space<hbm>> -> memref<128xi32, #tpu.memory_space<hbm>>
    tpu.wait_dma2 semaphore(%arg18 : memref<!tpu.dma_semaphore, #tpu.memory_space<semaphore_mem>>) src(%dma_wait3A_578 : memref<128xi32, #tpu.memory_space<hbm>>) dst(%dma_wait3A_575 : memref<128xi32, #tpu.memory_space<vmem>>)
    %eq3A_579 = arith.constant 0 : i32
    %eq3A_580 = arith.cmpi eq, %arg0, %eq3A_579 : i32
    %convert_element_type3A_581 = arith.extui %eq3A_580 : i1 to i32
    %cond3A_582 = arith.constant 0 : i32
    %cond3A_583 = arith.cmpi ne, %convert_element_type3A_581, %cond3A_582 : i32
    scf.if %cond3A_583 {
      %dma_start3A_616 = arith.constant 3 : i32
      %dma_start3A_617 = arith.constant 0 : i32
      %dma_start3A_618 = tpu.memref_slice %arg7[%dma_start3A_616, %dma_start3A_617] : memref<8x128xi32, #tpu.memory_space<vmem>> -> memref<1x128xi32, #tpu.memory_space<vmem>>
      %dma_start3A_619 = tpu.memref_squeeze %dma_start3A_618 : memref<1x128xi32, #tpu.memory_space<vmem>> -> memref<128xi32, #tpu.memory_space<vmem>>
      %dma_start3A_620 = arith.constant 0 : i32
      %dma_start3A_621 = arith.constant 0 : i32
      %dma_start3A_622 = tpu.memref_slice %arg2[%dma_start3A_620, %dma_start3A_621] : memref<10000x128xf32, #tpu.memory_space<hbm>> -> memref<10000x128xf32, #tpu.memory_space<hbm>>
      tpu.enqueue_indirect_dma source(%dma_start3A_622 : memref<10000x128xf32, #tpu.memory_space<hbm>>) target(%arg9 : memref<128x128xf32, #tpu.memory_space<vmem>>) offsets(%dma_start3A_619 : memref<128xi32, #tpu.memory_space<vmem>>) semaphore(%arg13 : memref<!tpu.dma_semaphore, #tpu.memory_space<semaphore_mem>>)
    } else {
    }
    %eq3A_584 = arith.constant 1 : i32
    %eq3A_585 = arith.cmpi eq, %arg0, %eq3A_584 : i32
    %convert_element_type3A_586 = arith.extui %eq3A_585 : i1 to i32
    %cond3A_587 = arith.constant 0 : i32
    %cond3A_588 = arith.cmpi ne, %convert_element_type3A_586, %cond3A_587 : i32
    scf.if %cond3A_588 {
      %dma_start3A_616 = arith.constant 3 : i32
      %dma_start3A_617 = arith.constant 0 : i32
      %dma_start3A_618 = tpu.memref_slice %arg7[%dma_start3A_616, %dma_start3A_617] : memref<8x128xi32, #tpu.memory_space<vmem>> -> memref<1x128xi32, #tpu.memory_space<vmem>>
      %dma_start3A_619 = tpu.memref_squeeze %dma_start3A_618 : memref<1x128xi32, #tpu.memory_space<vmem>> -> memref<128xi32, #tpu.memory_space<vmem>>
      %dma_start3A_620 = arith.constant 0 : i32
      %dma_start3A_621 = arith.constant 0 : i32
      %dma_start3A_622 = tpu.memref_slice %arg3[%dma_start3A_620, %dma_start3A_621] : memref<10000x128xf32, #tpu.memory_space<hbm>> -> memref<10000x128xf32, #tpu.memory_space<hbm>>
      tpu.enqueue_indirect_dma source(%dma_start3A_622 : memref<10000x128xf32, #tpu.memory_space<hbm>>) target(%arg9 : memref<128x128xf32, #tpu.memory_space<vmem>>) offsets(%dma_start3A_619 : memref<128xi32, #tpu.memory_space<vmem>>) semaphore(%arg13 : memref<!tpu.dma_semaphore, #tpu.memory_space<semaphore_mem>>)
    } else {
    }
    %dma_wait3A_589 = arith.constant 0 : i32
    %dma_wait3A_590 = arith.constant 0 : i32
    %dma_wait3A_591 = tpu.memref_slice %arg2[%dma_wait3A_589, %dma_wait3A_590] : memref<10000x128xf32, #tpu.memory_space<hbm>> -> memref<128x128xf32, #tpu.memory_space<hbm>>
    %dma_wait3A_592 = arith.constant 0 : i32
    %dma_wait3A_593 = arith.constant 0 : i32
    %dma_wait3A_594 = tpu.memref_slice %arg2[%dma_wait3A_592, %dma_wait3A_593] : memref<10000x128xf32, #tpu.memory_space<hbm>> -> memref<128x128xf32, #tpu.memory_space<hbm>>
    tpu.wait_dma2 semaphore(%arg14 : memref<!tpu.dma_semaphore, #tpu.memory_space<semaphore_mem>>) src(%dma_wait3A_594 : memref<128x128xf32, #tpu.memory_space<hbm>>) dst(%arg10 : memref<128x128xf32, #tpu.memory_space<vmem>>)
    %run_scoped3A_595 = arith.constant 5 : i32
    "tpu.region"() ({
      %run_scoped3A_616 = tpu.sem_alloc : memref<!tpu.dma_semaphore, #tpu.memory_space<semaphore_mem>>
      %dma_start3A_617 = arith.constant 0 : i32
      %dma_start3A_618 = tpu.memref_slice %arg7[%run_scoped3A_595, %dma_start3A_617] : memref<8x128xi32, #tpu.memory_space<vmem>> -> memref<1x128xi32, #tpu.memory_space<vmem>>
      %dma_start3A_619 = tpu.memref_squeeze %dma_start3A_618 : memref<1x128xi32, #tpu.memory_space<vmem>> -> memref<128xi32, #tpu.memory_space<vmem>>
      %dma_start3A_620 = arith.constant 0 : i32
      %dma_start3A_621 = arith.constant 0 : i32
      %dma_start3A_622 = tpu.memref_slice %arg11[%dma_start3A_620, %dma_start3A_621] : memref<10008x128xf32, #tpu.memory_space<vmem_shared>> -> memref<10008x128xf32, #tpu.memory_space<vmem_shared>>
      tpu.enqueue_indirect_dma source(%arg10 : memref<128x128xf32, #tpu.memory_space<vmem>>) target(%dma_start3A_622 : memref<10008x128xf32, #tpu.memory_space<vmem_shared>>) offsets(%dma_start3A_619 : memref<128xi32, #tpu.memory_space<vmem>>) semaphore(%run_scoped3A_616 : memref<!tpu.dma_semaphore, #tpu.memory_space<semaphore_mem>>) {add = true}
      %dma_wait3A_623 = arith.constant 0 : i32
      %dma_wait3A_624 = tpu.memref_slice %arg7[%run_scoped3A_595, %dma_wait3A_623] : memref<8x128xi32, #tpu.memory_space<vmem>> -> memref<1x128xi32, #tpu.memory_space<vmem>>
      %dma_wait3A_625 = tpu.memref_squeeze %dma_wait3A_624 : memref<1x128xi32, #tpu.memory_space<vmem>> -> memref<128xi32, #tpu.memory_space<vmem>>
      %dma_wait3A_626 = arith.constant 0 : i32
      %dma_wait3A_627 = arith.constant 0 : i32
      %dma_wait3A_628 = tpu.memref_slice %arg11[%dma_wait3A_626, %dma_wait3A_627] : memref<10008x128xf32, #tpu.memory_space<vmem_shared>> -> memref<10008x128xf32, #tpu.memory_space<vmem_shared>>
      tpu.wait_indirect_dma semaphore(%run_scoped3A_616 : memref<!tpu.dma_semaphore, #tpu.memory_space<semaphore_mem>>) src(%arg10 : memref<128x128xf32, #tpu.memory_space<vmem>>) dst(%dma_wait3A_628 : memref<10008x128xf32, #tpu.memory_space<vmem_shared>>)
      tpu.yield
    }) : () -> ()
    %dma_wait3A_596 = arith.constant 0 : i32
    %dma_wait3A_597 = arith.constant 0 : i32
    %dma_wait3A_598 = tpu.memref_slice %arg2[%dma_wait3A_596, %dma_wait3A_597] : memref<10000x128xf32, #tpu.memory_space<hbm>> -> memref<128x128xf32, #tpu.memory_space<hbm>>
    %dma_wait3A_599 = arith.constant 0 : i32
    %dma_wait3A_600 = arith.constant 0 : i32
    %dma_wait3A_601 = tpu.memref_slice %arg2[%dma_wait3A_599, %dma_wait3A_600] : memref<10000x128xf32, #tpu.memory_space<hbm>> -> memref<128x128xf32, #tpu.memory_space<hbm>>
    tpu.wait_dma2 semaphore(%arg12 : memref<!tpu.dma_semaphore, #tpu.memory_space<semaphore_mem>>) src(%dma_wait3A_601 : memref<128x128xf32, #tpu.memory_space<hbm>>) dst(%arg8 : memref<128x128xf32, #tpu.memory_space<vmem>>)
    %run_scoped3A_602 = arith.constant 6 : i32
    "tpu.region"() ({
      %run_scoped3A_616 = tpu.sem_alloc : memref<!tpu.dma_semaphore, #tpu.memory_space<semaphore_mem>>
      %dma_start3A_617 = arith.constant 0 : i32
      %dma_start3A_618 = tpu.memref_slice %arg7[%run_scoped3A_602, %dma_start3A_617] : memref<8x128xi32, #tpu.memory_space<vmem>> -> memref<1x128xi32, #tpu.memory_space<vmem>>
      %dma_start3A_619 = tpu.memref_squeeze %dma_start3A_618 : memref<1x128xi32, #tpu.memory_space<vmem>> -> memref<128xi32, #tpu.memory_space<vmem>>
      %dma_start3A_620 = arith.constant 0 : i32
      %dma_start3A_621 = arith.constant 0 : i32
      %dma_start3A_622 = tpu.memref_slice %arg11[%dma_start3A_620, %dma_start3A_621] : memref<10008x128xf32, #tpu.memory_space<vmem_shared>> -> memref<10008x128xf32, #tpu.memory_space<vmem_shared>>
      tpu.enqueue_indirect_dma source(%arg8 : memref<128x128xf32, #tpu.memory_space<vmem>>) target(%dma_start3A_622 : memref<10008x128xf32, #tpu.memory_space<vmem_shared>>) offsets(%dma_start3A_619 : memref<128xi32, #tpu.memory_space<vmem>>) semaphore(%run_scoped3A_616 : memref<!tpu.dma_semaphore, #tpu.memory_space<semaphore_mem>>) {add = true}
      %dma_wait3A_623 = arith.constant 0 : i32
      %dma_wait3A_624 = tpu.memref_slice %arg7[%run_scoped3A_602, %dma_wait3A_623] : memref<8x128xi32, #tpu.memory_space<vmem>> -> memref<1x128xi32, #tpu.memory_space<vmem>>
      %dma_wait3A_625 = tpu.memref_squeeze %dma_wait3A_624 : memref<1x128xi32, #tpu.memory_space<vmem>> -> memref<128xi32, #tpu.memory_space<vmem>>
      %dma_wait3A_626 = arith.constant 0 : i32
      %dma_wait3A_627 = arith.constant 0 : i32
      %dma_wait3A_628 = tpu.memref_slice %arg11[%dma_wait3A_626, %dma_wait3A_627] : memref<10008x128xf32, #tpu.memory_space<vmem_shared>> -> memref<10008x128xf32, #tpu.memory_space<vmem_shared>>
      tpu.wait_indirect_dma semaphore(%run_scoped3A_616 : memref<!tpu.dma_semaphore, #tpu.memory_space<semaphore_mem>>) src(%arg8 : memref<128x128xf32, #tpu.memory_space<vmem>>) dst(%dma_wait3A_628 : memref<10008x128xf32, #tpu.memory_space<vmem_shared>>)
      tpu.yield
    }) : () -> ()
    %dma_wait3A_603 = arith.constant 0 : i32
    %dma_wait3A_604 = arith.constant 0 : i32
    %dma_wait3A_605 = tpu.memref_slice %arg2[%dma_wait3A_603, %dma_wait3A_604] : memref<10000x128xf32, #tpu.memory_space<hbm>> -> memref<128x128xf32, #tpu.memory_space<hbm>>
    %dma_wait3A_606 = arith.constant 0 : i32
    %dma_wait3A_607 = arith.constant 0 : i32
    %dma_wait3A_608 = tpu.memref_slice %arg2[%dma_wait3A_606, %dma_wait3A_607] : memref<10000x128xf32, #tpu.memory_space<hbm>> -> memref<128x128xf32, #tpu.memory_space<hbm>>
    tpu.wait_dma2 semaphore(%arg13 : memref<!tpu.dma_semaphore, #tpu.memory_space<semaphore_mem>>) src(%dma_wait3A_608 : memref<128x128xf32, #tpu.memory_space<hbm>>) dst(%arg9 : memref<128x128xf32, #tpu.memory_space<vmem>>)
    %run_scoped3A_609 = arith.constant 7 : i32
    "tpu.region"() ({
      %run_scoped3A_616 = tpu.sem_alloc : memref<!tpu.dma_semaphore, #tpu.memory_space<semaphore_mem>>
      %dma_start3A_617 = arith.constant 0 : i32
      %dma_start3A_618 = tpu.memref_slice %arg7[%run_scoped3A_609, %dma_start3A_617] : memref<8x128xi32, #tpu.memory_space<vmem>> -> memref<1x128xi32, #tpu.memory_space<vmem>>
      %dma_start3A_619 = tpu.memref_squeeze %dma_start3A_618 : memref<1x128xi32, #tpu.memory_space<vmem>> -> memref<128xi32, #tpu.memory_space<vmem>>
      %dma_start3A_620 = arith.constant 0 : i32
      %dma_start3A_621 = arith.constant 0 : i32
      %dma_start3A_622 = tpu.memref_slice %arg11[%dma_start3A_620, %dma_start3A_621] : memref<10008x128xf32, #tpu.memory_space<vmem_shared>> -> memref<10008x128xf32, #tpu.memory_space<vmem_shared>>
      tpu.enqueue_indirect_dma source(%arg9 : memref<128x128xf32, #tpu.memory_space<vmem>>) target(%dma_start3A_622 : memref<10008x128xf32, #tpu.memory_space<vmem_shared>>) offsets(%dma_start3A_619 : memref<128xi32, #tpu.memory_space<vmem>>) semaphore(%run_scoped3A_616 : memref<!tpu.dma_semaphore, #tpu.memory_space<semaphore_mem>>) {add = true}
      %dma_wait3A_623 = arith.constant 0 : i32
      %dma_wait3A_624 = tpu.memref_slice %arg7[%run_scoped3A_609, %dma_wait3A_623] : memref<8x128xi32, #tpu.memory_space<vmem>> -> memref<1x128xi32, #tpu.memory_space<vmem>>
      %dma_wait3A_625 = tpu.memref_squeeze %dma_wait3A_624 : memref<1x128xi32, #tpu.memory_space<vmem>> -> memref<128xi32, #tpu.memory_space<vmem>>
      %dma_wait3A_626 = arith.constant 0 : i32
      %dma_wait3A_627 = arith.constant 0 : i32
      %dma_wait3A_628 = tpu.memref_slice %arg11[%dma_wait3A_626, %dma_wait3A_627] : memref<10008x128xf32, #tpu.memory_space<vmem_shared>> -> memref<10008x128xf32, #tpu.memory_space<vmem_shared>>
      tpu.wait_indirect_dma semaphore(%run_scoped3A_616 : memref<!tpu.dma_semaphore, #tpu.memory_space<semaphore_mem>>) src(%arg9 : memref<128x128xf32, #tpu.memory_space<vmem>>) dst(%dma_wait3A_628 : memref<10008x128xf32, #tpu.memory_space<vmem_shared>>)
      tpu.yield
    }) : () -> ()
    %barrier3A_610 = arith.constant 0 : index
    tpu.barrier barrier_id(%barrier3A_610)
    "tpu.region"() ({
      %run_scoped3A_616 = tpu.sem_alloc : memref<!tpu.dma_semaphore, #tpu.memory_space<semaphore_mem>>
      %dma_start3A_617 = arith.constant 0 : i32
      %dma_start3A_618 = tpu.memref_slice %arg6[%arg0, %multiple_of3A, %dma_start3A_617] : memref<2x10000x128xf32, #tpu.memory_space<hbm>> -> memref<1x624x128xf32, #tpu.memory_space<hbm>>
      %dma_start3A_619 = tpu.memref_squeeze %dma_start3A_618 : memref<1x624x128xf32, #tpu.memory_space<hbm>> -> memref<624x128xf32, #tpu.memory_space<hbm>>
      %dma_start3A_620 = arith.constant 0 : i32
      %dma_start3A_621 = tpu.memref_slice %arg11[%multiple_of3A, %dma_start3A_620] : memref<10008x128xf32, #tpu.memory_space<vmem_shared>> -> memref<624x128xf32, #tpu.memory_space<vmem_shared>>
      tpu.enqueue_dma source(%dma_start3A_621 : memref<624x128xf32, #tpu.memory_space<vmem_shared>>) target(%dma_start3A_619 : memref<624x128xf32, #tpu.memory_space<hbm>>) target_semaphore(%run_scoped3A_616 : memref<!tpu.dma_semaphore, #tpu.memory_space<semaphore_mem>>)
      %dma_wait3A_622 = arith.constant 0 : i32
      %dma_wait3A_623 = tpu.memref_slice %arg6[%arg0, %multiple_of3A, %dma_wait3A_622] : memref<2x10000x128xf32, #tpu.memory_space<hbm>> -> memref<1x624x128xf32, #tpu.memory_space<hbm>>
      %dma_wait3A_624 = tpu.memref_squeeze %dma_wait3A_623 : memref<1x624x128xf32, #tpu.memory_space<hbm>> -> memref<624x128xf32, #tpu.memory_space<hbm>>
      %dma_wait3A_625 = arith.constant 0 : i32
      %dma_wait3A_626 = tpu.memref_slice %arg11[%multiple_of3A, %dma_wait3A_625] : memref<10008x128xf32, #tpu.memory_space<vmem_shared>> -> memref<624x128xf32, #tpu.memory_space<vmem_shared>>
      tpu.wait_dma2 semaphore(%run_scoped3A_616 : memref<!tpu.dma_semaphore, #tpu.memory_space<semaphore_mem>>) src(%dma_wait3A_626 : memref<624x128xf32, #tpu.memory_space<vmem_shared>>) dst(%dma_wait3A_624 : memref<624x128xf32, #tpu.memory_space<hbm>>)
      tpu.yield
    }) : () -> ()
    %eq3A_611 = arith.constant 0 : i32
    %eq3A_612 = arith.cmpi eq, %arg1, %eq3A_611 : i32
    %convert_element_type3A_613 = arith.extui %eq3A_612 : i1 to i32
    %cond3A_614 = arith.constant 0 : i32
    %cond3A_615 = arith.cmpi ne, %convert_element_type3A_613, %cond3A_614 : i32
    scf.if %cond3A_615 {
      "tpu.region"() ({
        %run_scoped3A_616 = tpu.sem_alloc : memref<!tpu.dma_semaphore, #tpu.memory_space<semaphore_mem>>
        %dma_start3A_617 = arith.constant 9984 : i32
        %dma_start3A_618 = arith.constant 0 : i32
        %dma_start3A_619 = tpu.memref_slice %arg6[%arg0, %dma_start3A_617, %dma_start3A_618] : memref<2x10000x128xf32, #tpu.memory_space<hbm>> -> memref<1x16x128xf32, #tpu.memory_space<hbm>>
        %dma_start3A_620 = tpu.memref_squeeze %dma_start3A_619 : memref<1x16x128xf32, #tpu.memory_space<hbm>> -> memref<16x128xf32, #tpu.memory_space<hbm>>
        %dma_start3A_621 = arith.constant 9984 : i32
        %dma_start3A_622 = arith.constant 0 : i32
        %dma_start3A_623 = tpu.memref_slice %arg11[%dma_start3A_621, %dma_start3A_622] : memref<10008x128xf32, #tpu.memory_space<vmem_shared>> -> memref<16x128xf32, #tpu.memory_space<vmem_shared>>
        tpu.enqueue_dma source(%dma_start3A_623 : memref<16x128xf32, #tpu.memory_space<vmem_shared>>) target(%dma_start3A_620 : memref<16x128xf32, #tpu.memory_space<hbm>>) target_semaphore(%run_scoped3A_616 : memref<!tpu.dma_semaphore, #tpu.memory_space<semaphore_mem>>)
        %dma_wait3A_624 = arith.constant 9984 : i32
        %dma_wait3A_625 = arith.constant 0 : i32
        %dma_wait3A_626 = tpu.memref_slice %arg6[%arg0, %dma_wait3A_624, %dma_wait3A_625] : memref<2x10000x128xf32, #tpu.memory_space<hbm>> -> memref<1x16x128xf32, #tpu.memory_space<hbm>>
        %dma_wait3A_627 = tpu.memref_squeeze %dma_wait3A_626 : memref<1x16x128xf32, #tpu.memory_space<hbm>> -> memref<16x128xf32, #tpu.memory_space<hbm>>
        %dma_wait3A_628 = arith.constant 9984 : i32
        %dma_wait3A_629 = arith.constant 0 : i32
        %dma_wait3A_630 = tpu.memref_slice %arg11[%dma_wait3A_628, %dma_wait3A_629] : memref<10008x128xf32, #tpu.memory_space<vmem_shared>> -> memref<16x128xf32, #tpu.memory_space<vmem_shared>>
        tpu.wait_dma2 semaphore(%run_scoped3A_616 : memref<!tpu.dma_semaphore, #tpu.memory_space<semaphore_mem>>) src(%dma_wait3A_630 : memref<16x128xf32, #tpu.memory_space<vmem_shared>>) dst(%dma_wait3A_627 : memref<16x128xf32, #tpu.memory_space<hbm>>)
        tpu.yield
      }) : () -> ()
    } else {
    }
    return
  }
}

module attributes {stable_mosaic.version = 14 : i64} {
  func.func @_mlp_body(%arg0: i32, %arg1: i32, %arg2: memref<2x1000x128xf32, #tpu.memory_space<vmem>>, %arg3: memref<256x256xf32, #tpu.memory_space<vmem>>, %arg4: memref<1x256xf32, #tpu.memory_space<vmem>>, %arg5: memref<1x256xf32, #tpu.memory_space<vmem>>, %arg6: memref<1x256xf32, #tpu.memory_space<vmem>>, %arg7: memref<256x256xf32, #tpu.memory_space<vmem>>, %arg8: memref<1x256xf32, #tpu.memory_space<vmem>>, %arg9: memref<1000x256xf32, #tpu.memory_space<vmem>>, %arg10: memref<10000x256xf32, #tpu.memory_space<vmem>>, %arg11: memref<8x256xf32, #tpu.memory_space<vmem>>) attributes {dimension_semantics = [#tpu.dimension_semantics<arbitrary>, #tpu.dimension_semantics<arbitrary>], iteration_bounds = array<i64: 2, 10>, scalar_prefetch = 0 : i64, scratch_operands = 2 : i64, tpu.core_type = #tpu.core_type<tc>, window_params = [{transform_indices = @transform_0, window_bounds = array<i64: 2, 1000, 128>}, {pipeline_mode = #tpu.pipeline_mode<synchronous>, transform_indices = @transform_1, window_bounds = array<i64: 256, 256>}, {pipeline_mode = #tpu.pipeline_mode<synchronous>, transform_indices = @transform_2, window_bounds = array<i64: 1, 256>}, {pipeline_mode = #tpu.pipeline_mode<synchronous>, transform_indices = @transform_3, window_bounds = array<i64: 1, 256>}, {pipeline_mode = #tpu.pipeline_mode<synchronous>, transform_indices = @transform_4, window_bounds = array<i64: 1, 256>}, {pipeline_mode = #tpu.pipeline_mode<synchronous>, transform_indices = @transform_5, window_bounds = array<i64: 256, 256>}, {pipeline_mode = #tpu.pipeline_mode<synchronous>, transform_indices = @transform_6, window_bounds = array<i64: 1, 256>}, {transform_indices = @transform_7, window_bounds = array<i64: 1000, 256>}]} {
    %eq3A = arith.constant 0 : i32
    %eq3A_0 = arith.cmpi eq, %arg0, %eq3A : i32
    %convert_element_type3A = arith.extui %eq3A_0 : i1 to i32
    %cond3A = arith.constant 0 : i32
    %cond3A_1 = arith.cmpi ne, %convert_element_type3A, %cond3A : i32
    scf.if %cond3A_1 {
      %get3A = arith.constant 0 : index
      %get3A_7 = arith.constant 0 : index
      %get3A_8 = arith.constant 0 : index
      %get3A_9 = vector.load %arg2[%get3A, %get3A_7, %get3A_8] : memref<2x1000x128xf32, #tpu.memory_space<vmem>>, vector<1x1000x128xf32>
      %get3A_10 = vector.shape_cast %get3A_9 : vector<1x1000x128xf32> to vector<1000x128xf32>
      %get3A_11 = arith.constant 0 : index
      %get3A_12 = arith.constant 0 : index
      %get3A_13 = vector.load %arg3[%get3A_11, %get3A_12] : memref<256x256xf32, #tpu.memory_space<vmem>>, vector<128x256xf32>
      %dot_general3A = arith.constant dense<0.000000e+00> : vector<1000x256xf32>
      %dot_general3A_14 = tpu.matmul %get3A_10, %get3A_13, %dot_general3A {dimension_numbers = #tpu.dot_dimension_numbers<[1], [0], [0], [1], [0, 0, 1, 1], [], []>, transpose_lhs_hint = false} : vector<1000x128xf32>, vector<128x256xf32>, vector<1000x256xf32> -> vector<1000x256xf32>
      %get3A_15 = arith.constant 1 : index
      %get3A_16 = arith.constant 0 : index
      %get3A_17 = arith.constant 0 : index
      %get3A_18 = vector.load %arg2[%get3A_15, %get3A_16, %get3A_17] : memref<2x1000x128xf32, #tpu.memory_space<vmem>>, vector<1x1000x128xf32>
      %get3A_19 = vector.shape_cast %get3A_18 : vector<1x1000x128xf32> to vector<1000x128xf32>
      %get3A_20 = arith.constant 128 : index
      %get3A_21 = arith.constant 0 : index
      %get3A_22 = vector.load %arg3[%get3A_20, %get3A_21] : memref<256x256xf32, #tpu.memory_space<vmem>>, vector<128x256xf32>
      %dot_general3A_23 = arith.constant dense<0.000000e+00> : vector<1000x256xf32>
      %dot_general3A_24 = tpu.matmul %get3A_19, %get3A_22, %dot_general3A_23 {dimension_numbers = #tpu.dot_dimension_numbers<[1], [0], [0], [1], [0, 0, 1, 1], [], []>, transpose_lhs_hint = false} : vector<1000x128xf32>, vector<128x256xf32>, vector<1000x256xf32> -> vector<1000x256xf32>
      %add3A = arith.addf %dot_general3A_14, %dot_general3A_24 : vector<1000x256xf32>
      %get3A_25 = arith.constant 0 : index
      %get3A_26 = arith.constant 0 : index
      %get3A_27 = vector.load %arg4[%get3A_25, %get3A_26] : memref<1x256xf32, #tpu.memory_space<vmem>>, vector<1x256xf32>
      %get3A_28 = vector.shape_cast %get3A_27 : vector<1x256xf32> to vector<256xf32>
      %broadcast_in_dim3A = vector.shape_cast %get3A_28 : vector<256xf32> to vector<1x256xf32>
      %add3A_29 = vector.broadcast %broadcast_in_dim3A : vector<1x256xf32> to vector<1000x256xf32>
      %add3A_30 = arith.addf %add3A, %add3A_29 : vector<1000x256xf32>
      %mul3A = arith.constant 1000 : i32
      %mul3A_31 = arith.muli %arg1, %mul3A : i32
      %swap3A = arith.index_cast %mul3A_31 : i32 to index
      %swap3A_32 = arith.constant 0 : index
      %swap3A_33 = vector.load %arg10[%swap3A, %swap3A_32] : memref<10000x256xf32, #tpu.memory_space<vmem>>, vector<1000x256xf32>
      tpu.vector_store %arg10[%swap3A, %swap3A_32], %add3A_30 {strides = array<i32>} : memref<10000x256xf32, #tpu.memory_space<vmem>>, vector<1000x256xf32>,
      %eq3A_34 = arith.constant 0 : i32
      %eq3A_35 = arith.cmpi eq, %arg1, %eq3A_34 : i32
      %convert_element_type3A_36 = arith.extui %eq3A_35 : i1 to i32
      %cond3A_37 = arith.constant 0 : i32
      %cond3A_38 = arith.cmpi ne, %convert_element_type3A_36, %cond3A_37 : i32
      scf.if %cond3A_38 {
        %broadcast_in_dim3A_54 = arith.constant 0.000000e+00 : f32
        %broadcast_in_dim3A_55 = vector.broadcast %broadcast_in_dim3A_54 : f32 to vector<8x256xf32>
        %swap3A_56 = arith.constant 0 : index
        %swap3A_57 = arith.constant 0 : index
        %swap3A_58 = vector.load %arg11[%swap3A_56, %swap3A_57] : memref<8x256xf32, #tpu.memory_space<vmem>>, vector<8x256xf32>
        tpu.vector_store %arg11[%swap3A_56, %swap3A_57], %broadcast_in_dim3A_55 {strides = array<i32>} : memref<8x256xf32, #tpu.memory_space<vmem>>, vector<8x256xf32>,
      } else {
      }
      %broadcast_in_dim3A_39 = arith.constant 0.000000e+00 : f32
      %broadcast_in_dim3A_40 = vector.broadcast %broadcast_in_dim3A_39 : f32 to vector<6x256xf32>
      %reduce_sum3A = arith.constant dense<0.000000e+00> : vector<256xf32>
      %reduce_sum3A_41 = vector.multi_reduction <add>, %add3A_30, %reduce_sum3A [0] : vector<1000x256xf32> to vector<256xf32>
      %broadcast_in_dim3A_42 = vector.shape_cast %reduce_sum3A_41 : vector<256xf32> to vector<1x256xf32>
      %mul3A_43 = arith.mulf %add3A_30, %add3A_30 : vector<1000x256xf32>
      %reduce_sum3A_44 = arith.constant dense<0.000000e+00> : vector<256xf32>
      %reduce_sum3A_45 = vector.multi_reduction <add>, %mul3A_43, %reduce_sum3A_44 [0] : vector<1000x256xf32> to vector<256xf32>
      %broadcast_in_dim3A_46 = vector.shape_cast %reduce_sum3A_45 : vector<256xf32> to vector<1x256xf32>
      %concatenate3A = tpu.concatenate %broadcast_in_dim3A_42, %broadcast_in_dim3A_46, %broadcast_in_dim3A_40 in 0 : vector<1x256xf32>, vector<1x256xf32>, vector<6x256xf32> -> vector<8x256xf32>
      %get3A_47 = arith.constant 0 : index
      %get3A_48 = arith.constant 0 : index
      %get3A_49 = vector.load %arg11[%get3A_47, %get3A_48] : memref<8x256xf32, #tpu.memory_space<vmem>>, vector<8x256xf32>
      %add3A_50 = arith.addf %get3A_49, %concatenate3A : vector<8x256xf32>
      %swap3A_51 = arith.constant 0 : index
      %swap3A_52 = arith.constant 0 : index
      %swap3A_53 = vector.load %arg11[%swap3A_51, %swap3A_52] : memref<8x256xf32, #tpu.memory_space<vmem>>, vector<8x256xf32>
      tpu.vector_store %arg11[%swap3A_51, %swap3A_52], %add3A_50 {strides = array<i32>} : memref<8x256xf32, #tpu.memory_space<vmem>>, vector<8x256xf32>,
    } else {
    }
    %eq3A_2 = arith.constant 1 : i32
    %eq3A_3 = arith.cmpi eq, %arg0, %eq3A_2 : i32
    %convert_element_type3A_4 = arith.extui %eq3A_3 : i1 to i32
    %cond3A_5 = arith.constant 0 : i32
    %cond3A_6 = arith.cmpi ne, %convert_element_type3A_4, %cond3A_5 : i32
    scf.if %cond3A_6 {
      %get3A = arith.constant 0 : index
      %get3A_7 = arith.constant 0 : index
      %get3A_8 = vector.load %arg11[%get3A, %get3A_7] : memref<8x256xf32, #tpu.memory_space<vmem>>, vector<1x256xf32>
      %get3A_9 = vector.shape_cast %get3A_8 : vector<1x256xf32> to vector<256xf32>
      %mul3A = arith.constant 9.99999974E-5 : f32
      %mul3A_10 = vector.broadcast %mul3A : f32 to vector<256xf32>
      %mul3A_11 = arith.mulf %get3A_9, %mul3A_10 : vector<256xf32>
      %get3A_12 = arith.constant 1 : index
      %get3A_13 = arith.constant 0 : index
      %get3A_14 = vector.load %arg11[%get3A_12, %get3A_13] : memref<8x256xf32, #tpu.memory_space<vmem>>, vector<1x256xf32>
      %get3A_15 = vector.shape_cast %get3A_14 : vector<1x256xf32> to vector<256xf32>
      %mul3A_16 = arith.constant 9.99999974E-5 : f32
      %mul3A_17 = vector.broadcast %mul3A_16 : f32 to vector<256xf32>
      %mul3A_18 = arith.mulf %get3A_15, %mul3A_17 : vector<256xf32>
      %mul3A_19 = arith.mulf %mul3A_11, %mul3A_11 : vector<256xf32>
      %sub3A = arith.subf %mul3A_18, %mul3A_19 : vector<256xf32>
      %get3A_20 = arith.constant 0 : index
      %get3A_21 = arith.constant 0 : index
      %get3A_22 = vector.load %arg5[%get3A_20, %get3A_21] : memref<1x256xf32, #tpu.memory_space<vmem>>, vector<1x256xf32>
      %get3A_23 = vector.shape_cast %get3A_22 : vector<1x256xf32> to vector<256xf32>
      %add3A = arith.constant 9.99999974E-6 : f32
      %add3A_24 = vector.broadcast %add3A : f32 to vector<256xf32>
      %add3A_25 = arith.addf %sub3A, %add3A_24 : vector<256xf32>
      %rsqrt3A = math.rsqrt %add3A_25 : vector<256xf32>
      %mul3A_26 = arith.mulf %get3A_23, %rsqrt3A : vector<256xf32>
      %get3A_27 = arith.constant 0 : index
      %get3A_28 = arith.constant 0 : index
      %get3A_29 = vector.load %arg6[%get3A_27, %get3A_28] : memref<1x256xf32, #tpu.memory_space<vmem>>, vector<1x256xf32>
      %get3A_30 = vector.shape_cast %get3A_29 : vector<1x256xf32> to vector<256xf32>
      %mul3A_31 = arith.mulf %mul3A_11, %mul3A_26 : vector<256xf32>
      %sub3A_32 = arith.subf %get3A_30, %mul3A_31 : vector<256xf32>
      %mul3A_33 = arith.constant 1000 : i32
      %mul3A_34 = arith.muli %arg1, %mul3A_33 : i32
      %get3A_35 = arith.index_cast %mul3A_34 : i32 to index
      %get3A_36 = arith.constant 0 : index
      %get3A_37 = vector.load %arg10[%get3A_35, %get3A_36] : memref<10000x256xf32, #tpu.memory_space<vmem>>, vector<1000x256xf32>
      %broadcast_in_dim3A = vector.shape_cast %mul3A_26 : vector<256xf32> to vector<1x256xf32>
      %mul3A_38 = vector.broadcast %broadcast_in_dim3A : vector<1x256xf32> to vector<1000x256xf32>
      %mul3A_39 = arith.mulf %get3A_37, %mul3A_38 : vector<1000x256xf32>
      %broadcast_in_dim3A_40 = vector.shape_cast %sub3A_32 : vector<256xf32> to vector<1x256xf32>
      %add3A_41 = vector.broadcast %broadcast_in_dim3A_40 : vector<1x256xf32> to vector<1000x256xf32>
      %add3A_42 = arith.addf %mul3A_39, %add3A_41 : vector<1000x256xf32>
      %max3A = arith.constant 0.000000e+00 : f32
      %max3A_43 = vector.broadcast %max3A : f32 to vector<1000x256xf32>
      %max3A_44 = arith.maximumf %add3A_42, %max3A_43 : vector<1000x256xf32>
      %get3A_45 = arith.constant 0 : index
      %get3A_46 = arith.constant 0 : index
      %get3A_47 = vector.load %arg7[%get3A_45, %get3A_46] : memref<256x256xf32, #tpu.memory_space<vmem>>, vector<256x256xf32>
      %dot_general3A = arith.constant dense<0.000000e+00> : vector<1000x256xf32>
      %dot_general3A_48 = tpu.matmul %max3A_44, %get3A_47, %dot_general3A {dimension_numbers = #tpu.dot_dimension_numbers<[1], [0], [0], [1], [0, 0, 1, 1], [], []>, transpose_lhs_hint = false} : vector<1000x256xf32>, vector<256x256xf32>, vector<1000x256xf32> -> vector<1000x256xf32>
      %get3A_49 = arith.constant 0 : index
      %get3A_50 = arith.constant 0 : index
      %get3A_51 = vector.load %arg8[%get3A_49, %get3A_50] : memref<1x256xf32, #tpu.memory_space<vmem>>, vector<1x256xf32>
      %get3A_52 = vector.shape_cast %get3A_51 : vector<1x256xf32> to vector<256xf32>
      %broadcast_in_dim3A_53 = vector.shape_cast %get3A_52 : vector<256xf32> to vector<1x256xf32>
      %add3A_54 = vector.broadcast %broadcast_in_dim3A_53 : vector<1x256xf32> to vector<1000x256xf32>
      %add3A_55 = arith.addf %dot_general3A_48, %add3A_54 : vector<1000x256xf32>
      %swap3A = arith.constant 0 : index
      %swap3A_56 = arith.constant 0 : index
      %swap3A_57 = vector.load %arg9[%swap3A, %swap3A_56] : memref<1000x256xf32, #tpu.memory_space<vmem>>, vector<1000x256xf32>
      tpu.vector_store %arg9[%swap3A, %swap3A_56], %add3A_55 {strides = array<i32>} : memref<1000x256xf32, #tpu.memory_space<vmem>>, vector<1000x256xf32>,
    } else {
    }
    return
  }
  func.func @transform_0(%arg0: i32, %arg1: i32) -> (i32, i32, i32) {
    %sub3A = arith.constant 1 : i32
    %sub3A_0 = arith.subi %sub3A, %arg0 : i32
    %mul3A = arith.muli %arg1, %sub3A_0 : i32
    %c0_i32 = arith.constant 0 : i32
    %c0_i32_1 = arith.constant 0 : i32
    %c0_i32_2 = arith.constant 0 : i32
    return %c0_i32, %mul3A, %c0_i32_1 : i32, i32, i32
  }
  func.func @transform_1(%arg0: i32, %arg1: i32) -> (i32, i32) {
    %c0_i32 = arith.constant 0 : i32
    %c0_i32_0 = arith.constant 0 : i32
    %c0_i32_1 = arith.constant 0 : i32
    return %c0_i32, %c0_i32_0 : i32, i32
  }
  func.func @transform_2(%arg0: i32, %arg1: i32) -> (i32, i32) {
    %c0_i32 = arith.constant 0 : i32
    %c0_i32_0 = arith.constant 0 : i32
    %c0_i32_1 = arith.constant 0 : i32
    return %c0_i32, %c0_i32_0 : i32, i32
  }
  func.func @transform_3(%arg0: i32, %arg1: i32) -> (i32, i32) {
    %c0_i32 = arith.constant 0 : i32
    %c0_i32_0 = arith.constant 0 : i32
    %c0_i32_1 = arith.constant 0 : i32
    return %c0_i32, %c0_i32_0 : i32, i32
  }
  func.func @transform_4(%arg0: i32, %arg1: i32) -> (i32, i32) {
    %c0_i32 = arith.constant 0 : i32
    %c0_i32_0 = arith.constant 0 : i32
    %c0_i32_1 = arith.constant 0 : i32
    return %c0_i32, %c0_i32_0 : i32, i32
  }
  func.func @transform_5(%arg0: i32, %arg1: i32) -> (i32, i32) {
    %c0_i32 = arith.constant 0 : i32
    %c0_i32_0 = arith.constant 0 : i32
    %c0_i32_1 = arith.constant 0 : i32
    return %c0_i32, %c0_i32_0 : i32, i32
  }
  func.func @transform_6(%arg0: i32, %arg1: i32) -> (i32, i32) {
    %c0_i32 = arith.constant 0 : i32
    %c0_i32_0 = arith.constant 0 : i32
    %c0_i32_1 = arith.constant 0 : i32
    return %c0_i32, %c0_i32_0 : i32, i32
  }
  func.func @transform_7(%arg0: i32, %arg1: i32) -> (i32, i32) {
    %mul3A = arith.muli %arg1, %arg0 : i32
    %c0_i32 = arith.constant 0 : i32
    %c0_i32_0 = arith.constant 0 : i32
    return %mul3A, %c0_i32 : i32, i32
  }
}

</mosaic_0001>

<sc_bundles>
// kernel: kernel.4.cloned.1.call-start
scs
__scs_entry_jumppad:
0x0: {  	(pc) =	sbr.rel $0x88, $3  }
0x1: {  	(tag) =	ssettag $0x0;
	lr =	simm.s32 $0x1  }
0x2: {  	[smem:$0x3F99] =	sst lr;
	_ =	strace $0xD0000000  }
0x3: {  	_ = 	snop  }
0x4: {  	_ = 	snop  }
0x5: {  	_ = 	snop  }
0x6: {  	_ = 	snop  }
0x7: {  	_ = 	snop  }
__scs_overlays_trampoline_lowered:
0x8: {  	[smem:$0x3FA8] =	sst s0  }
0x9: {  	[smem:$0x3FA9] =	sst s1  }
0xa: {  	[smem:$0x3FAA] =	sst s2  }
0xb: {  	[smem:$0x3FAB] =	sst s3  }
0xc: {  	[smem:$0x3FAC] =	sst s4  }
0xd: {  	[smem:$0x3FAD] =	sst s5  }
0xe: {  	[smem:$0x3FAE] =	sst s6  }
0xf: {  	[smem:$0x3FAF] =	sst s7  }
0x10: {  	[smem:$0x3FB0] =	sst s8  }
0x11: {  	[smem:$0x3FB1] =	sst s9;
	s0 =	simm.s32 @!p0 $0x0  }
0x12: {  	s1 =	sld [smem:$0x3F97];
	s0 =	simm.s32 @p0 $0x1  }
0x13: {  	[smem:$0x3FB2] =	sst s0;
	s0 =	simm.s32 @!p1 $0x0  }
0x14: {  	s2 =	sld [smem:$0x3F96];
	s0 =	simm.s32 @p1 $0x1  }
0x15: {  	[smem:$0x3FB3] =	sst s0;
	s0 =	simm.s32 @!p2 $0x0  }
0x16: {  	s3 =	sld [smem:$0x3FDB];
	s0 =	simm.s32 @p2 $0x1  }
0x17: {  	s4 =	simm.s32 $0x1BF5;
	[smem:$0x3FB5] =	sst s0  }
0x18: {  	s0 =	sld [smem:$0x3F98];
	_ =	swait.ge [sflag:s4], $0x0  }
0x19: {  	s7 =	sld [smem:$0x3F99]  }
0x1a: {  	s8 =	sadd.s32 $0xFFFFE003, lr  }
0x1b: {  	s9 =	sadd.s32 $0xFFFFFEF7, lr;
	s5 =	simm.s32 $0xFFFFFFFF;
	p2 =	slt.u32 s8, $0xFFFFF086  }
0x1c: {  	p1 =	slt.u32 s9, $0xF7A;
	s5 =	simm.s32 @!p2 $0x0  }
0x1d: {  	s5 =	simm.s32 @p1 $0x1;
	p0 =	seq.s32 s7, s2  }
0x1e: {  	s7 =	smul.u32 @!p0 $0xF7A, s2;
	p2 =	seq.s32 @!p0 s5, $0x0  }
0x1f: {  	s9 =	smul.u32 $0xF7A, s1;
	s8 =	simm.s32 @!p0 $0x1BF5;
	p2 =	por !p2, p0  }
0x20: {  	[sflag:s8] =	ssyncset.s32 @!p0 $0xFFFFF086;
	s6 =	sadd.s32 @!p0 s3, s7;
	s7 =	simm.s32 @!p0 $0x108  }
0x21: {  	s3 =	sadd.s32 s3, s9;
	s6 =	sadd.s32 @!p0 $0x88, s6;
	s7 =	simm.s32 @p2 $0x1082  }
0x22: {  	[simem:s7], [sflag:s8] =	dma.local @!p0 [hbm:s6], $0xF7A  }
0x23: {  	s9 =	sor.u32 $0xD0000000, s2;
	s6 =	simm.s32 $0x108;
	_ =	swait.ge @!p0 [sflag:s8], $0x0  }
0x24: {  	s3 =	sadd.s32 $0x88, s3;
	s6 =	simm.s32 @!p1 $0x1082;
	[sflag:s4] =	ssyncset.s32 $0xFFFFF086  }
0x25: {  	[simem:s6], [sflag:s4] =	dma.local [hbm:s3], $0xF7A  }
0x26: {  	[smem:$0x3F99] =	sst s1;
	(tag) =	ssettag s2;
	_ =	strace s9  }
0x27: {  	s1 =	sld [smem:$0x3FA9]  }
0x28: {  	s2 =	sld [smem:$0x3FAA]  }
0x29: {  	s4 =	sld [smem:$0x3FAC]  }
0x2a: {  	p0 =	seq.s32 s5, $0x0;
	s5 =	sld [smem:$0x3FAD]  }
0x2b: {  	s6 =	sld [smem:$0x3FAE]  }
0x2c: {  	s7 =	sld [smem:$0x3FAF]  }
0x2d: {  	s3 =	simm.s32 $0x108;
	s8 =	sld [smem:$0x3FB0]  }
0x2e: {  	s3 =	simm.s32 @!p0 $0x1082;
	s9 =	sld [smem:$0x3FB1]  }
0x2f: {  	lr =	sadd.s32 s0, s3;
	s0 =	sld [smem:$0x3FA8]  }
0x30: {  	s3 =	sld [smem:$0x3FAB]  }
0x31: {  	[smem:$0x3FB4] =	sst s10  }
0x32: {  	s10 =	sld [smem:$0x3FB2];
	_ =	sdelay $0x3  }
0x33: {  	p0 =	seq.s32 s10, $0x1;
	s10 =	sld [smem:$0x3FB4];
	_ =	sdelay $0x3  }
0x34: {  	[smem:$0x3FB4] =	sst s10  }
0x35: {  	s10 =	sld [smem:$0x3FB3];
	_ =	sdelay $0x3  }
0x36: {  	p1 =	seq.s32 s10, $0x1;
	s10 =	sld [smem:$0x3FB4];
	_ =	sdelay $0x3  }
0x37: {  	[smem:$0x3FB4] =	sst s10  }
0x38: {  	s10 =	sld [smem:$0x3FB5]  }
0x39: {  	_ = 	snop;
	(pc) =	sbr.ind lr, $3  }
0x3a: {  	_ = 	snop  }
0x3b: {  	_ = 	snop  }
0x3c: {  	p2 =	seq.s32 s10, $0x1;
	s10 =	sld [smem:$0x3FB4]  }
0x3d: {  	_ =	shalt  }
0x3e: {  	_ =	shalt  }
0x3f: {  	_ =	shalt  }
0x40: {  	_ =	shalt  }
0x41: {  	_ =	shalt  }
0x42: {  	_ =	shalt  }
0x43: {  	_ =	shalt  }
0x44: {  	_ =	shalt  }
0x45: {  	_ =	shalt  }
0x46: {  	_ =	shalt  }
0x47: {  	_ =	shalt  }
0x48: {  	_ =	shalt  }
0x49: {  	_ =	shalt  }
0x4a: {  	_ =	shalt  }
0x4b: {  	_ =	shalt  }
0x4c: {  	_ =	shalt  }
0x4d: {  	_ =	shalt  }
0x4e: {  	_ =	shalt  }
0x4f: {  	_ =	shalt  }
0x50: {  	_ =	shalt  }
0x51: {  	_ =	shalt  }
0x52: {  	_ =	shalt  }
0x53: {  	_ =	shalt  }
0x54: {  	_ =	shalt  }
0x55: {  	_ =	shalt  }
0x56: {  	_ =	shalt  }
0x57: {  	_ =	shalt  }
0x58: {  	_ =	shalt  }
0x59: {  	_ =	shalt  }
0x5a: {  	_ =	shalt  }
0x5b: {  	_ =	shalt  }
0x5c: {  	_ =	shalt  }
0x5d: {  	_ =	shalt  }
0x5e: {  	_ =	shalt  }
0x5f: {  	_ =	shalt  }
0x60: {  	_ =	shalt  }
0x61: {  	_ =	shalt  }
0x62: {  	_ =	shalt  }
0x63: {  	_ =	shalt  }
0x64: {  	_ =	shalt  }
0x65: {  	_ =	shalt  }
0x66: {  	_ =	shalt  }
0x67: {  	_ =	shalt  }
0x68: {  	_ =	shalt  }
0x69: {  	_ =	shalt  }
0x6a: {  	_ =	shalt  }
0x6b: {  	_ =	shalt  }
0x6c: {  	_ =	shalt  }
0x6d: {  	_ =	shalt  }
0x6e: {  	_ =	shalt  }
0x6f: {  	_ =	shalt  }
0x70: {  	_ =	shalt  }
0x71: {  	_ =	shalt  }
0x72: {  	_ =	shalt  }
0x73: {  	_ =	shalt  }
0x74: {  	_ =	shalt  }
0x75: {  	_ =	shalt  }
0x76: {  	_ =	shalt  }
0x77: {  	_ =	shalt  }
0x78: {  	_ =	shalt  }
0x79: {  	_ =	shalt  }
0x7a: {  	_ =	shalt  }
0x7b: {  	_ =	shalt  }
0x7c: {  	_ =	shalt  }
0x7d: {  	_ =	shalt  }
0x7e: {  	_ =	shalt  }
0x7f: {  	_ =	shalt  }
0x80: {  	_ =	shalt  }
0x81: {  	_ =	shalt  }
0x82: {  	_ =	shalt  }
0x83: {  	_ =	shalt  }
0x84: {  	_ =	shalt  }
0x85: {  	_ =	shalt  }
0x86: {  	_ =	shalt  }
0x87: {  	_ =	shalt  }
.Lfunc_end0:
.L_simem_size_0:
called_computation_lowered:
.L_overlay_start_0:
0x88: {  	s2 =	sld [smem:$0x3FD9]  }
0x89: {  	s3 =	sld [smem:$0x3FFE];
	_ =	sdelay $0x1  }
0x8a: {  	s1 =	srdreg.scid  }
0x8b: {  	s0 =	sand.u32 $0x1, s1  }
0x8c: {  	s17 =	sshll.u32 s0, $0xA;
	s2 =	sadd.s32 s3, s2  }
0x8d: {  	s2 =	sadd.s32 s2, s17  }
0x8e: {  	[smem:$0x3FC0] =	sst s2  }
0x8f: {  	_ = 	snop  }
0x90: {  	s2 =	sld [smem:$0x3FD0];
	(tm) =	ssettm $0x1  }
0x91: {  	s18 =	sld [smem:$0x3FFB];
	_ =	sdelay $0x3  }
0x92: {  	_ =	strace s18  }
0x93: {  	s3 =	sld [smem:$0x3FFC];
	_ =	sdelay $0x3  }
0x94: {  	_ =	strace s3  }
0x95: {  	s3 =	sld [smem:$0x3FFD];
	_ =	sdelay $0x3  }
0x96: {  	_ =	strace s3  }
0x97: {  	_ =	strace $0x8FFFFFFF  }
0x98: {  	s19 =	sld [smem:$0x3FDB];
	_ =	sdelay $0x1  }
0x99: {  	s4 =	simm.s32 $_scs_section_size  }
0x9a: {  	s5 =	simm.s32 $_size__tile_overlayer_lowered;
	s6 =	simm.s32 $_tile_overlayer_lowered  }
0x9b: {  	s22 =	simm.s32 $0x1BFF;
	s21 =	sshll.u32 s6, $0x1;
	s3 =	sadd.s32 s4, s19  }
0x9c: {  	s7 =	simm.s32 $0x0;
	s20 =	sshll.u32 s5, $0x1;
	s5 =	sadd.s32 s21, s3  }
0x9d: {  	[timem:s7], [sflag:s22] =	dma.local [hbm:s5], s20  }
0x9e: {  	_ =	swait.ge [sflag:s22], s20  }
0x9f: {  	s4 =	ssub.s32 $0x0, s20;
	[sflag:s22] =	ssyncset.done $0x0  }
0xa0: {  	[sflag:s22] =	ssyncadd.s32 s4;
	_ =	sdelay $0x1  }
0xa1: {  	s23 =	simm.s32 $0x1B8B  }
0xa2: {  	_ =	swait.ge [sflag:s23], $0x1  }
0xa3: {  	[sflag:s23] =	ssyncset.done $0x0  }
0xa4: {  	s25 =	simm.s32 $0x1B8E;
	s24 =	sld [smem:$0x3FFE];
	[sflag:s23] =	ssyncadd.s32 $0xFFFFFFFF  }
0xa5: {  	s26 =	simm.s32 $execute0_lowered;
	[smem:$0x3FD2] =	sst s25  }
0xa6: {  	s5 =	sshll.u32 s26, $0x1;
	_ =	strace $0x80000046;
	[dreg:$0x1] =	wrdreg $0xFFFFFFFF  }
0xa7: {  	s28 =	simm.s32 $_size_execute0_lowered;
	s3 =	sadd.s32 s3, s5;
	[dreg:$0x0] =	wrdreg $0x0  }
0xa8: {  	s5 =	sshll.u32 s28, $0x1;
	[dreg:$0x2] =	wrdreg s3  }
0xa9: {  	[dreg:$0x3] =	wrdreg s5  }
0xaa: {  	[dreg:$0x4] =	wrdreg $0xC0  }
0xab: {  	_ =	task [dreg:s7], $0x5FFFF  }
0xac: {  	[dreg:$0x1] =	wrdreg $0xFFFFFFFF  }
0xad: {  	[dreg:$0x0] =	wrdreg $0x60  }
0xae: {  	[dreg:$0x2] =	wrdreg s24  }
0xaf: {  	[dreg:$0x3] =	wrdreg s2  }
0xb0: {  	[dreg:$0x4] =	wrdreg $0xC4000  }
0xb1: {  	[dreg:$0x5] =	wrdreg $0x9  }
0xb2: {  	_ =	task.clear_ibuf [dreg:s7], $0x6FFFF;
	_ =	strace $0x90000046  }
0xb3: {  	s29 =	simm.s32 $0x9;
	_ =	strace $0x80000048  }
0xb4: {  	_ =	swait.ge [sflag:s29], $0x1  }
0xb5: {  	[sflag:s29] =	ssyncadd.s32 $0xFFFFFFFF  }
0xb6: {  	_ =	strace $0x90000048  }
0xb7: {  	_ =	sfence  }
0xb8: {  	s30 =	sld [smem:$0x0];
	_ =	sdelay $0x2  }
0xb9: {  	s31 =	sshll.u32 s1, $0xD;
	s1 =	sshrl.u32 s1, $0x2  }
0xba: {  	s3 =	sand.u32 $0x4000, s31;
	s1 =	sadd.s32 s1, s30  }
0xbb: {  	s0 =	sor.u32 s3, s0;
	s1 =	sshll.u32 s1, $0x11  }
0xbc: {  	s0 =	sor.u32 s1, s0  }
0xbd: {  	s0 =	sadd.s32 $0x8F2B, s0  }
0xbe: {  	[sflag:s0] =	ssyncadd.remote.s32 $0x1  }
0xbf: {  	_ =	sfence.sel $0xFFFF  }
0xc0: {  	[dreg:$0x0] =	wrdreg $0xFFFFFFFF;
	(pc) =	sbr.abs _section_cstart, $3  }
0xc1: {  	[dreg:$0x1] =	wrdreg $0xFFFFFFFF  }
0xc2: {  	_ =	task.clear_ibuf [dreg:s7], $0x2FFFF;
	_ =	strace $0x9FFFFFFF  }
0xc3: {  	(tm) =	ssettm $0x7FFFFFFF  }
tec
execute0_lowered:
.L_overlay_start_1:
0x0: {  	(tag) =	ssettag $0x1  }
0x1: {  	s0 =	rddreg [dreg:$0x0]  }
0x2: {  	s3 =	rddreg [dreg:$0x1]  }
0x3: {  	s1 =	rddreg [dreg:$0x2]  }
0x4: {  	s2 =	simm.s32 $0x0;
	s4 =	srdreg.scid;
	s14 =	stileid.u32  }
0x5: {  	[smem:$0x7FF] =	sst s2;
	s13 =	sadd.s32 $0x27E00, s0;
	s9 =	smul.u32 $0x4E000, s14  }
0x6: {  	s31 =	sadd.s32 $0xC00, s0;
	s4 =	sand.u32 $0x1, s4;
	s8 =	smul.u32 $0x2800, s14  }
0x7: {  	s6 =	sadd.s32 $0x54000, s0;
	s7 =	sadd.s32 $0x4F000, s0;
	s26 =	smul.u32 $0x2700, s14  }
0x8: {  	s17 =	smul.u32 $0x13800, s14;
	p2 =	seq.s32 s14, $0x0;
	_ =	strace $0x80000047  }
0x9: {  	s5 =	ssub.s32 $0x2, s4;
	p1 =	seq.s32 s4, $0x0;
	[dreg:$0x6] =	wrdreg s31  }
0xa: {  	s11 =	smul.u32 $0x138800, s4;
	p0 =	sne.s32 s4, $0x0;
	[dreg:$0x5] =	wrdreg s13  }
0xb: {  	s24 =	sshrl.u32 s5, $0x1;
	s25 =	sshrl.u32 s9, $0x2;
	s10 =	sadd.s32 s31, s26  }
0xc: {  	s9 =	sadd.s32 s13, s26;
	s18 =	sor.u32 $0x400, s8;
	s31 =	smov.u32 @p1 s13  }
0xd: {  	p1 =	sne.s32 s14, $0x0;
	s13 =	simm.s32 $0x180;
	[dreg:$0x8] =	wrdreg s10  }
0xe: {  	s14 =	simm.s32 $0x380;
	s0 =	ssub.s32 s5, s24;
	[dreg:$0x9] =	wrdreg s9  }
0xf: {  	s5 =	sadd.s32 s25, s1;
	[dreg:$0x4] =	wrdreg s18;
	s21 =	sshrl.u32 s11, $0x3  }
0x10: {  	[dreg:$0x7] =	wrdreg s5;
	s5 =	sshrl.u32 s8, $0x3;
	s0 =	smax.u32 s0, $0x1  }
0x11: {  	s28 =	sor.u32 $0x10, s5;
	s26 =	sadd.s32 s7, s5;
	[dreg:$0x1c] =	wrdreg s0  }
0x12: {  	s18 =	simm.s32 $0x4400;
	s29 =	sadd.s32 s7, s28;
	[dreg:$0x17] =	wrdreg s26  }
0x13: {  	s30 =	sor.u32 $0x20, s5;
	s9 =	sadd.s32 s6, s28;
	[dreg:$0xa] =	wrdreg s29  }
0x14: {  	s15 =	sor.u32 $0x30, s5;
	s12 =	sadd.s32 s7, s30;
	[dreg:$0xb] =	wrdreg s9  }
0x15: {  	s22 =	sadd.s32 $0x4D0, s5;
	s16 =	sadd.s32 s7, s15;
	[dreg:$0xc] =	wrdreg s12  }
0x16: {  	s24 =	sadd.s32 $0x4E0, s5;
	s10 =	sadd.s32 s6, s15;
	[dreg:$0xe] =	wrdreg s16  }
0x17: {  	s23 =	sadd.s32 s7, s22;
	s25 =	sadd.s32 s7, s24;
	[dreg:$0xf] =	wrdreg s10  }
0x18: {  	s4 =	sadd.s32 s6, s24;
	s28 =	sadd.s32 s6, s5;
	[dreg:$0x13] =	wrdreg s23  }
0x19: {  	s15 =	simm.s32 $0x4;
	s24 =	simm.s32 $0x3;
	[dreg:$0x15] =	wrdreg s25  }
0x1a: {  	s9 =	sadd.s32 s6, s30;
	s12 =	sadd.s32 $0x4C0, s5;
	[dreg:$0x16] =	wrdreg s4  }
0x1b: {  	[dreg:$0x18] =	wrdreg s28;
	s29 =	sadd.s32 $0x4F0, s5;
	s30 =	sadd.s32 $0x138000, s1  }
0x1c: {  	s16 =	simm.s32 $0x400;
	s23 =	simm.s32 $0x2;
	[dreg:$0xd] =	wrdreg s9  }
0x1d: {  	s25 =	simm.s32 $0x0;
	s19 =	sadd.s32 s7, s12;
	[dreg:$0x1d] =	wrdreg s30  }
0x1e: {  	s9 =	sadd.s32 s17, s11;
	s20 =	sadd.s32 s6, s12;
	[dreg:$0x10] =	wrdreg s19  }
0x1f: {  	s5 =	sadd.s32 s7, s29;
	s4 =	sadd.s32 s6, s29;
	[dreg:$0x11] =	wrdreg s20  }
0x20: {  	s11 =	simm.s32 $0x8;
	s12 =	simm.s32 $0x300;
	[dreg:$0x19] =	wrdreg s5  }
0x21: {  	s17 =	simm.s32 $0x5;
	s9 =	sshrl.u32 s9, $0x3;
	[dreg:$0x1a] =	wrdreg s4  }
0x22: {  	s4 =	simm.s32 $0x80;
	s5 =	simm.s32 $0x280;
	s19 =	simm.s32 $0x6  }
0x23: {  	s20 =	simm.s32 $0x8400;
	s9 =	sadd.s32 s3, s9;
	s3 =	sadd.s32 s3, s21  }
0x24: {  	s21 =	simm.s32 $0x1;
	[dreg:$0x12] =	wrdreg s9;
	s9 =	sadd.s32 s6, s22  }
0x25: {  	s3 =	sadd.s32 $0x27000, s3;
	s22 =	simm.s32 $0x7;
	[dreg:$0x14] =	wrdreg s9  }
0x26: {  	[dreg:$0x1b] =	wrdreg s3;
	s3 =	simm.s32 $0x200;
	s9 =	simm.s32 $0x100  }
.LBB2_1:
.Ltmp0:
0x27: {  	(pc) =	sbr.rel @p0 .LBB2_3-.Ltmp0, $4  }
0x28: {  	s0 =	stileid.u32  }
0x29: {  	s30 =	rddreg [dreg:$0x7];
	s10 =	sshll.u32 s0, $0x6  }
0x2a: {  	s26 =	sshrl.u32 s30, $0x3;
	[dreg:$0x1e] =	wrdreg s10  }
0x2b: {  	s0 =	sor.u32 $0x1C08, s10;
	[dreg:$0x1f] =	wrdreg s26  }
0x2c: {  	s0 =	sor.u32 $0x1C08, s10;
	s30 =	rddreg [dreg:$0x9]  }
0x2d: {  	[spmem:s26], [sflag:s0] =	dma.local [hbm:s30], $0x2700  }
.Ltmp1:
0x2e: {  	_ = 	snop;
	(pc) =	sbr.rel @!p2 .LBB2_5-.Ltmp1, $4  }
.Ltmp2:
0x2f: {  	_ = 	snop;
	(pc) =	sbr.rel @p2 .LBB2_4-.Ltmp2, $4  }
0x30: {  	_ =	swait.ge [sflag:s11], $0x2700  }
0x31: {  	[sflag:s11] =	ssyncset.done $0x0  }
0x32: {  	s29 =	rddreg [dreg:$0x5];
	[sflag:s11] =	ssyncadd.s32 $0xFFFFD900  }
0x33: {  	_ = 	snop  }
.LBB2_3:
.Ltmp3:
0x34: {  	s10 =	rddreg [dreg:$0x8];
	(pc) =	sbr.rel @p1 .LBB2_5-.Ltmp3, $4  }
0x35: {  	[spmem:s26], [sflag:s0] =	dma.local [hbm:s10], $0x2700  }
0x36: {  	_ =	swait.ge [sflag:s11], $0x2700  }
0x37: {  	[sflag:s11] =	ssyncset.done $0x0  }
0x38: {  	s29 =	rddreg [dreg:$0x6];
	[sflag:s11] =	ssyncadd.s32 $0xFFFFD900  }
.LBB2_4:
0x39: {  	s10 =	rddreg [dreg:$0x1d]  }
0x3a: {  	s29 =	sadd.s32 $0x27000, s29;
	s30 =	sshrl.u32 s10, $0x3  }
0x3b: {  	[spmem:s30], [sflag:s0] =	dma.local [hbm:s29], $0x100  }
0x3c: {  	_ =	swait.ge [sflag:s11], $0x100  }
0x3d: {  	[sflag:s11] =	ssyncset.done $0x0  }
0x3e: {  	[sflag:s11] =	ssyncadd.s32 $0xFFFFFF00  }
.LBB2_5:
0x3f: {  	[bflag:$0x0] =	sbarrier.arrive $0xFFFF  }
0x40: {  	s29 =	simm.s32 $0x0;
	s0 =	rddreg [dreg:$0x17]  }
0x41: {  	[tilespmem:s29], [sflag:$0x4] =	stream.linear.gather [hbm4b:s0+s29], $0x80, $0x38;
	[tilespmem:$0x1FCC0] =	vst v63  }
0x42: {  	s28 =	rddreg [dreg:$0x18]  }
0x43: {  	[tilespmem:s3], [sflag:$0x4] =	stream.linear.gather [hbm4b:s28+s29], $0x80, $0x38;
	[tilespmem:$0x1FCC0] =	vst v63  }
0x44: {  	s10 =	rddreg [dreg:$0xa]  }
0x45: {  	[tilespmem:s4], [sflag:$0x5] =	stream.linear.gather [hbm4b:s10+s29], $0x80, $0x38;
	[tilespmem:$0x1FCC0] =	vst v63  }
0x46: {  	s26 =	rddreg [dreg:$0xb]  }
0x47: {  	[tilespmem:s5], [sflag:$0x5] =	stream.linear.gather [hbm4b:s26+s29], $0x80, $0x38;
	[tilespmem:$0x1FCC0] =	vst v63  }
0x48: {  	s28 =	rddreg [dreg:$0xc]  }
0x49: {  	[tilespmem:s9], [sflag:$0x6] =	stream.linear.gather [hbm4b:s28+s29], $0x80, $0x38;
	[tilespmem:$0x1FCC0] =	vst v63  }
0x4a: {  	s10 =	rddreg [dreg:$0xd]  }
0x4b: {  	[tilespmem:s12], [sflag:$0x6] =	stream.linear.gather [hbm4b:s10+s29], $0x80, $0x38;
	[tilespmem:$0x1FCC0] =	vst v63  }
0x4c: {  	s26 =	rddreg [dreg:$0xe]  }
0x4d: {  	[tilespmem:s13], [sflag:$0x7] =	stream.linear.gather [hbm4b:s26+s29], $0x80, $0x38;
	[tilespmem:$0x1FCC0] =	vst v63  }
0x4e: {  	s28 =	rddreg [dreg:$0xf]  }
0x4f: {  	[tilespmem:s14], [sflag:$0x7] =	stream.linear.gather [hbm4b:s28+s29], $0x80, $0x38;
	[tilespmem:$0x1FCC0] =	vst v63  }
0x50: {  	_ =	swait.ge [sflag:s15], $0x80  }
0x51: {  	[sflag:s15] =	ssyncset.done $0x0  }
0x52: {  	[sflag:s15] =	ssyncadd.s32 $0xFFFFFF80  }
0x53: {  	_ =	swait.ge [sflag:s15], $0x80  }
0x54: {  	[sflag:s15] =	ssyncset.done $0x0  }
0x55: {  	[sflag:s15] =	ssyncadd.s32 $0xFFFFFF80  }
0x56: {  	[tilespmem:s16], [sflag:$0x1] =	stream.indirect.gather [hbm4b:s31+s4], $0x80, s29, s4, $0xb8;
	[tilespmem:$0x1FCC0] =	vst v63  }
0x57: {  	_ =	swait.ge [sflag:s17], $0x80  }
0x58: {  	[sflag:s17] =	ssyncset.done $0x0  }
0x59: {  	[sflag:s17] =	ssyncadd.s32 $0xFFFFFF80  }
0x5a: {  	_ =	swait.ge [sflag:s17], $0x80  }
0x5b: {  	[sflag:s17] =	ssyncset.done $0x0  }
0x5c: {  	[sflag:s17] =	ssyncadd.s32 $0xFFFFFF80  }
0x5d: {  	[tilespmem:s18], [sflag:$0x2] =	stream.indirect.gather [hbm4b:s31+s4], $0x80, s4, s4, $0xb8;
	[tilespmem:$0x1FCC0] =	vst v63  }
0x5e: {  	_ =	swait.ge [sflag:s19], $0x80  }
0x5f: {  	[sflag:s19] =	ssyncset.done $0x0  }
0x60: {  	[sflag:s19] =	ssyncadd.s32 $0xFFFFFF80  }
0x61: {  	_ =	swait.ge [sflag:s19], $0x80  }
0x62: {  	[sflag:s19] =	ssyncset.done $0x0  }
0x63: {  	[sflag:s19] =	ssyncadd.s32 $0xFFFFFF80  }
0x64: {  	[tilespmem:s20], [sflag:$0x3] =	stream.indirect.gather [hbm4b:s31+s4], $0x80, s9, s4, $0xb8;
	[tilespmem:$0x1FCC0] =	vst v63  }
0x65: {  	s10 =	simm.s32 $0x200;
	_ =	swait.ge [sflag:s21], $0x4000  }
0x66: {  	s30 =	sand.u32 $0x7C00, s10;
	[sflag:s21] =	ssyncset.done $0x0  }
0x67: {  	s0 =	sand.u32 $0x200, s10;
	s30 =	sadd.s32 s8, s30;
	[sflag:s21] =	ssyncadd.s32 $0xFFFFC000  }
0x68: {  	[spmem:s1] =	stream.indirect.scatter.add.f32 [tilespmem:s16], [sflag:$0x8], $0x80, s3, s4, $0xb8;
	[tilespmem:$0x1FCC0] =	vst v63  }
0x69: {  	s0 =	sor.u32 s0, s30;
	_ =	swait.ge [sflag:s11], $0x4000  }
0x6a: {  	s0 =	sshrl.u32 s0, $0x3;
	[sflag:s11] =	ssyncset.done $0x0  }
0x6b: {  	s30 =	sadd.s32 s7, s0;
	[sflag:s11] =	ssyncadd.s32 $0xFFFFC000  }
0x6c: {  	[tilespmem:s2], [sflag:$0x4] =	stream.linear.gather [hbm4b:s30+s2], $0x80, $0x38;
	[tilespmem:$0x1FCC0] =	vst v63  }
0x6d: {  	s0 =	sadd.s32 s6, s0  }
0x6e: {  	[tilespmem:s3], [sflag:$0x4] =	stream.linear.gather [hbm4b:s0+s2], $0x80, $0x38;
	[tilespmem:$0x1FCC0] =	vst v63  }
0x6f: {  	_ =	swait.ge [sflag:s22], $0x80  }
0x70: {  	[sflag:s22] =	ssyncset.done $0x0  }
0x71: {  	[sflag:s22] =	ssyncadd.s32 $0xFFFFFF80  }
0x72: {  	_ =	swait.ge [sflag:s22], $0x80  }
0x73: {  	[sflag:s22] =	ssyncset.done $0x0  }
0x74: {  	[sflag:s22] =	ssyncadd.s32 $0xFFFFFF80  }
0x75: {  	[tilespmem:s16], [sflag:$0x1] =	stream.indirect.gather [hbm4b:s31+s4], $0x80, s13, s4, $0xb8;
	[tilespmem:$0x1FCC0] =	vst v63  }
0x76: {  	s26 =	simm.s32 $0x280;
	_ =	swait.ge [sflag:s23], $0x4000  }
0x77: {  	s30 =	sand.u32 $0x7C00, s26;
	[sflag:s23] =	ssyncset.done $0x0  }
0x78: {  	s30 =	sadd.s32 s8, s30;
	s0 =	sand.u32 $0x280, s26;
	[sflag:s23] =	ssyncadd.s32 $0xFFFFC000  }
0x79: {  	[spmem:s1] =	stream.indirect.scatter.add.f32 [tilespmem:s18], [sflag:$0x8], $0x80, s5, s4, $0xb8;
	[tilespmem:$0x1FCC0] =	vst v63  }
0x7a: {  	s0 =	sor.u32 s0, s30;
	_ =	swait.ge [sflag:s11], $0x4000  }
0x7b: {  	s0 =	sshrl.u32 s0, $0x3;
	[sflag:s11] =	ssyncset.done $0x0  }
0x7c: {  	s30 =	sadd.s32 s7, s0;
	[sflag:s11] =	ssyncadd.s32 $0xFFFFC000  }
0x7d: {  	[tilespmem:s4], [sflag:$0x5] =	stream.linear.gather [hbm4b:s30+s2], $0x80, $0x38;
	[tilespmem:$0x1FCC0] =	vst v63  }
0x7e: {  	s0 =	sadd.s32 s6, s0  }
0x7f: {  	[tilespmem:s5], [sflag:$0x5] =	stream.linear.gather [hbm4b:s0+s2], $0x80, $0x38;
	[tilespmem:$0x1FCC0] =	vst v63  }
0x80: {  	_ =	swait.ge [sflag:s15], $0x80  }
0x81: {  	[sflag:s15] =	ssyncset.done $0x0  }
0x82: {  	[sflag:s15] =	ssyncadd.s32 $0xFFFFFF80  }
0x83: {  	_ =	swait.ge [sflag:s15], $0x80  }
0x84: {  	[sflag:s15] =	ssyncset.done $0x0  }
0x85: {  	[sflag:s15] =	ssyncadd.s32 $0xFFFFFF80  }
0x86: {  	[tilespmem:s18], [sflag:$0x2] =	stream.indirect.gather [hbm4b:s31+s4], $0x80, s2, s4, $0xb8;
	[tilespmem:$0x1FCC0] =	vst v63  }
0x87: {  	s28 =	simm.s32 $0x300;
	_ =	swait.ge [sflag:s24], $0x4000  }
0x88: {  	s30 =	sand.u32 $0x7C00, s28;
	[sflag:s24] =	ssyncset.done $0x0  }
0x89: {  	s30 =	sadd.s32 s8, s30;
	s0 =	sand.u32 $0x300, s28;
	[sflag:s24] =	ssyncadd.s32 $0xFFFFC000  }
0x8a: {  	[spmem:s1] =	stream.indirect.scatter.add.f32 [tilespmem:s20], [sflag:$0x8], $0x80, s12, s4, $0xb8;
	[tilespmem:$0x1FCC0] =	vst v63  }
0x8b: {  	s0 =	sor.u32 s0, s30;
	_ =	swait.ge [sflag:s11], $0x4000  }
0x8c: {  	s0 =	sshrl.u32 s0, $0x3;
	[sflag:s11] =	ssyncset.done $0x0  }
0x8d: {  	s30 =	sadd.s32 s7, s0;
	[sflag:s11] =	ssyncadd.s32 $0xFFFFC000  }
0x8e: {  	[tilespmem:s9], [sflag:$0x6] =	stream.linear.gather [hbm4b:s30+s2], $0x80, $0x38;
	[tilespmem:$0x1FCC0] =	vst v63  }
0x8f: {  	s0 =	sadd.s32 s6, s0  }
0x90: {  	[tilespmem:s12], [sflag:$0x6] =	stream.linear.gather [hbm4b:s0+s2], $0x80, $0x38;
	[tilespmem:$0x1FCC0] =	vst v63  }
0x91: {  	_ =	swait.ge [sflag:s17], $0x80  }
0x92: {  	[sflag:s17] =	ssyncset.done $0x0  }
0x93: {  	[sflag:s17] =	ssyncadd.s32 $0xFFFFFF80  }
0x94: {  	_ =	swait.ge [sflag:s17], $0x80  }
0x95: {  	[sflag:s17] =	ssyncset.done $0x0  }
0x96: {  	[sflag:s17] =	ssyncadd.s32 $0xFFFFFF80  }
0x97: {  	[tilespmem:s20], [sflag:$0x3] =	stream.indirect.gather [hbm4b:s31+s4], $0x80, s4, s4, $0xb8;
	[tilespmem:$0x1FCC0] =	vst v63  }
0x98: {  	s10 =	simm.s32 $0x380;
	_ =	swait.ge [sflag:s21], $0x4000  }
0x99: {  	s30 =	sand.u32 $0x7C00, s10;
	[sflag:s21] =	ssyncset.done $0x0  }
0x9a: {  	s30 =	sadd.s32 s8, s30;
	s0 =	sand.u32 $0x380, s10;
	[sflag:s21] =	ssyncadd.s32 $0xFFFFC000  }
0x9b: {  	[spmem:s1] =	stream.indirect.scatter.add.f32 [tilespmem:s16], [sflag:$0x8], $0x80, s14, s4, $0xb8;
	[tilespmem:$0x1FCC0] =	vst v63  }
0x9c: {  	s0 =	sor.u32 s0, s30;
	_ =	swait.ge [sflag:s11], $0x4000  }
0x9d: {  	s0 =	sshrl.u32 s0, $0x3;
	[sflag:s11] =	ssyncset.done $0x0  }
0x9e: {  	s30 =	sadd.s32 s7, s0;
	[sflag:s11] =	ssyncadd.s32 $0xFFFFC000  }
0x9f: {  	[tilespmem:s13], [sflag:$0x7] =	stream.linear.gather [hbm4b:s30+s2], $0x80, $0x38;
	[tilespmem:$0x1FCC0] =	vst v63  }
0xa0: {  	s0 =	sadd.s32 s6, s0  }
0xa1: {  	[tilespmem:s14], [sflag:$0x7] =	stream.linear.gather [hbm4b:s0+s2], $0x80, $0x38;
	[tilespmem:$0x1FCC0] =	vst v63  }
0xa2: {  	_ =	swait.ge [sflag:s19], $0x80  }
0xa3: {  	[sflag:s19] =	ssyncset.done $0x0  }
0xa4: {  	[sflag:s19] =	ssyncadd.s32 $0xFFFFFF80  }
0xa5: {  	_ =	swait.ge [sflag:s19], $0x80  }
0xa6: {  	[sflag:s19] =	ssyncset.done $0x0  }
0xa7: {  	[sflag:s19] =	ssyncadd.s32 $0xFFFFFF80  }
0xa8: {  	[tilespmem:s16], [sflag:$0x1] =	stream.indirect.gather [hbm4b:s31+s4], $0x80, s9, s4, $0xb8;
	[tilespmem:$0x1FCC0] =	vst v63  }
0xa9: {  	_ =	swait.ge [sflag:s23], $0x4000  }
0xaa: {  	[sflag:s23] =	ssyncset.done $0x0  }
0xab: {  	[sflag:s23] =	ssyncadd.s32 $0xFFFFC000  }
0xac: {  	[spmem:s1] =	stream.indirect.scatter.add.f32 [tilespmem:s18], [sflag:$0x8], $0x80, s3, s4, $0xb8;
	[tilespmem:$0x1FCC0] =	vst v63  }
0xad: {  	s30 =	simm.s32 $0x0;
	_ =	swait.ge [sflag:s11], $0x4000  }
0xae: {  	s30 =	sand.u32 $0x3C00, s30;
	s26 =	rddreg [dreg:$0x4]  }
0xaf: {  	s0 =	sadd.s32 s30, s26;
	s30 =	sand.u32 $0x200, s29  }
0xb0: {  	s0 =	sor.u32 s30, s0  }
0xb1: {  	[sflag:s11] =	ssyncset.done $0x0;
	s0 =	sshrl.u32 s0, $0x3  }
0xb2: {  	[sflag:s11] =	ssyncadd.s32 $0xFFFFC000;
	s30 =	sadd.s32 s7, s0  }
0xb3: {  	[tilespmem:s2], [sflag:$0x4] =	stream.linear.gather [hbm4b:s30+s2], $0x80, $0x38;
	[tilespmem:$0x1FCC0] =	vst v63  }
0xb4: {  	s0 =	sadd.s32 s6, s0  }
0xb5: {  	[tilespmem:s3], [sflag:$0x4] =	stream.linear.gather [hbm4b:s0+s2], $0x80, $0x38;
	[tilespmem:$0x1FCC0] =	vst v63  }
0xb6: {  	_ =	swait.ge [sflag:s22], $0x80  }
0xb7: {  	[sflag:s22] =	ssyncset.done $0x0  }
0xb8: {  	[sflag:s22] =	ssyncadd.s32 $0xFFFFFF80  }
0xb9: {  	_ =	swait.ge [sflag:s22], $0x80  }
0xba: {  	[sflag:s22] =	ssyncset.done $0x0  }
0xbb: {  	[sflag:s22] =	ssyncadd.s32 $0xFFFFFF80  }
0xbc: {  	[tilespmem:s18], [sflag:$0x2] =	stream.indirect.gather [hbm4b:s31+s4], $0x80, s13, s4, $0xb8;
	[tilespmem:$0x1FCC0] =	vst v63  }
0xbd: {  	s28 =	simm.s32 $0x480;
	_ =	swait.ge [sflag:s24], $0x4000  }
0xbe: {  	s30 =	sand.u32 $0x7C00, s28;
	[sflag:s24] =	ssyncset.done $0x0  }
0xbf: {  	s30 =	sadd.s32 s8, s30;
	s0 =	sand.u32 $0x280, s28;
	[sflag:s24] =	ssyncadd.s32 $0xFFFFC000  }
0xc0: {  	[spmem:s1] =	stream.indirect.scatter.add.f32 [tilespmem:s20], [sflag:$0x8], $0x80, s5, s4, $0xb8;
	[tilespmem:$0x1FCC0] =	vst v63  }
0xc1: {  	s0 =	sor.u32 s0, s30;
	_ =	swait.ge [sflag:s11], $0x4000  }
0xc2: {  	s0 =	sshrl.u32 s0, $0x3;
	[sflag:s11] =	ssyncset.done $0x0  }
0xc3: {  	s30 =	sadd.s32 s7, s0;
	[sflag:s11] =	ssyncadd.s32 $0xFFFFC000  }
0xc4: {  	[tilespmem:s4], [sflag:$0x5] =	stream.linear.gather [hbm4b:s30+s2], $0x80, $0x38;
	[tilespmem:$0x1FCC0] =	vst v63  }
0xc5: {  	s0 =	sadd.s32 s6, s0  }
0xc6: {  	[tilespmem:s5], [sflag:$0x5] =	stream.linear.gather [hbm4b:s0+s2], $0x80, $0x38;
	[tilespmem:$0x1FCC0] =	vst v63  }
0xc7: {  	_ =	swait.ge [sflag:s15], $0x80  }
0xc8: {  	[sflag:s15] =	ssyncset.done $0x0  }
0xc9: {  	[sflag:s15] =	ssyncadd.s32 $0xFFFFFF80  }
0xca: {  	_ =	swait.ge [sflag:s15], $0x80  }
0xcb: {  	[sflag:s15] =	ssyncset.done $0x0  }
0xcc: {  	[sflag:s15] =	ssyncadd.s32 $0xFFFFFF80  }
0xcd: {  	[tilespmem:s20], [sflag:$0x3] =	stream.indirect.gather [hbm4b:s31+s4], $0x80, s2, s4, $0xb8;
	[tilespmem:$0x1FCC0] =	vst v63  }
0xce: {  	s10 =	simm.s32 $0x500;
	_ =	swait.ge [sflag:s21], $0x4000  }
0xcf: {  	s30 =	sand.u32 $0x7C00, s10;
	[sflag:s21] =	ssyncset.done $0x0  }
0xd0: {  	s30 =	sadd.s32 s8, s30;
	s0 =	sand.u32 $0x300, s10;
	[sflag:s21] =	ssyncadd.s32 $0xFFFFC000  }
0xd1: {  	[spmem:s1] =	stream.indirect.scatter.add.f32 [tilespmem:s16], [sflag:$0x8], $0x80, s12, s4, $0xb8;
	[tilespmem:$0x1FCC0] =	vst v63  }
0xd2: {  	s0 =	sor.u32 s0, s30;
	_ =	swait.ge [sflag:s11], $0x4000  }
0xd3: {  	s0 =	sshrl.u32 s0, $0x3;
	[sflag:s11] =	ssyncset.done $0x0  }
0xd4: {  	s30 =	sadd.s32 s7, s0;
	[sflag:s11] =	ssyncadd.s32 $0xFFFFC000  }
0xd5: {  	[tilespmem:s9], [sflag:$0x6] =	stream.linear.gather [hbm4b:s30+s2], $0x80, $0x38;
	[tilespmem:$0x1FCC0] =	vst v63  }
0xd6: {  	s0 =	sadd.s32 s6, s0  }
0xd7: {  	[tilespmem:s12], [sflag:$0x6] =	stream.linear.gather [hbm4b:s0+s2], $0x80, $0x38;
	[tilespmem:$0x1FCC0] =	vst v63  }
0xd8: {  	_ =	swait.ge [sflag:s17], $0x80  }
0xd9: {  	[sflag:s17] =	ssyncset.done $0x0  }
0xda: {  	[sflag:s17] =	ssyncadd.s32 $0xFFFFFF80  }
0xdb: {  	_ =	swait.ge [sflag:s17], $0x80  }
0xdc: {  	[sflag:s17] =	ssyncset.done $0x0  }
0xdd: {  	[sflag:s17] =	ssyncadd.s32 $0xFFFFFF80  }
0xde: {  	[tilespmem:s16], [sflag:$0x1] =	stream.indirect.gather [hbm4b:s31+s4], $0x80, s4, s4, $0xb8;
	[tilespmem:$0x1FCC0] =	vst v63  }
0xdf: {  	s26 =	simm.s32 $0x580;
	_ =	swait.ge [sflag:s23], $0x4000  }
0xe0: {  	s30 =	sand.u32 $0x7C00, s26;
	[sflag:s23] =	ssyncset.done $0x0  }
0xe1: {  	s30 =	sadd.s32 s8, s30;
	s0 =	sand.u32 $0x380, s26;
	[sflag:s23] =	ssyncadd.s32 $0xFFFFC000  }
0xe2: {  	[spmem:s1] =	stream.indirect.scatter.add.f32 [tilespmem:s18], [sflag:$0x8], $0x80, s14, s4, $0xb8;
	[tilespmem:$0x1FCC0] =	vst v63  }
0xe3: {  	s0 =	sor.u32 s0, s30;
	_ =	swait.ge [sflag:s11], $0x4000  }
0xe4: {  	s0 =	sshrl.u32 s0, $0x3;
	[sflag:s11] =	ssyncset.done $0x0  }
0xe5: {  	s30 =	sadd.s32 s7, s0;
	[sflag:s11] =	ssyncadd.s32 $0xFFFFC000  }
0xe6: {  	[tilespmem:s13], [sflag:$0x7] =	stream.linear.gather [hbm4b:s30+s2], $0x80, $0x38;
	[tilespmem:$0x1FCC0] =	vst v63  }
0xe7: {  	s0 =	sadd.s32 s6, s0  }
0xe8: {  	[tilespmem:s14], [sflag:$0x7] =	stream.linear.gather [hbm4b:s0+s2], $0x80, $0x38;
	[tilespmem:$0x1FCC0] =	vst v63  }
0xe9: {  	_ =	swait.ge [sflag:s19], $0x80  }
0xea: {  	[sflag:s19] =	ssyncset.done $0x0  }
0xeb: {  	[sflag:s19] =	ssyncadd.s32 $0xFFFFFF80  }
0xec: {  	_ =	swait.ge [sflag:s19], $0x80  }
0xed: {  	[sflag:s19] =	ssyncset.done $0x0  }
0xee: {  	[sflag:s19] =	ssyncadd.s32 $0xFFFFFF80  }
0xef: {  	[tilespmem:s18], [sflag:$0x2] =	stream.indirect.gather [hbm4b:s31+s4], $0x80, s9, s4, $0xb8;
	[tilespmem:$0x1FCC0] =	vst v63  }
0xf0: {  	s28 =	simm.s32 $0x600;
	_ =	swait.ge [sflag:s24], $0x4000  }
0xf1: {  	s30 =	sand.u32 $0x7C00, s28;
	[sflag:s24] =	ssyncset.done $0x0  }
0xf2: {  	s30 =	sadd.s32 s8, s30;
	s0 =	sand.u32 $0x200, s28;
	[sflag:s24] =	ssyncadd.s32 $0xFFFFC000  }
0xf3: {  	[spmem:s1] =	stream.indirect.scatter.add.f32 [tilespmem:s20], [sflag:$0x8], $0x80, s3, s4, $0xb8;
	[tilespmem:$0x1FCC0] =	vst v63  }
0xf4: {  	s0 =	sor.u32 s0, s30;
	_ =	swait.ge [sflag:s11], $0x4000  }
0xf5: {  	s0 =	sshrl.u32 s0, $0x3;
	[sflag:s11] =	ssyncset.done $0x0  }
0xf6: {  	s30 =	sadd.s32 s7, s0;
	[sflag:s11] =	ssyncadd.s32 $0xFFFFC000  }
0xf7: {  	[tilespmem:s2], [sflag:$0x4] =	stream.linear.gather [hbm4b:s30+s2], $0x80, $0x38;
	[tilespmem:$0x1FCC0] =	vst v63  }
0xf8: {  	s0 =	sadd.s32 s6, s0  }
0xf9: {  	[tilespmem:s3], [sflag:$0x4] =	stream.linear.gather [hbm4b:s0+s2], $0x80, $0x38;
	[tilespmem:$0x1FCC0] =	vst v63  }
0xfa: {  	_ =	swait.ge [sflag:s22], $0x80  }
0xfb: {  	[sflag:s22] =	ssyncset.done $0x0  }
0xfc: {  	[sflag:s22] =	ssyncadd.s32 $0xFFFFFF80  }
0xfd: {  	_ =	swait.ge [sflag:s22], $0x80  }
0xfe: {  	[sflag:s22] =	ssyncset.done $0x0  }
0xff: {  	[sflag:s22] =	ssyncadd.s32 $0xFFFFFF80  }
0x100: {  	[tilespmem:s20], [sflag:$0x3] =	stream.indirect.gather [hbm4b:s31+s4], $0x80, s13, s4, $0xb8;
	[tilespmem:$0x1FCC0] =	vst v63  }
0x101: {  	s10 =	simm.s32 $0x680;
	_ =	swait.ge [sflag:s21], $0x4000  }
0x102: {  	s30 =	sand.u32 $0x7C00, s10;
	[sflag:s21] =	ssyncset.done $0x0  }
0x103: {  	s30 =	sadd.s32 s8, s30;
	s0 =	sand.u32 $0x280, s10;
	[sflag:s21] =	ssyncadd.s32 $0xFFFFC000  }
0x104: {  	[spmem:s1] =	stream.indirect.scatter.add.f32 [tilespmem:s16], [sflag:$0x8], $0x80, s5, s4, $0xb8;
	[tilespmem:$0x1FCC0] =	vst v63  }
0x105: {  	s0 =	sor.u32 s0, s30;
	_ =	swait.ge [sflag:s11], $0x4000  }
0x106: {  	s0 =	sshrl.u32 s0, $0x3;
	[sflag:s11] =	ssyncset.done $0x0  }
0x107: {  	s30 =	sadd.s32 s7, s0;
	[sflag:s11] =	ssyncadd.s32 $0xFFFFC000  }
0x108: {  	[tilespmem:s4], [sflag:$0x5] =	stream.linear.gather [hbm4b:s30+s2], $0x80, $0x38;
	[tilespmem:$0x1FCC0] =	vst v63  }
0x109: {  	s0 =	sadd.s32 s6, s0  }
0x10a: {  	[tilespmem:s5], [sflag:$0x5] =	stream.linear.gather [hbm4b:s0+s2], $0x80, $0x38;
	[tilespmem:$0x1FCC0] =	vst v63  }
0x10b: {  	_ =	swait.ge [sflag:s15], $0x80  }
0x10c: {  	[sflag:s15] =	ssyncset.done $0x0  }
0x10d: {  	[sflag:s15] =	ssyncadd.s32 $0xFFFFFF80  }
0x10e: {  	_ =	swait.ge [sflag:s15], $0x80  }
0x10f: {  	[sflag:s15] =	ssyncset.done $0x0  }
0x110: {  	[sflag:s15] =	ssyncadd.s32 $0xFFFFFF80  }
0x111: {  	[tilespmem:s16], [sflag:$0x1] =	stream.indirect.gather [hbm4b:s31+s4], $0x80, s2, s4, $0xb8;
	[tilespmem:$0x1FCC0] =	vst v63  }
0x112: {  	s26 =	simm.s32 $0x700;
	_ =	swait.ge [sflag:s23], $0x4000  }
0x113: {  	s30 =	sand.u32 $0x7C00, s26;
	[sflag:s23] =	ssyncset.done $0x0  }
0x114: {  	s30 =	sadd.s32 s8, s30;
	s0 =	sand.u32 $0x300, s26;
	[sflag:s23] =	ssyncadd.s32 $0xFFFFC000  }
0x115: {  	[spmem:s1] =	stream.indirect.scatter.add.f32 [tilespmem:s18], [sflag:$0x8], $0x80, s12, s4, $0xb8;
	[tilespmem:$0x1FCC0] =	vst v63  }
0x116: {  	s0 =	sor.u32 s0, s30;
	_ =	swait.ge [sflag:s11], $0x4000  }
0x117: {  	s0 =	sshrl.u32 s0, $0x3;
	[sflag:s11] =	ssyncset.done $0x0  }
0x118: {  	s30 =	sadd.s32 s7, s0;
	[sflag:s11] =	ssyncadd.s32 $0xFFFFC000  }
0x119: {  	[tilespmem:s9], [sflag:$0x6] =	stream.linear.gather [hbm4b:s30+s2], $0x80, $0x38;
	[tilespmem:$0x1FCC0] =	vst v63  }
0x11a: {  	s0 =	sadd.s32 s6, s0  }
0x11b: {  	[tilespmem:s12], [sflag:$0x6] =	stream.linear.gather [hbm4b:s0+s2], $0x80, $0x38;
	[tilespmem:$0x1FCC0] =	vst v63  }
0x11c: {  	_ =	swait.ge [sflag:s17], $0x80  }
0x11d: {  	[sflag:s17] =	ssyncset.done $0x0  }
0x11e: {  	[sflag:s17] =	ssyncadd.s32 $0xFFFFFF80  }
0x11f: {  	_ =	swait.ge [sflag:s17], $0x80  }
0x120: {  	[sflag:s17] =	ssyncset.done $0x0  }
0x121: {  	[sflag:s17] =	ssyncadd.s32 $0xFFFFFF80  }
0x122: {  	[tilespmem:s18], [sflag:$0x2] =	stream.indirect.gather [hbm4b:s31+s4], $0x80, s4, s4, $0xb8;
	[tilespmem:$0x1FCC0] =	vst v63  }
0x123: {  	s28 =	simm.s32 $0x780;
	_ =	swait.ge [sflag:s24], $0x4000  }
0x124: {  	s30 =	sand.u32 $0x7C00, s28;
	[sflag:s24] =	ssyncset.done $0x0  }
0x125: {  	s30 =	sadd.s32 s8, s30;
	s0 =	sand.u32 $0x380, s28;
	[sflag:s24] =	ssyncadd.s32 $0xFFFFC000  }
0x126: {  	[spmem:s1] =	stream.indirect.scatter.add.f32 [tilespmem:s20], [sflag:$0x8], $0x80, s14, s4, $0xb8;
	[tilespmem:$0x1FCC0] =	vst v63  }
0x127: {  	s0 =	sor.u32 s0, s30;
	_ =	swait.ge [sflag:s11], $0x4000  }
0x128: {  	s0 =	sshrl.u32 s0, $0x3;
	[sflag:s11] =	ssyncset.done $0x0  }
0x129: {  	s30 =	sadd.s32 s7, s0;
	[sflag:s11] =	ssyncadd.s32 $0xFFFFC000  }
0x12a: {  	[tilespmem:s13], [sflag:$0x7] =	stream.linear.gather [hbm4b:s30+s2], $0x80, $0x38;
	[tilespmem:$0x1FCC0] =	vst v63  }
0x12b: {  	s0 =	sadd.s32 s6, s0  }
0x12c: {  	[tilespmem:s14], [sflag:$0x7] =	stream.linear.gather [hbm4b:s0+s2], $0x80, $0x38;
	[tilespmem:$0x1FCC0] =	vst v63  }
0x12d: {  	_ =	swait.ge [sflag:s19], $0x80  }
0x12e: {  	[sflag:s19] =	ssyncset.done $0x0  }
0x12f: {  	[sflag:s19] =	ssyncadd.s32 $0xFFFFFF80  }
0x130: {  	_ =	swait.ge [sflag:s19], $0x80  }
0x131: {  	s30 =	simm.s32 $0xD80;
	[sflag:s19] =	ssyncset.done $0x0  }
.LBB2_6:
0x132: {  	[sflag:s19] =	ssyncadd.s32 $0xFFFFFF80;
	s0 =	smov.u32 s30  }
0x133: {  	[tilespmem:s20], [sflag:$0x3] =	stream.indirect.gather [hbm4b:s31+s4], $0x80, s9, s4, $0xb8;
	[tilespmem:$0x1FCC0] =	vst v63  }
0x134: {  	s10 =	sadd.s32 $0xFFFFFA80, s0;
	_ =	swait.ge [sflag:s21], $0x4000  }
0x135: {  	s28 =	sand.u32 $0x7C00, s10;
	[sflag:s21] =	ssyncset.done $0x0  }
0x136: {  	s10 =	sand.u32 $0x200, s10;
	s28 =	sadd.s32 s8, s28;
	[sflag:s21] =	ssyncadd.s32 $0xFFFFC000  }
0x137: {  	[spmem:s1] =	stream.indirect.scatter.add.f32 [tilespmem:s16], [sflag:$0x8], $0x80, s3, s4, $0xb8;
	[tilespmem:$0x1FCC0] =	vst v63  }
0x138: {  	s10 =	sor.u32 s10, s28;
	_ =	swait.ge [sflag:s11], $0x4000  }
0x139: {  	s10 =	sshrl.u32 s10, $0x3;
	[sflag:s11] =	ssyncset.done $0x0  }
0x13a: {  	s26 =	sadd.s32 s7, s10;
	[sflag:s11] =	ssyncadd.s32 $0xFFFFC000  }
0x13b: {  	[tilespmem:s2], [sflag:$0x4] =	stream.linear.gather [hbm4b:s26+s2], $0x80, $0x38;
	[tilespmem:$0x1FCC0] =	vst v63  }
0x13c: {  	s10 =	sadd.s32 s6, s10  }
0x13d: {  	[tilespmem:s3], [sflag:$0x4] =	stream.linear.gather [hbm4b:s10+s2], $0x80, $0x38;
	[tilespmem:$0x1FCC0] =	vst v63  }
0x13e: {  	_ =	swait.ge [sflag:s22], $0x80  }
0x13f: {  	[sflag:s22] =	ssyncset.done $0x0  }
0x140: {  	[sflag:s22] =	ssyncadd.s32 $0xFFFFFF80  }
0x141: {  	_ =	swait.ge [sflag:s22], $0x80  }
0x142: {  	[sflag:s22] =	ssyncset.done $0x0  }
0x143: {  	[sflag:s22] =	ssyncadd.s32 $0xFFFFFF80  }
0x144: {  	[tilespmem:s16], [sflag:$0x1] =	stream.indirect.gather [hbm4b:s31+s4], $0x80, s13, s4, $0xb8;
	[tilespmem:$0x1FCC0] =	vst v63  }
0x145: {  	s10 =	sadd.s32 $0xFFFFFB00, s0;
	_ =	swait.ge [sflag:s23], $0x4000  }
0x146: {  	s26 =	sand.u32 $0x7C00, s10;
	[sflag:s23] =	ssyncset.done $0x0  }
0x147: {  	s10 =	sand.u32 $0x280, s10;
	s28 =	sadd.s32 s8, s26;
	[sflag:s23] =	ssyncadd.s32 $0xFFFFC000  }
0x148: {  	[spmem:s1] =	stream.indirect.scatter.add.f32 [tilespmem:s18], [sflag:$0x8], $0x80, s5, s4, $0xb8;
	[tilespmem:$0x1FCC0] =	vst v63  }
0x149: {  	s10 =	sor.u32 s10, s28;
	_ =	swait.ge [sflag:s11], $0x4000  }
0x14a: {  	s10 =	sshrl.u32 s10, $0x3;
	[sflag:s11] =	ssyncset.done $0x0  }
0x14b: {  	s26 =	sadd.s32 s7, s10;
	[sflag:s11] =	ssyncadd.s32 $0xFFFFC000  }
0x14c: {  	[tilespmem:s4], [sflag:$0x5] =	stream.linear.gather [hbm4b:s26+s2], $0x80, $0x38;
	[tilespmem:$0x1FCC0] =	vst v63  }
0x14d: {  	s10 =	sadd.s32 s6, s10  }
0x14e: {  	[tilespmem:s5], [sflag:$0x5] =	stream.linear.gather [hbm4b:s10+s2], $0x80, $0x38;
	[tilespmem:$0x1FCC0] =	vst v63  }
0x14f: {  	_ =	swait.ge [sflag:s15], $0x80  }
0x150: {  	[sflag:s15] =	ssyncset.done $0x0  }
0x151: {  	[sflag:s15] =	ssyncadd.s32 $0xFFFFFF80  }
0x152: {  	_ =	swait.ge [sflag:s15], $0x80  }
0x153: {  	[sflag:s15] =	ssyncset.done $0x0  }
0x154: {  	[sflag:s15] =	ssyncadd.s32 $0xFFFFFF80  }
0x155: {  	[tilespmem:s18], [sflag:$0x2] =	stream.indirect.gather [hbm4b:s31+s4], $0x80, s2, s4, $0xb8;
	[tilespmem:$0x1FCC0] =	vst v63  }
0x156: {  	s10 =	sadd.s32 $0xFFFFFB80, s0;
	_ =	swait.ge [sflag:s24], $0x4000  }
0x157: {  	s26 =	sand.u32 $0x7C00, s10;
	[sflag:s24] =	ssyncset.done $0x0  }
0x158: {  	s10 =	sand.u32 $0x300, s10;
	s28 =	sadd.s32 s8, s26;
	[sflag:s24] =	ssyncadd.s32 $0xFFFFC000  }
0x159: {  	[spmem:s1] =	stream.indirect.scatter.add.f32 [tilespmem:s20], [sflag:$0x8], $0x80, s12, s4, $0xb8;
	[tilespmem:$0x1FCC0] =	vst v63  }
0x15a: {  	s10 =	sor.u32 s10, s28;
	_ =	swait.ge [sflag:s11], $0x4000  }
0x15b: {  	s10 =	sshrl.u32 s10, $0x3;
	[sflag:s11] =	ssyncset.done $0x0  }
0x15c: {  	s26 =	sadd.s32 s7, s10;
	[sflag:s11] =	ssyncadd.s32 $0xFFFFC000  }
0x15d: {  	[tilespmem:s9], [sflag:$0x6] =	stream.linear.gather [hbm4b:s26+s2], $0x80, $0x38;
	[tilespmem:$0x1FCC0] =	vst v63  }
0x15e: {  	s10 =	sadd.s32 s6, s10  }
0x15f: {  	[tilespmem:s12], [sflag:$0x6] =	stream.linear.gather [hbm4b:s10+s2], $0x80, $0x38;
	[tilespmem:$0x1FCC0] =	vst v63  }
0x160: {  	_ =	swait.ge [sflag:s17], $0x80  }
0x161: {  	[sflag:s17] =	ssyncset.done $0x0  }
0x162: {  	[sflag:s17] =	ssyncadd.s32 $0xFFFFFF80  }
0x163: {  	_ =	swait.ge [sflag:s17], $0x80  }
0x164: {  	[sflag:s17] =	ssyncset.done $0x0  }
0x165: {  	[sflag:s17] =	ssyncadd.s32 $0xFFFFFF80  }
0x166: {  	[tilespmem:s20], [sflag:$0x3] =	stream.indirect.gather [hbm4b:s31+s4], $0x80, s4, s4, $0xb8;
	[tilespmem:$0x1FCC0] =	vst v63  }
0x167: {  	s10 =	sadd.s32 $0xFFFFFC00, s0;
	_ =	swait.ge [sflag:s21], $0x4000  }
0x168: {  	s26 =	sand.u32 $0x7C00, s10;
	[sflag:s21] =	ssyncset.done $0x0  }
0x169: {  	s10 =	sand.u32 $0x380, s10;
	s28 =	sadd.s32 s8, s26;
	[sflag:s21] =	ssyncadd.s32 $0xFFFFC000  }
0x16a: {  	[spmem:s1] =	stream.indirect.scatter.add.f32 [tilespmem:s16], [sflag:$0x8], $0x80, s14, s4, $0xb8;
	[tilespmem:$0x1FCC0] =	vst v63  }
0x16b: {  	s10 =	sor.u32 s10, s28;
	_ =	swait.ge [sflag:s11], $0x4000  }
0x16c: {  	s10 =	sshrl.u32 s10, $0x3;
	[sflag:s11] =	ssyncset.done $0x0  }
0x16d: {  	s26 =	sadd.s32 s7, s10;
	[sflag:s11] =	ssyncadd.s32 $0xFFFFC000  }
0x16e: {  	[tilespmem:s13], [sflag:$0x7] =	stream.linear.gather [hbm4b:s26+s2], $0x80, $0x38;
	[tilespmem:$0x1FCC0] =	vst v63  }
0x16f: {  	s10 =	sadd.s32 s6, s10  }
0x170: {  	[tilespmem:s14], [sflag:$0x7] =	stream.linear.gather [hbm4b:s10+s2], $0x80, $0x38;
	[tilespmem:$0x1FCC0] =	vst v63  }
0x171: {  	_ =	swait.ge [sflag:s19], $0x80  }
0x172: {  	[sflag:s19] =	ssyncset.done $0x0  }
0x173: {  	[sflag:s19] =	ssyncadd.s32 $0xFFFFFF80  }
0x174: {  	_ =	swait.ge [sflag:s19], $0x80  }
0x175: {  	[sflag:s19] =	ssyncset.done $0x0  }
0x176: {  	[sflag:s19] =	ssyncadd.s32 $0xFFFFFF80  }
0x177: {  	[tilespmem:s16], [sflag:$0x1] =	stream.indirect.gather [hbm4b:s31+s4], $0x80, s9, s4, $0xb8;
	[tilespmem:$0x1FCC0] =	vst v63  }
0x178: {  	_ =	swait.ge [sflag:s23], $0x4000  }
0x179: {  	[sflag:s23] =	ssyncset.done $0x0  }
0x17a: {  	[sflag:s23] =	ssyncadd.s32 $0xFFFFC000  }
0x17b: {  	[spmem:s1] =	stream.indirect.scatter.add.f32 [tilespmem:s18], [sflag:$0x8], $0x80, s3, s4, $0xb8;
	[tilespmem:$0x1FCC0] =	vst v63  }
0x17c: {  	s26 =	sadd.s32 $0xFFFFF880, s0;
	_ =	swait.ge [sflag:s11], $0x4000  }
0x17d: {  	s29 =	sadd.s32 $0x200, s29;
	s10 =	sand.u32 $0x3C00, s26;
	s28 =	rddreg [dreg:$0x4]  }
0x17e: {  	s26 =	sand.u32 $0x200, s29;
	s10 =	sadd.s32 s10, s28  }
0x17f: {  	s10 =	sor.u32 s26, s10  }
0x180: {  	[sflag:s11] =	ssyncset.done $0x0;
	s10 =	sshrl.u32 s10, $0x3  }
0x181: {  	[sflag:s11] =	ssyncadd.s32 $0xFFFFC000;
	s28 =	sadd.s32 s7, s10  }
0x182: {  	[tilespmem:s2], [sflag:$0x4] =	stream.linear.gather [hbm4b:s28+s2], $0x80, $0x38;
	[tilespmem:$0x1FCC0] =	vst v63  }
0x183: {  	s10 =	sadd.s32 s6, s10  }
0x184: {  	[tilespmem:s3], [sflag:$0x4] =	stream.linear.gather [hbm4b:s10+s2], $0x80, $0x38;
	[tilespmem:$0x1FCC0] =	vst v63  }
0x185: {  	_ =	swait.ge [sflag:s22], $0x80  }
0x186: {  	[sflag:s22] =	ssyncset.done $0x0  }
0x187: {  	[sflag:s22] =	ssyncadd.s32 $0xFFFFFF80  }
0x188: {  	_ =	swait.ge [sflag:s22], $0x80  }
0x189: {  	[sflag:s22] =	ssyncset.done $0x0  }
0x18a: {  	[sflag:s22] =	ssyncadd.s32 $0xFFFFFF80  }
0x18b: {  	[tilespmem:s18], [sflag:$0x2] =	stream.indirect.gather [hbm4b:s31+s4], $0x80, s13, s4, $0xb8;
	[tilespmem:$0x1FCC0] =	vst v63  }
0x18c: {  	s26 =	sadd.s32 $0xFFFFFD00, s0;
	_ =	swait.ge [sflag:s24], $0x4000  }
0x18d: {  	s28 =	sand.u32 $0x7C00, s26;
	[sflag:s24] =	ssyncset.done $0x0  }
0x18e: {  	s10 =	sand.u32 $0x280, s26;
	s26 =	sadd.s32 s8, s28;
	[sflag:s24] =	ssyncadd.s32 $0xFFFFC000  }
0x18f: {  	[spmem:s1] =	stream.indirect.scatter.add.f32 [tilespmem:s20], [sflag:$0x8], $0x80, s5, s4, $0xb8;
	[tilespmem:$0x1FCC0] =	vst v63  }
0x190: {  	s10 =	sor.u32 s10, s26;
	_ =	swait.ge [sflag:s11], $0x4000  }
0x191: {  	s10 =	sshrl.u32 s10, $0x3;
	[sflag:s11] =	ssyncset.done $0x0  }
0x192: {  	s28 =	sadd.s32 s7, s10;
	[sflag:s11] =	ssyncadd.s32 $0xFFFFC000  }
0x193: {  	[tilespmem:s4], [sflag:$0x5] =	stream.linear.gather [hbm4b:s28+s2], $0x80, $0x38;
	[tilespmem:$0x1FCC0] =	vst v63  }
0x194: {  	s10 =	sadd.s32 s6, s10  }
0x195: {  	[tilespmem:s5], [sflag:$0x5] =	stream.linear.gather [hbm4b:s10+s2], $0x80, $0x38;
	[tilespmem:$0x1FCC0] =	vst v63  }
0x196: {  	_ =	swait.ge [sflag:s15], $0x80  }
0x197: {  	[sflag:s15] =	ssyncset.done $0x0  }
0x198: {  	[sflag:s15] =	ssyncadd.s32 $0xFFFFFF80  }
0x199: {  	_ =	swait.ge [sflag:s15], $0x80  }
0x19a: {  	[sflag:s15] =	ssyncset.done $0x0  }
0x19b: {  	[sflag:s15] =	ssyncadd.s32 $0xFFFFFF80  }
0x19c: {  	[tilespmem:s20], [sflag:$0x3] =	stream.indirect.gather [hbm4b:s31+s4], $0x80, s2, s4, $0xb8;
	[tilespmem:$0x1FCC0] =	vst v63  }
0x19d: {  	s10 =	sadd.s32 $0xFFFFFD80, s0;
	_ =	swait.ge [sflag:s21], $0x4000  }
0x19e: {  	s28 =	sand.u32 $0x7C00, s10;
	[sflag:s21] =	ssyncset.done $0x0  }
0x19f: {  	s10 =	sand.u32 $0x300, s10;
	s26 =	sadd.s32 s8, s28;
	[sflag:s21] =	ssyncadd.s32 $0xFFFFC000  }
0x1a0: {  	[spmem:s1] =	stream.indirect.scatter.add.f32 [tilespmem:s16], [sflag:$0x8], $0x80, s12, s4, $0xb8;
	[tilespmem:$0x1FCC0] =	vst v63  }
0x1a1: {  	s10 =	sor.u32 s10, s26;
	_ =	swait.ge [sflag:s11], $0x4000  }
0x1a2: {  	s10 =	sshrl.u32 s10, $0x3;
	[sflag:s11] =	ssyncset.done $0x0  }
0x1a3: {  	s28 =	sadd.s32 s7, s10;
	[sflag:s11] =	ssyncadd.s32 $0xFFFFC000  }
0x1a4: {  	[tilespmem:s9], [sflag:$0x6] =	stream.linear.gather [hbm4b:s28+s2], $0x80, $0x38;
	[tilespmem:$0x1FCC0] =	vst v63  }
0x1a5: {  	s10 =	sadd.s32 s6, s10  }
0x1a6: {  	[tilespmem:s12], [sflag:$0x6] =	stream.linear.gather [hbm4b:s10+s2], $0x80, $0x38;
	[tilespmem:$0x1FCC0] =	vst v63  }
0x1a7: {  	_ =	swait.ge [sflag:s17], $0x80  }
0x1a8: {  	[sflag:s17] =	ssyncset.done $0x0  }
0x1a9: {  	[sflag:s17] =	ssyncadd.s32 $0xFFFFFF80  }
0x1aa: {  	_ =	swait.ge [sflag:s17], $0x80  }
0x1ab: {  	[sflag:s17] =	ssyncset.done $0x0  }
0x1ac: {  	[sflag:s17] =	ssyncadd.s32 $0xFFFFFF80  }
0x1ad: {  	[tilespmem:s16], [sflag:$0x1] =	stream.indirect.gather [hbm4b:s31+s4], $0x80, s4, s4, $0xb8;
	[tilespmem:$0x1FCC0] =	vst v63  }
0x1ae: {  	s26 =	sadd.s32 $0xFFFFFE00, s0;
	_ =	swait.ge [sflag:s23], $0x4000  }
0x1af: {  	s28 =	sand.u32 $0x7C00, s26;
	[sflag:s23] =	ssyncset.done $0x0  }
0x1b0: {  	s10 =	sand.u32 $0x380, s26;
	s26 =	sadd.s32 s8, s28;
	[sflag:s23] =	ssyncadd.s32 $0xFFFFC000  }
0x1b1: {  	[spmem:s1] =	stream.indirect.scatter.add.f32 [tilespmem:s18], [sflag:$0x8], $0x80, s14, s4, $0xb8;
	[tilespmem:$0x1FCC0] =	vst v63  }
0x1b2: {  	s10 =	sor.u32 s10, s26;
	_ =	swait.ge [sflag:s11], $0x4000  }
0x1b3: {  	s10 =	sshrl.u32 s10, $0x3;
	[sflag:s11] =	ssyncset.done $0x0  }
0x1b4: {  	s28 =	sadd.s32 s7, s10;
	[sflag:s11] =	ssyncadd.s32 $0xFFFFC000  }
0x1b5: {  	[tilespmem:s13], [sflag:$0x7] =	stream.linear.gather [hbm4b:s28+s2], $0x80, $0x38;
	[tilespmem:$0x1FCC0] =	vst v63  }
0x1b6: {  	s10 =	sadd.s32 s6, s10  }
0x1b7: {  	[tilespmem:s14], [sflag:$0x7] =	stream.linear.gather [hbm4b:s10+s2], $0x80, $0x38;
	[tilespmem:$0x1FCC0] =	vst v63  }
0x1b8: {  	_ =	swait.ge [sflag:s19], $0x80  }
0x1b9: {  	[sflag:s19] =	ssyncset.done $0x0  }
0x1ba: {  	[sflag:s19] =	ssyncadd.s32 $0xFFFFFF80  }
0x1bb: {  	_ =	swait.ge [sflag:s19], $0x80  }
0x1bc: {  	[sflag:s19] =	ssyncset.done $0x0  }
0x1bd: {  	[sflag:s19] =	ssyncadd.s32 $0xFFFFFF80  }
0x1be: {  	[tilespmem:s18], [sflag:$0x2] =	stream.indirect.gather [hbm4b:s31+s4], $0x80, s9, s4, $0xb8;
	[tilespmem:$0x1FCC0] =	vst v63  }
0x1bf: {  	s10 =	sadd.s32 $0xFFFFFE80, s0;
	_ =	swait.ge [sflag:s24], $0x4000  }
0x1c0: {  	s28 =	sand.u32 $0x7C00, s10;
	[sflag:s24] =	ssyncset.done $0x0  }
0x1c1: {  	s10 =	sand.u32 $0x200, s10;
	s26 =	sadd.s32 s8, s28;
	[sflag:s24] =	ssyncadd.s32 $0xFFFFC000  }
0x1c2: {  	[spmem:s1] =	stream.indirect.scatter.add.f32 [tilespmem:s20], [sflag:$0x8], $0x80, s3, s4, $0xb8;
	[tilespmem:$0x1FCC0] =	vst v63  }
0x1c3: {  	s10 =	sor.u32 s10, s26;
	_ =	swait.ge [sflag:s11], $0x4000  }
0x1c4: {  	s10 =	sshrl.u32 s10, $0x3;
	[sflag:s11] =	ssyncset.done $0x0  }
0x1c5: {  	s28 =	sadd.s32 s7, s10;
	[sflag:s11] =	ssyncadd.s32 $0xFFFFC000  }
0x1c6: {  	[tilespmem:s2], [sflag:$0x4] =	stream.linear.gather [hbm4b:s28+s2], $0x80, $0x38;
	[tilespmem:$0x1FCC0] =	vst v63  }
0x1c7: {  	s10 =	sadd.s32 s6, s10  }
0x1c8: {  	[tilespmem:s3], [sflag:$0x4] =	stream.linear.gather [hbm4b:s10+s2], $0x80, $0x38;
	[tilespmem:$0x1FCC0] =	vst v63  }
0x1c9: {  	_ =	swait.ge [sflag:s22], $0x80  }
0x1ca: {  	[sflag:s22] =	ssyncset.done $0x0  }
0x1cb: {  	[sflag:s22] =	ssyncadd.s32 $0xFFFFFF80  }
0x1cc: {  	_ =	swait.ge [sflag:s22], $0x80  }
0x1cd: {  	[sflag:s22] =	ssyncset.done $0x0  }
0x1ce: {  	[sflag:s22] =	ssyncadd.s32 $0xFFFFFF80  }
0x1cf: {  	[tilespmem:s20], [sflag:$0x3] =	stream.indirect.gather [hbm4b:s31+s4], $0x80, s13, s4, $0xb8;
	[tilespmem:$0x1FCC0] =	vst v63  }
0x1d0: {  	s26 =	sadd.s32 $0xFFFFFF00, s0;
	_ =	swait.ge [sflag:s21], $0x4000  }
0x1d1: {  	s28 =	sand.u32 $0x7C00, s26;
	[sflag:s21] =	ssyncset.done $0x0  }
0x1d2: {  	s10 =	sand.u32 $0x280, s26;
	s26 =	sadd.s32 s8, s28;
	[sflag:s21] =	ssyncadd.s32 $0xFFFFC000  }
0x1d3: {  	[spmem:s1] =	stream.indirect.scatter.add.f32 [tilespmem:s16], [sflag:$0x8], $0x80, s5, s4, $0xb8;
	[tilespmem:$0x1FCC0] =	vst v63  }
0x1d4: {  	s10 =	sor.u32 s10, s26;
	_ =	swait.ge [sflag:s11], $0x4000  }
0x1d5: {  	s10 =	sshrl.u32 s10, $0x3;
	[sflag:s11] =	ssyncset.done $0x0  }
0x1d6: {  	s28 =	sadd.s32 s7, s10;
	[sflag:s11] =	ssyncadd.s32 $0xFFFFC000  }
0x1d7: {  	[tilespmem:s4], [sflag:$0x5] =	stream.linear.gather [hbm4b:s28+s2], $0x80, $0x38;
	[tilespmem:$0x1FCC0] =	vst v63  }
0x1d8: {  	s10 =	sadd.s32 s6, s10  }
0x1d9: {  	[tilespmem:s5], [sflag:$0x5] =	stream.linear.gather [hbm4b:s10+s2], $0x80, $0x38;
	[tilespmem:$0x1FCC0] =	vst v63  }
0x1da: {  	_ =	swait.ge [sflag:s15], $0x80  }
0x1db: {  	[sflag:s15] =	ssyncset.done $0x0  }
0x1dc: {  	[sflag:s15] =	ssyncadd.s32 $0xFFFFFF80  }
0x1dd: {  	_ =	swait.ge [sflag:s15], $0x80  }
0x1de: {  	[sflag:s15] =	ssyncset.done $0x0  }
0x1df: {  	[sflag:s15] =	ssyncadd.s32 $0xFFFFFF80  }
0x1e0: {  	[tilespmem:s16], [sflag:$0x1] =	stream.indirect.gather [hbm4b:s31+s4], $0x80, s2, s4, $0xb8;
	[tilespmem:$0x1FCC0] =	vst v63  }
0x1e1: {  	s10 =	sadd.s32 $0xFFFFFF80, s0;
	_ =	swait.ge [sflag:s23], $0x4000  }
0x1e2: {  	s28 =	sand.u32 $0x7C00, s10;
	[sflag:s23] =	ssyncset.done $0x0  }
0x1e3: {  	s10 =	sand.u32 $0x300, s10;
	s26 =	sadd.s32 s8, s28;
	[sflag:s23] =	ssyncadd.s32 $0xFFFFC000  }
0x1e4: {  	[spmem:s1] =	stream.indirect.scatter.add.f32 [tilespmem:s18], [sflag:$0x8], $0x80, s12, s4, $0xb8;
	[tilespmem:$0x1FCC0] =	vst v63  }
0x1e5: {  	s10 =	sor.u32 s10, s26;
	_ =	swait.ge [sflag:s11], $0x4000  }
0x1e6: {  	s10 =	sshrl.u32 s10, $0x3;
	[sflag:s11] =	ssyncset.done $0x0  }
0x1e7: {  	s28 =	sadd.s32 s7, s10;
	[sflag:s11] =	ssyncadd.s32 $0xFFFFC000  }
0x1e8: {  	[tilespmem:s9], [sflag:$0x6] =	stream.linear.gather [hbm4b:s28+s2], $0x80, $0x38;
	[tilespmem:$0x1FCC0] =	vst v63  }
0x1e9: {  	s10 =	sadd.s32 s6, s10  }
0x1ea: {  	[tilespmem:s12], [sflag:$0x6] =	stream.linear.gather [hbm4b:s10+s2], $0x80, $0x38;
	[tilespmem:$0x1FCC0] =	vst v63  }
0x1eb: {  	_ =	swait.ge [sflag:s17], $0x80  }
0x1ec: {  	[sflag:s17] =	ssyncset.done $0x0  }
0x1ed: {  	[sflag:s17] =	ssyncadd.s32 $0xFFFFFF80  }
0x1ee: {  	_ =	swait.ge [sflag:s17], $0x80  }
0x1ef: {  	[sflag:s17] =	ssyncset.done $0x0  }
0x1f0: {  	[sflag:s17] =	ssyncadd.s32 $0xFFFFFF80  }
0x1f1: {  	[tilespmem:s18], [sflag:$0x2] =	stream.indirect.gather [hbm4b:s31+s4], $0x80, s4, s4, $0xb8;
	[tilespmem:$0x1FCC0] =	vst v63  }
0x1f2: {  	_ =	swait.ge [sflag:s24], $0x4000  }
0x1f3: {  	s26 =	sand.u32 $0x7C00, s0;
	[sflag:s24] =	ssyncset.done $0x0  }
0x1f4: {  	s0 =	sand.u32 $0x380, s0;
	s10 =	sadd.s32 s8, s26;
	[sflag:s24] =	ssyncadd.s32 $0xFFFFC000  }
0x1f5: {  	[spmem:s1] =	stream.indirect.scatter.add.f32 [tilespmem:s20], [sflag:$0x8], $0x80, s14, s4, $0xb8;
	[tilespmem:$0x1FCC0] =	vst v63  }
0x1f6: {  	s0 =	sor.u32 s0, s10;
	_ =	swait.ge [sflag:s11], $0x4000  }
0x1f7: {  	s0 =	sshrl.u32 s0, $0x3;
	[sflag:s11] =	ssyncset.done $0x0  }
0x1f8: {  	s28 =	sadd.s32 s7, s0;
	[sflag:s11] =	ssyncadd.s32 $0xFFFFC000  }
0x1f9: {  	[tilespmem:s13], [sflag:$0x7] =	stream.linear.gather [hbm4b:s28+s2], $0x80, $0x38;
	[tilespmem:$0x1FCC0] =	vst v63  }
0x1fa: {  	p3 =	sne.s32 s30, $0x2580;
	s0 =	sadd.s32 s6, s0  }
0x1fb: {  	[tilespmem:s14], [sflag:$0x7] =	stream.linear.gather [hbm4b:s0+s2], $0x80, $0x38;
	[tilespmem:$0x1FCC0] =	vst v63  }
.Ltmp4:
0x1fc: {  	_ =	swait.ge [sflag:s19], $0x80;
	(pc) =	sbr.rel @p3 .LBB2_6-.Ltmp4, $4  }
0x1fd: {  	[sflag:s19] =	ssyncset.done $0x0  }
0x1fe: {  	[sflag:s19] =	ssyncadd.s32 $0xFFFFFF80  }
0x1ff: {  	_ =	swait.ge [sflag:s19], $0x80  }
0x200: {  	s30 =	sadd.s32 $0x600, s30;
	[sflag:s19] =	ssyncset.done $0x0  }
0x201: {  	[sflag:s19] =	ssyncadd.s32 $0xFFFFFF80  }
0x202: {  	[tilespmem:s20], [sflag:$0x3] =	stream.indirect.gather [hbm4b:s31+s4], $0x80, s9, s4, $0xb8;
	[tilespmem:$0x1FCC0] =	vst v63  }
0x203: {  	_ =	swait.ge [sflag:s21], $0x4000  }
0x204: {  	[sflag:s21] =	ssyncset.done $0x0  }
0x205: {  	[sflag:s21] =	ssyncadd.s32 $0xFFFFC000  }
0x206: {  	[spmem:s1] =	stream.indirect.scatter.add.f32 [tilespmem:s16], [sflag:$0x8], $0x80, s3, s4, $0xb8;
	[tilespmem:$0x1FCC0] =	vst v63  }
0x207: {  	_ =	swait.ge [sflag:s11], $0x4000  }
0x208: {  	[sflag:s11] =	ssyncset.done $0x0  }
0x209: {  	s0 =	rddreg [dreg:$0x10];
	[sflag:s11] =	ssyncadd.s32 $0xFFFFC000  }
0x20a: {  	[tilespmem:s2], [sflag:$0x4] =	stream.linear.gather [hbm4b:s0+s2], $0x80, $0x38;
	[tilespmem:$0x1FCC0] =	vst v63  }
0x20b: {  	s26 =	rddreg [dreg:$0x11]  }
0x20c: {  	[tilespmem:s3], [sflag:$0x4] =	stream.linear.gather [hbm4b:s26+s2], $0x80, $0x38;
	[tilespmem:$0x1FCC0] =	vst v63  }
0x20d: {  	_ =	swait.ge [sflag:s22], $0x80  }
0x20e: {  	[sflag:s22] =	ssyncset.done $0x0  }
0x20f: {  	[sflag:s22] =	ssyncadd.s32 $0xFFFFFF80  }
0x210: {  	_ =	swait.ge [sflag:s22], $0x80  }
0x211: {  	[sflag:s22] =	ssyncset.done $0x0  }
0x212: {  	[sflag:s22] =	ssyncadd.s32 $0xFFFFFF80  }
0x213: {  	[tilespmem:s16], [sflag:$0x1] =	stream.indirect.gather [hbm4b:s31+s4], $0x80, s13, s4, $0xb8;
	[tilespmem:$0x1FCC0] =	vst v63  }
0x214: {  	_ =	swait.ge [sflag:s23], $0x4000  }
0x215: {  	[sflag:s23] =	ssyncset.done $0x0  }
0x216: {  	[sflag:s23] =	ssyncadd.s32 $0xFFFFC000  }
0x217: {  	[spmem:s1] =	stream.indirect.scatter.add.f32 [tilespmem:s18], [sflag:$0x8], $0x80, s5, s4, $0xb8;
	[tilespmem:$0x1FCC0] =	vst v63  }
0x218: {  	_ =	swait.ge [sflag:s11], $0x4000  }
0x219: {  	[sflag:s11] =	ssyncset.done $0x0  }
0x21a: {  	s28 =	rddreg [dreg:$0x13];
	[sflag:s11] =	ssyncadd.s32 $0xFFFFC000  }
0x21b: {  	[tilespmem:s4], [sflag:$0x5] =	stream.linear.gather [hbm4b:s28+s2], $0x80, $0x38;
	[tilespmem:$0x1FCC0] =	vst v63  }
0x21c: {  	s29 =	rddreg [dreg:$0x14]  }
0x21d: {  	[tilespmem:s5], [sflag:$0x5] =	stream.linear.gather [hbm4b:s29+s2], $0x80, $0x38;
	[tilespmem:$0x1FCC0] =	vst v63  }
0x21e: {  	_ =	swait.ge [sflag:s15], $0x80  }
0x21f: {  	[sflag:s15] =	ssyncset.done $0x0  }
0x220: {  	[sflag:s15] =	ssyncadd.s32 $0xFFFFFF80  }
0x221: {  	_ =	swait.ge [sflag:s15], $0x80  }
0x222: {  	[sflag:s15] =	ssyncset.done $0x0  }
0x223: {  	[sflag:s15] =	ssyncadd.s32 $0xFFFFFF80  }
0x224: {  	[tilespmem:s18], [sflag:$0x2] =	stream.indirect.gather [hbm4b:s31+s4], $0x80, s2, s4, $0xb8;
	[tilespmem:$0x1FCC0] =	vst v63  }
0x225: {  	_ =	swait.ge [sflag:s24], $0x4000  }
0x226: {  	[sflag:s24] =	ssyncset.done $0x0  }
0x227: {  	[sflag:s24] =	ssyncadd.s32 $0xFFFFC000  }
0x228: {  	[spmem:s1] =	stream.indirect.scatter.add.f32 [tilespmem:s20], [sflag:$0x8], $0x80, s12, s4, $0xb8;
	[tilespmem:$0x1FCC0] =	vst v63  }
0x229: {  	_ =	swait.ge [sflag:s11], $0x4000  }
0x22a: {  	[sflag:s11] =	ssyncset.done $0x0  }
0x22b: {  	s30 =	rddreg [dreg:$0x15];
	[sflag:s11] =	ssyncadd.s32 $0xFFFFC000  }
0x22c: {  	[tilespmem:s9], [sflag:$0x6] =	stream.linear.gather [hbm4b:s30+s2], $0x80, $0x38;
	[tilespmem:$0x1FCC0] =	vst v63  }
0x22d: {  	s10 =	rddreg [dreg:$0x16]  }
0x22e: {  	[tilespmem:s12], [sflag:$0x6] =	stream.linear.gather [hbm4b:s10+s2], $0x80, $0x38;
	[tilespmem:$0x1FCC0] =	vst v63  }
0x22f: {  	_ =	swait.ge [sflag:s17], $0x80  }
0x230: {  	[sflag:s17] =	ssyncset.done $0x0  }
0x231: {  	[sflag:s17] =	ssyncadd.s32 $0xFFFFFF80  }
0x232: {  	_ =	swait.ge [sflag:s17], $0x80  }
0x233: {  	[sflag:s17] =	ssyncset.done $0x0  }
0x234: {  	[sflag:s17] =	ssyncadd.s32 $0xFFFFFF80  }
0x235: {  	[tilespmem:s20], [sflag:$0x3] =	stream.indirect.gather [hbm4b:s31+s4], $0x80, s4, s4, $0xb8;
	[tilespmem:$0x1FCC0] =	vst v63  }
0x236: {  	_ =	swait.ge [sflag:s21], $0x4000  }
0x237: {  	[sflag:s21] =	ssyncset.done $0x0  }
0x238: {  	[sflag:s21] =	ssyncadd.s32 $0xFFFFC000  }
0x239: {  	[spmem:s1] =	stream.indirect.scatter.add.f32 [tilespmem:s16], [sflag:$0x8], $0x80, s14, s4, $0xb8;
	[tilespmem:$0x1FCC0] =	vst v63  }
0x23a: {  	_ =	swait.ge [sflag:s11], $0x4000  }
0x23b: {  	[sflag:s11] =	ssyncset.done $0x0  }
0x23c: {  	s26 =	rddreg [dreg:$0x19];
	[sflag:s11] =	ssyncadd.s32 $0xFFFFC000  }
0x23d: {  	[tilespmem:s13], [sflag:$0x7] =	stream.linear.gather [hbm4b:s26+s2], $0x80, $0x38;
	[tilespmem:$0x1FCC0] =	vst v63  }
0x23e: {  	s28 =	rddreg [dreg:$0x1a]  }
0x23f: {  	[tilespmem:s14], [sflag:$0x7] =	stream.linear.gather [hbm4b:s28+s2], $0x80, $0x38;
	[tilespmem:$0x1FCC0] =	vst v63  }
0x240: {  	_ =	swait.ge [sflag:s19], $0x80  }
0x241: {  	[sflag:s19] =	ssyncset.done $0x0  }
0x242: {  	[sflag:s19] =	ssyncadd.s32 $0xFFFFFF80  }
0x243: {  	_ =	swait.ge [sflag:s19], $0x80  }
0x244: {  	[sflag:s19] =	ssyncset.done $0x0  }
0x245: {  	[sflag:s19] =	ssyncadd.s32 $0xFFFFFF80  }
0x246: {  	[tilespmem:s16], [sflag:$0x1] =	stream.indirect.gather [hbm4b:s31+s4], $0x80, s9, s4, $0xb8;
	[tilespmem:$0x1FCC0] =	vst v63  }
0x247: {  	_ =	swait.ge [sflag:s23], $0x4000  }
0x248: {  	[sflag:s23] =	ssyncset.done $0x0  }
0x249: {  	[sflag:s23] =	ssyncadd.s32 $0xFFFFC000  }
0x24a: {  	[spmem:s1] =	stream.indirect.scatter.add.f32 [tilespmem:s18], [sflag:$0x8], $0x80, s3, s4, $0xb8;
	[tilespmem:$0x1FCC0] =	vst v63  }
0x24b: {  	_ =	swait.ge [sflag:s11], $0x4000  }
0x24c: {  	[sflag:s11] =	ssyncset.done $0x0  }
0x24d: {  	[sflag:s11] =	ssyncadd.s32 $0xFFFFC000  }
0x24e: {  	_ =	swait.ge [sflag:s22], $0x80  }
0x24f: {  	[sflag:s22] =	ssyncset.done $0x0  }
0x250: {  	[sflag:s22] =	ssyncadd.s32 $0xFFFFFF80  }
0x251: {  	_ =	swait.ge [sflag:s22], $0x80  }
0x252: {  	[sflag:s22] =	ssyncset.done $0x0  }
0x253: {  	[sflag:s22] =	ssyncadd.s32 $0xFFFFFF80  }
0x254: {  	[tilespmem:s18], [sflag:$0x2] =	stream.indirect.gather [hbm4b:s31+s4], $0x80, s13, s4, $0xb8;
	[tilespmem:$0x1FCC0] =	vst v63  }
0x255: {  	_ =	swait.ge [sflag:s24], $0x4000  }
0x256: {  	[sflag:s24] =	ssyncset.done $0x0  }
0x257: {  	[sflag:s24] =	ssyncadd.s32 $0xFFFFC000  }
0x258: {  	[spmem:s1] =	stream.indirect.scatter.add.f32 [tilespmem:s20], [sflag:$0x8], $0x80, s5, s4, $0xb8;
	[tilespmem:$0x1FCC0] =	vst v63  }
0x259: {  	_ =	swait.ge [sflag:s11], $0x4000  }
0x25a: {  	[sflag:s11] =	ssyncset.done $0x0  }
0x25b: {  	[sflag:s11] =	ssyncadd.s32 $0xFFFFC000  }
0x25c: {  	_ =	swait.ge [sflag:s21], $0x4000  }
0x25d: {  	[sflag:s21] =	ssyncset.done $0x0  }
0x25e: {  	[sflag:s21] =	ssyncadd.s32 $0xFFFFC000  }
0x25f: {  	[spmem:s1] =	stream.indirect.scatter.add.f32 [tilespmem:s16], [sflag:$0x8], $0x80, s12, s4, $0xb8;
	[tilespmem:$0x1FCC0] =	vst v63  }
0x260: {  	_ =	swait.ge [sflag:s11], $0x4000  }
0x261: {  	[sflag:s11] =	ssyncset.done $0x0  }
0x262: {  	[sflag:s11] =	ssyncadd.s32 $0xFFFFC000  }
0x263: {  	_ =	swait.ge [sflag:s23], $0x4000  }
0x264: {  	[sflag:s23] =	ssyncset.done $0x0  }
0x265: {  	[sflag:s23] =	ssyncadd.s32 $0xFFFFC000  }
0x266: {  	[spmem:s1] =	stream.indirect.scatter.add.f32 [tilespmem:s18], [sflag:$0x8], $0x80, s14, s4, $0xb8;
	[tilespmem:$0x1FCC0] =	vst v63  }
0x267: {  	_ =	swait.ge [sflag:s11], $0x4000  }
0x268: {  	[sflag:s11] =	ssyncset.done $0x0  }
0x269: {  	[sflag:s11] =	ssyncadd.s32 $0xFFFFC000  }
0x26a: {  	[bflag:$0x0] =	sbarrier.arrive $0xFFFF  }
0x26b: {  	s29 =	rddreg [dreg:$0x1e]  }
0x26c: {  	s10 =	rddreg [dreg:$0x12]  }
0x26d: {  	s26 =	rddreg [dreg:$0x1f];
	s0 =	sor.u32 $0x1C08, s29  }
0x26e: {  	[hbm:s10], [sflag:s0] =	dma.local [spmem:s26], $0x2700  }
0x26f: {  	_ =	swait.ge [sflag:s11], $0x2700  }
0x270: {  	[sflag:s11] =	ssyncset.done $0x0;
	s10 =	rddreg [dreg:$0x1d]  }
0x271: {  	s26 =	rddreg [dreg:$0x1b];
	[sflag:s11] =	ssyncadd.s32 $0xFFFFD900;
	s10 =	sshrl.u32 @!p1 s10, $0x3  }
0x272: {  	[hbm:s26], [sflag:s0] =	dma.local @!p1 [spmem:s10], $0x100  }
0x273: {  	s0 =	simm.s32 @!p1 $0x8  }
0x274: {  	_ =	swait.ge @!p1 [sflag:s0], $0x100  }
0x275: {  	s25 =	sadd.s32 $0x1, s25;
	s30 =	rddreg [dreg:$0x1c]  }
0x276: {  	p3 =	sne.s32 s25, s30  }
.Ltmp5:
0x277: {  	_ = 	snop;
	(pc) =	sbr.rel @p3 .LBB2_1-.Ltmp5, $3  }
0x278: {  	_ =	sdelay $0x1  }
0x279: {  	[sflag:s0] =	ssyncset.done @!p1 $0x0  }
0x27a: {  	[sflag:s0] =	ssyncadd.s32 @!p1 $0xFFFFFF00  }
0x27b: {  	_ =	sfence.sel $0x180000  }
0x27c: {  	[bflag:$0x0] =	sbarrier.arrive $0xFFFF  }
0x27d: {  	_ =	strace $0x90000047  }
0x27e: {  	[bflag:$0x2] =	sbarrier.arrive $0xFFFF  }
0x27f: {  	s0 =	rddreg [dreg:$0x3]  }
0x280: {  	s0 =	sadd.s32 @!p1 $0x100000, s0  }
0x281: {  	[sflag:s0] =	ssyncadd.tile.s32 @!p1 $0x1;
	_ =	shalt  }
.Lfunc_end2:
_tile_overlayer_lowered:
.L_overlay_start_2:
0x282: {  	(tag) =	ssettag $0x2  }
0x283: {  	s0 =	rddreg [dreg:$0x0];
	s2 =	stileid.u32  }
0x284: {  	s1 =	rddreg [dreg:$0x1];
	p0 =	sne.s32 s2, $0x0  }
0x285: {  	s3 =	rddreg [dreg:$0x2];
	[bflag:$0x3] =	sbarrier.arrive $0xFFFF;
	s2 =	simm.s32 @!p0 $0x1C08  }
0x286: {  	[timem:s3], [sflag:s2] =	dma.local @!p0 [hbm:s0], s1  }
0x287: {  	s0 =	simm.s32 @!p0 $0x8  }
0x288: {  	_ =	swait.ge @!p0 [sflag:s0], s1  }
0x289: {  	s1 =	ssub.s32 @!p0 $0x0, s1;
	[sflag:s0] =	ssyncset.done @!p0 $0x0  }
0x28a: {  	[sflag:s0] =	ssyncadd.s32 @!p0 s1  }
0x28b: {  	[bflag:$0x3] =	sbarrier.arrive $0xFFFF  }
0x28c: {  	_ =	shalt  }

</sc_bundles>
